<compile_context>
chip_gen: v7x
topology: tpu7x:2x2x1
jax: 0.10.2.dev20260603
libtpu: 0.0.44.dev20260713+nightly
codegen_flags: <defaults>
</compile_context>

<pallas_src>
import functools

import jax
import jax.numpy as jnp
from jax import lax
from jax.experimental import pallas as pl
from jax.experimental.pallas import tpu as pltpu
from jax.experimental.pallas import tpu_sc as plsc

NC = 2
NS = 16
L = 16


def _sc_mesh():
    return plsc.VectorSubcoreMesh(core_axis_name="c", subcore_axis_name="s")


G_CH = 8


def _hist_body(n_pad, groups, cols_hbm, out_hbm, col_v, hist, blk, acc, stage):
    c = lax.axis_index("c")
    s = lax.axis_index("s")
    w = c * NS + s
    npt = n_pad // NS

    zero16 = jnp.zeros((L,), jnp.float32)
    ones16 = jnp.ones((L,), jnp.float32)

    def zbody(i, carry):
        hist[pl.ds(i * L, L)] = zero16
        return carry

    lax.fori_loop(0, n_pad // L, zbody, 0)

    def cbody(g, carry):
        pltpu.sync_copy(cols_hbm.at[w, pl.ds(g * G_CH, G_CH)], col_v)
        for j in range(G_CH):
            for k in range(128 // L):
                idx = col_v[j, pl.ds(k * L, L)]
                plsc.addupdate_scatter(hist, [idx], ones16)
        return carry

    lax.fori_loop(0, groups, cbody, 0)

    for b in range(NS):
        pltpu.sync_copy(hist.at[pl.ds(b * npt, npt)], stage.at[b, s])
    plsc.subcore_barrier()

    pltpu.sync_copy(stage.at[s], blk)

    def rbody(g, carry):
        v = blk[0, pl.ds(g * L, L)]
        for r in range(1, NS):
            v = v + blk[r, pl.ds(g * L, L)]
        acc[pl.ds(g * L, L)] = v
        return carry

    lax.fori_loop(0, npt // L, rbody, 0)
    pltpu.sync_copy(acc, out_hbm.at[pl.ds(c * n_pad + s * npt, npt)])


def _make_hist(n_pad, groups):
    npt = n_pad // NS
    return pl.kernel(
        functools.partial(_hist_body, n_pad, groups),
        out_type=jax.ShapeDtypeStruct((NC * n_pad,), jnp.float32),
        mesh=_sc_mesh(),
        scratch_types=[
            pltpu.VMEM((G_CH, 128), jnp.int32),
            pltpu.VMEM((n_pad,), jnp.float32),
            pltpu.VMEM((NS, npt), jnp.float32),
            pltpu.VMEM((npt,), jnp.float32),
            pltpu.VMEM_SHARED((NS, NS, npt), jnp.float32),
        ],
        compiler_params=pltpu.CompilerParams(needs_layout_passes=False),
    )


def _prop_body(n_pad, groups, d_in, xs_hbm, rows_hbm, cols_hbm, zrows_hbm,
               out_hbm, row_v0, col_v0, row_v1, col_v1, gbuf, acc,
               sem0, sem1, ssem0, ssem1, isem):
    c = lax.axis_index("c")
    s = lax.axis_index("s")
    w = c * NS + s
    npt = n_pad // NS
    sems = (sem0, sem1)
    ssems = (ssem0, ssem1)
    ibufs = ((row_v0, col_v0), (row_v1, col_v1))

    pltpu.sync_copy(zrows_hbm.at[pl.ds(s * npt, npt)],
                    acc.at[pl.ds(s * npt, npt)])
    plsc.subcore_barrier()

    pltpu.sync_copy(rows_hbm.at[w, pl.ds(0, G_CH)], row_v0)
    pltpu.sync_copy(cols_hbm.at[w, pl.ds(0, G_CH)], col_v0)

    def half(g, ip):
        row_v, col_v = ibufs[ip]
        nrow_v, ncol_v = ibufs[1 - ip]

        @pl.when(g + 1 < groups)
        def _():
            pltpu.async_copy(rows_hbm.at[w, pl.ds((g + 1) * G_CH, G_CH)],
                             nrow_v, isem)
            pltpu.async_copy(cols_hbm.at[w, pl.ds((g + 1) * G_CH, G_CH)],
                             ncol_v, isem)

        pltpu.async_copy(xs_hbm.at[row_v.at[0]], gbuf.at[0], sems[0])
        for j in range(G_CH):
            p = j % 2
            if j + 1 < G_CH:
                if j >= 1:
                    pltpu.make_async_copy(gbuf.at[1 - p],
                                          acc.at[col_v.at[j - 1]],
                                          ssems[1 - p]).wait()
                pltpu.async_copy(xs_hbm.at[row_v.at[j + 1]],
                                 gbuf.at[1 - p], sems[1 - p])
            pltpu.make_async_copy(xs_hbm.at[row_v.at[j]],
                                  gbuf.at[p], sems[p]).wait()
            pltpu.async_copy(gbuf.at[p], acc.at[col_v.at[j]], ssems[p],
                             add=True)
        pltpu.make_async_copy(gbuf.at[0], acc.at[col_v.at[G_CH - 2]],
                              ssems[0]).wait()
        pltpu.make_async_copy(gbuf.at[1], acc.at[col_v.at[G_CH - 1]],
                              ssems[1]).wait()

        @pl.when(g + 1 < groups)
        def _():
            pltpu.make_async_copy(
                rows_hbm.at[w, pl.ds((g + 1) * G_CH, G_CH)], nrow_v,
                isem).wait()
            pltpu.make_async_copy(
                cols_hbm.at[w, pl.ds((g + 1) * G_CH, G_CH)], ncol_v,
                isem).wait()

    def body(gg, carry):
        half(2 * gg, 0)
        half(2 * gg + 1, 1)
        return carry

    lax.fori_loop(0, groups // 2, body, 0)
    plsc.subcore_barrier()
    pltpu.sync_copy(acc.at[pl.ds(s * npt, npt)],
                    out_hbm.at[pl.ds(c * n_pad + s * npt, npt)])


def _make_prop(n_pad, groups, d_in):
    return pl.kernel(
        functools.partial(_prop_body, n_pad, groups, d_in),
        out_type=jax.ShapeDtypeStruct((2 * n_pad, d_in), jnp.float32),
        mesh=_sc_mesh(),
        scratch_types=[
            pltpu.VMEM((G_CH, 128), jnp.int32),
            pltpu.VMEM((G_CH, 128), jnp.int32),
            pltpu.VMEM((G_CH, 128), jnp.int32),
            pltpu.VMEM((G_CH, 128), jnp.int32),
            pltpu.VMEM((2, 128, d_in), jnp.float32),
            pltpu.VMEM_SHARED((n_pad, d_in), jnp.float32),
            pltpu.SemaphoreType.DMA,
            pltpu.SemaphoreType.DMA,
            pltpu.SemaphoreType.DMA,
            pltpu.SemaphoreType.DMA,
            pltpu.SemaphoreType.DMA,
        ],
    )


def _pair_body(pchunks, d_h, h_hbm, idx_hbm, out_hbm, idx_v, rbuf, sem):
    c = lax.axis_index("c")
    s = lax.axis_index("s")
    w = c * NS + s
    pltpu.sync_copy(idx_hbm.at[w], idx_v)
    for j in range(pchunks):
        pltpu.async_copy(h_hbm.at[idx_v.at[j]], rbuf, sem).wait()
        pltpu.sync_copy(rbuf, out_hbm.at[pl.ds((w * pchunks + j) * 128, 128)])


def _make_pair(total_rows, pchunks, d_h):
    return pl.kernel(
        functools.partial(_pair_body, pchunks, d_h),
        out_type=jax.ShapeDtypeStruct((total_rows, d_h), jnp.float32),
        mesh=_sc_mesh(),
        scratch_types=[
            pltpu.VMEM((pchunks, 128), jnp.int32),
            pltpu.VMEM((128, d_h), jnp.float32),
            pltpu.SemaphoreType.DMA,
        ],
    )


def _prescale_body(cnt_ref, x_ref, xs_ref, dinv_ref):
    deg = cnt_ref[...] + 1.0
    dinv = lax.rsqrt(deg)
    xs_ref[...] = x_ref[...] * dinv
    dinv_ref[...] = dinv


def _tc_prescale(cnt2, x_pad, n_pad, d_in):
    nblk = 4
    bn = n_pad // nblk
    grid = 2 * nblk
    return pl.pallas_call(
        _prescale_body,
        grid=(grid,),
        in_specs=[
            pl.BlockSpec((bn, 1), lambda b: (b, 0)),
            pl.BlockSpec((bn, d_in), lambda b: (b % nblk, 0)),
        ],
        out_specs=[
            pl.BlockSpec((bn, d_in), lambda b: (b, 0)),
            pl.BlockSpec((bn, 1), lambda b: (b, 0)),
        ],
        out_shape=[
            jax.ShapeDtypeStruct((2 * n_pad, d_in), jnp.float32),
            jax.ShapeDtypeStruct((2 * n_pad, 1), jnp.float32),
        ],
    )(cnt2, x_pad)


def _encode_body(raw1_ref, raw2_ref, x_ref, dinv1_ref, dinv2_ref, wt_ref,
                 b_ref, h_ref):
    x = x_ref[...]
    wt = wt_ref[...]
    b = b_ref[...]

    def enc(raw, dinv):
        prop = dinv * raw + (dinv * dinv) * x
        z = jnp.dot(prop, wt, preferred_element_type=jnp.float32) + b
        return jnp.where(z >= 0.0, z, 0.1 * z)

    y1 = enc(raw1_ref[...], dinv1_ref[...])
    y2 = enc(raw2_ref[...], dinv2_ref[...])
    h_ref[...] = y2 - y1


def _tc_encode(raw, x_pad, dinv, wt, b2, n_pad, d_in, d_h):
    nblk = 4
    bn = n_pad // nblk
    return pl.pallas_call(
        _encode_body,
        grid=(nblk,),
        in_specs=[
            pl.BlockSpec((bn, d_in), lambda b: (b, 0)),
            pl.BlockSpec((bn, d_in), lambda b: (b + nblk, 0)),
            pl.BlockSpec((bn, d_in), lambda b: (b, 0)),
            pl.BlockSpec((bn, 1), lambda b: (b, 0)),
            pl.BlockSpec((bn, 1), lambda b: (b + nblk, 0)),
            pl.BlockSpec((d_in, d_h), lambda b: (0, 0)),
            pl.BlockSpec((1, d_h), lambda b: (0, 0)),
        ],
        out_specs=pl.BlockSpec((bn, d_h), lambda b: (b, 0)),
        out_shape=jax.ShapeDtypeStruct((n_pad, d_h), jnp.float32),
    )(raw, raw, x_pad, dinv, dinv, wt, b2)


def _decode_body(l_ref, r_ref, wd_ref, bd_ref, out_ref):
    d = l_ref[...] - r_ref[...]
    q = -(d * d)
    m = jnp.max(q, axis=1, keepdims=True)
    e = jnp.exp(q - m)
    p = e / jnp.sum(e, axis=1, keepdims=True)
    out_ref[...] = (
        jnp.dot(p, wd_ref[...], preferred_element_type=jnp.float32)
        + bd_ref[...]
    )


def _tc_decode(pairs, wd_t, bd2, m, d_h, d_out):
    nblk = 4
    bm = m // nblk
    return pl.pallas_call(
        _decode_body,
        grid=(nblk,),
        in_specs=[
            pl.BlockSpec((bm, d_h), lambda b: (b, 0)),
            pl.BlockSpec((bm, d_h), lambda b: (b + nblk, 0)),
            pl.BlockSpec((d_h, d_out), lambda b: (0, 0)),
            pl.BlockSpec((1, d_out), lambda b: (0, 0)),
        ],
        out_specs=pl.BlockSpec((bm, d_out), lambda b: (b, 0)),
        out_shape=jax.ShapeDtypeStruct((m, d_out), jnp.float32),
    )(pairs, pairs, wd_t, bd2)


def kernel(x, edge_index1, edge_index2, modified, W_enc, b_enc, W_dec, b_dec):
    n, d_in = x.shape
    e = edge_index1.shape[1]
    m = modified.shape[1]
    d_h, _ = W_enc.shape
    d_out = W_dec.shape[0]

    n_pad = -(-n // 256) * 256
    if n_pad == n:
        n_pad += 256

    ept = -(-e // NS)
    chunks = -(-(-(-ept // 128)) // (2 * G_CH)) * 2 * G_CH
    groups = chunks // G_CH
    e_pad = NS * chunks * 128

    rows_list, cols_list = [], []
    for c, ei in enumerate((edge_index1, edge_index2)):
        r = jnp.concatenate(
            [ei[0], jnp.zeros((e_pad - e,), jnp.int32)]) + c * n_pad
        cl = jnp.concatenate(
            [ei[1], jnp.full((e_pad - e,), n, jnp.int32)])
        rows_list.append(r.reshape(NS, chunks, 128))
        cols_list.append(cl.reshape(NS, chunks, 128))
    rows_idx = jnp.concatenate(rows_list, axis=0)
    cols_idx = jnp.concatenate(cols_list, axis=0)

    x_pad = jnp.pad(x, ((0, n_pad - n), (0, 0)))

    cnt = _make_hist(n_pad, groups)(cols_idx)
    xs, dinv = _tc_prescale(cnt.reshape(2 * n_pad, 1), x_pad, n_pad, d_in)

    zrows = jnp.zeros((n_pad, d_in), jnp.float32)
    raw = _make_prop(n_pad, groups, d_in)(xs, rows_idx, cols_idx, zrows)

    h = _tc_encode(raw, x_pad, dinv, W_enc.T,
                   b_enc.reshape(1, d_h), n_pad, d_in, d_h)

    total_rows = 2 * m
    pchunks = total_rows // (NC * NS * 128)
    pairs_idx = jnp.concatenate([modified[0], modified[1]]).reshape(
        NC * NS, pchunks, 128)
    pairs = _make_pair(total_rows, pchunks, d_h)(h, pairs_idx)

    return _tc_decode(pairs, W_dec.T, b_dec.reshape(1, d_out), m, d_h, d_out)

# --- scband reference (transcript-rebuilt; emitter-appended) ---
"""Pipeline reference for scband-backbone-15135464751433 (READ-ONLY COPY).

The authoritative reference and input builder live on the scoring server;
editing this copy changes nothing except your own understanding.
"""

import jax, jax.numpy as jnp
import numpy as np

N = 10000
E = 320000
D_IN = 128
D_H = 512
M = 8192


def setup_inputs(seed: int = 0) -> dict:
    key = jax.random.key(seed)
    ks = jax.random.split(key, 8)
    x = jax.random.normal(ks[0], (N, D_IN), dtype=jnp.float32)
    edge_index1 = jax.random.randint(ks[1], (2, E), 0, N, dtype=jnp.int32)
    edge_index2 = jax.random.randint(ks[2], (2, E), 0, N, dtype=jnp.int32)
    modified = jax.random.randint(ks[3], (2, M), 0, N, dtype=jnp.int32)
    # SGConv linear: in_channels=128 -> out_channels=512 (PyG Linear: y = x @ W^T + b)
    W_enc = jax.random.normal(ks[4], (D_H, D_IN), dtype=jnp.float32) * 0.05
    b_enc = jnp.zeros((D_H,), dtype=jnp.float32)
    # decoder Linear(512, 4)
    W_dec = jax.random.normal(ks[5], (4, D_H), dtype=jnp.float32) * 0.05
    b_dec = jnp.zeros((4,), dtype=jnp.float32)
    return {
        "x": x,
        "edge_index1": edge_index1,
        "edge_index2": edge_index2,
        "modified": modified,
        "W_enc": W_enc,
        "b_enc": b_enc,
        "W_dec": W_dec,
        "b_dec": b_dec,
    }


def _sg_conv(x, edge_index, W, b):
    # SGConv with K=1: symmetric gcn_norm with self-loops, one propagation, then linear
    row = edge_index[0]
    col = edge_index[1]
    loop = jnp.arange(N, dtype=edge_index.dtype)
    row = jnp.concatenate([row, loop])
    col = jnp.concatenate([col, loop])
    ones = jnp.ones(row.shape[0], dtype=x.dtype)
    deg = jax.ops.segment_sum(ones, col, num_segments=N)
    dinv = jnp.where(deg > 0, deg ** -0.5, 0.0)
    norm = dinv[row] * dinv[col]
    msg = x[row] * norm[:, None]
    out = jax.ops.segment_sum(msg, col, num_segments=N)
    return out @ W.T + b


def _encoder(x, edge_index, W, b):
    y = _sg_conv(x, edge_index, W, b)
    return jax.nn.leaky_relu(y, negative_slope=0.1)


def reference(x, edge_index1, edge_index2, modified, W_enc, b_enc, W_dec, b_dec):
    x1 = _encoder(x, edge_index1, W_enc, b_enc)
    x2 = _encoder(x, edge_index2, W_enc, b_enc)
    h = x2 - x1  # fusion_scheme='minus'
    left_nodes = h[modified[0]]
    right_nodes = h[modified[1]]
    p = jax.nn.softmax(-(left_nodes - right_nodes) ** 2, axis=-1)
    t_hat = p @ W_dec.T + b_dec
    return t_hat

if __name__ == "__main__":
    import jax
    _d = setup_inputs()
    print(jax.jit(kernel)(*tuple(_d.values())))

</pallas_src>

<mosaic_0001>
#map = affine_map<(d0, d1) -> (0, 0, 0)>
#map1 = affine_map<(d0, d1) -> (0)>
module attributes {stable_mosaic.version = 14 : i64} {
  func.func @_hist_body(%arg0: i32, %arg1: i32, %arg2: memref<32x160x128xi32, #tpu.memory_space<hbm>>, %arg3: memref<20480xf32, #tpu.memory_space<hbm>>, %arg4: memref<8x128xi32, #tpu.memory_space<vmem>>, %arg5: memref<10240xf32, #tpu.memory_space<vmem>>, %arg6: memref<16x640xf32, #tpu.memory_space<vmem>>, %arg7: memref<640xf32, #tpu.memory_space<vmem>>, %arg8: memref<16x16x640xf32, #tpu.memory_space<vmem_shared>>) attributes {dimension_semantics = [#tpu.dimension_semantics<core_parallel>, #tpu.dimension_semantics<subcore_parallel>], iteration_bounds = array<i64: 2, 16>, scalar_prefetch = 0 : i64, scratch_operands = 5 : i64, tpu.core_type = #tpu.core_type<sc_vector_subcore>, window_params = [{transform_indices = #map}, {transform_indices = #map1}]} {
    %mul3A = arith.constant 16 : i32
    %mul3A_0 = arith.muli %arg0, %mul3A : i32
    %add3A = arith.addi %mul3A_0, %arg1 : i32
    %broadcast_in_dim3A = arith.constant 0.000000e+00 : f32
    %broadcast_in_dim3A_1 = vector.broadcast %broadcast_in_dim3A : f32 to vector<16xf32>
    %broadcast_in_dim3A_2 = arith.constant 1.000000e+00 : f32
    %broadcast_in_dim3A_3 = vector.broadcast %broadcast_in_dim3A_2 : f32 to vector<16xf32>
    %scan3A = arith.constant 0 : i32
    %scan3A_4 = arith.constant 0 : i32
    %scan3A_5 = arith.constant 640 : i32
    %scan3A_6 = arith.addi %scan3A_4, %scan3A_5 : i32
    %scan3A_7 = arith.constant 1 : i32
    scf.for %scan3A_41 = %scan3A_4 to %scan3A_6 step %scan3A_7  : i32 {
      %mul3A_42 = arith.constant 16 : i32
      %mul3A_43 = arith.muli %scan3A_41, %mul3A_42 : i32
      %swap3A = arith.index_cast %mul3A_43 : i32 to index
      %swap3A_44 = tpu.vector_load %arg5[%swap3A] {strides = array<i32>} : memref<10240xf32, #tpu.memory_space<vmem>>, vector<16xf32>,
      tpu.vector_store %arg5[%swap3A], %broadcast_in_dim3A_1 {strides = array<i32>} : memref<10240xf32, #tpu.memory_space<vmem>>, vector<16xf32>,
    }
    %scan3A_8 = arith.constant 640 : i32
    %scan3A_9 = arith.constant 0 : i32
    %scan3A_10 = arith.constant 0 : i32
    %scan3A_11 = arith.constant 20 : i32
    %scan3A_12 = arith.addi %scan3A_10, %scan3A_11 : i32
    %scan3A_13 = arith.constant 1 : i32
    scf.for %scan3A_41 = %scan3A_10 to %scan3A_12 step %scan3A_13  : i32 {
      %mul3A_42 = arith.constant 8 : i32
      %mul3A_43 = arith.muli %scan3A_41, %mul3A_42 : i32
      "tpu.region"() ({
        %run_scoped3A_299 = tpu.sem_alloc : memref<!tpu.dma_semaphore, #tpu.memory_space<semaphore_mem>>
        %dma_start3A = arith.constant 0 : i32
        %dma_start3A_300 = tpu.memref_slice %arg2[%add3A, %mul3A_43, %dma_start3A] : memref<32x160x128xi32, #tpu.memory_space<hbm>> -> memref<1x8x128xi32, #tpu.memory_space<hbm>>
        %dma_start3A_301 = tpu.memref_squeeze %dma_start3A_300 : memref<1x8x128xi32, #tpu.memory_space<hbm>> -> memref<8x128xi32, #tpu.memory_space<hbm>>
        %dma_start3A_302 = arith.constant 0 : i32
        %dma_start3A_303 = tpu.memref_slice %arg2[%add3A, %mul3A_43, %dma_start3A_302] : memref<32x160x128xi32, #tpu.memory_space<hbm>> -> memref<1x8x128xi32, #tpu.memory_space<hbm>>
        %dma_start3A_304 = tpu.memref_squeeze %dma_start3A_303 : memref<1x8x128xi32, #tpu.memory_space<hbm>> -> memref<8x128xi32, #tpu.memory_space<hbm>>
        tpu.enqueue_dma source(%dma_start3A_304 : memref<8x128xi32, #tpu.memory_space<hbm>>) target(%arg4 : memref<8x128xi32, #tpu.memory_space<vmem>>) target_semaphore(%run_scoped3A_299 : memref<!tpu.dma_semaphore, #tpu.memory_space<semaphore_mem>>)
        %dma_wait3A = arith.constant 0 : i32
        %dma_wait3A_305 = tpu.memref_slice %arg2[%add3A, %mul3A_43, %dma_wait3A] : memref<32x160x128xi32, #tpu.memory_space<hbm>> -> memref<1x8x128xi32, #tpu.memory_space<hbm>>
        %dma_wait3A_306 = tpu.memref_squeeze %dma_wait3A_305 : memref<1x8x128xi32, #tpu.memory_space<hbm>> -> memref<8x128xi32, #tpu.memory_space<hbm>>
        %dma_wait3A_307 = arith.constant 0 : i32
        %dma_wait3A_308 = tpu.memref_slice %arg2[%add3A, %mul3A_43, %dma_wait3A_307] : memref<32x160x128xi32, #tpu.memory_space<hbm>> -> memref<1x8x128xi32, #tpu.memory_space<hbm>>
        %dma_wait3A_309 = tpu.memref_squeeze %dma_wait3A_308 : memref<1x8x128xi32, #tpu.memory_space<hbm>> -> memref<8x128xi32, #tpu.memory_space<hbm>>
        tpu.wait_dma2 semaphore(%run_scoped3A_299 : memref<!tpu.dma_semaphore, #tpu.memory_space<semaphore_mem>>) src(%dma_wait3A_309 : memref<8x128xi32, #tpu.memory_space<hbm>>) dst(%arg4 : memref<8x128xi32, #tpu.memory_space<vmem>>)
        tpu.yield
      }) : () -> ()
      %get3A = arith.constant 0 : i32
      %get3A_44 = arith.index_cast %get3A : i32 to index
      %get3A_45 = arith.constant 0 : index
      %get3A_46 = tpu.vector_load %arg4[%get3A_44, %get3A_45] {strides = array<i32>} : memref<8x128xi32, #tpu.memory_space<vmem>>, vector<16xi32>,
      tpu.vector_store_idx %arg5[%get3A_46], %broadcast_in_dim3A_3 {add = true} : memref<10240xf32, #tpu.memory_space<vmem>>[vector<16xi32>], vector<16xf32>,
      %get3A_47 = arith.constant 0 : i32
      %get3A_48 = arith.index_cast %get3A_47 : i32 to index
      %get3A_49 = arith.constant 16 : index
      %get3A_50 = tpu.vector_load %arg4[%get3A_48, %get3A_49] {strides = array<i32>} : memref<8x128xi32, #tpu.memory_space<vmem>>, vector<16xi32>,
      tpu.vector_store_idx %arg5[%get3A_50], %broadcast_in_dim3A_3 {add = true} : memref<10240xf32, #tpu.memory_space<vmem>>[vector<16xi32>], vector<16xf32>,
      %get3A_51 = arith.constant 0 : i32
      %get3A_52 = arith.index_cast %get3A_51 : i32 to index
      %get3A_53 = arith.constant 32 : index
      %get3A_54 = tpu.vector_load %arg4[%get3A_52, %get3A_53] {strides = array<i32>} : memref<8x128xi32, #tpu.memory_space<vmem>>, vector<16xi32>,
      tpu.vector_store_idx %arg5[%get3A_54], %broadcast_in_dim3A_3 {add = true} : memref<10240xf32, #tpu.memory_space<vmem>>[vector<16xi32>], vector<16xf32>,
      %get3A_55 = arith.constant 0 : i32
      %get3A_56 = arith.index_cast %get3A_55 : i32 to index
      %get3A_57 = arith.constant 48 : index
      %get3A_58 = tpu.vector_load %arg4[%get3A_56, %get3A_57] {strides = array<i32>} : memref<8x128xi32, #tpu.memory_space<vmem>>, vector<16xi32>,
      tpu.vector_store_idx %arg5[%get3A_58], %broadcast_in_dim3A_3 {add = true} : memref<10240xf32, #tpu.memory_space<vmem>>[vector<16xi32>], vector<16xf32>,
      %get3A_59 = arith.constant 0 : i32
      %get3A_60 = arith.index_cast %get3A_59 : i32 to index
      %get3A_61 = arith.constant 64 : index
      %get3A_62 = tpu.vector_load %arg4[%get3A_60, %get3A_61] {strides = array<i32>} : memref<8x128xi32, #tpu.memory_space<vmem>>, vector<16xi32>,
      tpu.vector_store_idx %arg5[%get3A_62], %broadcast_in_dim3A_3 {add = true} : memref<10240xf32, #tpu.memory_space<vmem>>[vector<16xi32>], vector<16xf32>,
      %get3A_63 = arith.constant 0 : i32
      %get3A_64 = arith.index_cast %get3A_63 : i32 to index
      %get3A_65 = arith.constant 80 : index
      %get3A_66 = tpu.vector_load %arg4[%get3A_64, %get3A_65] {strides = array<i32>} : memref<8x128xi32, #tpu.memory_space<vmem>>, vector<16xi32>,
      tpu.vector_store_idx %arg5[%get3A_66], %broadcast_in_dim3A_3 {add = true} : memref<10240xf32, #tpu.memory_space<vmem>>[vector<16xi32>], vector<16xf32>,
      %get3A_67 = arith.constant 0 : i32
      %get3A_68 = arith.index_cast %get3A_67 : i32 to index
      %get3A_69 = arith.constant 96 : index
      %get3A_70 = tpu.vector_load %arg4[%get3A_68, %get3A_69] {strides = array<i32>} : memref<8x128xi32, #tpu.memory_space<vmem>>, vector<16xi32>,
      tpu.vector_store_idx %arg5[%get3A_70], %broadcast_in_dim3A_3 {add = true} : memref<10240xf32, #tpu.memory_space<vmem>>[vector<16xi32>], vector<16xf32>,
      %get3A_71 = arith.constant 0 : i32
      %get3A_72 = arith.index_cast %get3A_71 : i32 to index
      %get3A_73 = arith.constant 112 : index
      %get3A_74 = tpu.vector_load %arg4[%get3A_72, %get3A_73] {strides = array<i32>} : memref<8x128xi32, #tpu.memory_space<vmem>>, vector<16xi32>,
      tpu.vector_store_idx %arg5[%get3A_74], %broadcast_in_dim3A_3 {add = true} : memref<10240xf32, #tpu.memory_space<vmem>>[vector<16xi32>], vector<16xf32>,
      %get3A_75 = arith.constant 1 : i32
      %get3A_76 = arith.index_cast %get3A_75 : i32 to index
      %get3A_77 = arith.constant 0 : index
      %get3A_78 = tpu.vector_load %arg4[%get3A_76, %get3A_77] {strides = array<i32>} : memref<8x128xi32, #tpu.memory_space<vmem>>, vector<16xi32>,
      tpu.vector_store_idx %arg5[%get3A_78], %broadcast_in_dim3A_3 {add = true} : memref<10240xf32, #tpu.memory_space<vmem>>[vector<16xi32>], vector<16xf32>,
      %get3A_79 = arith.constant 1 : i32
      %get3A_80 = arith.index_cast %get3A_79 : i32 to index
      %get3A_81 = arith.constant 16 : index
      %get3A_82 = tpu.vector_load %arg4[%get3A_80, %get3A_81] {strides = array<i32>} : memref<8x128xi32, #tpu.memory_space<vmem>>, vector<16xi32>,
      tpu.vector_store_idx %arg5[%get3A_82], %broadcast_in_dim3A_3 {add = true} : memref<10240xf32, #tpu.memory_space<vmem>>[vector<16xi32>], vector<16xf32>,
      %get3A_83 = arith.constant 1 : i32
      %get3A_84 = arith.index_cast %get3A_83 : i32 to index
      %get3A_85 = arith.constant 32 : index
      %get3A_86 = tpu.vector_load %arg4[%get3A_84, %get3A_85] {strides = array<i32>} : memref<8x128xi32, #tpu.memory_space<vmem>>, vector<16xi32>,
      tpu.vector_store_idx %arg5[%get3A_86], %broadcast_in_dim3A_3 {add = true} : memref<10240xf32, #tpu.memory_space<vmem>>[vector<16xi32>], vector<16xf32>,
      %get3A_87 = arith.constant 1 : i32
      %get3A_88 = arith.index_cast %get3A_87 : i32 to index
      %get3A_89 = arith.constant 48 : index
      %get3A_90 = tpu.vector_load %arg4[%get3A_88, %get3A_89] {strides = array<i32>} : memref<8x128xi32, #tpu.memory_space<vmem>>, vector<16xi32>,
      tpu.vector_store_idx %arg5[%get3A_90], %broadcast_in_dim3A_3 {add = true} : memref<10240xf32, #tpu.memory_space<vmem>>[vector<16xi32>], vector<16xf32>,
      %get3A_91 = arith.constant 1 : i32
      %get3A_92 = arith.index_cast %get3A_91 : i32 to index
      %get3A_93 = arith.constant 64 : index
      %get3A_94 = tpu.vector_load %arg4[%get3A_92, %get3A_93] {strides = array<i32>} : memref<8x128xi32, #tpu.memory_space<vmem>>, vector<16xi32>,
      tpu.vector_store_idx %arg5[%get3A_94], %broadcast_in_dim3A_3 {add = true} : memref<10240xf32, #tpu.memory_space<vmem>>[vector<16xi32>], vector<16xf32>,
      %get3A_95 = arith.constant 1 : i32
      %get3A_96 = arith.index_cast %get3A_95 : i32 to index
      %get3A_97 = arith.constant 80 : index
      %get3A_98 = tpu.vector_load %arg4[%get3A_96, %get3A_97] {strides = array<i32>} : memref<8x128xi32, #tpu.memory_space<vmem>>, vector<16xi32>,
      tpu.vector_store_idx %arg5[%get3A_98], %broadcast_in_dim3A_3 {add = true} : memref<10240xf32, #tpu.memory_space<vmem>>[vector<16xi32>], vector<16xf32>,
      %get3A_99 = arith.constant 1 : i32
      %get3A_100 = arith.index_cast %get3A_99 : i32 to index
      %get3A_101 = arith.constant 96 : index
      %get3A_102 = tpu.vector_load %arg4[%get3A_100, %get3A_101] {strides = array<i32>} : memref<8x128xi32, #tpu.memory_space<vmem>>, vector<16xi32>,
      tpu.vector_store_idx %arg5[%get3A_102], %broadcast_in_dim3A_3 {add = true} : memref<10240xf32, #tpu.memory_space<vmem>>[vector<16xi32>], vector<16xf32>,
      %get3A_103 = arith.constant 1 : i32
      %get3A_104 = arith.index_cast %get3A_103 : i32 to index
      %get3A_105 = arith.constant 112 : index
      %get3A_106 = tpu.vector_load %arg4[%get3A_104, %get3A_105] {strides = array<i32>} : memref<8x128xi32, #tpu.memory_space<vmem>>, vector<16xi32>,
      tpu.vector_store_idx %arg5[%get3A_106], %broadcast_in_dim3A_3 {add = true} : memref<10240xf32, #tpu.memory_space<vmem>>[vector<16xi32>], vector<16xf32>,
      %get3A_107 = arith.constant 2 : i32
      %get3A_108 = arith.index_cast %get3A_107 : i32 to index
      %get3A_109 = arith.constant 0 : index
      %get3A_110 = tpu.vector_load %arg4[%get3A_108, %get3A_109] {strides = array<i32>} : memref<8x128xi32, #tpu.memory_space<vmem>>, vector<16xi32>,
      tpu.vector_store_idx %arg5[%get3A_110], %broadcast_in_dim3A_3 {add = true} : memref<10240xf32, #tpu.memory_space<vmem>>[vector<16xi32>], vector<16xf32>,
      %get3A_111 = arith.constant 2 : i32
      %get3A_112 = arith.index_cast %get3A_111 : i32 to index
      %get3A_113 = arith.constant 16 : index
      %get3A_114 = tpu.vector_load %arg4[%get3A_112, %get3A_113] {strides = array<i32>} : memref<8x128xi32, #tpu.memory_space<vmem>>, vector<16xi32>,
      tpu.vector_store_idx %arg5[%get3A_114], %broadcast_in_dim3A_3 {add = true} : memref<10240xf32, #tpu.memory_space<vmem>>[vector<16xi32>], vector<16xf32>,
      %get3A_115 = arith.constant 2 : i32
      %get3A_116 = arith.index_cast %get3A_115 : i32 to index
      %get3A_117 = arith.constant 32 : index
      %get3A_118 = tpu.vector_load %arg4[%get3A_116, %get3A_117] {strides = array<i32>} : memref<8x128xi32, #tpu.memory_space<vmem>>, vector<16xi32>,
      tpu.vector_store_idx %arg5[%get3A_118], %broadcast_in_dim3A_3 {add = true} : memref<10240xf32, #tpu.memory_space<vmem>>[vector<16xi32>], vector<16xf32>,
      %get3A_119 = arith.constant 2 : i32
      %get3A_120 = arith.index_cast %get3A_119 : i32 to index
      %get3A_121 = arith.constant 48 : index
      %get3A_122 = tpu.vector_load %arg4[%get3A_120, %get3A_121] {strides = array<i32>} : memref<8x128xi32, #tpu.memory_space<vmem>>, vector<16xi32>,
      tpu.vector_store_idx %arg5[%get3A_122], %broadcast_in_dim3A_3 {add = true} : memref<10240xf32, #tpu.memory_space<vmem>>[vector<16xi32>], vector<16xf32>,
      %get3A_123 = arith.constant 2 : i32
      %get3A_124 = arith.index_cast %get3A_123 : i32 to index
      %get3A_125 = arith.constant 64 : index
      %get3A_126 = tpu.vector_load %arg4[%get3A_124, %get3A_125] {strides = array<i32>} : memref<8x128xi32, #tpu.memory_space<vmem>>, vector<16xi32>,
      tpu.vector_store_idx %arg5[%get3A_126], %broadcast_in_dim3A_3 {add = true} : memref<10240xf32, #tpu.memory_space<vmem>>[vector<16xi32>], vector<16xf32>,
      %get3A_127 = arith.constant 2 : i32
      %get3A_128 = arith.index_cast %get3A_127 : i32 to index
      %get3A_129 = arith.constant 80 : index
      %get3A_130 = tpu.vector_load %arg4[%get3A_128, %get3A_129] {strides = array<i32>} : memref<8x128xi32, #tpu.memory_space<vmem>>, vector<16xi32>,
      tpu.vector_store_idx %arg5[%get3A_130], %broadcast_in_dim3A_3 {add = true} : memref<10240xf32, #tpu.memory_space<vmem>>[vector<16xi32>], vector<16xf32>,
      %get3A_131 = arith.constant 2 : i32
      %get3A_132 = arith.index_cast %get3A_131 : i32 to index
      %get3A_133 = arith.constant 96 : index
      %get3A_134 = tpu.vector_load %arg4[%get3A_132, %get3A_133] {strides = array<i32>} : memref<8x128xi32, #tpu.memory_space<vmem>>, vector<16xi32>,
      tpu.vector_store_idx %arg5[%get3A_134], %broadcast_in_dim3A_3 {add = true} : memref<10240xf32, #tpu.memory_space<vmem>>[vector<16xi32>], vector<16xf32>,
      %get3A_135 = arith.constant 2 : i32
      %get3A_136 = arith.index_cast %get3A_135 : i32 to index
      %get3A_137 = arith.constant 112 : index
      %get3A_138 = tpu.vector_load %arg4[%get3A_136, %get3A_137] {strides = array<i32>} : memref<8x128xi32, #tpu.memory_space<vmem>>, vector<16xi32>,
      tpu.vector_store_idx %arg5[%get3A_138], %broadcast_in_dim3A_3 {add = true} : memref<10240xf32, #tpu.memory_space<vmem>>[vector<16xi32>], vector<16xf32>,
      %get3A_139 = arith.constant 3 : i32
      %get3A_140 = arith.index_cast %get3A_139 : i32 to index
      %get3A_141 = arith.constant 0 : index
      %get3A_142 = tpu.vector_load %arg4[%get3A_140, %get3A_141] {strides = array<i32>} : memref<8x128xi32, #tpu.memory_space<vmem>>, vector<16xi32>,
      tpu.vector_store_idx %arg5[%get3A_142], %broadcast_in_dim3A_3 {add = true} : memref<10240xf32, #tpu.memory_space<vmem>>[vector<16xi32>], vector<16xf32>,
      %get3A_143 = arith.constant 3 : i32
      %get3A_144 = arith.index_cast %get3A_143 : i32 to index
      %get3A_145 = arith.constant 16 : index
      %get3A_146 = tpu.vector_load %arg4[%get3A_144, %get3A_145] {strides = array<i32>} : memref<8x128xi32, #tpu.memory_space<vmem>>, vector<16xi32>,
      tpu.vector_store_idx %arg5[%get3A_146], %broadcast_in_dim3A_3 {add = true} : memref<10240xf32, #tpu.memory_space<vmem>>[vector<16xi32>], vector<16xf32>,
      %get3A_147 = arith.constant 3 : i32
      %get3A_148 = arith.index_cast %get3A_147 : i32 to index
      %get3A_149 = arith.constant 32 : index
      %get3A_150 = tpu.vector_load %arg4[%get3A_148, %get3A_149] {strides = array<i32>} : memref<8x128xi32, #tpu.memory_space<vmem>>, vector<16xi32>,
      tpu.vector_store_idx %arg5[%get3A_150], %broadcast_in_dim3A_3 {add = true} : memref<10240xf32, #tpu.memory_space<vmem>>[vector<16xi32>], vector<16xf32>,
      %get3A_151 = arith.constant 3 : i32
      %get3A_152 = arith.index_cast %get3A_151 : i32 to index
      %get3A_153 = arith.constant 48 : index
      %get3A_154 = tpu.vector_load %arg4[%get3A_152, %get3A_153] {strides = array<i32>} : memref<8x128xi32, #tpu.memory_space<vmem>>, vector<16xi32>,
      tpu.vector_store_idx %arg5[%get3A_154], %broadcast_in_dim3A_3 {add = true} : memref<10240xf32, #tpu.memory_space<vmem>>[vector<16xi32>], vector<16xf32>,
      %get3A_155 = arith.constant 3 : i32
      %get3A_156 = arith.index_cast %get3A_155 : i32 to index
      %get3A_157 = arith.constant 64 : index
      %get3A_158 = tpu.vector_load %arg4[%get3A_156, %get3A_157] {strides = array<i32>} : memref<8x128xi32, #tpu.memory_space<vmem>>, vector<16xi32>,
      tpu.vector_store_idx %arg5[%get3A_158], %broadcast_in_dim3A_3 {add = true} : memref<10240xf32, #tpu.memory_space<vmem>>[vector<16xi32>], vector<16xf32>,
      %get3A_159 = arith.constant 3 : i32
      %get3A_160 = arith.index_cast %get3A_159 : i32 to index
      %get3A_161 = arith.constant 80 : index
      %get3A_162 = tpu.vector_load %arg4[%get3A_160, %get3A_161] {strides = array<i32>} : memref<8x128xi32, #tpu.memory_space<vmem>>, vector<16xi32>,
      tpu.vector_store_idx %arg5[%get3A_162], %broadcast_in_dim3A_3 {add = true} : memref<10240xf32, #tpu.memory_space<vmem>>[vector<16xi32>], vector<16xf32>,
      %get3A_163 = arith.constant 3 : i32
      %get3A_164 = arith.index_cast %get3A_163 : i32 to index
      %get3A_165 = arith.constant 96 : index
      %get3A_166 = tpu.vector_load %arg4[%get3A_164, %get3A_165] {strides = array<i32>} : memref<8x128xi32, #tpu.memory_space<vmem>>, vector<16xi32>,
      tpu.vector_store_idx %arg5[%get3A_166], %broadcast_in_dim3A_3 {add = true} : memref<10240xf32, #tpu.memory_space<vmem>>[vector<16xi32>], vector<16xf32>,
      %get3A_167 = arith.constant 3 : i32
      %get3A_168 = arith.index_cast %get3A_167 : i32 to index
      %get3A_169 = arith.constant 112 : index
      %get3A_170 = tpu.vector_load %arg4[%get3A_168, %get3A_169] {strides = array<i32>} : memref<8x128xi32, #tpu.memory_space<vmem>>, vector<16xi32>,
      tpu.vector_store_idx %arg5[%get3A_170], %broadcast_in_dim3A_3 {add = true} : memref<10240xf32, #tpu.memory_space<vmem>>[vector<16xi32>], vector<16xf32>,
      %get3A_171 = arith.constant 4 : i32
      %get3A_172 = arith.index_cast %get3A_171 : i32 to index
      %get3A_173 = arith.constant 0 : index
      %get3A_174 = tpu.vector_load %arg4[%get3A_172, %get3A_173] {strides = array<i32>} : memref<8x128xi32, #tpu.memory_space<vmem>>, vector<16xi32>,
      tpu.vector_store_idx %arg5[%get3A_174], %broadcast_in_dim3A_3 {add = true} : memref<10240xf32, #tpu.memory_space<vmem>>[vector<16xi32>], vector<16xf32>,
      %get3A_175 = arith.constant 4 : i32
      %get3A_176 = arith.index_cast %get3A_175 : i32 to index
      %get3A_177 = arith.constant 16 : index
      %get3A_178 = tpu.vector_load %arg4[%get3A_176, %get3A_177] {strides = array<i32>} : memref<8x128xi32, #tpu.memory_space<vmem>>, vector<16xi32>,
      tpu.vector_store_idx %arg5[%get3A_178], %broadcast_in_dim3A_3 {add = true} : memref<10240xf32, #tpu.memory_space<vmem>>[vector<16xi32>], vector<16xf32>,
      %get3A_179 = arith.constant 4 : i32
      %get3A_180 = arith.index_cast %get3A_179 : i32 to index
      %get3A_181 = arith.constant 32 : index
      %get3A_182 = tpu.vector_load %arg4[%get3A_180, %get3A_181] {strides = array<i32>} : memref<8x128xi32, #tpu.memory_space<vmem>>, vector<16xi32>,
      tpu.vector_store_idx %arg5[%get3A_182], %broadcast_in_dim3A_3 {add = true} : memref<10240xf32, #tpu.memory_space<vmem>>[vector<16xi32>], vector<16xf32>,
      %get3A_183 = arith.constant 4 : i32
      %get3A_184 = arith.index_cast %get3A_183 : i32 to index
      %get3A_185 = arith.constant 48 : index
      %get3A_186 = tpu.vector_load %arg4[%get3A_184, %get3A_185] {strides = array<i32>} : memref<8x128xi32, #tpu.memory_space<vmem>>, vector<16xi32>,
      tpu.vector_store_idx %arg5[%get3A_186], %broadcast_in_dim3A_3 {add = true} : memref<10240xf32, #tpu.memory_space<vmem>>[vector<16xi32>], vector<16xf32>,
      %get3A_187 = arith.constant 4 : i32
      %get3A_188 = arith.index_cast %get3A_187 : i32 to index
      %get3A_189 = arith.constant 64 : index
      %get3A_190 = tpu.vector_load %arg4[%get3A_188, %get3A_189] {strides = array<i32>} : memref<8x128xi32, #tpu.memory_space<vmem>>, vector<16xi32>,
      tpu.vector_store_idx %arg5[%get3A_190], %broadcast_in_dim3A_3 {add = true} : memref<10240xf32, #tpu.memory_space<vmem>>[vector<16xi32>], vector<16xf32>,
      %get3A_191 = arith.constant 4 : i32
      %get3A_192 = arith.index_cast %get3A_191 : i32 to index
      %get3A_193 = arith.constant 80 : index
      %get3A_194 = tpu.vector_load %arg4[%get3A_192, %get3A_193] {strides = array<i32>} : memref<8x128xi32, #tpu.memory_space<vmem>>, vector<16xi32>,
      tpu.vector_store_idx %arg5[%get3A_194], %broadcast_in_dim3A_3 {add = true} : memref<10240xf32, #tpu.memory_space<vmem>>[vector<16xi32>], vector<16xf32>,
      %get3A_195 = arith.constant 4 : i32
      %get3A_196 = arith.index_cast %get3A_195 : i32 to index
      %get3A_197 = arith.constant 96 : index
      %get3A_198 = tpu.vector_load %arg4[%get3A_196, %get3A_197] {strides = array<i32>} : memref<8x128xi32, #tpu.memory_space<vmem>>, vector<16xi32>,
      tpu.vector_store_idx %arg5[%get3A_198], %broadcast_in_dim3A_3 {add = true} : memref<10240xf32, #tpu.memory_space<vmem>>[vector<16xi32>], vector<16xf32>,
      %get3A_199 = arith.constant 4 : i32
      %get3A_200 = arith.index_cast %get3A_199 : i32 to index
      %get3A_201 = arith.constant 112 : index
      %get3A_202 = tpu.vector_load %arg4[%get3A_200, %get3A_201] {strides = array<i32>} : memref<8x128xi32, #tpu.memory_space<vmem>>, vector<16xi32>,
      tpu.vector_store_idx %arg5[%get3A_202], %broadcast_in_dim3A_3 {add = true} : memref<10240xf32, #tpu.memory_space<vmem>>[vector<16xi32>], vector<16xf32>,
      %get3A_203 = arith.constant 5 : i32
      %get3A_204 = arith.index_cast %get3A_203 : i32 to index
      %get3A_205 = arith.constant 0 : index
      %get3A_206 = tpu.vector_load %arg4[%get3A_204, %get3A_205] {strides = array<i32>} : memref<8x128xi32, #tpu.memory_space<vmem>>, vector<16xi32>,
      tpu.vector_store_idx %arg5[%get3A_206], %broadcast_in_dim3A_3 {add = true} : memref<10240xf32, #tpu.memory_space<vmem>>[vector<16xi32>], vector<16xf32>,
      %get3A_207 = arith.constant 5 : i32
      %get3A_208 = arith.index_cast %get3A_207 : i32 to index
      %get3A_209 = arith.constant 16 : index
      %get3A_210 = tpu.vector_load %arg4[%get3A_208, %get3A_209] {strides = array<i32>} : memref<8x128xi32, #tpu.memory_space<vmem>>, vector<16xi32>,
      tpu.vector_store_idx %arg5[%get3A_210], %broadcast_in_dim3A_3 {add = true} : memref<10240xf32, #tpu.memory_space<vmem>>[vector<16xi32>], vector<16xf32>,
      %get3A_211 = arith.constant 5 : i32
      %get3A_212 = arith.index_cast %get3A_211 : i32 to index
      %get3A_213 = arith.constant 32 : index
      %get3A_214 = tpu.vector_load %arg4[%get3A_212, %get3A_213] {strides = array<i32>} : memref<8x128xi32, #tpu.memory_space<vmem>>, vector<16xi32>,
      tpu.vector_store_idx %arg5[%get3A_214], %broadcast_in_dim3A_3 {add = true} : memref<10240xf32, #tpu.memory_space<vmem>>[vector<16xi32>], vector<16xf32>,
      %get3A_215 = arith.constant 5 : i32
      %get3A_216 = arith.index_cast %get3A_215 : i32 to index
      %get3A_217 = arith.constant 48 : index
      %get3A_218 = tpu.vector_load %arg4[%get3A_216, %get3A_217] {strides = array<i32>} : memref<8x128xi32, #tpu.memory_space<vmem>>, vector<16xi32>,
      tpu.vector_store_idx %arg5[%get3A_218], %broadcast_in_dim3A_3 {add = true} : memref<10240xf32, #tpu.memory_space<vmem>>[vector<16xi32>], vector<16xf32>,
      %get3A_219 = arith.constant 5 : i32
      %get3A_220 = arith.index_cast %get3A_219 : i32 to index
      %get3A_221 = arith.constant 64 : index
      %get3A_222 = tpu.vector_load %arg4[%get3A_220, %get3A_221] {strides = array<i32>} : memref<8x128xi32, #tpu.memory_space<vmem>>, vector<16xi32>,
      tpu.vector_store_idx %arg5[%get3A_222], %broadcast_in_dim3A_3 {add = true} : memref<10240xf32, #tpu.memory_space<vmem>>[vector<16xi32>], vector<16xf32>,
      %get3A_223 = arith.constant 5 : i32
      %get3A_224 = arith.index_cast %get3A_223 : i32 to index
      %get3A_225 = arith.constant 80 : index
      %get3A_226 = tpu.vector_load %arg4[%get3A_224, %get3A_225] {strides = array<i32>} : memref<8x128xi32, #tpu.memory_space<vmem>>, vector<16xi32>,
      tpu.vector_store_idx %arg5[%get3A_226], %broadcast_in_dim3A_3 {add = true} : memref<10240xf32, #tpu.memory_space<vmem>>[vector<16xi32>], vector<16xf32>,
      %get3A_227 = arith.constant 5 : i32
      %get3A_228 = arith.index_cast %get3A_227 : i32 to index
      %get3A_229 = arith.constant 96 : index
      %get3A_230 = tpu.vector_load %arg4[%get3A_228, %get3A_229] {strides = array<i32>} : memref<8x128xi32, #tpu.memory_space<vmem>>, vector<16xi32>,
      tpu.vector_store_idx %arg5[%get3A_230], %broadcast_in_dim3A_3 {add = true} : memref<10240xf32, #tpu.memory_space<vmem>>[vector<16xi32>], vector<16xf32>,
      %get3A_231 = arith.constant 5 : i32
      %get3A_232 = arith.index_cast %get3A_231 : i32 to index
      %get3A_233 = arith.constant 112 : index
      %get3A_234 = tpu.vector_load %arg4[%get3A_232, %get3A_233] {strides = array<i32>} : memref<8x128xi32, #tpu.memory_space<vmem>>, vector<16xi32>,
      tpu.vector_store_idx %arg5[%get3A_234], %broadcast_in_dim3A_3 {add = true} : memref<10240xf32, #tpu.memory_space<vmem>>[vector<16xi32>], vector<16xf32>,
      %get3A_235 = arith.constant 6 : i32
      %get3A_236 = arith.index_cast %get3A_235 : i32 to index
      %get3A_237 = arith.constant 0 : index
      %get3A_238 = tpu.vector_load %arg4[%get3A_236, %get3A_237] {strides = array<i32>} : memref<8x128xi32, #tpu.memory_space<vmem>>, vector<16xi32>,
      tpu.vector_store_idx %arg5[%get3A_238], %broadcast_in_dim3A_3 {add = true} : memref<10240xf32, #tpu.memory_space<vmem>>[vector<16xi32>], vector<16xf32>,
      %get3A_239 = arith.constant 6 : i32
      %get3A_240 = arith.index_cast %get3A_239 : i32 to index
      %get3A_241 = arith.constant 16 : index
      %get3A_242 = tpu.vector_load %arg4[%get3A_240, %get3A_241] {strides = array<i32>} : memref<8x128xi32, #tpu.memory_space<vmem>>, vector<16xi32>,
      tpu.vector_store_idx %arg5[%get3A_242], %broadcast_in_dim3A_3 {add = true} : memref<10240xf32, #tpu.memory_space<vmem>>[vector<16xi32>], vector<16xf32>,
      %get3A_243 = arith.constant 6 : i32
      %get3A_244 = arith.index_cast %get3A_243 : i32 to index
      %get3A_245 = arith.constant 32 : index
      %get3A_246 = tpu.vector_load %arg4[%get3A_244, %get3A_245] {strides = array<i32>} : memref<8x128xi32, #tpu.memory_space<vmem>>, vector<16xi32>,
      tpu.vector_store_idx %arg5[%get3A_246], %broadcast_in_dim3A_3 {add = true} : memref<10240xf32, #tpu.memory_space<vmem>>[vector<16xi32>], vector<16xf32>,
      %get3A_247 = arith.constant 6 : i32
      %get3A_248 = arith.index_cast %get3A_247 : i32 to index
      %get3A_249 = arith.constant 48 : index
      %get3A_250 = tpu.vector_load %arg4[%get3A_248, %get3A_249] {strides = array<i32>} : memref<8x128xi32, #tpu.memory_space<vmem>>, vector<16xi32>,
      tpu.vector_store_idx %arg5[%get3A_250], %broadcast_in_dim3A_3 {add = true} : memref<10240xf32, #tpu.memory_space<vmem>>[vector<16xi32>], vector<16xf32>,
      %get3A_251 = arith.constant 6 : i32
      %get3A_252 = arith.index_cast %get3A_251 : i32 to index
      %get3A_253 = arith.constant 64 : index
      %get3A_254 = tpu.vector_load %arg4[%get3A_252, %get3A_253] {strides = array<i32>} : memref<8x128xi32, #tpu.memory_space<vmem>>, vector<16xi32>,
      tpu.vector_store_idx %arg5[%get3A_254], %broadcast_in_dim3A_3 {add = true} : memref<10240xf32, #tpu.memory_space<vmem>>[vector<16xi32>], vector<16xf32>,
      %get3A_255 = arith.constant 6 : i32
      %get3A_256 = arith.index_cast %get3A_255 : i32 to index
      %get3A_257 = arith.constant 80 : index
      %get3A_258 = tpu.vector_load %arg4[%get3A_256, %get3A_257] {strides = array<i32>} : memref<8x128xi32, #tpu.memory_space<vmem>>, vector<16xi32>,
      tpu.vector_store_idx %arg5[%get3A_258], %broadcast_in_dim3A_3 {add = true} : memref<10240xf32, #tpu.memory_space<vmem>>[vector<16xi32>], vector<16xf32>,
      %get3A_259 = arith.constant 6 : i32
      %get3A_260 = arith.index_cast %get3A_259 : i32 to index
      %get3A_261 = arith.constant 96 : index
      %get3A_262 = tpu.vector_load %arg4[%get3A_260, %get3A_261] {strides = array<i32>} : memref<8x128xi32, #tpu.memory_space<vmem>>, vector<16xi32>,
      tpu.vector_store_idx %arg5[%get3A_262], %broadcast_in_dim3A_3 {add = true} : memref<10240xf32, #tpu.memory_space<vmem>>[vector<16xi32>], vector<16xf32>,
      %get3A_263 = arith.constant 6 : i32
      %get3A_264 = arith.index_cast %get3A_263 : i32 to index
      %get3A_265 = arith.constant 112 : index
      %get3A_266 = tpu.vector_load %arg4[%get3A_264, %get3A_265] {strides = array<i32>} : memref<8x128xi32, #tpu.memory_space<vmem>>, vector<16xi32>,
      tpu.vector_store_idx %arg5[%get3A_266], %broadcast_in_dim3A_3 {add = true} : memref<10240xf32, #tpu.memory_space<vmem>>[vector<16xi32>], vector<16xf32>,
      %get3A_267 = arith.constant 7 : i32
      %get3A_268 = arith.index_cast %get3A_267 : i32 to index
      %get3A_269 = arith.constant 0 : index
      %get3A_270 = tpu.vector_load %arg4[%get3A_268, %get3A_269] {strides = array<i32>} : memref<8x128xi32, #tpu.memory_space<vmem>>, vector<16xi32>,
      tpu.vector_store_idx %arg5[%get3A_270], %broadcast_in_dim3A_3 {add = true} : memref<10240xf32, #tpu.memory_space<vmem>>[vector<16xi32>], vector<16xf32>,
      %get3A_271 = arith.constant 7 : i32
      %get3A_272 = arith.index_cast %get3A_271 : i32 to index
      %get3A_273 = arith.constant 16 : index
      %get3A_274 = tpu.vector_load %arg4[%get3A_272, %get3A_273] {strides = array<i32>} : memref<8x128xi32, #tpu.memory_space<vmem>>, vector<16xi32>,
      tpu.vector_store_idx %arg5[%get3A_274], %broadcast_in_dim3A_3 {add = true} : memref<10240xf32, #tpu.memory_space<vmem>>[vector<16xi32>], vector<16xf32>,
      %get3A_275 = arith.constant 7 : i32
      %get3A_276 = arith.index_cast %get3A_275 : i32 to index
      %get3A_277 = arith.constant 32 : index
      %get3A_278 = tpu.vector_load %arg4[%get3A_276, %get3A_277] {strides = array<i32>} : memref<8x128xi32, #tpu.memory_space<vmem>>, vector<16xi32>,
      tpu.vector_store_idx %arg5[%get3A_278], %broadcast_in_dim3A_3 {add = true} : memref<10240xf32, #tpu.memory_space<vmem>>[vector<16xi32>], vector<16xf32>,
      %get3A_279 = arith.constant 7 : i32
      %get3A_280 = arith.index_cast %get3A_279 : i32 to index
      %get3A_281 = arith.constant 48 : index
      %get3A_282 = tpu.vector_load %arg4[%get3A_280, %get3A_281] {strides = array<i32>} : memref<8x128xi32, #tpu.memory_space<vmem>>, vector<16xi32>,
      tpu.vector_store_idx %arg5[%get3A_282], %broadcast_in_dim3A_3 {add = true} : memref<10240xf32, #tpu.memory_space<vmem>>[vector<16xi32>], vector<16xf32>,
      %get3A_283 = arith.constant 7 : i32
      %get3A_284 = arith.index_cast %get3A_283 : i32 to index
      %get3A_285 = arith.constant 64 : index
      %get3A_286 = tpu.vector_load %arg4[%get3A_284, %get3A_285] {strides = array<i32>} : memref<8x128xi32, #tpu.memory_space<vmem>>, vector<16xi32>,
      tpu.vector_store_idx %arg5[%get3A_286], %broadcast_in_dim3A_3 {add = true} : memref<10240xf32, #tpu.memory_space<vmem>>[vector<16xi32>], vector<16xf32>,
      %get3A_287 = arith.constant 7 : i32
      %get3A_288 = arith.index_cast %get3A_287 : i32 to index
      %get3A_289 = arith.constant 80 : index
      %get3A_290 = tpu.vector_load %arg4[%get3A_288, %get3A_289] {strides = array<i32>} : memref<8x128xi32, #tpu.memory_space<vmem>>, vector<16xi32>,
      tpu.vector_store_idx %arg5[%get3A_290], %broadcast_in_dim3A_3 {add = true} : memref<10240xf32, #tpu.memory_space<vmem>>[vector<16xi32>], vector<16xf32>,
      %get3A_291 = arith.constant 7 : i32
      %get3A_292 = arith.index_cast %get3A_291 : i32 to index
      %get3A_293 = arith.constant 96 : index
      %get3A_294 = tpu.vector_load %arg4[%get3A_292, %get3A_293] {strides = array<i32>} : memref<8x128xi32, #tpu.memory_space<vmem>>, vector<16xi32>,
      tpu.vector_store_idx %arg5[%get3A_294], %broadcast_in_dim3A_3 {add = true} : memref<10240xf32, #tpu.memory_space<vmem>>[vector<16xi32>], vector<16xf32>,
      %get3A_295 = arith.constant 7 : i32
      %get3A_296 = arith.index_cast %get3A_295 : i32 to index
      %get3A_297 = arith.constant 112 : index
      %get3A_298 = tpu.vector_load %arg4[%get3A_296, %get3A_297] {strides = array<i32>} : memref<8x128xi32, #tpu.memory_space<vmem>>, vector<16xi32>,
      tpu.vector_store_idx %arg5[%get3A_298], %broadcast_in_dim3A_3 {add = true} : memref<10240xf32, #tpu.memory_space<vmem>>[vector<16xi32>], vector<16xf32>,
    }
    %scan3A_14 = arith.constant 20 : i32
    %run_scoped3A = arith.constant 0 : i32
    "tpu.region"() ({
      %run_scoped3A_41 = tpu.sem_alloc : memref<!tpu.dma_semaphore, #tpu.memory_space<semaphore_mem>>
      %dma_start3A = arith.constant 0 : i32
      %dma_start3A_42 = tpu.memref_slice %arg5[%dma_start3A] : memref<10240xf32, #tpu.memory_space<vmem>> -> memref<640xf32, #tpu.memory_space<vmem>>
      %dma_start3A_43 = arith.constant 0 : i32
      %dma_start3A_44 = tpu.memref_slice %arg8[%run_scoped3A, %arg1, %dma_start3A_43] : memref<16x16x640xf32, #tpu.memory_space<vmem_shared>> -> memref<1x1x640xf32, #tpu.memory_space<vmem_shared>>
      %dma_start3A_45 = tpu.memref_squeeze %dma_start3A_44 : memref<1x1x640xf32, #tpu.memory_space<vmem_shared>> -> memref<640xf32, #tpu.memory_space<vmem_shared>>
      %dma_start3A_46 = arith.constant 0 : i32
      %dma_start3A_47 = tpu.memref_slice %arg8[%run_scoped3A, %arg1, %dma_start3A_46] : memref<16x16x640xf32, #tpu.memory_space<vmem_shared>> -> memref<1x1x640xf32, #tpu.memory_space<vmem_shared>>
      %dma_start3A_48 = tpu.memref_squeeze %dma_start3A_47 : memref<1x1x640xf32, #tpu.memory_space<vmem_shared>> -> memref<640xf32, #tpu.memory_space<vmem_shared>>
      %dma_start3A_49 = arith.constant 0 : i32
      %dma_start3A_50 = tpu.memref_slice %arg5[%dma_start3A_49] : memref<10240xf32, #tpu.memory_space<vmem>> -> memref<640xf32, #tpu.memory_space<vmem>>
      tpu.enqueue_dma source(%dma_start3A_50 : memref<640xf32, #tpu.memory_space<vmem>>) target(%dma_start3A_48 : memref<640xf32, #tpu.memory_space<vmem_shared>>) target_semaphore(%run_scoped3A_41 : memref<!tpu.dma_semaphore, #tpu.memory_space<semaphore_mem>>)
      %dma_wait3A = arith.constant 0 : i32
      %dma_wait3A_51 = tpu.memref_slice %arg5[%dma_wait3A] : memref<10240xf32, #tpu.memory_space<vmem>> -> memref<640xf32, #tpu.memory_space<vmem>>
      %dma_wait3A_52 = arith.constant 0 : i32
      %dma_wait3A_53 = tpu.memref_slice %arg8[%run_scoped3A, %arg1, %dma_wait3A_52] : memref<16x16x640xf32, #tpu.memory_space<vmem_shared>> -> memref<1x1x640xf32, #tpu.memory_space<vmem_shared>>
      %dma_wait3A_54 = tpu.memref_squeeze %dma_wait3A_53 : memref<1x1x640xf32, #tpu.memory_space<vmem_shared>> -> memref<640xf32, #tpu.memory_space<vmem_shared>>
      %dma_wait3A_55 = arith.constant 0 : i32
      %dma_wait3A_56 = tpu.memref_slice %arg8[%run_scoped3A, %arg1, %dma_wait3A_55] : memref<16x16x640xf32, #tpu.memory_space<vmem_shared>> -> memref<1x1x640xf32, #tpu.memory_space<vmem_shared>>
      %dma_wait3A_57 = tpu.memref_squeeze %dma_wait3A_56 : memref<1x1x640xf32, #tpu.memory_space<vmem_shared>> -> memref<640xf32, #tpu.memory_space<vmem_shared>>
      %dma_wait3A_58 = arith.constant 0 : i32
      %dma_wait3A_59 = tpu.memref_slice %arg5[%dma_wait3A_58] : memref<10240xf32, #tpu.memory_space<vmem>> -> memref<640xf32, #tpu.memory_space<vmem>>
      tpu.wait_dma2 semaphore(%run_scoped3A_41 : memref<!tpu.dma_semaphore, #tpu.memory_space<semaphore_mem>>) src(%dma_wait3A_59 : memref<640xf32, #tpu.memory_space<vmem>>) dst(%dma_wait3A_57 : memref<640xf32, #tpu.memory_space<vmem_shared>>)
      tpu.yield
    }) : () -> ()
    %run_scoped3A_15 = arith.constant 1 : i32
    "tpu.region"() ({
      %run_scoped3A_41 = tpu.sem_alloc : memref<!tpu.dma_semaphore, #tpu.memory_space<semaphore_mem>>
      %dma_start3A = arith.constant 640 : i32
      %dma_start3A_42 = tpu.memref_slice %arg5[%dma_start3A] : memref<10240xf32, #tpu.memory_space<vmem>> -> memref<640xf32, #tpu.memory_space<vmem>>
      %dma_start3A_43 = arith.constant 0 : i32
      %dma_start3A_44 = tpu.memref_slice %arg8[%run_scoped3A_15, %arg1, %dma_start3A_43] : memref<16x16x640xf32, #tpu.memory_space<vmem_shared>> -> memref<1x1x640xf32, #tpu.memory_space<vmem_shared>>
      %dma_start3A_45 = tpu.memref_squeeze %dma_start3A_44 : memref<1x1x640xf32, #tpu.memory_space<vmem_shared>> -> memref<640xf32, #tpu.memory_space<vmem_shared>>
      %dma_start3A_46 = arith.constant 0 : i32
      %dma_start3A_47 = tpu.memref_slice %arg8[%run_scoped3A_15, %arg1, %dma_start3A_46] : memref<16x16x640xf32, #tpu.memory_space<vmem_shared>> -> memref<1x1x640xf32, #tpu.memory_space<vmem_shared>>
      %dma_start3A_48 = tpu.memref_squeeze %dma_start3A_47 : memref<1x1x640xf32, #tpu.memory_space<vmem_shared>> -> memref<640xf32, #tpu.memory_space<vmem_shared>>
      %dma_start3A_49 = arith.constant 640 : i32
      %dma_start3A_50 = tpu.memref_slice %arg5[%dma_start3A_49] : memref<10240xf32, #tpu.memory_space<vmem>> -> memref<640xf32, #tpu.memory_space<vmem>>
      tpu.enqueue_dma source(%dma_start3A_50 : memref<640xf32, #tpu.memory_space<vmem>>) target(%dma_start3A_48 : memref<640xf32, #tpu.memory_space<vmem_shared>>) target_semaphore(%run_scoped3A_41 : memref<!tpu.dma_semaphore, #tpu.memory_space<semaphore_mem>>)
      %dma_wait3A = arith.constant 640 : i32
      %dma_wait3A_51 = tpu.memref_slice %arg5[%dma_wait3A] : memref<10240xf32, #tpu.memory_space<vmem>> -> memref<640xf32, #tpu.memory_space<vmem>>
      %dma_wait3A_52 = arith.constant 0 : i32
      %dma_wait3A_53 = tpu.memref_slice %arg8[%run_scoped3A_15, %arg1, %dma_wait3A_52] : memref<16x16x640xf32, #tpu.memory_space<vmem_shared>> -> memref<1x1x640xf32, #tpu.memory_space<vmem_shared>>
      %dma_wait3A_54 = tpu.memref_squeeze %dma_wait3A_53 : memref<1x1x640xf32, #tpu.memory_space<vmem_shared>> -> memref<640xf32, #tpu.memory_space<vmem_shared>>
      %dma_wait3A_55 = arith.constant 0 : i32
      %dma_wait3A_56 = tpu.memref_slice %arg8[%run_scoped3A_15, %arg1, %dma_wait3A_55] : memref<16x16x640xf32, #tpu.memory_space<vmem_shared>> -> memref<1x1x640xf32, #tpu.memory_space<vmem_shared>>
      %dma_wait3A_57 = tpu.memref_squeeze %dma_wait3A_56 : memref<1x1x640xf32, #tpu.memory_space<vmem_shared>> -> memref<640xf32, #tpu.memory_space<vmem_shared>>
      %dma_wait3A_58 = arith.constant 640 : i32
      %dma_wait3A_59 = tpu.memref_slice %arg5[%dma_wait3A_58] : memref<10240xf32, #tpu.memory_space<vmem>> -> memref<640xf32, #tpu.memory_space<vmem>>
      tpu.wait_dma2 semaphore(%run_scoped3A_41 : memref<!tpu.dma_semaphore, #tpu.memory_space<semaphore_mem>>) src(%dma_wait3A_59 : memref<640xf32, #tpu.memory_space<vmem>>) dst(%dma_wait3A_57 : memref<640xf32, #tpu.memory_space<vmem_shared>>)
      tpu.yield
    }) : () -> ()
    %run_scoped3A_16 = arith.constant 2 : i32
    "tpu.region"() ({
      %run_scoped3A_41 = tpu.sem_alloc : memref<!tpu.dma_semaphore, #tpu.memory_space<semaphore_mem>>
      %dma_start3A = arith.constant 1280 : i32
      %dma_start3A_42 = tpu.memref_slice %arg5[%dma_start3A] : memref<10240xf32, #tpu.memory_space<vmem>> -> memref<640xf32, #tpu.memory_space<vmem>>
      %dma_start3A_43 = arith.constant 0 : i32
      %dma_start3A_44 = tpu.memref_slice %arg8[%run_scoped3A_16, %arg1, %dma_start3A_43] : memref<16x16x640xf32, #tpu.memory_space<vmem_shared>> -> memref<1x1x640xf32, #tpu.memory_space<vmem_shared>>
      %dma_start3A_45 = tpu.memref_squeeze %dma_start3A_44 : memref<1x1x640xf32, #tpu.memory_space<vmem_shared>> -> memref<640xf32, #tpu.memory_space<vmem_shared>>
      %dma_start3A_46 = arith.constant 0 : i32
      %dma_start3A_47 = tpu.memref_slice %arg8[%run_scoped3A_16, %arg1, %dma_start3A_46] : memref<16x16x640xf32, #tpu.memory_space<vmem_shared>> -> memref<1x1x640xf32, #tpu.memory_space<vmem_shared>>
      %dma_start3A_48 = tpu.memref_squeeze %dma_start3A_47 : memref<1x1x640xf32, #tpu.memory_space<vmem_shared>> -> memref<640xf32, #tpu.memory_space<vmem_shared>>
      %dma_start3A_49 = arith.constant 1280 : i32
      %dma_start3A_50 = tpu.memref_slice %arg5[%dma_start3A_49] : memref<10240xf32, #tpu.memory_space<vmem>> -> memref<640xf32, #tpu.memory_space<vmem>>
      tpu.enqueue_dma source(%dma_start3A_50 : memref<640xf32, #tpu.memory_space<vmem>>) target(%dma_start3A_48 : memref<640xf32, #tpu.memory_space<vmem_shared>>) target_semaphore(%run_scoped3A_41 : memref<!tpu.dma_semaphore, #tpu.memory_space<semaphore_mem>>)
      %dma_wait3A = arith.constant 1280 : i32
      %dma_wait3A_51 = tpu.memref_slice %arg5[%dma_wait3A] : memref<10240xf32, #tpu.memory_space<vmem>> -> memref<640xf32, #tpu.memory_space<vmem>>
      %dma_wait3A_52 = arith.constant 0 : i32
      %dma_wait3A_53 = tpu.memref_slice %arg8[%run_scoped3A_16, %arg1, %dma_wait3A_52] : memref<16x16x640xf32, #tpu.memory_space<vmem_shared>> -> memref<1x1x640xf32, #tpu.memory_space<vmem_shared>>
      %dma_wait3A_54 = tpu.memref_squeeze %dma_wait3A_53 : memref<1x1x640xf32, #tpu.memory_space<vmem_shared>> -> memref<640xf32, #tpu.memory_space<vmem_shared>>
      %dma_wait3A_55 = arith.constant 0 : i32
      %dma_wait3A_56 = tpu.memref_slice %arg8[%run_scoped3A_16, %arg1, %dma_wait3A_55] : memref<16x16x640xf32, #tpu.memory_space<vmem_shared>> -> memref<1x1x640xf32, #tpu.memory_space<vmem_shared>>
      %dma_wait3A_57 = tpu.memref_squeeze %dma_wait3A_56 : memref<1x1x640xf32, #tpu.memory_space<vmem_shared>> -> memref<640xf32, #tpu.memory_space<vmem_shared>>
      %dma_wait3A_58 = arith.constant 1280 : i32
      %dma_wait3A_59 = tpu.memref_slice %arg5[%dma_wait3A_58] : memref<10240xf32, #tpu.memory_space<vmem>> -> memref<640xf32, #tpu.memory_space<vmem>>
      tpu.wait_dma2 semaphore(%run_scoped3A_41 : memref<!tpu.dma_semaphore, #tpu.memory_space<semaphore_mem>>) src(%dma_wait3A_59 : memref<640xf32, #tpu.memory_space<vmem>>) dst(%dma_wait3A_57 : memref<640xf32, #tpu.memory_space<vmem_shared>>)
      tpu.yield
    }) : () -> ()
    %run_scoped3A_17 = arith.constant 3 : i32
    "tpu.region"() ({
      %run_scoped3A_41 = tpu.sem_alloc : memref<!tpu.dma_semaphore, #tpu.memory_space<semaphore_mem>>
      %dma_start3A = arith.constant 1920 : i32
      %dma_start3A_42 = tpu.memref_slice %arg5[%dma_start3A] : memref<10240xf32, #tpu.memory_space<vmem>> -> memref<640xf32, #tpu.memory_space<vmem>>
      %dma_start3A_43 = arith.constant 0 : i32
      %dma_start3A_44 = tpu.memref_slice %arg8[%run_scoped3A_17, %arg1, %dma_start3A_43] : memref<16x16x640xf32, #tpu.memory_space<vmem_shared>> -> memref<1x1x640xf32, #tpu.memory_space<vmem_shared>>
      %dma_start3A_45 = tpu.memref_squeeze %dma_start3A_44 : memref<1x1x640xf32, #tpu.memory_space<vmem_shared>> -> memref<640xf32, #tpu.memory_space<vmem_shared>>
      %dma_start3A_46 = arith.constant 0 : i32
      %dma_start3A_47 = tpu.memref_slice %arg8[%run_scoped3A_17, %arg1, %dma_start3A_46] : memref<16x16x640xf32, #tpu.memory_space<vmem_shared>> -> memref<1x1x640xf32, #tpu.memory_space<vmem_shared>>
      %dma_start3A_48 = tpu.memref_squeeze %dma_start3A_47 : memref<1x1x640xf32, #tpu.memory_space<vmem_shared>> -> memref<640xf32, #tpu.memory_space<vmem_shared>>
      %dma_start3A_49 = arith.constant 1920 : i32
      %dma_start3A_50 = tpu.memref_slice %arg5[%dma_start3A_49] : memref<10240xf32, #tpu.memory_space<vmem>> -> memref<640xf32, #tpu.memory_space<vmem>>
      tpu.enqueue_dma source(%dma_start3A_50 : memref<640xf32, #tpu.memory_space<vmem>>) target(%dma_start3A_48 : memref<640xf32, #tpu.memory_space<vmem_shared>>) target_semaphore(%run_scoped3A_41 : memref<!tpu.dma_semaphore, #tpu.memory_space<semaphore_mem>>)
      %dma_wait3A = arith.constant 1920 : i32
      %dma_wait3A_51 = tpu.memref_slice %arg5[%dma_wait3A] : memref<10240xf32, #tpu.memory_space<vmem>> -> memref<640xf32, #tpu.memory_space<vmem>>
      %dma_wait3A_52 = arith.constant 0 : i32
      %dma_wait3A_53 = tpu.memref_slice %arg8[%run_scoped3A_17, %arg1, %dma_wait3A_52] : memref<16x16x640xf32, #tpu.memory_space<vmem_shared>> -> memref<1x1x640xf32, #tpu.memory_space<vmem_shared>>
      %dma_wait3A_54 = tpu.memref_squeeze %dma_wait3A_53 : memref<1x1x640xf32, #tpu.memory_space<vmem_shared>> -> memref<640xf32, #tpu.memory_space<vmem_shared>>
      %dma_wait3A_55 = arith.constant 0 : i32
      %dma_wait3A_56 = tpu.memref_slice %arg8[%run_scoped3A_17, %arg1, %dma_wait3A_55] : memref<16x16x640xf32, #tpu.memory_space<vmem_shared>> -> memref<1x1x640xf32, #tpu.memory_space<vmem_shared>>
      %dma_wait3A_57 = tpu.memref_squeeze %dma_wait3A_56 : memref<1x1x640xf32, #tpu.memory_space<vmem_shared>> -> memref<640xf32, #tpu.memory_space<vmem_shared>>
      %dma_wait3A_58 = arith.constant 1920 : i32
      %dma_wait3A_59 = tpu.memref_slice %arg5[%dma_wait3A_58] : memref<10240xf32, #tpu.memory_space<vmem>> -> memref<640xf32, #tpu.memory_space<vmem>>
      tpu.wait_dma2 semaphore(%run_scoped3A_41 : memref<!tpu.dma_semaphore, #tpu.memory_space<semaphore_mem>>) src(%dma_wait3A_59 : memref<640xf32, #tpu.memory_space<vmem>>) dst(%dma_wait3A_57 : memref<640xf32, #tpu.memory_space<vmem_shared>>)
      tpu.yield
    }) : () -> ()
    %run_scoped3A_18 = arith.constant 4 : i32
    "tpu.region"() ({
      %run_scoped3A_41 = tpu.sem_alloc : memref<!tpu.dma_semaphore, #tpu.memory_space<semaphore_mem>>
      %dma_start3A = arith.constant 2560 : i32
      %dma_start3A_42 = tpu.memref_slice %arg5[%dma_start3A] : memref<10240xf32, #tpu.memory_space<vmem>> -> memref<640xf32, #tpu.memory_space<vmem>>
      %dma_start3A_43 = arith.constant 0 : i32
      %dma_start3A_44 = tpu.memref_slice %arg8[%run_scoped3A_18, %arg1, %dma_start3A_43] : memref<16x16x640xf32, #tpu.memory_space<vmem_shared>> -> memref<1x1x640xf32, #tpu.memory_space<vmem_shared>>
      %dma_start3A_45 = tpu.memref_squeeze %dma_start3A_44 : memref<1x1x640xf32, #tpu.memory_space<vmem_shared>> -> memref<640xf32, #tpu.memory_space<vmem_shared>>
      %dma_start3A_46 = arith.constant 0 : i32
      %dma_start3A_47 = tpu.memref_slice %arg8[%run_scoped3A_18, %arg1, %dma_start3A_46] : memref<16x16x640xf32, #tpu.memory_space<vmem_shared>> -> memref<1x1x640xf32, #tpu.memory_space<vmem_shared>>
      %dma_start3A_48 = tpu.memref_squeeze %dma_start3A_47 : memref<1x1x640xf32, #tpu.memory_space<vmem_shared>> -> memref<640xf32, #tpu.memory_space<vmem_shared>>
      %dma_start3A_49 = arith.constant 2560 : i32
      %dma_start3A_50 = tpu.memref_slice %arg5[%dma_start3A_49] : memref<10240xf32, #tpu.memory_space<vmem>> -> memref<640xf32, #tpu.memory_space<vmem>>
      tpu.enqueue_dma source(%dma_start3A_50 : memref<640xf32, #tpu.memory_space<vmem>>) target(%dma_start3A_48 : memref<640xf32, #tpu.memory_space<vmem_shared>>) target_semaphore(%run_scoped3A_41 : memref<!tpu.dma_semaphore, #tpu.memory_space<semaphore_mem>>)
      %dma_wait3A = arith.constant 2560 : i32
      %dma_wait3A_51 = tpu.memref_slice %arg5[%dma_wait3A] : memref<10240xf32, #tpu.memory_space<vmem>> -> memref<640xf32, #tpu.memory_space<vmem>>
      %dma_wait3A_52 = arith.constant 0 : i32
      %dma_wait3A_53 = tpu.memref_slice %arg8[%run_scoped3A_18, %arg1, %dma_wait3A_52] : memref<16x16x640xf32, #tpu.memory_space<vmem_shared>> -> memref<1x1x640xf32, #tpu.memory_space<vmem_shared>>
      %dma_wait3A_54 = tpu.memref_squeeze %dma_wait3A_53 : memref<1x1x640xf32, #tpu.memory_space<vmem_shared>> -> memref<640xf32, #tpu.memory_space<vmem_shared>>
      %dma_wait3A_55 = arith.constant 0 : i32
      %dma_wait3A_56 = tpu.memref_slice %arg8[%run_scoped3A_18, %arg1, %dma_wait3A_55] : memref<16x16x640xf32, #tpu.memory_space<vmem_shared>> -> memref<1x1x640xf32, #tpu.memory_space<vmem_shared>>
      %dma_wait3A_57 = tpu.memref_squeeze %dma_wait3A_56 : memref<1x1x640xf32, #tpu.memory_space<vmem_shared>> -> memref<640xf32, #tpu.memory_space<vmem_shared>>
      %dma_wait3A_58 = arith.constant 2560 : i32
      %dma_wait3A_59 = tpu.memref_slice %arg5[%dma_wait3A_58] : memref<10240xf32, #tpu.memory_space<vmem>> -> memref<640xf32, #tpu.memory_space<vmem>>
      tpu.wait_dma2 semaphore(%run_scoped3A_41 : memref<!tpu.dma_semaphore, #tpu.memory_space<semaphore_mem>>) src(%dma_wait3A_59 : memref<640xf32, #tpu.memory_space<vmem>>) dst(%dma_wait3A_57 : memref<640xf32, #tpu.memory_space<vmem_shared>>)
      tpu.yield
    }) : () -> ()
    %run_scoped3A_19 = arith.constant 5 : i32
    "tpu.region"() ({
      %run_scoped3A_41 = tpu.sem_alloc : memref<!tpu.dma_semaphore, #tpu.memory_space<semaphore_mem>>
      %dma_start3A = arith.constant 3200 : i32
      %dma_start3A_42 = tpu.memref_slice %arg5[%dma_start3A] : memref<10240xf32, #tpu.memory_space<vmem>> -> memref<640xf32, #tpu.memory_space<vmem>>
      %dma_start3A_43 = arith.constant 0 : i32
      %dma_start3A_44 = tpu.memref_slice %arg8[%run_scoped3A_19, %arg1, %dma_start3A_43] : memref<16x16x640xf32, #tpu.memory_space<vmem_shared>> -> memref<1x1x640xf32, #tpu.memory_space<vmem_shared>>
      %dma_start3A_45 = tpu.memref_squeeze %dma_start3A_44 : memref<1x1x640xf32, #tpu.memory_space<vmem_shared>> -> memref<640xf32, #tpu.memory_space<vmem_shared>>
      %dma_start3A_46 = arith.constant 0 : i32
      %dma_start3A_47 = tpu.memref_slice %arg8[%run_scoped3A_19, %arg1, %dma_start3A_46] : memref<16x16x640xf32, #tpu.memory_space<vmem_shared>> -> memref<1x1x640xf32, #tpu.memory_space<vmem_shared>>
      %dma_start3A_48 = tpu.memref_squeeze %dma_start3A_47 : memref<1x1x640xf32, #tpu.memory_space<vmem_shared>> -> memref<640xf32, #tpu.memory_space<vmem_shared>>
      %dma_start3A_49 = arith.constant 3200 : i32
      %dma_start3A_50 = tpu.memref_slice %arg5[%dma_start3A_49] : memref<10240xf32, #tpu.memory_space<vmem>> -> memref<640xf32, #tpu.memory_space<vmem>>
      tpu.enqueue_dma source(%dma_start3A_50 : memref<640xf32, #tpu.memory_space<vmem>>) target(%dma_start3A_48 : memref<640xf32, #tpu.memory_space<vmem_shared>>) target_semaphore(%run_scoped3A_41 : memref<!tpu.dma_semaphore, #tpu.memory_space<semaphore_mem>>)
      %dma_wait3A = arith.constant 3200 : i32
      %dma_wait3A_51 = tpu.memref_slice %arg5[%dma_wait3A] : memref<10240xf32, #tpu.memory_space<vmem>> -> memref<640xf32, #tpu.memory_space<vmem>>
      %dma_wait3A_52 = arith.constant 0 : i32
      %dma_wait3A_53 = tpu.memref_slice %arg8[%run_scoped3A_19, %arg1, %dma_wait3A_52] : memref<16x16x640xf32, #tpu.memory_space<vmem_shared>> -> memref<1x1x640xf32, #tpu.memory_space<vmem_shared>>
      %dma_wait3A_54 = tpu.memref_squeeze %dma_wait3A_53 : memref<1x1x640xf32, #tpu.memory_space<vmem_shared>> -> memref<640xf32, #tpu.memory_space<vmem_shared>>
      %dma_wait3A_55 = arith.constant 0 : i32
      %dma_wait3A_56 = tpu.memref_slice %arg8[%run_scoped3A_19, %arg1, %dma_wait3A_55] : memref<16x16x640xf32, #tpu.memory_space<vmem_shared>> -> memref<1x1x640xf32, #tpu.memory_space<vmem_shared>>
      %dma_wait3A_57 = tpu.memref_squeeze %dma_wait3A_56 : memref<1x1x640xf32, #tpu.memory_space<vmem_shared>> -> memref<640xf32, #tpu.memory_space<vmem_shared>>
      %dma_wait3A_58 = arith.constant 3200 : i32
      %dma_wait3A_59 = tpu.memref_slice %arg5[%dma_wait3A_58] : memref<10240xf32, #tpu.memory_space<vmem>> -> memref<640xf32, #tpu.memory_space<vmem>>
      tpu.wait_dma2 semaphore(%run_scoped3A_41 : memref<!tpu.dma_semaphore, #tpu.memory_space<semaphore_mem>>) src(%dma_wait3A_59 : memref<640xf32, #tpu.memory_space<vmem>>) dst(%dma_wait3A_57 : memref<640xf32, #tpu.memory_space<vmem_shared>>)
      tpu.yield
    }) : () -> ()
    %run_scoped3A_20 = arith.constant 6 : i32
    "tpu.region"() ({
      %run_scoped3A_41 = tpu.sem_alloc : memref<!tpu.dma_semaphore, #tpu.memory_space<semaphore_mem>>
      %dma_start3A = arith.constant 3840 : i32
      %dma_start3A_42 = tpu.memref_slice %arg5[%dma_start3A] : memref<10240xf32, #tpu.memory_space<vmem>> -> memref<640xf32, #tpu.memory_space<vmem>>
      %dma_start3A_43 = arith.constant 0 : i32
      %dma_start3A_44 = tpu.memref_slice %arg8[%run_scoped3A_20, %arg1, %dma_start3A_43] : memref<16x16x640xf32, #tpu.memory_space<vmem_shared>> -> memref<1x1x640xf32, #tpu.memory_space<vmem_shared>>
      %dma_start3A_45 = tpu.memref_squeeze %dma_start3A_44 : memref<1x1x640xf32, #tpu.memory_space<vmem_shared>> -> memref<640xf32, #tpu.memory_space<vmem_shared>>
      %dma_start3A_46 = arith.constant 0 : i32
      %dma_start3A_47 = tpu.memref_slice %arg8[%run_scoped3A_20, %arg1, %dma_start3A_46] : memref<16x16x640xf32, #tpu.memory_space<vmem_shared>> -> memref<1x1x640xf32, #tpu.memory_space<vmem_shared>>
      %dma_start3A_48 = tpu.memref_squeeze %dma_start3A_47 : memref<1x1x640xf32, #tpu.memory_space<vmem_shared>> -> memref<640xf32, #tpu.memory_space<vmem_shared>>
      %dma_start3A_49 = arith.constant 3840 : i32
      %dma_start3A_50 = tpu.memref_slice %arg5[%dma_start3A_49] : memref<10240xf32, #tpu.memory_space<vmem>> -> memref<640xf32, #tpu.memory_space<vmem>>
      tpu.enqueue_dma source(%dma_start3A_50 : memref<640xf32, #tpu.memory_space<vmem>>) target(%dma_start3A_48 : memref<640xf32, #tpu.memory_space<vmem_shared>>) target_semaphore(%run_scoped3A_41 : memref<!tpu.dma_semaphore, #tpu.memory_space<semaphore_mem>>)
      %dma_wait3A = arith.constant 3840 : i32
      %dma_wait3A_51 = tpu.memref_slice %arg5[%dma_wait3A] : memref<10240xf32, #tpu.memory_space<vmem>> -> memref<640xf32, #tpu.memory_space<vmem>>
      %dma_wait3A_52 = arith.constant 0 : i32
      %dma_wait3A_53 = tpu.memref_slice %arg8[%run_scoped3A_20, %arg1, %dma_wait3A_52] : memref<16x16x640xf32, #tpu.memory_space<vmem_shared>> -> memref<1x1x640xf32, #tpu.memory_space<vmem_shared>>
      %dma_wait3A_54 = tpu.memref_squeeze %dma_wait3A_53 : memref<1x1x640xf32, #tpu.memory_space<vmem_shared>> -> memref<640xf32, #tpu.memory_space<vmem_shared>>
      %dma_wait3A_55 = arith.constant 0 : i32
      %dma_wait3A_56 = tpu.memref_slice %arg8[%run_scoped3A_20, %arg1, %dma_wait3A_55] : memref<16x16x640xf32, #tpu.memory_space<vmem_shared>> -> memref<1x1x640xf32, #tpu.memory_space<vmem_shared>>
      %dma_wait3A_57 = tpu.memref_squeeze %dma_wait3A_56 : memref<1x1x640xf32, #tpu.memory_space<vmem_shared>> -> memref<640xf32, #tpu.memory_space<vmem_shared>>
      %dma_wait3A_58 = arith.constant 3840 : i32
      %dma_wait3A_59 = tpu.memref_slice %arg5[%dma_wait3A_58] : memref<10240xf32, #tpu.memory_space<vmem>> -> memref<640xf32, #tpu.memory_space<vmem>>
      tpu.wait_dma2 semaphore(%run_scoped3A_41 : memref<!tpu.dma_semaphore, #tpu.memory_space<semaphore_mem>>) src(%dma_wait3A_59 : memref<640xf32, #tpu.memory_space<vmem>>) dst(%dma_wait3A_57 : memref<640xf32, #tpu.memory_space<vmem_shared>>)
      tpu.yield
    }) : () -> ()
    %run_scoped3A_21 = arith.constant 7 : i32
    "tpu.region"() ({
      %run_scoped3A_41 = tpu.sem_alloc : memref<!tpu.dma_semaphore, #tpu.memory_space<semaphore_mem>>
      %dma_start3A = arith.constant 4480 : i32
      %dma_start3A_42 = tpu.memref_slice %arg5[%dma_start3A] : memref<10240xf32, #tpu.memory_space<vmem>> -> memref<640xf32, #tpu.memory_space<vmem>>
      %dma_start3A_43 = arith.constant 0 : i32
      %dma_start3A_44 = tpu.memref_slice %arg8[%run_scoped3A_21, %arg1, %dma_start3A_43] : memref<16x16x640xf32, #tpu.memory_space<vmem_shared>> -> memref<1x1x640xf32, #tpu.memory_space<vmem_shared>>
      %dma_start3A_45 = tpu.memref_squeeze %dma_start3A_44 : memref<1x1x640xf32, #tpu.memory_space<vmem_shared>> -> memref<640xf32, #tpu.memory_space<vmem_shared>>
      %dma_start3A_46 = arith.constant 0 : i32
      %dma_start3A_47 = tpu.memref_slice %arg8[%run_scoped3A_21, %arg1, %dma_start3A_46] : memref<16x16x640xf32, #tpu.memory_space<vmem_shared>> -> memref<1x1x640xf32, #tpu.memory_space<vmem_shared>>
      %dma_start3A_48 = tpu.memref_squeeze %dma_start3A_47 : memref<1x1x640xf32, #tpu.memory_space<vmem_shared>> -> memref<640xf32, #tpu.memory_space<vmem_shared>>
      %dma_start3A_49 = arith.constant 4480 : i32
      %dma_start3A_50 = tpu.memref_slice %arg5[%dma_start3A_49] : memref<10240xf32, #tpu.memory_space<vmem>> -> memref<640xf32, #tpu.memory_space<vmem>>
      tpu.enqueue_dma source(%dma_start3A_50 : memref<640xf32, #tpu.memory_space<vmem>>) target(%dma_start3A_48 : memref<640xf32, #tpu.memory_space<vmem_shared>>) target_semaphore(%run_scoped3A_41 : memref<!tpu.dma_semaphore, #tpu.memory_space<semaphore_mem>>)
      %dma_wait3A = arith.constant 4480 : i32
      %dma_wait3A_51 = tpu.memref_slice %arg5[%dma_wait3A] : memref<10240xf32, #tpu.memory_space<vmem>> -> memref<640xf32, #tpu.memory_space<vmem>>
      %dma_wait3A_52 = arith.constant 0 : i32
      %dma_wait3A_53 = tpu.memref_slice %arg8[%run_scoped3A_21, %arg1, %dma_wait3A_52] : memref<16x16x640xf32, #tpu.memory_space<vmem_shared>> -> memref<1x1x640xf32, #tpu.memory_space<vmem_shared>>
      %dma_wait3A_54 = tpu.memref_squeeze %dma_wait3A_53 : memref<1x1x640xf32, #tpu.memory_space<vmem_shared>> -> memref<640xf32, #tpu.memory_space<vmem_shared>>
      %dma_wait3A_55 = arith.constant 0 : i32
      %dma_wait3A_56 = tpu.memref_slice %arg8[%run_scoped3A_21, %arg1, %dma_wait3A_55] : memref<16x16x640xf32, #tpu.memory_space<vmem_shared>> -> memref<1x1x640xf32, #tpu.memory_space<vmem_shared>>
      %dma_wait3A_57 = tpu.memref_squeeze %dma_wait3A_56 : memref<1x1x640xf32, #tpu.memory_space<vmem_shared>> -> memref<640xf32, #tpu.memory_space<vmem_shared>>
      %dma_wait3A_58 = arith.constant 4480 : i32
      %dma_wait3A_59 = tpu.memref_slice %arg5[%dma_wait3A_58] : memref<10240xf32, #tpu.memory_space<vmem>> -> memref<640xf32, #tpu.memory_space<vmem>>
      tpu.wait_dma2 semaphore(%run_scoped3A_41 : memref<!tpu.dma_semaphore, #tpu.memory_space<semaphore_mem>>) src(%dma_wait3A_59 : memref<640xf32, #tpu.memory_space<vmem>>) dst(%dma_wait3A_57 : memref<640xf32, #tpu.memory_space<vmem_shared>>)
      tpu.yield
    }) : () -> ()
    %run_scoped3A_22 = arith.constant 8 : i32
    "tpu.region"() ({
      %run_scoped3A_41 = tpu.sem_alloc : memref<!tpu.dma_semaphore, #tpu.memory_space<semaphore_mem>>
      %dma_start3A = arith.constant 5120 : i32
      %dma_start3A_42 = tpu.memref_slice %arg5[%dma_start3A] : memref<10240xf32, #tpu.memory_space<vmem>> -> memref<640xf32, #tpu.memory_space<vmem>>
      %dma_start3A_43 = arith.constant 0 : i32
      %dma_start3A_44 = tpu.memref_slice %arg8[%run_scoped3A_22, %arg1, %dma_start3A_43] : memref<16x16x640xf32, #tpu.memory_space<vmem_shared>> -> memref<1x1x640xf32, #tpu.memory_space<vmem_shared>>
      %dma_start3A_45 = tpu.memref_squeeze %dma_start3A_44 : memref<1x1x640xf32, #tpu.memory_space<vmem_shared>> -> memref<640xf32, #tpu.memory_space<vmem_shared>>
      %dma_start3A_46 = arith.constant 0 : i32
      %dma_start3A_47 = tpu.memref_slice %arg8[%run_scoped3A_22, %arg1, %dma_start3A_46] : memref<16x16x640xf32, #tpu.memory_space<vmem_shared>> -> memref<1x1x640xf32, #tpu.memory_space<vmem_shared>>
      %dma_start3A_48 = tpu.memref_squeeze %dma_start3A_47 : memref<1x1x640xf32, #tpu.memory_space<vmem_shared>> -> memref<640xf32, #tpu.memory_space<vmem_shared>>
      %dma_start3A_49 = arith.constant 5120 : i32
      %dma_start3A_50 = tpu.memref_slice %arg5[%dma_start3A_49] : memref<10240xf32, #tpu.memory_space<vmem>> -> memref<640xf32, #tpu.memory_space<vmem>>
      tpu.enqueue_dma source(%dma_start3A_50 : memref<640xf32, #tpu.memory_space<vmem>>) target(%dma_start3A_48 : memref<640xf32, #tpu.memory_space<vmem_shared>>) target_semaphore(%run_scoped3A_41 : memref<!tpu.dma_semaphore, #tpu.memory_space<semaphore_mem>>)
      %dma_wait3A = arith.constant 5120 : i32
      %dma_wait3A_51 = tpu.memref_slice %arg5[%dma_wait3A] : memref<10240xf32, #tpu.memory_space<vmem>> -> memref<640xf32, #tpu.memory_space<vmem>>
      %dma_wait3A_52 = arith.constant 0 : i32
      %dma_wait3A_53 = tpu.memref_slice %arg8[%run_scoped3A_22, %arg1, %dma_wait3A_52] : memref<16x16x640xf32, #tpu.memory_space<vmem_shared>> -> memref<1x1x640xf32, #tpu.memory_space<vmem_shared>>
      %dma_wait3A_54 = tpu.memref_squeeze %dma_wait3A_53 : memref<1x1x640xf32, #tpu.memory_space<vmem_shared>> -> memref<640xf32, #tpu.memory_space<vmem_shared>>
      %dma_wait3A_55 = arith.constant 0 : i32
      %dma_wait3A_56 = tpu.memref_slice %arg8[%run_scoped3A_22, %arg1, %dma_wait3A_55] : memref<16x16x640xf32, #tpu.memory_space<vmem_shared>> -> memref<1x1x640xf32, #tpu.memory_space<vmem_shared>>
      %dma_wait3A_57 = tpu.memref_squeeze %dma_wait3A_56 : memref<1x1x640xf32, #tpu.memory_space<vmem_shared>> -> memref<640xf32, #tpu.memory_space<vmem_shared>>
      %dma_wait3A_58 = arith.constant 5120 : i32
      %dma_wait3A_59 = tpu.memref_slice %arg5[%dma_wait3A_58] : memref<10240xf32, #tpu.memory_space<vmem>> -> memref<640xf32, #tpu.memory_space<vmem>>
      tpu.wait_dma2 semaphore(%run_scoped3A_41 : memref<!tpu.dma_semaphore, #tpu.memory_space<semaphore_mem>>) src(%dma_wait3A_59 : memref<640xf32, #tpu.memory_space<vmem>>) dst(%dma_wait3A_57 : memref<640xf32, #tpu.memory_space<vmem_shared>>)
      tpu.yield
    }) : () -> ()
    %run_scoped3A_23 = arith.constant 9 : i32
    "tpu.region"() ({
      %run_scoped3A_41 = tpu.sem_alloc : memref<!tpu.dma_semaphore, #tpu.memory_space<semaphore_mem>>
      %dma_start3A = arith.constant 5760 : i32
      %dma_start3A_42 = tpu.memref_slice %arg5[%dma_start3A] : memref<10240xf32, #tpu.memory_space<vmem>> -> memref<640xf32, #tpu.memory_space<vmem>>
      %dma_start3A_43 = arith.constant 0 : i32
      %dma_start3A_44 = tpu.memref_slice %arg8[%run_scoped3A_23, %arg1, %dma_start3A_43] : memref<16x16x640xf32, #tpu.memory_space<vmem_shared>> -> memref<1x1x640xf32, #tpu.memory_space<vmem_shared>>
      %dma_start3A_45 = tpu.memref_squeeze %dma_start3A_44 : memref<1x1x640xf32, #tpu.memory_space<vmem_shared>> -> memref<640xf32, #tpu.memory_space<vmem_shared>>
      %dma_start3A_46 = arith.constant 0 : i32
      %dma_start3A_47 = tpu.memref_slice %arg8[%run_scoped3A_23, %arg1, %dma_start3A_46] : memref<16x16x640xf32, #tpu.memory_space<vmem_shared>> -> memref<1x1x640xf32, #tpu.memory_space<vmem_shared>>
      %dma_start3A_48 = tpu.memref_squeeze %dma_start3A_47 : memref<1x1x640xf32, #tpu.memory_space<vmem_shared>> -> memref<640xf32, #tpu.memory_space<vmem_shared>>
      %dma_start3A_49 = arith.constant 5760 : i32
      %dma_start3A_50 = tpu.memref_slice %arg5[%dma_start3A_49] : memref<10240xf32, #tpu.memory_space<vmem>> -> memref<640xf32, #tpu.memory_space<vmem>>
      tpu.enqueue_dma source(%dma_start3A_50 : memref<640xf32, #tpu.memory_space<vmem>>) target(%dma_start3A_48 : memref<640xf32, #tpu.memory_space<vmem_shared>>) target_semaphore(%run_scoped3A_41 : memref<!tpu.dma_semaphore, #tpu.memory_space<semaphore_mem>>)
      %dma_wait3A = arith.constant 5760 : i32
      %dma_wait3A_51 = tpu.memref_slice %arg5[%dma_wait3A] : memref<10240xf32, #tpu.memory_space<vmem>> -> memref<640xf32, #tpu.memory_space<vmem>>
      %dma_wait3A_52 = arith.constant 0 : i32
      %dma_wait3A_53 = tpu.memref_slice %arg8[%run_scoped3A_23, %arg1, %dma_wait3A_52] : memref<16x16x640xf32, #tpu.memory_space<vmem_shared>> -> memref<1x1x640xf32, #tpu.memory_space<vmem_shared>>
      %dma_wait3A_54 = tpu.memref_squeeze %dma_wait3A_53 : memref<1x1x640xf32, #tpu.memory_space<vmem_shared>> -> memref<640xf32, #tpu.memory_space<vmem_shared>>
      %dma_wait3A_55 = arith.constant 0 : i32
      %dma_wait3A_56 = tpu.memref_slice %arg8[%run_scoped3A_23, %arg1, %dma_wait3A_55] : memref<16x16x640xf32, #tpu.memory_space<vmem_shared>> -> memref<1x1x640xf32, #tpu.memory_space<vmem_shared>>
      %dma_wait3A_57 = tpu.memref_squeeze %dma_wait3A_56 : memref<1x1x640xf32, #tpu.memory_space<vmem_shared>> -> memref<640xf32, #tpu.memory_space<vmem_shared>>
      %dma_wait3A_58 = arith.constant 5760 : i32
      %dma_wait3A_59 = tpu.memref_slice %arg5[%dma_wait3A_58] : memref<10240xf32, #tpu.memory_space<vmem>> -> memref<640xf32, #tpu.memory_space<vmem>>
      tpu.wait_dma2 semaphore(%run_scoped3A_41 : memref<!tpu.dma_semaphore, #tpu.memory_space<semaphore_mem>>) src(%dma_wait3A_59 : memref<640xf32, #tpu.memory_space<vmem>>) dst(%dma_wait3A_57 : memref<640xf32, #tpu.memory_space<vmem_shared>>)
      tpu.yield
    }) : () -> ()
    %run_scoped3A_24 = arith.constant 10 : i32
    "tpu.region"() ({
      %run_scoped3A_41 = tpu.sem_alloc : memref<!tpu.dma_semaphore, #tpu.memory_space<semaphore_mem>>
      %dma_start3A = arith.constant 6400 : i32
      %dma_start3A_42 = tpu.memref_slice %arg5[%dma_start3A] : memref<10240xf32, #tpu.memory_space<vmem>> -> memref<640xf32, #tpu.memory_space<vmem>>
      %dma_start3A_43 = arith.constant 0 : i32
      %dma_start3A_44 = tpu.memref_slice %arg8[%run_scoped3A_24, %arg1, %dma_start3A_43] : memref<16x16x640xf32, #tpu.memory_space<vmem_shared>> -> memref<1x1x640xf32, #tpu.memory_space<vmem_shared>>
      %dma_start3A_45 = tpu.memref_squeeze %dma_start3A_44 : memref<1x1x640xf32, #tpu.memory_space<vmem_shared>> -> memref<640xf32, #tpu.memory_space<vmem_shared>>
      %dma_start3A_46 = arith.constant 0 : i32
      %dma_start3A_47 = tpu.memref_slice %arg8[%run_scoped3A_24, %arg1, %dma_start3A_46] : memref<16x16x640xf32, #tpu.memory_space<vmem_shared>> -> memref<1x1x640xf32, #tpu.memory_space<vmem_shared>>
      %dma_start3A_48 = tpu.memref_squeeze %dma_start3A_47 : memref<1x1x640xf32, #tpu.memory_space<vmem_shared>> -> memref<640xf32, #tpu.memory_space<vmem_shared>>
      %dma_start3A_49 = arith.constant 6400 : i32
      %dma_start3A_50 = tpu.memref_slice %arg5[%dma_start3A_49] : memref<10240xf32, #tpu.memory_space<vmem>> -> memref<640xf32, #tpu.memory_space<vmem>>
      tpu.enqueue_dma source(%dma_start3A_50 : memref<640xf32, #tpu.memory_space<vmem>>) target(%dma_start3A_48 : memref<640xf32, #tpu.memory_space<vmem_shared>>) target_semaphore(%run_scoped3A_41 : memref<!tpu.dma_semaphore, #tpu.memory_space<semaphore_mem>>)
      %dma_wait3A = arith.constant 6400 : i32
      %dma_wait3A_51 = tpu.memref_slice %arg5[%dma_wait3A] : memref<10240xf32, #tpu.memory_space<vmem>> -> memref<640xf32, #tpu.memory_space<vmem>>
      %dma_wait3A_52 = arith.constant 0 : i32
      %dma_wait3A_53 = tpu.memref_slice %arg8[%run_scoped3A_24, %arg1, %dma_wait3A_52] : memref<16x16x640xf32, #tpu.memory_space<vmem_shared>> -> memref<1x1x640xf32, #tpu.memory_space<vmem_shared>>
      %dma_wait3A_54 = tpu.memref_squeeze %dma_wait3A_53 : memref<1x1x640xf32, #tpu.memory_space<vmem_shared>> -> memref<640xf32, #tpu.memory_space<vmem_shared>>
      %dma_wait3A_55 = arith.constant 0 : i32
      %dma_wait3A_56 = tpu.memref_slice %arg8[%run_scoped3A_24, %arg1, %dma_wait3A_55] : memref<16x16x640xf32, #tpu.memory_space<vmem_shared>> -> memref<1x1x640xf32, #tpu.memory_space<vmem_shared>>
      %dma_wait3A_57 = tpu.memref_squeeze %dma_wait3A_56 : memref<1x1x640xf32, #tpu.memory_space<vmem_shared>> -> memref<640xf32, #tpu.memory_space<vmem_shared>>
      %dma_wait3A_58 = arith.constant 6400 : i32
      %dma_wait3A_59 = tpu.memref_slice %arg5[%dma_wait3A_58] : memref<10240xf32, #tpu.memory_space<vmem>> -> memref<640xf32, #tpu.memory_space<vmem>>
      tpu.wait_dma2 semaphore(%run_scoped3A_41 : memref<!tpu.dma_semaphore, #tpu.memory_space<semaphore_mem>>) src(%dma_wait3A_59 : memref<640xf32, #tpu.memory_space<vmem>>) dst(%dma_wait3A_57 : memref<640xf32, #tpu.memory_space<vmem_shared>>)
      tpu.yield
    }) : () -> ()
    %run_scoped3A_25 = arith.constant 11 : i32
    "tpu.region"() ({
      %run_scoped3A_41 = tpu.sem_alloc : memref<!tpu.dma_semaphore, #tpu.memory_space<semaphore_mem>>
      %dma_start3A = arith.constant 7040 : i32
      %dma_start3A_42 = tpu.memref_slice %arg5[%dma_start3A] : memref<10240xf32, #tpu.memory_space<vmem>> -> memref<640xf32, #tpu.memory_space<vmem>>
      %dma_start3A_43 = arith.constant 0 : i32
      %dma_start3A_44 = tpu.memref_slice %arg8[%run_scoped3A_25, %arg1, %dma_start3A_43] : memref<16x16x640xf32, #tpu.memory_space<vmem_shared>> -> memref<1x1x640xf32, #tpu.memory_space<vmem_shared>>
      %dma_start3A_45 = tpu.memref_squeeze %dma_start3A_44 : memref<1x1x640xf32, #tpu.memory_space<vmem_shared>> -> memref<640xf32, #tpu.memory_space<vmem_shared>>
      %dma_start3A_46 = arith.constant 0 : i32
      %dma_start3A_47 = tpu.memref_slice %arg8[%run_scoped3A_25, %arg1, %dma_start3A_46] : memref<16x16x640xf32, #tpu.memory_space<vmem_shared>> -> memref<1x1x640xf32, #tpu.memory_space<vmem_shared>>
      %dma_start3A_48 = tpu.memref_squeeze %dma_start3A_47 : memref<1x1x640xf32, #tpu.memory_space<vmem_shared>> -> memref<640xf32, #tpu.memory_space<vmem_shared>>
      %dma_start3A_49 = arith.constant 7040 : i32
      %dma_start3A_50 = tpu.memref_slice %arg5[%dma_start3A_49] : memref<10240xf32, #tpu.memory_space<vmem>> -> memref<640xf32, #tpu.memory_space<vmem>>
      tpu.enqueue_dma source(%dma_start3A_50 : memref<640xf32, #tpu.memory_space<vmem>>) target(%dma_start3A_48 : memref<640xf32, #tpu.memory_space<vmem_shared>>) target_semaphore(%run_scoped3A_41 : memref<!tpu.dma_semaphore, #tpu.memory_space<semaphore_mem>>)
      %dma_wait3A = arith.constant 7040 : i32
      %dma_wait3A_51 = tpu.memref_slice %arg5[%dma_wait3A] : memref<10240xf32, #tpu.memory_space<vmem>> -> memref<640xf32, #tpu.memory_space<vmem>>
      %dma_wait3A_52 = arith.constant 0 : i32
      %dma_wait3A_53 = tpu.memref_slice %arg8[%run_scoped3A_25, %arg1, %dma_wait3A_52] : memref<16x16x640xf32, #tpu.memory_space<vmem_shared>> -> memref<1x1x640xf32, #tpu.memory_space<vmem_shared>>
      %dma_wait3A_54 = tpu.memref_squeeze %dma_wait3A_53 : memref<1x1x640xf32, #tpu.memory_space<vmem_shared>> -> memref<640xf32, #tpu.memory_space<vmem_shared>>
      %dma_wait3A_55 = arith.constant 0 : i32
      %dma_wait3A_56 = tpu.memref_slice %arg8[%run_scoped3A_25, %arg1, %dma_wait3A_55] : memref<16x16x640xf32, #tpu.memory_space<vmem_shared>> -> memref<1x1x640xf32, #tpu.memory_space<vmem_shared>>
      %dma_wait3A_57 = tpu.memref_squeeze %dma_wait3A_56 : memref<1x1x640xf32, #tpu.memory_space<vmem_shared>> -> memref<640xf32, #tpu.memory_space<vmem_shared>>
      %dma_wait3A_58 = arith.constant 7040 : i32
      %dma_wait3A_59 = tpu.memref_slice %arg5[%dma_wait3A_58] : memref<10240xf32, #tpu.memory_space<vmem>> -> memref<640xf32, #tpu.memory_space<vmem>>
      tpu.wait_dma2 semaphore(%run_scoped3A_41 : memref<!tpu.dma_semaphore, #tpu.memory_space<semaphore_mem>>) src(%dma_wait3A_59 : memref<640xf32, #tpu.memory_space<vmem>>) dst(%dma_wait3A_57 : memref<640xf32, #tpu.memory_space<vmem_shared>>)
      tpu.yield
    }) : () -> ()
    %run_scoped3A_26 = arith.constant 12 : i32
    "tpu.region"() ({
      %run_scoped3A_41 = tpu.sem_alloc : memref<!tpu.dma_semaphore, #tpu.memory_space<semaphore_mem>>
      %dma_start3A = arith.constant 7680 : i32
      %dma_start3A_42 = tpu.memref_slice %arg5[%dma_start3A] : memref<10240xf32, #tpu.memory_space<vmem>> -> memref<640xf32, #tpu.memory_space<vmem>>
      %dma_start3A_43 = arith.constant 0 : i32
      %dma_start3A_44 = tpu.memref_slice %arg8[%run_scoped3A_26, %arg1, %dma_start3A_43] : memref<16x16x640xf32, #tpu.memory_space<vmem_shared>> -> memref<1x1x640xf32, #tpu.memory_space<vmem_shared>>
      %dma_start3A_45 = tpu.memref_squeeze %dma_start3A_44 : memref<1x1x640xf32, #tpu.memory_space<vmem_shared>> -> memref<640xf32, #tpu.memory_space<vmem_shared>>
      %dma_start3A_46 = arith.constant 0 : i32
      %dma_start3A_47 = tpu.memref_slice %arg8[%run_scoped3A_26, %arg1, %dma_start3A_46] : memref<16x16x640xf32, #tpu.memory_space<vmem_shared>> -> memref<1x1x640xf32, #tpu.memory_space<vmem_shared>>
      %dma_start3A_48 = tpu.memref_squeeze %dma_start3A_47 : memref<1x1x640xf32, #tpu.memory_space<vmem_shared>> -> memref<640xf32, #tpu.memory_space<vmem_shared>>
      %dma_start3A_49 = arith.constant 7680 : i32
      %dma_start3A_50 = tpu.memref_slice %arg5[%dma_start3A_49] : memref<10240xf32, #tpu.memory_space<vmem>> -> memref<640xf32, #tpu.memory_space<vmem>>
      tpu.enqueue_dma source(%dma_start3A_50 : memref<640xf32, #tpu.memory_space<vmem>>) target(%dma_start3A_48 : memref<640xf32, #tpu.memory_space<vmem_shared>>) target_semaphore(%run_scoped3A_41 : memref<!tpu.dma_semaphore, #tpu.memory_space<semaphore_mem>>)
      %dma_wait3A = arith.constant 7680 : i32
      %dma_wait3A_51 = tpu.memref_slice %arg5[%dma_wait3A] : memref<10240xf32, #tpu.memory_space<vmem>> -> memref<640xf32, #tpu.memory_space<vmem>>
      %dma_wait3A_52 = arith.constant 0 : i32
      %dma_wait3A_53 = tpu.memref_slice %arg8[%run_scoped3A_26, %arg1, %dma_wait3A_52] : memref<16x16x640xf32, #tpu.memory_space<vmem_shared>> -> memref<1x1x640xf32, #tpu.memory_space<vmem_shared>>
      %dma_wait3A_54 = tpu.memref_squeeze %dma_wait3A_53 : memref<1x1x640xf32, #tpu.memory_space<vmem_shared>> -> memref<640xf32, #tpu.memory_space<vmem_shared>>
      %dma_wait3A_55 = arith.constant 0 : i32
      %dma_wait3A_56 = tpu.memref_slice %arg8[%run_scoped3A_26, %arg1, %dma_wait3A_55] : memref<16x16x640xf32, #tpu.memory_space<vmem_shared>> -> memref<1x1x640xf32, #tpu.memory_space<vmem_shared>>
      %dma_wait3A_57 = tpu.memref_squeeze %dma_wait3A_56 : memref<1x1x640xf32, #tpu.memory_space<vmem_shared>> -> memref<640xf32, #tpu.memory_space<vmem_shared>>
      %dma_wait3A_58 = arith.constant 7680 : i32
      %dma_wait3A_59 = tpu.memref_slice %arg5[%dma_wait3A_58] : memref<10240xf32, #tpu.memory_space<vmem>> -> memref<640xf32, #tpu.memory_space<vmem>>
      tpu.wait_dma2 semaphore(%run_scoped3A_41 : memref<!tpu.dma_semaphore, #tpu.memory_space<semaphore_mem>>) src(%dma_wait3A_59 : memref<640xf32, #tpu.memory_space<vmem>>) dst(%dma_wait3A_57 : memref<640xf32, #tpu.memory_space<vmem_shared>>)
      tpu.yield
    }) : () -> ()
    %run_scoped3A_27 = arith.constant 13 : i32
    "tpu.region"() ({
      %run_scoped3A_41 = tpu.sem_alloc : memref<!tpu.dma_semaphore, #tpu.memory_space<semaphore_mem>>
      %dma_start3A = arith.constant 8320 : i32
      %dma_start3A_42 = tpu.memref_slice %arg5[%dma_start3A] : memref<10240xf32, #tpu.memory_space<vmem>> -> memref<640xf32, #tpu.memory_space<vmem>>
      %dma_start3A_43 = arith.constant 0 : i32
      %dma_start3A_44 = tpu.memref_slice %arg8[%run_scoped3A_27, %arg1, %dma_start3A_43] : memref<16x16x640xf32, #tpu.memory_space<vmem_shared>> -> memref<1x1x640xf32, #tpu.memory_space<vmem_shared>>
      %dma_start3A_45 = tpu.memref_squeeze %dma_start3A_44 : memref<1x1x640xf32, #tpu.memory_space<vmem_shared>> -> memref<640xf32, #tpu.memory_space<vmem_shared>>
      %dma_start3A_46 = arith.constant 0 : i32
      %dma_start3A_47 = tpu.memref_slice %arg8[%run_scoped3A_27, %arg1, %dma_start3A_46] : memref<16x16x640xf32, #tpu.memory_space<vmem_shared>> -> memref<1x1x640xf32, #tpu.memory_space<vmem_shared>>
      %dma_start3A_48 = tpu.memref_squeeze %dma_start3A_47 : memref<1x1x640xf32, #tpu.memory_space<vmem_shared>> -> memref<640xf32, #tpu.memory_space<vmem_shared>>
      %dma_start3A_49 = arith.constant 8320 : i32
      %dma_start3A_50 = tpu.memref_slice %arg5[%dma_start3A_49] : memref<10240xf32, #tpu.memory_space<vmem>> -> memref<640xf32, #tpu.memory_space<vmem>>
      tpu.enqueue_dma source(%dma_start3A_50 : memref<640xf32, #tpu.memory_space<vmem>>) target(%dma_start3A_48 : memref<640xf32, #tpu.memory_space<vmem_shared>>) target_semaphore(%run_scoped3A_41 : memref<!tpu.dma_semaphore, #tpu.memory_space<semaphore_mem>>)
      %dma_wait3A = arith.constant 8320 : i32
      %dma_wait3A_51 = tpu.memref_slice %arg5[%dma_wait3A] : memref<10240xf32, #tpu.memory_space<vmem>> -> memref<640xf32, #tpu.memory_space<vmem>>
      %dma_wait3A_52 = arith.constant 0 : i32
      %dma_wait3A_53 = tpu.memref_slice %arg8[%run_scoped3A_27, %arg1, %dma_wait3A_52] : memref<16x16x640xf32, #tpu.memory_space<vmem_shared>> -> memref<1x1x640xf32, #tpu.memory_space<vmem_shared>>
      %dma_wait3A_54 = tpu.memref_squeeze %dma_wait3A_53 : memref<1x1x640xf32, #tpu.memory_space<vmem_shared>> -> memref<640xf32, #tpu.memory_space<vmem_shared>>
      %dma_wait3A_55 = arith.constant 0 : i32
      %dma_wait3A_56 = tpu.memref_slice %arg8[%run_scoped3A_27, %arg1, %dma_wait3A_55] : memref<16x16x640xf32, #tpu.memory_space<vmem_shared>> -> memref<1x1x640xf32, #tpu.memory_space<vmem_shared>>
      %dma_wait3A_57 = tpu.memref_squeeze %dma_wait3A_56 : memref<1x1x640xf32, #tpu.memory_space<vmem_shared>> -> memref<640xf32, #tpu.memory_space<vmem_shared>>
      %dma_wait3A_58 = arith.constant 8320 : i32
      %dma_wait3A_59 = tpu.memref_slice %arg5[%dma_wait3A_58] : memref<10240xf32, #tpu.memory_space<vmem>> -> memref<640xf32, #tpu.memory_space<vmem>>
      tpu.wait_dma2 semaphore(%run_scoped3A_41 : memref<!tpu.dma_semaphore, #tpu.memory_space<semaphore_mem>>) src(%dma_wait3A_59 : memref<640xf32, #tpu.memory_space<vmem>>) dst(%dma_wait3A_57 : memref<640xf32, #tpu.memory_space<vmem_shared>>)
      tpu.yield
    }) : () -> ()
    %run_scoped3A_28 = arith.constant 14 : i32
    "tpu.region"() ({
      %run_scoped3A_41 = tpu.sem_alloc : memref<!tpu.dma_semaphore, #tpu.memory_space<semaphore_mem>>
      %dma_start3A = arith.constant 8960 : i32
      %dma_start3A_42 = tpu.memref_slice %arg5[%dma_start3A] : memref<10240xf32, #tpu.memory_space<vmem>> -> memref<640xf32, #tpu.memory_space<vmem>>
      %dma_start3A_43 = arith.constant 0 : i32
      %dma_start3A_44 = tpu.memref_slice %arg8[%run_scoped3A_28, %arg1, %dma_start3A_43] : memref<16x16x640xf32, #tpu.memory_space<vmem_shared>> -> memref<1x1x640xf32, #tpu.memory_space<vmem_shared>>
      %dma_start3A_45 = tpu.memref_squeeze %dma_start3A_44 : memref<1x1x640xf32, #tpu.memory_space<vmem_shared>> -> memref<640xf32, #tpu.memory_space<vmem_shared>>
      %dma_start3A_46 = arith.constant 0 : i32
      %dma_start3A_47 = tpu.memref_slice %arg8[%run_scoped3A_28, %arg1, %dma_start3A_46] : memref<16x16x640xf32, #tpu.memory_space<vmem_shared>> -> memref<1x1x640xf32, #tpu.memory_space<vmem_shared>>
      %dma_start3A_48 = tpu.memref_squeeze %dma_start3A_47 : memref<1x1x640xf32, #tpu.memory_space<vmem_shared>> -> memref<640xf32, #tpu.memory_space<vmem_shared>>
      %dma_start3A_49 = arith.constant 8960 : i32
      %dma_start3A_50 = tpu.memref_slice %arg5[%dma_start3A_49] : memref<10240xf32, #tpu.memory_space<vmem>> -> memref<640xf32, #tpu.memory_space<vmem>>
      tpu.enqueue_dma source(%dma_start3A_50 : memref<640xf32, #tpu.memory_space<vmem>>) target(%dma_start3A_48 : memref<640xf32, #tpu.memory_space<vmem_shared>>) target_semaphore(%run_scoped3A_41 : memref<!tpu.dma_semaphore, #tpu.memory_space<semaphore_mem>>)
      %dma_wait3A = arith.constant 8960 : i32
      %dma_wait3A_51 = tpu.memref_slice %arg5[%dma_wait3A] : memref<10240xf32, #tpu.memory_space<vmem>> -> memref<640xf32, #tpu.memory_space<vmem>>
      %dma_wait3A_52 = arith.constant 0 : i32
      %dma_wait3A_53 = tpu.memref_slice %arg8[%run_scoped3A_28, %arg1, %dma_wait3A_52] : memref<16x16x640xf32, #tpu.memory_space<vmem_shared>> -> memref<1x1x640xf32, #tpu.memory_space<vmem_shared>>
      %dma_wait3A_54 = tpu.memref_squeeze %dma_wait3A_53 : memref<1x1x640xf32, #tpu.memory_space<vmem_shared>> -> memref<640xf32, #tpu.memory_space<vmem_shared>>
      %dma_wait3A_55 = arith.constant 0 : i32
      %dma_wait3A_56 = tpu.memref_slice %arg8[%run_scoped3A_28, %arg1, %dma_wait3A_55] : memref<16x16x640xf32, #tpu.memory_space<vmem_shared>> -> memref<1x1x640xf32, #tpu.memory_space<vmem_shared>>
      %dma_wait3A_57 = tpu.memref_squeeze %dma_wait3A_56 : memref<1x1x640xf32, #tpu.memory_space<vmem_shared>> -> memref<640xf32, #tpu.memory_space<vmem_shared>>
      %dma_wait3A_58 = arith.constant 8960 : i32
      %dma_wait3A_59 = tpu.memref_slice %arg5[%dma_wait3A_58] : memref<10240xf32, #tpu.memory_space<vmem>> -> memref<640xf32, #tpu.memory_space<vmem>>
      tpu.wait_dma2 semaphore(%run_scoped3A_41 : memref<!tpu.dma_semaphore, #tpu.memory_space<semaphore_mem>>) src(%dma_wait3A_59 : memref<640xf32, #tpu.memory_space<vmem>>) dst(%dma_wait3A_57 : memref<640xf32, #tpu.memory_space<vmem_shared>>)
      tpu.yield
    }) : () -> ()
    %run_scoped3A_29 = arith.constant 15 : i32
    "tpu.region"() ({
      %run_scoped3A_41 = tpu.sem_alloc : memref<!tpu.dma_semaphore, #tpu.memory_space<semaphore_mem>>
      %dma_start3A = arith.constant 9600 : i32
      %dma_start3A_42 = tpu.memref_slice %arg5[%dma_start3A] : memref<10240xf32, #tpu.memory_space<vmem>> -> memref<640xf32, #tpu.memory_space<vmem>>
      %dma_start3A_43 = arith.constant 0 : i32
      %dma_start3A_44 = tpu.memref_slice %arg8[%run_scoped3A_29, %arg1, %dma_start3A_43] : memref<16x16x640xf32, #tpu.memory_space<vmem_shared>> -> memref<1x1x640xf32, #tpu.memory_space<vmem_shared>>
      %dma_start3A_45 = tpu.memref_squeeze %dma_start3A_44 : memref<1x1x640xf32, #tpu.memory_space<vmem_shared>> -> memref<640xf32, #tpu.memory_space<vmem_shared>>
      %dma_start3A_46 = arith.constant 0 : i32
      %dma_start3A_47 = tpu.memref_slice %arg8[%run_scoped3A_29, %arg1, %dma_start3A_46] : memref<16x16x640xf32, #tpu.memory_space<vmem_shared>> -> memref<1x1x640xf32, #tpu.memory_space<vmem_shared>>
      %dma_start3A_48 = tpu.memref_squeeze %dma_start3A_47 : memref<1x1x640xf32, #tpu.memory_space<vmem_shared>> -> memref<640xf32, #tpu.memory_space<vmem_shared>>
      %dma_start3A_49 = arith.constant 9600 : i32
      %dma_start3A_50 = tpu.memref_slice %arg5[%dma_start3A_49] : memref<10240xf32, #tpu.memory_space<vmem>> -> memref<640xf32, #tpu.memory_space<vmem>>
      tpu.enqueue_dma source(%dma_start3A_50 : memref<640xf32, #tpu.memory_space<vmem>>) target(%dma_start3A_48 : memref<640xf32, #tpu.memory_space<vmem_shared>>) target_semaphore(%run_scoped3A_41 : memref<!tpu.dma_semaphore, #tpu.memory_space<semaphore_mem>>)
      %dma_wait3A = arith.constant 9600 : i32
      %dma_wait3A_51 = tpu.memref_slice %arg5[%dma_wait3A] : memref<10240xf32, #tpu.memory_space<vmem>> -> memref<640xf32, #tpu.memory_space<vmem>>
      %dma_wait3A_52 = arith.constant 0 : i32
      %dma_wait3A_53 = tpu.memref_slice %arg8[%run_scoped3A_29, %arg1, %dma_wait3A_52] : memref<16x16x640xf32, #tpu.memory_space<vmem_shared>> -> memref<1x1x640xf32, #tpu.memory_space<vmem_shared>>
      %dma_wait3A_54 = tpu.memref_squeeze %dma_wait3A_53 : memref<1x1x640xf32, #tpu.memory_space<vmem_shared>> -> memref<640xf32, #tpu.memory_space<vmem_shared>>
      %dma_wait3A_55 = arith.constant 0 : i32
      %dma_wait3A_56 = tpu.memref_slice %arg8[%run_scoped3A_29, %arg1, %dma_wait3A_55] : memref<16x16x640xf32, #tpu.memory_space<vmem_shared>> -> memref<1x1x640xf32, #tpu.memory_space<vmem_shared>>
      %dma_wait3A_57 = tpu.memref_squeeze %dma_wait3A_56 : memref<1x1x640xf32, #tpu.memory_space<vmem_shared>> -> memref<640xf32, #tpu.memory_space<vmem_shared>>
      %dma_wait3A_58 = arith.constant 9600 : i32
      %dma_wait3A_59 = tpu.memref_slice %arg5[%dma_wait3A_58] : memref<10240xf32, #tpu.memory_space<vmem>> -> memref<640xf32, #tpu.memory_space<vmem>>
      tpu.wait_dma2 semaphore(%run_scoped3A_41 : memref<!tpu.dma_semaphore, #tpu.memory_space<semaphore_mem>>) src(%dma_wait3A_59 : memref<640xf32, #tpu.memory_space<vmem>>) dst(%dma_wait3A_57 : memref<640xf32, #tpu.memory_space<vmem_shared>>)
      tpu.yield
    }) : () -> ()
    %barrier3A = arith.constant 0 : index
    tpu.barrier barrier_id(%barrier3A)
    "tpu.region"() ({
      %run_scoped3A_41 = tpu.sem_alloc : memref<!tpu.dma_semaphore, #tpu.memory_space<semaphore_mem>>
      %dma_start3A = arith.constant 0 : i32
      %dma_start3A_42 = arith.constant 0 : i32
      %dma_start3A_43 = tpu.memref_slice %arg8[%arg1, %dma_start3A, %dma_start3A_42] : memref<16x16x640xf32, #tpu.memory_space<vmem_shared>> -> memref<1x16x640xf32, #tpu.memory_space<vmem_shared>>
      %dma_start3A_44 = tpu.memref_squeeze %dma_start3A_43 : memref<1x16x640xf32, #tpu.memory_space<vmem_shared>> -> memref<16x640xf32, #tpu.memory_space<vmem_shared>>
      %dma_start3A_45 = arith.constant 0 : i32
      %dma_start3A_46 = arith.constant 0 : i32
      %dma_start3A_47 = tpu.memref_slice %arg8[%arg1, %dma_start3A_45, %dma_start3A_46] : memref<16x16x640xf32, #tpu.memory_space<vmem_shared>> -> memref<1x16x640xf32, #tpu.memory_space<vmem_shared>>
      %dma_start3A_48 = tpu.memref_squeeze %dma_start3A_47 : memref<1x16x640xf32, #tpu.memory_space<vmem_shared>> -> memref<16x640xf32, #tpu.memory_space<vmem_shared>>
      tpu.enqueue_dma source(%dma_start3A_48 : memref<16x640xf32, #tpu.memory_space<vmem_shared>>) target(%arg6 : memref<16x640xf32, #tpu.memory_space<vmem>>) target_semaphore(%run_scoped3A_41 : memref<!tpu.dma_semaphore, #tpu.memory_space<semaphore_mem>>)
      %dma_wait3A = arith.constant 0 : i32
      %dma_wait3A_49 = arith.constant 0 : i32
      %dma_wait3A_50 = tpu.memref_slice %arg8[%arg1, %dma_wait3A, %dma_wait3A_49] : memref<16x16x640xf32, #tpu.memory_space<vmem_shared>> -> memref<1x16x640xf32, #tpu.memory_space<vmem_shared>>
      %dma_wait3A_51 = tpu.memref_squeeze %dma_wait3A_50 : memref<1x16x640xf32, #tpu.memory_space<vmem_shared>> -> memref<16x640xf32, #tpu.memory_space<vmem_shared>>
      %dma_wait3A_52 = arith.constant 0 : i32
      %dma_wait3A_53 = arith.constant 0 : i32
      %dma_wait3A_54 = tpu.memref_slice %arg8[%arg1, %dma_wait3A_52, %dma_wait3A_53] : memref<16x16x640xf32, #tpu.memory_space<vmem_shared>> -> memref<1x16x640xf32, #tpu.memory_space<vmem_shared>>
      %dma_wait3A_55 = tpu.memref_squeeze %dma_wait3A_54 : memref<1x16x640xf32, #tpu.memory_space<vmem_shared>> -> memref<16x640xf32, #tpu.memory_space<vmem_shared>>
      tpu.wait_dma2 semaphore(%run_scoped3A_41 : memref<!tpu.dma_semaphore, #tpu.memory_space<semaphore_mem>>) src(%dma_wait3A_55 : memref<16x640xf32, #tpu.memory_space<vmem_shared>>) dst(%arg6 : memref<16x640xf32, #tpu.memory_space<vmem>>)
      tpu.yield
    }) : () -> ()
    %scan3A_30 = arith.constant 0 : i32
    %scan3A_31 = arith.constant 0 : i32
    %scan3A_32 = arith.constant 40 : i32
    %scan3A_33 = arith.addi %scan3A_31, %scan3A_32 : i32
    %scan3A_34 = arith.constant 1 : i32
    scf.for %scan3A_41 = %scan3A_31 to %scan3A_33 step %scan3A_34  : i32 {
      %mul3A_42 = arith.constant 16 : i32
      %mul3A_43 = arith.muli %scan3A_41, %mul3A_42 : i32
      %get3A = arith.constant 0 : i32
      %get3A_44 = arith.index_cast %get3A : i32 to index
      %get3A_45 = arith.index_cast %mul3A_43 : i32 to index
      %get3A_46 = tpu.vector_load %arg6[%get3A_44, %get3A_45] {strides = array<i32>} : memref<16x640xf32, #tpu.memory_space<vmem>>, vector<16xf32>,
      %mul3A_47 = arith.constant 16 : i32
      %mul3A_48 = arith.muli %scan3A_41, %mul3A_47 : i32
      %get3A_49 = arith.constant 1 : i32
      %get3A_50 = arith.index_cast %get3A_49 : i32 to index
      %get3A_51 = arith.index_cast %mul3A_48 : i32 to index
      %get3A_52 = tpu.vector_load %arg6[%get3A_50, %get3A_51] {strides = array<i32>} : memref<16x640xf32, #tpu.memory_space<vmem>>, vector<16xf32>,
      %add3A_53 = arith.addf %get3A_46, %get3A_52 : vector<16xf32>
      %mul3A_54 = arith.constant 16 : i32
      %mul3A_55 = arith.muli %scan3A_41, %mul3A_54 : i32
      %get3A_56 = arith.constant 2 : i32
      %get3A_57 = arith.index_cast %get3A_56 : i32 to index
      %get3A_58 = arith.index_cast %mul3A_55 : i32 to index
      %get3A_59 = tpu.vector_load %arg6[%get3A_57, %get3A_58] {strides = array<i32>} : memref<16x640xf32, #tpu.memory_space<vmem>>, vector<16xf32>,
      %add3A_60 = arith.addf %add3A_53, %get3A_59 : vector<16xf32>
      %mul3A_61 = arith.constant 16 : i32
      %mul3A_62 = arith.muli %scan3A_41, %mul3A_61 : i32
      %get3A_63 = arith.constant 3 : i32
      %get3A_64 = arith.index_cast %get3A_63 : i32 to index
      %get3A_65 = arith.index_cast %mul3A_62 : i32 to index
      %get3A_66 = tpu.vector_load %arg6[%get3A_64, %get3A_65] {strides = array<i32>} : memref<16x640xf32, #tpu.memory_space<vmem>>, vector<16xf32>,
      %add3A_67 = arith.addf %add3A_60, %get3A_66 : vector<16xf32>
      %mul3A_68 = arith.constant 16 : i32
      %mul3A_69 = arith.muli %scan3A_41, %mul3A_68 : i32
      %get3A_70 = arith.constant 4 : i32
      %get3A_71 = arith.index_cast %get3A_70 : i32 to index
      %get3A_72 = arith.index_cast %mul3A_69 : i32 to index
      %get3A_73 = tpu.vector_load %arg6[%get3A_71, %get3A_72] {strides = array<i32>} : memref<16x640xf32, #tpu.memory_space<vmem>>, vector<16xf32>,
      %add3A_74 = arith.addf %add3A_67, %get3A_73 : vector<16xf32>
      %mul3A_75 = arith.constant 16 : i32
      %mul3A_76 = arith.muli %scan3A_41, %mul3A_75 : i32
      %get3A_77 = arith.constant 5 : i32
      %get3A_78 = arith.index_cast %get3A_77 : i32 to index
      %get3A_79 = arith.index_cast %mul3A_76 : i32 to index
      %get3A_80 = tpu.vector_load %arg6[%get3A_78, %get3A_79] {strides = array<i32>} : memref<16x640xf32, #tpu.memory_space<vmem>>, vector<16xf32>,
      %add3A_81 = arith.addf %add3A_74, %get3A_80 : vector<16xf32>
      %mul3A_82 = arith.constant 16 : i32
      %mul3A_83 = arith.muli %scan3A_41, %mul3A_82 : i32
      %get3A_84 = arith.constant 6 : i32
      %get3A_85 = arith.index_cast %get3A_84 : i32 to index
      %get3A_86 = arith.index_cast %mul3A_83 : i32 to index
      %get3A_87 = tpu.vector_load %arg6[%get3A_85, %get3A_86] {strides = array<i32>} : memref<16x640xf32, #tpu.memory_space<vmem>>, vector<16xf32>,
      %add3A_88 = arith.addf %add3A_81, %get3A_87 : vector<16xf32>
      %mul3A_89 = arith.constant 16 : i32
      %mul3A_90 = arith.muli %scan3A_41, %mul3A_89 : i32
      %get3A_91 = arith.constant 7 : i32
      %get3A_92 = arith.index_cast %get3A_91 : i32 to index
      %get3A_93 = arith.index_cast %mul3A_90 : i32 to index
      %get3A_94 = tpu.vector_load %arg6[%get3A_92, %get3A_93] {strides = array<i32>} : memref<16x640xf32, #tpu.memory_space<vmem>>, vector<16xf32>,
      %add3A_95 = arith.addf %add3A_88, %get3A_94 : vector<16xf32>
      %mul3A_96 = arith.constant 16 : i32
      %mul3A_97 = arith.muli %scan3A_41, %mul3A_96 : i32
      %get3A_98 = arith.constant 8 : i32
      %get3A_99 = arith.index_cast %get3A_98 : i32 to index
      %get3A_100 = arith.index_cast %mul3A_97 : i32 to index
      %get3A_101 = tpu.vector_load %arg6[%get3A_99, %get3A_100] {strides = array<i32>} : memref<16x640xf32, #tpu.memory_space<vmem>>, vector<16xf32>,
      %add3A_102 = arith.addf %add3A_95, %get3A_101 : vector<16xf32>
      %mul3A_103 = arith.constant 16 : i32
      %mul3A_104 = arith.muli %scan3A_41, %mul3A_103 : i32
      %get3A_105 = arith.constant 9 : i32
      %get3A_106 = arith.index_cast %get3A_105 : i32 to index
      %get3A_107 = arith.index_cast %mul3A_104 : i32 to index
      %get3A_108 = tpu.vector_load %arg6[%get3A_106, %get3A_107] {strides = array<i32>} : memref<16x640xf32, #tpu.memory_space<vmem>>, vector<16xf32>,
      %add3A_109 = arith.addf %add3A_102, %get3A_108 : vector<16xf32>
      %mul3A_110 = arith.constant 16 : i32
      %mul3A_111 = arith.muli %scan3A_41, %mul3A_110 : i32
      %get3A_112 = arith.constant 10 : i32
      %get3A_113 = arith.index_cast %get3A_112 : i32 to index
      %get3A_114 = arith.index_cast %mul3A_111 : i32 to index
      %get3A_115 = tpu.vector_load %arg6[%get3A_113, %get3A_114] {strides = array<i32>} : memref<16x640xf32, #tpu.memory_space<vmem>>, vector<16xf32>,
      %add3A_116 = arith.addf %add3A_109, %get3A_115 : vector<16xf32>
      %mul3A_117 = arith.constant 16 : i32
      %mul3A_118 = arith.muli %scan3A_41, %mul3A_117 : i32
      %get3A_119 = arith.constant 11 : i32
      %get3A_120 = arith.index_cast %get3A_119 : i32 to index
      %get3A_121 = arith.index_cast %mul3A_118 : i32 to index
      %get3A_122 = tpu.vector_load %arg6[%get3A_120, %get3A_121] {strides = array<i32>} : memref<16x640xf32, #tpu.memory_space<vmem>>, vector<16xf32>,
      %add3A_123 = arith.addf %add3A_116, %get3A_122 : vector<16xf32>
      %mul3A_124 = arith.constant 16 : i32
      %mul3A_125 = arith.muli %scan3A_41, %mul3A_124 : i32
      %get3A_126 = arith.constant 12 : i32
      %get3A_127 = arith.index_cast %get3A_126 : i32 to index
      %get3A_128 = arith.index_cast %mul3A_125 : i32 to index
      %get3A_129 = tpu.vector_load %arg6[%get3A_127, %get3A_128] {strides = array<i32>} : memref<16x640xf32, #tpu.memory_space<vmem>>, vector<16xf32>,
      %add3A_130 = arith.addf %add3A_123, %get3A_129 : vector<16xf32>
      %mul3A_131 = arith.constant 16 : i32
      %mul3A_132 = arith.muli %scan3A_41, %mul3A_131 : i32
      %get3A_133 = arith.constant 13 : i32
      %get3A_134 = arith.index_cast %get3A_133 : i32 to index
      %get3A_135 = arith.index_cast %mul3A_132 : i32 to index
      %get3A_136 = tpu.vector_load %arg6[%get3A_134, %get3A_135] {strides = array<i32>} : memref<16x640xf32, #tpu.memory_space<vmem>>, vector<16xf32>,
      %add3A_137 = arith.addf %add3A_130, %get3A_136 : vector<16xf32>
      %mul3A_138 = arith.constant 16 : i32
      %mul3A_139 = arith.muli %scan3A_41, %mul3A_138 : i32
      %get3A_140 = arith.constant 14 : i32
      %get3A_141 = arith.index_cast %get3A_140 : i32 to index
      %get3A_142 = arith.index_cast %mul3A_139 : i32 to index
      %get3A_143 = tpu.vector_load %arg6[%get3A_141, %get3A_142] {strides = array<i32>} : memref<16x640xf32, #tpu.memory_space<vmem>>, vector<16xf32>,
      %add3A_144 = arith.addf %add3A_137, %get3A_143 : vector<16xf32>
      %mul3A_145 = arith.constant 16 : i32
      %mul3A_146 = arith.muli %scan3A_41, %mul3A_145 : i32
      %get3A_147 = arith.constant 15 : i32
      %get3A_148 = arith.index_cast %get3A_147 : i32 to index
      %get3A_149 = arith.index_cast %mul3A_146 : i32 to index
      %get3A_150 = tpu.vector_load %arg6[%get3A_148, %get3A_149] {strides = array<i32>} : memref<16x640xf32, #tpu.memory_space<vmem>>, vector<16xf32>,
      %add3A_151 = arith.addf %add3A_144, %get3A_150 : vector<16xf32>
      %mul3A_152 = arith.constant 16 : i32
      %mul3A_153 = arith.muli %scan3A_41, %mul3A_152 : i32
      %swap3A = arith.index_cast %mul3A_153 : i32 to index
      %swap3A_154 = tpu.vector_load %arg7[%swap3A] {strides = array<i32>} : memref<640xf32, #tpu.memory_space<vmem>>, vector<16xf32>,
      tpu.vector_store %arg7[%swap3A], %add3A_151 {strides = array<i32>} : memref<640xf32, #tpu.memory_space<vmem>>, vector<16xf32>,
    }
    %scan3A_35 = arith.constant 40 : i32
    %mul3A_36 = arith.constant 10240 : i32
    %mul3A_37 = arith.muli %arg0, %mul3A_36 : i32
    %mul3A_38 = arith.constant 640 : i32
    %mul3A_39 = arith.muli %arg1, %mul3A_38 : i32
    %add3A_40 = arith.addi %mul3A_37, %mul3A_39 : i32
    "tpu.region"() ({
      %run_scoped3A_41 = tpu.sem_alloc : memref<!tpu.dma_semaphore, #tpu.memory_space<semaphore_mem>>
      %dma_start3A = tpu.memref_slice %arg3[%add3A_40] : memref<20480xf32, #tpu.memory_space<hbm>> -> memref<640xf32, #tpu.memory_space<hbm>>
      %dma_start3A_42 = tpu.memref_slice %arg3[%add3A_40] : memref<20480xf32, #tpu.memory_space<hbm>> -> memref<640xf32, #tpu.memory_space<hbm>>
      tpu.enqueue_dma source(%arg7 : memref<640xf32, #tpu.memory_space<vmem>>) target(%dma_start3A_42 : memref<640xf32, #tpu.memory_space<hbm>>) target_semaphore(%run_scoped3A_41 : memref<!tpu.dma_semaphore, #tpu.memory_space<semaphore_mem>>)
      %dma_wait3A = tpu.memref_slice %arg3[%add3A_40] : memref<20480xf32, #tpu.memory_space<hbm>> -> memref<640xf32, #tpu.memory_space<hbm>>
      %dma_wait3A_43 = tpu.memref_slice %arg3[%add3A_40] : memref<20480xf32, #tpu.memory_space<hbm>> -> memref<640xf32, #tpu.memory_space<hbm>>
      tpu.wait_dma2 semaphore(%run_scoped3A_41 : memref<!tpu.dma_semaphore, #tpu.memory_space<semaphore_mem>>) src(%arg7 : memref<640xf32, #tpu.memory_space<vmem>>) dst(%dma_wait3A_43 : memref<640xf32, #tpu.memory_space<hbm>>)
      tpu.yield
    }) : () -> ()
    return
  }
}

#map = affine_map<(d0, d1) -> (0, 0)>
#map1 = affine_map<(d0, d1) -> (0, 0, 0)>
module attributes {stable_mosaic.version = 14 : i64} {
  func.func @_pair_body(%arg0: i32, %arg1: i32, %arg2: memref<10240x512xf32, #tpu.memory_space<hbm>>, %arg3: memref<32x4x128xi32, #tpu.memory_space<hbm>>, %arg4: memref<16384x512xf32, #tpu.memory_space<hbm>>, %arg5: memref<4x128xi32, #tpu.memory_space<vmem>>, %arg6: memref<128x512xf32, #tpu.memory_space<vmem>>, %arg7: memref<!tpu.dma_semaphore, #tpu.memory_space<semaphore_mem>>) attributes {dimension_semantics = [#tpu.dimension_semantics<core_parallel>, #tpu.dimension_semantics<subcore_parallel>], iteration_bounds = array<i64: 2, 16>, scalar_prefetch = 0 : i64, scratch_operands = 3 : i64, tpu.core_type = #tpu.core_type<sc_vector_subcore>, window_params = [{transform_indices = #map}, {transform_indices = #map1}, {transform_indices = #map}]} {
    %mul3A = arith.constant 16 : i32
    %mul3A_0 = arith.muli %arg0, %mul3A : i32
    %add3A = arith.addi %mul3A_0, %arg1 : i32
    "tpu.region"() ({
      %run_scoped3A = tpu.sem_alloc : memref<!tpu.dma_semaphore, #tpu.memory_space<semaphore_mem>>
      %dma_start3A_79 = arith.constant 0 : i32
      %dma_start3A_80 = arith.constant 0 : i32
      %dma_start3A_81 = tpu.memref_slice %arg3[%add3A, %dma_start3A_79, %dma_start3A_80] : memref<32x4x128xi32, #tpu.memory_space<hbm>> -> memref<1x4x128xi32, #tpu.memory_space<hbm>>
      %dma_start3A_82 = tpu.memref_squeeze %dma_start3A_81 : memref<1x4x128xi32, #tpu.memory_space<hbm>> -> memref<4x128xi32, #tpu.memory_space<hbm>>
      %dma_start3A_83 = arith.constant 0 : i32
      %dma_start3A_84 = arith.constant 0 : i32
      %dma_start3A_85 = tpu.memref_slice %arg3[%add3A, %dma_start3A_83, %dma_start3A_84] : memref<32x4x128xi32, #tpu.memory_space<hbm>> -> memref<1x4x128xi32, #tpu.memory_space<hbm>>
      %dma_start3A_86 = tpu.memref_squeeze %dma_start3A_85 : memref<1x4x128xi32, #tpu.memory_space<hbm>> -> memref<4x128xi32, #tpu.memory_space<hbm>>
      tpu.enqueue_dma source(%dma_start3A_86 : memref<4x128xi32, #tpu.memory_space<hbm>>) target(%arg5 : memref<4x128xi32, #tpu.memory_space<vmem>>) target_semaphore(%run_scoped3A : memref<!tpu.dma_semaphore, #tpu.memory_space<semaphore_mem>>)
      %dma_wait3A_87 = arith.constant 0 : i32
      %dma_wait3A_88 = arith.constant 0 : i32
      %dma_wait3A_89 = tpu.memref_slice %arg3[%add3A, %dma_wait3A_87, %dma_wait3A_88] : memref<32x4x128xi32, #tpu.memory_space<hbm>> -> memref<1x4x128xi32, #tpu.memory_space<hbm>>
      %dma_wait3A_90 = tpu.memref_squeeze %dma_wait3A_89 : memref<1x4x128xi32, #tpu.memory_space<hbm>> -> memref<4x128xi32, #tpu.memory_space<hbm>>
      %dma_wait3A_91 = arith.constant 0 : i32
      %dma_wait3A_92 = arith.constant 0 : i32
      %dma_wait3A_93 = tpu.memref_slice %arg3[%add3A, %dma_wait3A_91, %dma_wait3A_92] : memref<32x4x128xi32, #tpu.memory_space<hbm>> -> memref<1x4x128xi32, #tpu.memory_space<hbm>>
      %dma_wait3A_94 = tpu.memref_squeeze %dma_wait3A_93 : memref<1x4x128xi32, #tpu.memory_space<hbm>> -> memref<4x128xi32, #tpu.memory_space<hbm>>
      tpu.wait_dma2 semaphore(%run_scoped3A : memref<!tpu.dma_semaphore, #tpu.memory_space<semaphore_mem>>) src(%dma_wait3A_94 : memref<4x128xi32, #tpu.memory_space<hbm>>) dst(%arg5 : memref<4x128xi32, #tpu.memory_space<vmem>>)
      tpu.yield
    }) : () -> ()
    %dma_start3A = arith.constant 0 : i32
    %dma_start3A_1 = arith.constant 0 : i32
    %dma_start3A_2 = tpu.memref_slice %arg5[%dma_start3A, %dma_start3A_1] : memref<4x128xi32, #tpu.memory_space<vmem>> -> memref<1x128xi32, #tpu.memory_space<vmem>>
    %dma_start3A_3 = tpu.memref_squeeze %dma_start3A_2 : memref<1x128xi32, #tpu.memory_space<vmem>> -> memref<128xi32, #tpu.memory_space<vmem>>
    %dma_start3A_4 = arith.constant 0 : i32
    %dma_start3A_5 = arith.constant 0 : i32
    %dma_start3A_6 = tpu.memref_slice %arg2[%dma_start3A_4, %dma_start3A_5] : memref<10240x512xf32, #tpu.memory_space<hbm>> -> memref<10240x512xf32, #tpu.memory_space<hbm>>
    tpu.enqueue_indirect_dma source(%dma_start3A_6 : memref<10240x512xf32, #tpu.memory_space<hbm>>) target(%arg6 : memref<128x512xf32, #tpu.memory_space<vmem>>) offsets(%dma_start3A_3 : memref<128xi32, #tpu.memory_space<vmem>>) semaphore(%arg7 : memref<!tpu.dma_semaphore, #tpu.memory_space<semaphore_mem>>)
    %dma_wait3A = arith.constant 0 : i32
    %dma_wait3A_7 = arith.constant 0 : i32
    %dma_wait3A_8 = tpu.memref_slice %arg5[%dma_wait3A, %dma_wait3A_7] : memref<4x128xi32, #tpu.memory_space<vmem>> -> memref<1x128xi32, #tpu.memory_space<vmem>>
    %dma_wait3A_9 = tpu.memref_squeeze %dma_wait3A_8 : memref<1x128xi32, #tpu.memory_space<vmem>> -> memref<128xi32, #tpu.memory_space<vmem>>
    %dma_wait3A_10 = arith.constant 0 : i32
    %dma_wait3A_11 = arith.constant 0 : i32
    %dma_wait3A_12 = tpu.memref_slice %arg2[%dma_wait3A_10, %dma_wait3A_11] : memref<10240x512xf32, #tpu.memory_space<hbm>> -> memref<10240x512xf32, #tpu.memory_space<hbm>>
    tpu.wait_indirect_dma semaphore(%arg7 : memref<!tpu.dma_semaphore, #tpu.memory_space<semaphore_mem>>) src(%dma_wait3A_12 : memref<10240x512xf32, #tpu.memory_space<hbm>>) dst(%arg6 : memref<128x512xf32, #tpu.memory_space<vmem>>)
    %mul3A_13 = arith.constant 4 : i32
    %mul3A_14 = arith.muli %add3A, %mul3A_13 : i32
    %add3A_15 = arith.constant 0 : i32
    %add3A_16 = arith.addi %mul3A_14, %add3A_15 : i32
    %mul3A_17 = arith.constant 128 : i32
    %mul3A_18 = arith.muli %add3A_16, %mul3A_17 : i32
    "tpu.region"() ({
      %run_scoped3A = tpu.sem_alloc : memref<!tpu.dma_semaphore, #tpu.memory_space<semaphore_mem>>
      %dma_start3A_79 = arith.constant 0 : i32
      %dma_start3A_80 = tpu.memref_slice %arg4[%mul3A_18, %dma_start3A_79] : memref<16384x512xf32, #tpu.memory_space<hbm>> -> memref<128x512xf32, #tpu.memory_space<hbm>>
      %dma_start3A_81 = arith.constant 0 : i32
      %dma_start3A_82 = tpu.memref_slice %arg4[%mul3A_18, %dma_start3A_81] : memref<16384x512xf32, #tpu.memory_space<hbm>> -> memref<128x512xf32, #tpu.memory_space<hbm>>
      tpu.enqueue_dma source(%arg6 : memref<128x512xf32, #tpu.memory_space<vmem>>) target(%dma_start3A_82 : memref<128x512xf32, #tpu.memory_space<hbm>>) target_semaphore(%run_scoped3A : memref<!tpu.dma_semaphore, #tpu.memory_space<semaphore_mem>>)
      %dma_wait3A_83 = arith.constant 0 : i32
      %dma_wait3A_84 = tpu.memref_slice %arg4[%mul3A_18, %dma_wait3A_83] : memref<16384x512xf32, #tpu.memory_space<hbm>> -> memref<128x512xf32, #tpu.memory_space<hbm>>
      %dma_wait3A_85 = arith.constant 0 : i32
      %dma_wait3A_86 = tpu.memref_slice %arg4[%mul3A_18, %dma_wait3A_85] : memref<16384x512xf32, #tpu.memory_space<hbm>> -> memref<128x512xf32, #tpu.memory_space<hbm>>
      tpu.wait_dma2 semaphore(%run_scoped3A : memref<!tpu.dma_semaphore, #tpu.memory_space<semaphore_mem>>) src(%arg6 : memref<128x512xf32, #tpu.memory_space<vmem>>) dst(%dma_wait3A_86 : memref<128x512xf32, #tpu.memory_space<hbm>>)
      tpu.yield
    }) : () -> ()
    %dma_start3A_19 = arith.constant 1 : i32
    %dma_start3A_20 = arith.constant 0 : i32
    %dma_start3A_21 = tpu.memref_slice %arg5[%dma_start3A_19, %dma_start3A_20] : memref<4x128xi32, #tpu.memory_space<vmem>> -> memref<1x128xi32, #tpu.memory_space<vmem>>
    %dma_start3A_22 = tpu.memref_squeeze %dma_start3A_21 : memref<1x128xi32, #tpu.memory_space<vmem>> -> memref<128xi32, #tpu.memory_space<vmem>>
    %dma_start3A_23 = arith.constant 0 : i32
    %dma_start3A_24 = arith.constant 0 : i32
    %dma_start3A_25 = tpu.memref_slice %arg2[%dma_start3A_23, %dma_start3A_24] : memref<10240x512xf32, #tpu.memory_space<hbm>> -> memref<10240x512xf32, #tpu.memory_space<hbm>>
    tpu.enqueue_indirect_dma source(%dma_start3A_25 : memref<10240x512xf32, #tpu.memory_space<hbm>>) target(%arg6 : memref<128x512xf32, #tpu.memory_space<vmem>>) offsets(%dma_start3A_22 : memref<128xi32, #tpu.memory_space<vmem>>) semaphore(%arg7 : memref<!tpu.dma_semaphore, #tpu.memory_space<semaphore_mem>>)
    %dma_wait3A_26 = arith.constant 1 : i32
    %dma_wait3A_27 = arith.constant 0 : i32
    %dma_wait3A_28 = tpu.memref_slice %arg5[%dma_wait3A_26, %dma_wait3A_27] : memref<4x128xi32, #tpu.memory_space<vmem>> -> memref<1x128xi32, #tpu.memory_space<vmem>>
    %dma_wait3A_29 = tpu.memref_squeeze %dma_wait3A_28 : memref<1x128xi32, #tpu.memory_space<vmem>> -> memref<128xi32, #tpu.memory_space<vmem>>
    %dma_wait3A_30 = arith.constant 0 : i32
    %dma_wait3A_31 = arith.constant 0 : i32
    %dma_wait3A_32 = tpu.memref_slice %arg2[%dma_wait3A_30, %dma_wait3A_31] : memref<10240x512xf32, #tpu.memory_space<hbm>> -> memref<10240x512xf32, #tpu.memory_space<hbm>>
    tpu.wait_indirect_dma semaphore(%arg7 : memref<!tpu.dma_semaphore, #tpu.memory_space<semaphore_mem>>) src(%dma_wait3A_32 : memref<10240x512xf32, #tpu.memory_space<hbm>>) dst(%arg6 : memref<128x512xf32, #tpu.memory_space<vmem>>)
    %mul3A_33 = arith.constant 4 : i32
    %mul3A_34 = arith.muli %add3A, %mul3A_33 : i32
    %add3A_35 = arith.constant 1 : i32
    %add3A_36 = arith.addi %mul3A_34, %add3A_35 : i32
    %mul3A_37 = arith.constant 128 : i32
    %mul3A_38 = arith.muli %add3A_36, %mul3A_37 : i32
    "tpu.region"() ({
      %run_scoped3A = tpu.sem_alloc : memref<!tpu.dma_semaphore, #tpu.memory_space<semaphore_mem>>
      %dma_start3A_79 = arith.constant 0 : i32
      %dma_start3A_80 = tpu.memref_slice %arg4[%mul3A_38, %dma_start3A_79] : memref<16384x512xf32, #tpu.memory_space<hbm>> -> memref<128x512xf32, #tpu.memory_space<hbm>>
      %dma_start3A_81 = arith.constant 0 : i32
      %dma_start3A_82 = tpu.memref_slice %arg4[%mul3A_38, %dma_start3A_81] : memref<16384x512xf32, #tpu.memory_space<hbm>> -> memref<128x512xf32, #tpu.memory_space<hbm>>
      tpu.enqueue_dma source(%arg6 : memref<128x512xf32, #tpu.memory_space<vmem>>) target(%dma_start3A_82 : memref<128x512xf32, #tpu.memory_space<hbm>>) target_semaphore(%run_scoped3A : memref<!tpu.dma_semaphore, #tpu.memory_space<semaphore_mem>>)
      %dma_wait3A_83 = arith.constant 0 : i32
      %dma_wait3A_84 = tpu.memref_slice %arg4[%mul3A_38, %dma_wait3A_83] : memref<16384x512xf32, #tpu.memory_space<hbm>> -> memref<128x512xf32, #tpu.memory_space<hbm>>
      %dma_wait3A_85 = arith.constant 0 : i32
      %dma_wait3A_86 = tpu.memref_slice %arg4[%mul3A_38, %dma_wait3A_85] : memref<16384x512xf32, #tpu.memory_space<hbm>> -> memref<128x512xf32, #tpu.memory_space<hbm>>
      tpu.wait_dma2 semaphore(%run_scoped3A : memref<!tpu.dma_semaphore, #tpu.memory_space<semaphore_mem>>) src(%arg6 : memref<128x512xf32, #tpu.memory_space<vmem>>) dst(%dma_wait3A_86 : memref<128x512xf32, #tpu.memory_space<hbm>>)
      tpu.yield
    }) : () -> ()
    %dma_start3A_39 = arith.constant 2 : i32
    %dma_start3A_40 = arith.constant 0 : i32
    %dma_start3A_41 = tpu.memref_slice %arg5[%dma_start3A_39, %dma_start3A_40] : memref<4x128xi32, #tpu.memory_space<vmem>> -> memref<1x128xi32, #tpu.memory_space<vmem>>
    %dma_start3A_42 = tpu.memref_squeeze %dma_start3A_41 : memref<1x128xi32, #tpu.memory_space<vmem>> -> memref<128xi32, #tpu.memory_space<vmem>>
    %dma_start3A_43 = arith.constant 0 : i32
    %dma_start3A_44 = arith.constant 0 : i32
    %dma_start3A_45 = tpu.memref_slice %arg2[%dma_start3A_43, %dma_start3A_44] : memref<10240x512xf32, #tpu.memory_space<hbm>> -> memref<10240x512xf32, #tpu.memory_space<hbm>>
    tpu.enqueue_indirect_dma source(%dma_start3A_45 : memref<10240x512xf32, #tpu.memory_space<hbm>>) target(%arg6 : memref<128x512xf32, #tpu.memory_space<vmem>>) offsets(%dma_start3A_42 : memref<128xi32, #tpu.memory_space<vmem>>) semaphore(%arg7 : memref<!tpu.dma_semaphore, #tpu.memory_space<semaphore_mem>>)
    %dma_wait3A_46 = arith.constant 2 : i32
    %dma_wait3A_47 = arith.constant 0 : i32
    %dma_wait3A_48 = tpu.memref_slice %arg5[%dma_wait3A_46, %dma_wait3A_47] : memref<4x128xi32, #tpu.memory_space<vmem>> -> memref<1x128xi32, #tpu.memory_space<vmem>>
    %dma_wait3A_49 = tpu.memref_squeeze %dma_wait3A_48 : memref<1x128xi32, #tpu.memory_space<vmem>> -> memref<128xi32, #tpu.memory_space<vmem>>
    %dma_wait3A_50 = arith.constant 0 : i32
    %dma_wait3A_51 = arith.constant 0 : i32
    %dma_wait3A_52 = tpu.memref_slice %arg2[%dma_wait3A_50, %dma_wait3A_51] : memref<10240x512xf32, #tpu.memory_space<hbm>> -> memref<10240x512xf32, #tpu.memory_space<hbm>>
    tpu.wait_indirect_dma semaphore(%arg7 : memref<!tpu.dma_semaphore, #tpu.memory_space<semaphore_mem>>) src(%dma_wait3A_52 : memref<10240x512xf32, #tpu.memory_space<hbm>>) dst(%arg6 : memref<128x512xf32, #tpu.memory_space<vmem>>)
    %mul3A_53 = arith.constant 4 : i32
    %mul3A_54 = arith.muli %add3A, %mul3A_53 : i32
    %add3A_55 = arith.constant 2 : i32
    %add3A_56 = arith.addi %mul3A_54, %add3A_55 : i32
    %mul3A_57 = arith.constant 128 : i32
    %mul3A_58 = arith.muli %add3A_56, %mul3A_57 : i32
    "tpu.region"() ({
      %run_scoped3A = tpu.sem_alloc : memref<!tpu.dma_semaphore, #tpu.memory_space<semaphore_mem>>
      %dma_start3A_79 = arith.constant 0 : i32
      %dma_start3A_80 = tpu.memref_slice %arg4[%mul3A_58, %dma_start3A_79] : memref<16384x512xf32, #tpu.memory_space<hbm>> -> memref<128x512xf32, #tpu.memory_space<hbm>>
      %dma_start3A_81 = arith.constant 0 : i32
      %dma_start3A_82 = tpu.memref_slice %arg4[%mul3A_58, %dma_start3A_81] : memref<16384x512xf32, #tpu.memory_space<hbm>> -> memref<128x512xf32, #tpu.memory_space<hbm>>
      tpu.enqueue_dma source(%arg6 : memref<128x512xf32, #tpu.memory_space<vmem>>) target(%dma_start3A_82 : memref<128x512xf32, #tpu.memory_space<hbm>>) target_semaphore(%run_scoped3A : memref<!tpu.dma_semaphore, #tpu.memory_space<semaphore_mem>>)
      %dma_wait3A_83 = arith.constant 0 : i32
      %dma_wait3A_84 = tpu.memref_slice %arg4[%mul3A_58, %dma_wait3A_83] : memref<16384x512xf32, #tpu.memory_space<hbm>> -> memref<128x512xf32, #tpu.memory_space<hbm>>
      %dma_wait3A_85 = arith.constant 0 : i32
      %dma_wait3A_86 = tpu.memref_slice %arg4[%mul3A_58, %dma_wait3A_85] : memref<16384x512xf32, #tpu.memory_space<hbm>> -> memref<128x512xf32, #tpu.memory_space<hbm>>
      tpu.wait_dma2 semaphore(%run_scoped3A : memref<!tpu.dma_semaphore, #tpu.memory_space<semaphore_mem>>) src(%arg6 : memref<128x512xf32, #tpu.memory_space<vmem>>) dst(%dma_wait3A_86 : memref<128x512xf32, #tpu.memory_space<hbm>>)
      tpu.yield
    }) : () -> ()
    %dma_start3A_59 = arith.constant 3 : i32
    %dma_start3A_60 = arith.constant 0 : i32
    %dma_start3A_61 = tpu.memref_slice %arg5[%dma_start3A_59, %dma_start3A_60] : memref<4x128xi32, #tpu.memory_space<vmem>> -> memref<1x128xi32, #tpu.memory_space<vmem>>
    %dma_start3A_62 = tpu.memref_squeeze %dma_start3A_61 : memref<1x128xi32, #tpu.memory_space<vmem>> -> memref<128xi32, #tpu.memory_space<vmem>>
    %dma_start3A_63 = arith.constant 0 : i32
    %dma_start3A_64 = arith.constant 0 : i32
    %dma_start3A_65 = tpu.memref_slice %arg2[%dma_start3A_63, %dma_start3A_64] : memref<10240x512xf32, #tpu.memory_space<hbm>> -> memref<10240x512xf32, #tpu.memory_space<hbm>>
    tpu.enqueue_indirect_dma source(%dma_start3A_65 : memref<10240x512xf32, #tpu.memory_space<hbm>>) target(%arg6 : memref<128x512xf32, #tpu.memory_space<vmem>>) offsets(%dma_start3A_62 : memref<128xi32, #tpu.memory_space<vmem>>) semaphore(%arg7 : memref<!tpu.dma_semaphore, #tpu.memory_space<semaphore_mem>>)
    %dma_wait3A_66 = arith.constant 3 : i32
    %dma_wait3A_67 = arith.constant 0 : i32
    %dma_wait3A_68 = tpu.memref_slice %arg5[%dma_wait3A_66, %dma_wait3A_67] : memref<4x128xi32, #tpu.memory_space<vmem>> -> memref<1x128xi32, #tpu.memory_space<vmem>>
    %dma_wait3A_69 = tpu.memref_squeeze %dma_wait3A_68 : memref<1x128xi32, #tpu.memory_space<vmem>> -> memref<128xi32, #tpu.memory_space<vmem>>
    %dma_wait3A_70 = arith.constant 0 : i32
    %dma_wait3A_71 = arith.constant 0 : i32
    %dma_wait3A_72 = tpu.memref_slice %arg2[%dma_wait3A_70, %dma_wait3A_71] : memref<10240x512xf32, #tpu.memory_space<hbm>> -> memref<10240x512xf32, #tpu.memory_space<hbm>>
    tpu.wait_indirect_dma semaphore(%arg7 : memref<!tpu.dma_semaphore, #tpu.memory_space<semaphore_mem>>) src(%dma_wait3A_72 : memref<10240x512xf32, #tpu.memory_space<hbm>>) dst(%arg6 : memref<128x512xf32, #tpu.memory_space<vmem>>)
    %mul3A_73 = arith.constant 4 : i32
    %mul3A_74 = arith.muli %add3A, %mul3A_73 : i32
    %add3A_75 = arith.constant 3 : i32
    %add3A_76 = arith.addi %mul3A_74, %add3A_75 : i32
    %mul3A_77 = arith.constant 128 : i32
    %mul3A_78 = arith.muli %add3A_76, %mul3A_77 : i32
    "tpu.region"() ({
      %run_scoped3A = tpu.sem_alloc : memref<!tpu.dma_semaphore, #tpu.memory_space<semaphore_mem>>
      %dma_start3A_79 = arith.constant 0 : i32
      %dma_start3A_80 = tpu.memref_slice %arg4[%mul3A_78, %dma_start3A_79] : memref<16384x512xf32, #tpu.memory_space<hbm>> -> memref<128x512xf32, #tpu.memory_space<hbm>>
      %dma_start3A_81 = arith.constant 0 : i32
      %dma_start3A_82 = tpu.memref_slice %arg4[%mul3A_78, %dma_start3A_81] : memref<16384x512xf32, #tpu.memory_space<hbm>> -> memref<128x512xf32, #tpu.memory_space<hbm>>
      tpu.enqueue_dma source(%arg6 : memref<128x512xf32, #tpu.memory_space<vmem>>) target(%dma_start3A_82 : memref<128x512xf32, #tpu.memory_space<hbm>>) target_semaphore(%run_scoped3A : memref<!tpu.dma_semaphore, #tpu.memory_space<semaphore_mem>>)
      %dma_wait3A_83 = arith.constant 0 : i32
      %dma_wait3A_84 = tpu.memref_slice %arg4[%mul3A_78, %dma_wait3A_83] : memref<16384x512xf32, #tpu.memory_space<hbm>> -> memref<128x512xf32, #tpu.memory_space<hbm>>
      %dma_wait3A_85 = arith.constant 0 : i32
      %dma_wait3A_86 = tpu.memref_slice %arg4[%mul3A_78, %dma_wait3A_85] : memref<16384x512xf32, #tpu.memory_space<hbm>> -> memref<128x512xf32, #tpu.memory_space<hbm>>
      tpu.wait_dma2 semaphore(%run_scoped3A : memref<!tpu.dma_semaphore, #tpu.memory_space<semaphore_mem>>) src(%arg6 : memref<128x512xf32, #tpu.memory_space<vmem>>) dst(%dma_wait3A_86 : memref<128x512xf32, #tpu.memory_space<hbm>>)
      tpu.yield
    }) : () -> ()
    return
  }
}

#map = affine_map<(d0, d1) -> (0, 0)>
#map1 = affine_map<(d0, d1) -> (0, 0, 0)>
module attributes {stable_mosaic.version = 14 : i64} {
  func.func @_prop_body(%arg0: i32, %arg1: i32, %arg2: memref<20480x128xf32, #tpu.memory_space<hbm>>, %arg3: memref<32x160x128xi32, #tpu.memory_space<hbm>>, %arg4: memref<32x160x128xi32, #tpu.memory_space<hbm>>, %arg5: memref<10240x128xf32, #tpu.memory_space<hbm>>, %arg6: memref<20480x128xf32, #tpu.memory_space<hbm>>, %arg7: memref<8x128xi32, #tpu.memory_space<vmem>>, %arg8: memref<8x128xi32, #tpu.memory_space<vmem>>, %arg9: memref<8x128xi32, #tpu.memory_space<vmem>>, %arg10: memref<8x128xi32, #tpu.memory_space<vmem>>, %arg11: memref<2x128x128xf32, #tpu.memory_space<vmem>>, %arg12: memref<10240x128xf32, #tpu.memory_space<vmem_shared>>, %arg13: memref<!tpu.dma_semaphore, #tpu.memory_space<semaphore_mem>>, %arg14: memref<!tpu.dma_semaphore, #tpu.memory_space<semaphore_mem>>, %arg15: memref<!tpu.dma_semaphore, #tpu.memory_space<semaphore_mem>>, %arg16: memref<!tpu.dma_semaphore, #tpu.memory_space<semaphore_mem>>, %arg17: memref<!tpu.dma_semaphore, #tpu.memory_space<semaphore_mem>>) attributes {dimension_semantics = [#tpu.dimension_semantics<core_parallel>, #tpu.dimension_semantics<subcore_parallel>], iteration_bounds = array<i64: 2, 16>, scalar_prefetch = 0 : i64, scratch_operands = 11 : i64, tpu.core_type = #tpu.core_type<sc_vector_subcore>, window_params = [{transform_indices = #map}, {transform_indices = #map1}, {transform_indices = #map1}, {transform_indices = #map}, {transform_indices = #map}]} {
    %mul3A = arith.constant 16 : i32
    %mul3A_0 = arith.muli %arg0, %mul3A : i32
    %add3A = arith.addi %mul3A_0, %arg1 : i32
    %mul3A_1 = arith.constant 640 : i32
    %mul3A_2 = arith.muli %arg1, %mul3A_1 : i32
    %mul3A_3 = arith.constant 640 : i32
    %mul3A_4 = arith.muli %arg1, %mul3A_3 : i32
    "tpu.region"() ({
      %run_scoped3A = tpu.sem_alloc : memref<!tpu.dma_semaphore, #tpu.memory_space<semaphore_mem>>
      %dma_start3A = arith.constant 0 : i32
      %dma_start3A_18 = tpu.memref_slice %arg12[%mul3A_4, %dma_start3A] : memref<10240x128xf32, #tpu.memory_space<vmem_shared>> -> memref<640x128xf32, #tpu.memory_space<vmem_shared>>
      %dma_start3A_19 = arith.constant 0 : i32
      %dma_start3A_20 = tpu.memref_slice %arg5[%mul3A_2, %dma_start3A_19] : memref<10240x128xf32, #tpu.memory_space<hbm>> -> memref<640x128xf32, #tpu.memory_space<hbm>>
      tpu.enqueue_dma source(%dma_start3A_20 : memref<640x128xf32, #tpu.memory_space<hbm>>) target(%dma_start3A_18 : memref<640x128xf32, #tpu.memory_space<vmem_shared>>) target_semaphore(%run_scoped3A : memref<!tpu.dma_semaphore, #tpu.memory_space<semaphore_mem>>)
      %dma_wait3A = arith.constant 0 : i32
      %dma_wait3A_21 = tpu.memref_slice %arg12[%mul3A_4, %dma_wait3A] : memref<10240x128xf32, #tpu.memory_space<vmem_shared>> -> memref<640x128xf32, #tpu.memory_space<vmem_shared>>
      %dma_wait3A_22 = arith.constant 0 : i32
      %dma_wait3A_23 = tpu.memref_slice %arg5[%mul3A_2, %dma_wait3A_22] : memref<10240x128xf32, #tpu.memory_space<hbm>> -> memref<640x128xf32, #tpu.memory_space<hbm>>
      tpu.wait_dma2 semaphore(%run_scoped3A : memref<!tpu.dma_semaphore, #tpu.memory_space<semaphore_mem>>) src(%dma_wait3A_23 : memref<640x128xf32, #tpu.memory_space<hbm>>) dst(%dma_wait3A_21 : memref<640x128xf32, #tpu.memory_space<vmem_shared>>)
      tpu.yield
    }) : () -> ()
    %barrier3A = arith.constant 0 : index
    tpu.barrier barrier_id(%barrier3A)
    "tpu.region"() ({
      %run_scoped3A = tpu.sem_alloc : memref<!tpu.dma_semaphore, #tpu.memory_space<semaphore_mem>>
      %dma_start3A = arith.constant 0 : i32
      %dma_start3A_18 = arith.constant 0 : i32
      %dma_start3A_19 = tpu.memref_slice %arg3[%add3A, %dma_start3A, %dma_start3A_18] : memref<32x160x128xi32, #tpu.memory_space<hbm>> -> memref<1x8x128xi32, #tpu.memory_space<hbm>>
      %dma_start3A_20 = tpu.memref_squeeze %dma_start3A_19 : memref<1x8x128xi32, #tpu.memory_space<hbm>> -> memref<8x128xi32, #tpu.memory_space<hbm>>
      %dma_start3A_21 = arith.constant 0 : i32
      %dma_start3A_22 = arith.constant 0 : i32
      %dma_start3A_23 = tpu.memref_slice %arg3[%add3A, %dma_start3A_21, %dma_start3A_22] : memref<32x160x128xi32, #tpu.memory_space<hbm>> -> memref<1x8x128xi32, #tpu.memory_space<hbm>>
      %dma_start3A_24 = tpu.memref_squeeze %dma_start3A_23 : memref<1x8x128xi32, #tpu.memory_space<hbm>> -> memref<8x128xi32, #tpu.memory_space<hbm>>
      tpu.enqueue_dma source(%dma_start3A_24 : memref<8x128xi32, #tpu.memory_space<hbm>>) target(%arg7 : memref<8x128xi32, #tpu.memory_space<vmem>>) target_semaphore(%run_scoped3A : memref<!tpu.dma_semaphore, #tpu.memory_space<semaphore_mem>>)
      %dma_wait3A = arith.constant 0 : i32
      %dma_wait3A_25 = arith.constant 0 : i32
      %dma_wait3A_26 = tpu.memref_slice %arg3[%add3A, %dma_wait3A, %dma_wait3A_25] : memref<32x160x128xi32, #tpu.memory_space<hbm>> -> memref<1x8x128xi32, #tpu.memory_space<hbm>>
      %dma_wait3A_27 = tpu.memref_squeeze %dma_wait3A_26 : memref<1x8x128xi32, #tpu.memory_space<hbm>> -> memref<8x128xi32, #tpu.memory_space<hbm>>
      %dma_wait3A_28 = arith.constant 0 : i32
      %dma_wait3A_29 = arith.constant 0 : i32
      %dma_wait3A_30 = tpu.memref_slice %arg3[%add3A, %dma_wait3A_28, %dma_wait3A_29] : memref<32x160x128xi32, #tpu.memory_space<hbm>> -> memref<1x8x128xi32, #tpu.memory_space<hbm>>
      %dma_wait3A_31 = tpu.memref_squeeze %dma_wait3A_30 : memref<1x8x128xi32, #tpu.memory_space<hbm>> -> memref<8x128xi32, #tpu.memory_space<hbm>>
      tpu.wait_dma2 semaphore(%run_scoped3A : memref<!tpu.dma_semaphore, #tpu.memory_space<semaphore_mem>>) src(%dma_wait3A_31 : memref<8x128xi32, #tpu.memory_space<hbm>>) dst(%arg7 : memref<8x128xi32, #tpu.memory_space<vmem>>)
      tpu.yield
    }) : () -> ()
    "tpu.region"() ({
      %run_scoped3A = tpu.sem_alloc : memref<!tpu.dma_semaphore, #tpu.memory_space<semaphore_mem>>
      %dma_start3A = arith.constant 0 : i32
      %dma_start3A_18 = arith.constant 0 : i32
      %dma_start3A_19 = tpu.memref_slice %arg4[%add3A, %dma_start3A, %dma_start3A_18] : memref<32x160x128xi32, #tpu.memory_space<hbm>> -> memref<1x8x128xi32, #tpu.memory_space<hbm>>
      %dma_start3A_20 = tpu.memref_squeeze %dma_start3A_19 : memref<1x8x128xi32, #tpu.memory_space<hbm>> -> memref<8x128xi32, #tpu.memory_space<hbm>>
      %dma_start3A_21 = arith.constant 0 : i32
      %dma_start3A_22 = arith.constant 0 : i32
      %dma_start3A_23 = tpu.memref_slice %arg4[%add3A, %dma_start3A_21, %dma_start3A_22] : memref<32x160x128xi32, #tpu.memory_space<hbm>> -> memref<1x8x128xi32, #tpu.memory_space<hbm>>
      %dma_start3A_24 = tpu.memref_squeeze %dma_start3A_23 : memref<1x8x128xi32, #tpu.memory_space<hbm>> -> memref<8x128xi32, #tpu.memory_space<hbm>>
      tpu.enqueue_dma source(%dma_start3A_24 : memref<8x128xi32, #tpu.memory_space<hbm>>) target(%arg8 : memref<8x128xi32, #tpu.memory_space<vmem>>) target_semaphore(%run_scoped3A : memref<!tpu.dma_semaphore, #tpu.memory_space<semaphore_mem>>)
      %dma_wait3A = arith.constant 0 : i32
      %dma_wait3A_25 = arith.constant 0 : i32
      %dma_wait3A_26 = tpu.memref_slice %arg4[%add3A, %dma_wait3A, %dma_wait3A_25] : memref<32x160x128xi32, #tpu.memory_space<hbm>> -> memref<1x8x128xi32, #tpu.memory_space<hbm>>
      %dma_wait3A_27 = tpu.memref_squeeze %dma_wait3A_26 : memref<1x8x128xi32, #tpu.memory_space<hbm>> -> memref<8x128xi32, #tpu.memory_space<hbm>>
      %dma_wait3A_28 = arith.constant 0 : i32
      %dma_wait3A_29 = arith.constant 0 : i32
      %dma_wait3A_30 = tpu.memref_slice %arg4[%add3A, %dma_wait3A_28, %dma_wait3A_29] : memref<32x160x128xi32, #tpu.memory_space<hbm>> -> memref<1x8x128xi32, #tpu.memory_space<hbm>>
      %dma_wait3A_31 = tpu.memref_squeeze %dma_wait3A_30 : memref<1x8x128xi32, #tpu.memory_space<hbm>> -> memref<8x128xi32, #tpu.memory_space<hbm>>
      tpu.wait_dma2 semaphore(%run_scoped3A : memref<!tpu.dma_semaphore, #tpu.memory_space<semaphore_mem>>) src(%dma_wait3A_31 : memref<8x128xi32, #tpu.memory_space<hbm>>) dst(%arg8 : memref<8x128xi32, #tpu.memory_space<vmem>>)
      tpu.yield
    }) : () -> ()
    %scan3A = arith.constant 0 : i32
    %scan3A_5 = arith.constant 0 : i32
    %scan3A_6 = arith.constant 10 : i32
    %scan3A_7 = arith.addi %scan3A_5, %scan3A_6 : i32
    %scan3A_8 = arith.constant 1 : i32
    scf.for %scan3A_18 = %scan3A_5 to %scan3A_7 step %scan3A_8  : i32 {
      %mul3A_19 = arith.constant 2 : i32
      %mul3A_20 = arith.muli %mul3A_19, %scan3A_18 : i32
      %add3A_21 = arith.constant 1 : i32
      %add3A_22 = arith.addi %mul3A_20, %add3A_21 : i32
      %lt3A = arith.constant 20 : i32
      %lt3A_23 = arith.cmpi slt, %add3A_22, %lt3A : i32
      %convert_element_type3A = arith.extui %lt3A_23 : i1 to i32
      %cond3A = arith.constant 0 : i32
      %cond3A_24 = arith.cmpi ne, %convert_element_type3A, %cond3A : i32
      scf.if %cond3A_24 {
        %add3A_816 = arith.constant 1 : i32
        %add3A_817 = arith.addi %mul3A_20, %add3A_816 : i32
        %mul3A_818 = arith.constant 8 : i32
        %mul3A_819 = arith.muli %add3A_817, %mul3A_818 : i32
        %dma_start3A_820 = arith.constant 0 : i32
        %dma_start3A_821 = tpu.memref_slice %arg3[%add3A, %mul3A_819, %dma_start3A_820] : memref<32x160x128xi32, #tpu.memory_space<hbm>> -> memref<1x8x128xi32, #tpu.memory_space<hbm>>
        %dma_start3A_822 = tpu.memref_squeeze %dma_start3A_821 : memref<1x8x128xi32, #tpu.memory_space<hbm>> -> memref<8x128xi32, #tpu.memory_space<hbm>>
        %dma_start3A_823 = arith.constant 0 : i32
        %dma_start3A_824 = tpu.memref_slice %arg3[%add3A, %mul3A_819, %dma_start3A_823] : memref<32x160x128xi32, #tpu.memory_space<hbm>> -> memref<1x8x128xi32, #tpu.memory_space<hbm>>
        %dma_start3A_825 = tpu.memref_squeeze %dma_start3A_824 : memref<1x8x128xi32, #tpu.memory_space<hbm>> -> memref<8x128xi32, #tpu.memory_space<hbm>>
        tpu.enqueue_dma source(%dma_start3A_825 : memref<8x128xi32, #tpu.memory_space<hbm>>) target(%arg9 : memref<8x128xi32, #tpu.memory_space<vmem>>) target_semaphore(%arg17 : memref<!tpu.dma_semaphore, #tpu.memory_space<semaphore_mem>>)
        %add3A_826 = arith.constant 1 : i32
        %add3A_827 = arith.addi %mul3A_20, %add3A_826 : i32
        %mul3A_828 = arith.constant 8 : i32
        %mul3A_829 = arith.muli %add3A_827, %mul3A_828 : i32
        %dma_start3A_830 = arith.constant 0 : i32
        %dma_start3A_831 = tpu.memref_slice %arg4[%add3A, %mul3A_829, %dma_start3A_830] : memref<32x160x128xi32, #tpu.memory_space<hbm>> -> memref<1x8x128xi32, #tpu.memory_space<hbm>>
        %dma_start3A_832 = tpu.memref_squeeze %dma_start3A_831 : memref<1x8x128xi32, #tpu.memory_space<hbm>> -> memref<8x128xi32, #tpu.memory_space<hbm>>
        %dma_start3A_833 = arith.constant 0 : i32
        %dma_start3A_834 = tpu.memref_slice %arg4[%add3A, %mul3A_829, %dma_start3A_833] : memref<32x160x128xi32, #tpu.memory_space<hbm>> -> memref<1x8x128xi32, #tpu.memory_space<hbm>>
        %dma_start3A_835 = tpu.memref_squeeze %dma_start3A_834 : memref<1x8x128xi32, #tpu.memory_space<hbm>> -> memref<8x128xi32, #tpu.memory_space<hbm>>
        tpu.enqueue_dma source(%dma_start3A_835 : memref<8x128xi32, #tpu.memory_space<hbm>>) target(%arg10 : memref<8x128xi32, #tpu.memory_space<vmem>>) target_semaphore(%arg17 : memref<!tpu.dma_semaphore, #tpu.memory_space<semaphore_mem>>)
      } else {
      }
      %dma_start3A = arith.constant 0 : i32
      %dma_start3A_25 = arith.constant 0 : i32
      %dma_start3A_26 = arith.constant 0 : i32
      %dma_start3A_27 = arith.constant 0 : i32
      %dma_start3A_28 = tpu.memref_slice %arg11[%dma_start3A_25, %dma_start3A_26, %dma_start3A_27] : memref<2x128x128xf32, #tpu.memory_space<vmem>> -> memref<1x128x128xf32, #tpu.memory_space<vmem>>
      %dma_start3A_29 = tpu.memref_squeeze %dma_start3A_28 : memref<1x128x128xf32, #tpu.memory_space<vmem>> -> memref<128x128xf32, #tpu.memory_space<vmem>>
      %dma_start3A_30 = arith.constant 0 : i32
      %dma_start3A_31 = tpu.memref_slice %arg7[%dma_start3A, %dma_start3A_30] : memref<8x128xi32, #tpu.memory_space<vmem>> -> memref<1x128xi32, #tpu.memory_space<vmem>>
      %dma_start3A_32 = tpu.memref_squeeze %dma_start3A_31 : memref<1x128xi32, #tpu.memory_space<vmem>> -> memref<128xi32, #tpu.memory_space<vmem>>
      %dma_start3A_33 = arith.constant 0 : i32
      %dma_start3A_34 = arith.constant 0 : i32
      %dma_start3A_35 = tpu.memref_slice %arg2[%dma_start3A_33, %dma_start3A_34] : memref<20480x128xf32, #tpu.memory_space<hbm>> -> memref<20480x128xf32, #tpu.memory_space<hbm>>
      tpu.enqueue_indirect_dma source(%dma_start3A_35 : memref<20480x128xf32, #tpu.memory_space<hbm>>) target(%dma_start3A_29 : memref<128x128xf32, #tpu.memory_space<vmem>>) offsets(%dma_start3A_32 : memref<128xi32, #tpu.memory_space<vmem>>) semaphore(%arg13 : memref<!tpu.dma_semaphore, #tpu.memory_space<semaphore_mem>>)
      %dma_start3A_36 = arith.constant 1 : i32
      %dma_start3A_37 = arith.constant 1 : i32
      %dma_start3A_38 = arith.constant 0 : i32
      %dma_start3A_39 = arith.constant 0 : i32
      %dma_start3A_40 = tpu.memref_slice %arg11[%dma_start3A_37, %dma_start3A_38, %dma_start3A_39] : memref<2x128x128xf32, #tpu.memory_space<vmem>> -> memref<1x128x128xf32, #tpu.memory_space<vmem>>
      %dma_start3A_41 = tpu.memref_squeeze %dma_start3A_40 : memref<1x128x128xf32, #tpu.memory_space<vmem>> -> memref<128x128xf32, #tpu.memory_space<vmem>>
      %dma_start3A_42 = arith.constant 0 : i32
      %dma_start3A_43 = tpu.memref_slice %arg7[%dma_start3A_36, %dma_start3A_42] : memref<8x128xi32, #tpu.memory_space<vmem>> -> memref<1x128xi32, #tpu.memory_space<vmem>>
      %dma_start3A_44 = tpu.memref_squeeze %dma_start3A_43 : memref<1x128xi32, #tpu.memory_space<vmem>> -> memref<128xi32, #tpu.memory_space<vmem>>
      %dma_start3A_45 = arith.constant 0 : i32
      %dma_start3A_46 = arith.constant 0 : i32
      %dma_start3A_47 = tpu.memref_slice %arg2[%dma_start3A_45, %dma_start3A_46] : memref<20480x128xf32, #tpu.memory_space<hbm>> -> memref<20480x128xf32, #tpu.memory_space<hbm>>
      tpu.enqueue_indirect_dma source(%dma_start3A_47 : memref<20480x128xf32, #tpu.memory_space<hbm>>) target(%dma_start3A_41 : memref<128x128xf32, #tpu.memory_space<vmem>>) offsets(%dma_start3A_44 : memref<128xi32, #tpu.memory_space<vmem>>) semaphore(%arg14 : memref<!tpu.dma_semaphore, #tpu.memory_space<semaphore_mem>>)
      %dma_wait3A = arith.constant 0 : i32
      %dma_wait3A_48 = arith.constant 0 : i32
      %dma_wait3A_49 = arith.constant 0 : i32
      %dma_wait3A_50 = arith.constant 0 : i32
      %dma_wait3A_51 = tpu.memref_slice %arg11[%dma_wait3A_48, %dma_wait3A_49, %dma_wait3A_50] : memref<2x128x128xf32, #tpu.memory_space<vmem>> -> memref<1x128x128xf32, #tpu.memory_space<vmem>>
      %dma_wait3A_52 = tpu.memref_squeeze %dma_wait3A_51 : memref<1x128x128xf32, #tpu.memory_space<vmem>> -> memref<128x128xf32, #tpu.memory_space<vmem>>
      %dma_wait3A_53 = arith.constant 0 : i32
      %dma_wait3A_54 = tpu.memref_slice %arg7[%dma_wait3A, %dma_wait3A_53] : memref<8x128xi32, #tpu.memory_space<vmem>> -> memref<1x128xi32, #tpu.memory_space<vmem>>
      %dma_wait3A_55 = tpu.memref_squeeze %dma_wait3A_54 : memref<1x128xi32, #tpu.memory_space<vmem>> -> memref<128xi32, #tpu.memory_space<vmem>>
      %dma_wait3A_56 = arith.constant 0 : i32
      %dma_wait3A_57 = arith.constant 0 : i32
      %dma_wait3A_58 = tpu.memref_slice %arg2[%dma_wait3A_56, %dma_wait3A_57] : memref<20480x128xf32, #tpu.memory_space<hbm>> -> memref<20480x128xf32, #tpu.memory_space<hbm>>
      tpu.wait_indirect_dma semaphore(%arg13 : memref<!tpu.dma_semaphore, #tpu.memory_space<semaphore_mem>>) src(%dma_wait3A_58 : memref<20480x128xf32, #tpu.memory_space<hbm>>) dst(%dma_wait3A_52 : memref<128x128xf32, #tpu.memory_space<vmem>>)
      %dma_start3A_59 = arith.constant 0 : i32
      %dma_start3A_60 = arith.constant 0 : i32
      %dma_start3A_61 = arith.constant 0 : i32
      %dma_start3A_62 = arith.constant 0 : i32
      %dma_start3A_63 = tpu.memref_slice %arg11[%dma_start3A_59, %dma_start3A_61, %dma_start3A_62] : memref<2x128x128xf32, #tpu.memory_space<vmem>> -> memref<1x128x128xf32, #tpu.memory_space<vmem>>
      %dma_start3A_64 = tpu.memref_squeeze %dma_start3A_63 : memref<1x128x128xf32, #tpu.memory_space<vmem>> -> memref<128x128xf32, #tpu.memory_space<vmem>>
      %dma_start3A_65 = arith.constant 0 : i32
      %dma_start3A_66 = tpu.memref_slice %arg8[%dma_start3A_60, %dma_start3A_65] : memref<8x128xi32, #tpu.memory_space<vmem>> -> memref<1x128xi32, #tpu.memory_space<vmem>>
      %dma_start3A_67 = tpu.memref_squeeze %dma_start3A_66 : memref<1x128xi32, #tpu.memory_space<vmem>> -> memref<128xi32, #tpu.memory_space<vmem>>
      %dma_start3A_68 = arith.constant 0 : i32
      %dma_start3A_69 = arith.constant 0 : i32
      %dma_start3A_70 = tpu.memref_slice %arg12[%dma_start3A_68, %dma_start3A_69] : memref<10240x128xf32, #tpu.memory_space<vmem_shared>> -> memref<10240x128xf32, #tpu.memory_space<vmem_shared>>
      tpu.enqueue_indirect_dma source(%dma_start3A_64 : memref<128x128xf32, #tpu.memory_space<vmem>>) target(%dma_start3A_70 : memref<10240x128xf32, #tpu.memory_space<vmem_shared>>) offsets(%dma_start3A_67 : memref<128xi32, #tpu.memory_space<vmem>>) semaphore(%arg15 : memref<!tpu.dma_semaphore, #tpu.memory_space<semaphore_mem>>) {add = true}
      %dma_wait3A_71 = arith.constant 0 : i32
      %dma_wait3A_72 = arith.constant 0 : i32
      %dma_wait3A_73 = arith.constant 0 : i32
      %dma_wait3A_74 = arith.constant 0 : i32
      %dma_wait3A_75 = tpu.memref_slice %arg11[%dma_wait3A_71, %dma_wait3A_73, %dma_wait3A_74] : memref<2x128x128xf32, #tpu.memory_space<vmem>> -> memref<1x128x128xf32, #tpu.memory_space<vmem>>
      %dma_wait3A_76 = tpu.memref_squeeze %dma_wait3A_75 : memref<1x128x128xf32, #tpu.memory_space<vmem>> -> memref<128x128xf32, #tpu.memory_space<vmem>>
      %dma_wait3A_77 = arith.constant 0 : i32
      %dma_wait3A_78 = tpu.memref_slice %arg8[%dma_wait3A_72, %dma_wait3A_77] : memref<8x128xi32, #tpu.memory_space<vmem>> -> memref<1x128xi32, #tpu.memory_space<vmem>>
      %dma_wait3A_79 = tpu.memref_squeeze %dma_wait3A_78 : memref<1x128xi32, #tpu.memory_space<vmem>> -> memref<128xi32, #tpu.memory_space<vmem>>
      %dma_wait3A_80 = arith.constant 0 : i32
      %dma_wait3A_81 = arith.constant 0 : i32
      %dma_wait3A_82 = tpu.memref_slice %arg12[%dma_wait3A_80, %dma_wait3A_81] : memref<10240x128xf32, #tpu.memory_space<vmem_shared>> -> memref<10240x128xf32, #tpu.memory_space<vmem_shared>>
      tpu.wait_indirect_dma semaphore(%arg15 : memref<!tpu.dma_semaphore, #tpu.memory_space<semaphore_mem>>) src(%dma_wait3A_76 : memref<128x128xf32, #tpu.memory_space<vmem>>) dst(%dma_wait3A_82 : memref<10240x128xf32, #tpu.memory_space<vmem_shared>>)
      %dma_start3A_83 = arith.constant 2 : i32
      %dma_start3A_84 = arith.constant 0 : i32
      %dma_start3A_85 = arith.constant 0 : i32
      %dma_start3A_86 = arith.constant 0 : i32
      %dma_start3A_87 = tpu.memref_slice %arg11[%dma_start3A_84, %dma_start3A_85, %dma_start3A_86] : memref<2x128x128xf32, #tpu.memory_space<vmem>> -> memref<1x128x128xf32, #tpu.memory_space<vmem>>
      %dma_start3A_88 = tpu.memref_squeeze %dma_start3A_87 : memref<1x128x128xf32, #tpu.memory_space<vmem>> -> memref<128x128xf32, #tpu.memory_space<vmem>>
      %dma_start3A_89 = arith.constant 0 : i32
      %dma_start3A_90 = tpu.memref_slice %arg7[%dma_start3A_83, %dma_start3A_89] : memref<8x128xi32, #tpu.memory_space<vmem>> -> memref<1x128xi32, #tpu.memory_space<vmem>>
      %dma_start3A_91 = tpu.memref_squeeze %dma_start3A_90 : memref<1x128xi32, #tpu.memory_space<vmem>> -> memref<128xi32, #tpu.memory_space<vmem>>
      %dma_start3A_92 = arith.constant 0 : i32
      %dma_start3A_93 = arith.constant 0 : i32
      %dma_start3A_94 = tpu.memref_slice %arg2[%dma_start3A_92, %dma_start3A_93] : memref<20480x128xf32, #tpu.memory_space<hbm>> -> memref<20480x128xf32, #tpu.memory_space<hbm>>
      tpu.enqueue_indirect_dma source(%dma_start3A_94 : memref<20480x128xf32, #tpu.memory_space<hbm>>) target(%dma_start3A_88 : memref<128x128xf32, #tpu.memory_space<vmem>>) offsets(%dma_start3A_91 : memref<128xi32, #tpu.memory_space<vmem>>) semaphore(%arg13 : memref<!tpu.dma_semaphore, #tpu.memory_space<semaphore_mem>>)
      %dma_wait3A_95 = arith.constant 1 : i32
      %dma_wait3A_96 = arith.constant 1 : i32
      %dma_wait3A_97 = arith.constant 0 : i32
      %dma_wait3A_98 = arith.constant 0 : i32
      %dma_wait3A_99 = tpu.memref_slice %arg11[%dma_wait3A_96, %dma_wait3A_97, %dma_wait3A_98] : memref<2x128x128xf32, #tpu.memory_space<vmem>> -> memref<1x128x128xf32, #tpu.memory_space<vmem>>
      %dma_wait3A_100 = tpu.memref_squeeze %dma_wait3A_99 : memref<1x128x128xf32, #tpu.memory_space<vmem>> -> memref<128x128xf32, #tpu.memory_space<vmem>>
      %dma_wait3A_101 = arith.constant 0 : i32
      %dma_wait3A_102 = tpu.memref_slice %arg7[%dma_wait3A_95, %dma_wait3A_101] : memref<8x128xi32, #tpu.memory_space<vmem>> -> memref<1x128xi32, #tpu.memory_space<vmem>>
      %dma_wait3A_103 = tpu.memref_squeeze %dma_wait3A_102 : memref<1x128xi32, #tpu.memory_space<vmem>> -> memref<128xi32, #tpu.memory_space<vmem>>
      %dma_wait3A_104 = arith.constant 0 : i32
      %dma_wait3A_105 = arith.constant 0 : i32
      %dma_wait3A_106 = tpu.memref_slice %arg2[%dma_wait3A_104, %dma_wait3A_105] : memref<20480x128xf32, #tpu.memory_space<hbm>> -> memref<20480x128xf32, #tpu.memory_space<hbm>>
      tpu.wait_indirect_dma semaphore(%arg14 : memref<!tpu.dma_semaphore, #tpu.memory_space<semaphore_mem>>) src(%dma_wait3A_106 : memref<20480x128xf32, #tpu.memory_space<hbm>>) dst(%dma_wait3A_100 : memref<128x128xf32, #tpu.memory_space<vmem>>)
      %dma_start3A_107 = arith.constant 1 : i32
      %dma_start3A_108 = arith.constant 1 : i32
      %dma_start3A_109 = arith.constant 0 : i32
      %dma_start3A_110 = arith.constant 0 : i32
      %dma_start3A_111 = tpu.memref_slice %arg11[%dma_start3A_107, %dma_start3A_109, %dma_start3A_110] : memref<2x128x128xf32, #tpu.memory_space<vmem>> -> memref<1x128x128xf32, #tpu.memory_space<vmem>>
      %dma_start3A_112 = tpu.memref_squeeze %dma_start3A_111 : memref<1x128x128xf32, #tpu.memory_space<vmem>> -> memref<128x128xf32, #tpu.memory_space<vmem>>
      %dma_start3A_113 = arith.constant 0 : i32
      %dma_start3A_114 = tpu.memref_slice %arg8[%dma_start3A_108, %dma_start3A_113] : memref<8x128xi32, #tpu.memory_space<vmem>> -> memref<1x128xi32, #tpu.memory_space<vmem>>
      %dma_start3A_115 = tpu.memref_squeeze %dma_start3A_114 : memref<1x128xi32, #tpu.memory_space<vmem>> -> memref<128xi32, #tpu.memory_space<vmem>>
      %dma_start3A_116 = arith.constant 0 : i32
      %dma_start3A_117 = arith.constant 0 : i32
      %dma_start3A_118 = tpu.memref_slice %arg12[%dma_start3A_116, %dma_start3A_117] : memref<10240x128xf32, #tpu.memory_space<vmem_shared>> -> memref<10240x128xf32, #tpu.memory_space<vmem_shared>>
      tpu.enqueue_indirect_dma source(%dma_start3A_112 : memref<128x128xf32, #tpu.memory_space<vmem>>) target(%dma_start3A_118 : memref<10240x128xf32, #tpu.memory_space<vmem_shared>>) offsets(%dma_start3A_115 : memref<128xi32, #tpu.memory_space<vmem>>) semaphore(%arg16 : memref<!tpu.dma_semaphore, #tpu.memory_space<semaphore_mem>>) {add = true}
      %dma_wait3A_119 = arith.constant 1 : i32
      %dma_wait3A_120 = arith.constant 1 : i32
      %dma_wait3A_121 = arith.constant 0 : i32
      %dma_wait3A_122 = arith.constant 0 : i32
      %dma_wait3A_123 = tpu.memref_slice %arg11[%dma_wait3A_119, %dma_wait3A_121, %dma_wait3A_122] : memref<2x128x128xf32, #tpu.memory_space<vmem>> -> memref<1x128x128xf32, #tpu.memory_space<vmem>>
      %dma_wait3A_124 = tpu.memref_squeeze %dma_wait3A_123 : memref<1x128x128xf32, #tpu.memory_space<vmem>> -> memref<128x128xf32, #tpu.memory_space<vmem>>
      %dma_wait3A_125 = arith.constant 0 : i32
      %dma_wait3A_126 = tpu.memref_slice %arg8[%dma_wait3A_120, %dma_wait3A_125] : memref<8x128xi32, #tpu.memory_space<vmem>> -> memref<1x128xi32, #tpu.memory_space<vmem>>
      %dma_wait3A_127 = tpu.memref_squeeze %dma_wait3A_126 : memref<1x128xi32, #tpu.memory_space<vmem>> -> memref<128xi32, #tpu.memory_space<vmem>>
      %dma_wait3A_128 = arith.constant 0 : i32
      %dma_wait3A_129 = arith.constant 0 : i32
      %dma_wait3A_130 = tpu.memref_slice %arg12[%dma_wait3A_128, %dma_wait3A_129] : memref<10240x128xf32, #tpu.memory_space<vmem_shared>> -> memref<10240x128xf32, #tpu.memory_space<vmem_shared>>
      tpu.wait_indirect_dma semaphore(%arg16 : memref<!tpu.dma_semaphore, #tpu.memory_space<semaphore_mem>>) src(%dma_wait3A_124 : memref<128x128xf32, #tpu.memory_space<vmem>>) dst(%dma_wait3A_130 : memref<10240x128xf32, #tpu.memory_space<vmem_shared>>)
      %dma_start3A_131 = arith.constant 3 : i32
      %dma_start3A_132 = arith.constant 1 : i32
      %dma_start3A_133 = arith.constant 0 : i32
      %dma_start3A_134 = arith.constant 0 : i32
      %dma_start3A_135 = tpu.memref_slice %arg11[%dma_start3A_132, %dma_start3A_133, %dma_start3A_134] : memref<2x128x128xf32, #tpu.memory_space<vmem>> -> memref<1x128x128xf32, #tpu.memory_space<vmem>>
      %dma_start3A_136 = tpu.memref_squeeze %dma_start3A_135 : memref<1x128x128xf32, #tpu.memory_space<vmem>> -> memref<128x128xf32, #tpu.memory_space<vmem>>
      %dma_start3A_137 = arith.constant 0 : i32
      %dma_start3A_138 = tpu.memref_slice %arg7[%dma_start3A_131, %dma_start3A_137] : memref<8x128xi32, #tpu.memory_space<vmem>> -> memref<1x128xi32, #tpu.memory_space<vmem>>
      %dma_start3A_139 = tpu.memref_squeeze %dma_start3A_138 : memref<1x128xi32, #tpu.memory_space<vmem>> -> memref<128xi32, #tpu.memory_space<vmem>>
      %dma_start3A_140 = arith.constant 0 : i32
      %dma_start3A_141 = arith.constant 0 : i32
      %dma_start3A_142 = tpu.memref_slice %arg2[%dma_start3A_140, %dma_start3A_141] : memref<20480x128xf32, #tpu.memory_space<hbm>> -> memref<20480x128xf32, #tpu.memory_space<hbm>>
      tpu.enqueue_indirect_dma source(%dma_start3A_142 : memref<20480x128xf32, #tpu.memory_space<hbm>>) target(%dma_start3A_136 : memref<128x128xf32, #tpu.memory_space<vmem>>) offsets(%dma_start3A_139 : memref<128xi32, #tpu.memory_space<vmem>>) semaphore(%arg14 : memref<!tpu.dma_semaphore, #tpu.memory_space<semaphore_mem>>)
      %dma_wait3A_143 = arith.constant 2 : i32
      %dma_wait3A_144 = arith.constant 0 : i32
      %dma_wait3A_145 = arith.constant 0 : i32
      %dma_wait3A_146 = arith.constant 0 : i32
      %dma_wait3A_147 = tpu.memref_slice %arg11[%dma_wait3A_144, %dma_wait3A_145, %dma_wait3A_146] : memref<2x128x128xf32, #tpu.memory_space<vmem>> -> memref<1x128x128xf32, #tpu.memory_space<vmem>>
      %dma_wait3A_148 = tpu.memref_squeeze %dma_wait3A_147 : memref<1x128x128xf32, #tpu.memory_space<vmem>> -> memref<128x128xf32, #tpu.memory_space<vmem>>
      %dma_wait3A_149 = arith.constant 0 : i32
      %dma_wait3A_150 = tpu.memref_slice %arg7[%dma_wait3A_143, %dma_wait3A_149] : memref<8x128xi32, #tpu.memory_space<vmem>> -> memref<1x128xi32, #tpu.memory_space<vmem>>
      %dma_wait3A_151 = tpu.memref_squeeze %dma_wait3A_150 : memref<1x128xi32, #tpu.memory_space<vmem>> -> memref<128xi32, #tpu.memory_space<vmem>>
      %dma_wait3A_152 = arith.constant 0 : i32
      %dma_wait3A_153 = arith.constant 0 : i32
      %dma_wait3A_154 = tpu.memref_slice %arg2[%dma_wait3A_152, %dma_wait3A_153] : memref<20480x128xf32, #tpu.memory_space<hbm>> -> memref<20480x128xf32, #tpu.memory_space<hbm>>
      tpu.wait_indirect_dma semaphore(%arg13 : memref<!tpu.dma_semaphore, #tpu.memory_space<semaphore_mem>>) src(%dma_wait3A_154 : memref<20480x128xf32, #tpu.memory_space<hbm>>) dst(%dma_wait3A_148 : memref<128x128xf32, #tpu.memory_space<vmem>>)
      %dma_start3A_155 = arith.constant 0 : i32
      %dma_start3A_156 = arith.constant 2 : i32
      %dma_start3A_157 = arith.constant 0 : i32
      %dma_start3A_158 = arith.constant 0 : i32
      %dma_start3A_159 = tpu.memref_slice %arg11[%dma_start3A_155, %dma_start3A_157, %dma_start3A_158] : memref<2x128x128xf32, #tpu.memory_space<vmem>> -> memref<1x128x128xf32, #tpu.memory_space<vmem>>
      %dma_start3A_160 = tpu.memref_squeeze %dma_start3A_159 : memref<1x128x128xf32, #tpu.memory_space<vmem>> -> memref<128x128xf32, #tpu.memory_space<vmem>>
      %dma_start3A_161 = arith.constant 0 : i32
      %dma_start3A_162 = tpu.memref_slice %arg8[%dma_start3A_156, %dma_start3A_161] : memref<8x128xi32, #tpu.memory_space<vmem>> -> memref<1x128xi32, #tpu.memory_space<vmem>>
      %dma_start3A_163 = tpu.memref_squeeze %dma_start3A_162 : memref<1x128xi32, #tpu.memory_space<vmem>> -> memref<128xi32, #tpu.memory_space<vmem>>
      %dma_start3A_164 = arith.constant 0 : i32
      %dma_start3A_165 = arith.constant 0 : i32
      %dma_start3A_166 = tpu.memref_slice %arg12[%dma_start3A_164, %dma_start3A_165] : memref<10240x128xf32, #tpu.memory_space<vmem_shared>> -> memref<10240x128xf32, #tpu.memory_space<vmem_shared>>
      tpu.enqueue_indirect_dma source(%dma_start3A_160 : memref<128x128xf32, #tpu.memory_space<vmem>>) target(%dma_start3A_166 : memref<10240x128xf32, #tpu.memory_space<vmem_shared>>) offsets(%dma_start3A_163 : memref<128xi32, #tpu.memory_space<vmem>>) semaphore(%arg15 : memref<!tpu.dma_semaphore, #tpu.memory_space<semaphore_mem>>) {add = true}
      %dma_wait3A_167 = arith.constant 0 : i32
      %dma_wait3A_168 = arith.constant 2 : i32
      %dma_wait3A_169 = arith.constant 0 : i32
      %dma_wait3A_170 = arith.constant 0 : i32
      %dma_wait3A_171 = tpu.memref_slice %arg11[%dma_wait3A_167, %dma_wait3A_169, %dma_wait3A_170] : memref<2x128x128xf32, #tpu.memory_space<vmem>> -> memref<1x128x128xf32, #tpu.memory_space<vmem>>
      %dma_wait3A_172 = tpu.memref_squeeze %dma_wait3A_171 : memref<1x128x128xf32, #tpu.memory_space<vmem>> -> memref<128x128xf32, #tpu.memory_space<vmem>>
      %dma_wait3A_173 = arith.constant 0 : i32
      %dma_wait3A_174 = tpu.memref_slice %arg8[%dma_wait3A_168, %dma_wait3A_173] : memref<8x128xi32, #tpu.memory_space<vmem>> -> memref<1x128xi32, #tpu.memory_space<vmem>>
      %dma_wait3A_175 = tpu.memref_squeeze %dma_wait3A_174 : memref<1x128xi32, #tpu.memory_space<vmem>> -> memref<128xi32, #tpu.memory_space<vmem>>
      %dma_wait3A_176 = arith.constant 0 : i32
      %dma_wait3A_177 = arith.constant 0 : i32
      %dma_wait3A_178 = tpu.memref_slice %arg12[%dma_wait3A_176, %dma_wait3A_177] : memref<10240x128xf32, #tpu.memory_space<vmem_shared>> -> memref<10240x128xf32, #tpu.memory_space<vmem_shared>>
      tpu.wait_indirect_dma semaphore(%arg15 : memref<!tpu.dma_semaphore, #tpu.memory_space<semaphore_mem>>) src(%dma_wait3A_172 : memref<128x128xf32, #tpu.memory_space<vmem>>) dst(%dma_wait3A_178 : memref<10240x128xf32, #tpu.memory_space<vmem_shared>>)
      %dma_start3A_179 = arith.constant 4 : i32
      %dma_start3A_180 = arith.constant 0 : i32
      %dma_start3A_181 = arith.constant 0 : i32
      %dma_start3A_182 = arith.constant 0 : i32
      %dma_start3A_183 = tpu.memref_slice %arg11[%dma_start3A_180, %dma_start3A_181, %dma_start3A_182] : memref<2x128x128xf32, #tpu.memory_space<vmem>> -> memref<1x128x128xf32, #tpu.memory_space<vmem>>
      %dma_start3A_184 = tpu.memref_squeeze %dma_start3A_183 : memref<1x128x128xf32, #tpu.memory_space<vmem>> -> memref<128x128xf32, #tpu.memory_space<vmem>>
      %dma_start3A_185 = arith.constant 0 : i32
      %dma_start3A_186 = tpu.memref_slice %arg7[%dma_start3A_179, %dma_start3A_185] : memref<8x128xi32, #tpu.memory_space<vmem>> -> memref<1x128xi32, #tpu.memory_space<vmem>>
      %dma_start3A_187 = tpu.memref_squeeze %dma_start3A_186 : memref<1x128xi32, #tpu.memory_space<vmem>> -> memref<128xi32, #tpu.memory_space<vmem>>
      %dma_start3A_188 = arith.constant 0 : i32
      %dma_start3A_189 = arith.constant 0 : i32
      %dma_start3A_190 = tpu.memref_slice %arg2[%dma_start3A_188, %dma_start3A_189] : memref<20480x128xf32, #tpu.memory_space<hbm>> -> memref<20480x128xf32, #tpu.memory_space<hbm>>
      tpu.enqueue_indirect_dma source(%dma_start3A_190 : memref<20480x128xf32, #tpu.memory_space<hbm>>) target(%dma_start3A_184 : memref<128x128xf32, #tpu.memory_space<vmem>>) offsets(%dma_start3A_187 : memref<128xi32, #tpu.memory_space<vmem>>) semaphore(%arg13 : memref<!tpu.dma_semaphore, #tpu.memory_space<semaphore_mem>>)
      %dma_wait3A_191 = arith.constant 3 : i32
      %dma_wait3A_192 = arith.constant 1 : i32
      %dma_wait3A_193 = arith.constant 0 : i32
      %dma_wait3A_194 = arith.constant 0 : i32
      %dma_wait3A_195 = tpu.memref_slice %arg11[%dma_wait3A_192, %dma_wait3A_193, %dma_wait3A_194] : memref<2x128x128xf32, #tpu.memory_space<vmem>> -> memref<1x128x128xf32, #tpu.memory_space<vmem>>
      %dma_wait3A_196 = tpu.memref_squeeze %dma_wait3A_195 : memref<1x128x128xf32, #tpu.memory_space<vmem>> -> memref<128x128xf32, #tpu.memory_space<vmem>>
      %dma_wait3A_197 = arith.constant 0 : i32
      %dma_wait3A_198 = tpu.memref_slice %arg7[%dma_wait3A_191, %dma_wait3A_197] : memref<8x128xi32, #tpu.memory_space<vmem>> -> memref<1x128xi32, #tpu.memory_space<vmem>>
      %dma_wait3A_199 = tpu.memref_squeeze %dma_wait3A_198 : memref<1x128xi32, #tpu.memory_space<vmem>> -> memref<128xi32, #tpu.memory_space<vmem>>
      %dma_wait3A_200 = arith.constant 0 : i32
      %dma_wait3A_201 = arith.constant 0 : i32
      %dma_wait3A_202 = tpu.memref_slice %arg2[%dma_wait3A_200, %dma_wait3A_201] : memref<20480x128xf32, #tpu.memory_space<hbm>> -> memref<20480x128xf32, #tpu.memory_space<hbm>>
      tpu.wait_indirect_dma semaphore(%arg14 : memref<!tpu.dma_semaphore, #tpu.memory_space<semaphore_mem>>) src(%dma_wait3A_202 : memref<20480x128xf32, #tpu.memory_space<hbm>>) dst(%dma_wait3A_196 : memref<128x128xf32, #tpu.memory_space<vmem>>)
      %dma_start3A_203 = arith.constant 1 : i32
      %dma_start3A_204 = arith.constant 3 : i32
      %dma_start3A_205 = arith.constant 0 : i32
      %dma_start3A_206 = arith.constant 0 : i32
      %dma_start3A_207 = tpu.memref_slice %arg11[%dma_start3A_203, %dma_start3A_205, %dma_start3A_206] : memref<2x128x128xf32, #tpu.memory_space<vmem>> -> memref<1x128x128xf32, #tpu.memory_space<vmem>>
      %dma_start3A_208 = tpu.memref_squeeze %dma_start3A_207 : memref<1x128x128xf32, #tpu.memory_space<vmem>> -> memref<128x128xf32, #tpu.memory_space<vmem>>
      %dma_start3A_209 = arith.constant 0 : i32
      %dma_start3A_210 = tpu.memref_slice %arg8[%dma_start3A_204, %dma_start3A_209] : memref<8x128xi32, #tpu.memory_space<vmem>> -> memref<1x128xi32, #tpu.memory_space<vmem>>
      %dma_start3A_211 = tpu.memref_squeeze %dma_start3A_210 : memref<1x128xi32, #tpu.memory_space<vmem>> -> memref<128xi32, #tpu.memory_space<vmem>>
      %dma_start3A_212 = arith.constant 0 : i32
      %dma_start3A_213 = arith.constant 0 : i32
      %dma_start3A_214 = tpu.memref_slice %arg12[%dma_start3A_212, %dma_start3A_213] : memref<10240x128xf32, #tpu.memory_space<vmem_shared>> -> memref<10240x128xf32, #tpu.memory_space<vmem_shared>>
      tpu.enqueue_indirect_dma source(%dma_start3A_208 : memref<128x128xf32, #tpu.memory_space<vmem>>) target(%dma_start3A_214 : memref<10240x128xf32, #tpu.memory_space<vmem_shared>>) offsets(%dma_start3A_211 : memref<128xi32, #tpu.memory_space<vmem>>) semaphore(%arg16 : memref<!tpu.dma_semaphore, #tpu.memory_space<semaphore_mem>>) {add = true}
      %dma_wait3A_215 = arith.constant 1 : i32
      %dma_wait3A_216 = arith.constant 3 : i32
      %dma_wait3A_217 = arith.constant 0 : i32
      %dma_wait3A_218 = arith.constant 0 : i32
      %dma_wait3A_219 = tpu.memref_slice %arg11[%dma_wait3A_215, %dma_wait3A_217, %dma_wait3A_218] : memref<2x128x128xf32, #tpu.memory_space<vmem>> -> memref<1x128x128xf32, #tpu.memory_space<vmem>>
      %dma_wait3A_220 = tpu.memref_squeeze %dma_wait3A_219 : memref<1x128x128xf32, #tpu.memory_space<vmem>> -> memref<128x128xf32, #tpu.memory_space<vmem>>
      %dma_wait3A_221 = arith.constant 0 : i32
      %dma_wait3A_222 = tpu.memref_slice %arg8[%dma_wait3A_216, %dma_wait3A_221] : memref<8x128xi32, #tpu.memory_space<vmem>> -> memref<1x128xi32, #tpu.memory_space<vmem>>
      %dma_wait3A_223 = tpu.memref_squeeze %dma_wait3A_222 : memref<1x128xi32, #tpu.memory_space<vmem>> -> memref<128xi32, #tpu.memory_space<vmem>>
      %dma_wait3A_224 = arith.constant 0 : i32
      %dma_wait3A_225 = arith.constant 0 : i32
      %dma_wait3A_226 = tpu.memref_slice %arg12[%dma_wait3A_224, %dma_wait3A_225] : memref<10240x128xf32, #tpu.memory_space<vmem_shared>> -> memref<10240x128xf32, #tpu.memory_space<vmem_shared>>
      tpu.wait_indirect_dma semaphore(%arg16 : memref<!tpu.dma_semaphore, #tpu.memory_space<semaphore_mem>>) src(%dma_wait3A_220 : memref<128x128xf32, #tpu.memory_space<vmem>>) dst(%dma_wait3A_226 : memref<10240x128xf32, #tpu.memory_space<vmem_shared>>)
      %dma_start3A_227 = arith.constant 5 : i32
      %dma_start3A_228 = arith.constant 1 : i32
      %dma_start3A_229 = arith.constant 0 : i32
      %dma_start3A_230 = arith.constant 0 : i32
      %dma_start3A_231 = tpu.memref_slice %arg11[%dma_start3A_228, %dma_start3A_229, %dma_start3A_230] : memref<2x128x128xf32, #tpu.memory_space<vmem>> -> memref<1x128x128xf32, #tpu.memory_space<vmem>>
      %dma_start3A_232 = tpu.memref_squeeze %dma_start3A_231 : memref<1x128x128xf32, #tpu.memory_space<vmem>> -> memref<128x128xf32, #tpu.memory_space<vmem>>
      %dma_start3A_233 = arith.constant 0 : i32
      %dma_start3A_234 = tpu.memref_slice %arg7[%dma_start3A_227, %dma_start3A_233] : memref<8x128xi32, #tpu.memory_space<vmem>> -> memref<1x128xi32, #tpu.memory_space<vmem>>
      %dma_start3A_235 = tpu.memref_squeeze %dma_start3A_234 : memref<1x128xi32, #tpu.memory_space<vmem>> -> memref<128xi32, #tpu.memory_space<vmem>>
      %dma_start3A_236 = arith.constant 0 : i32
      %dma_start3A_237 = arith.constant 0 : i32
      %dma_start3A_238 = tpu.memref_slice %arg2[%dma_start3A_236, %dma_start3A_237] : memref<20480x128xf32, #tpu.memory_space<hbm>> -> memref<20480x128xf32, #tpu.memory_space<hbm>>
      tpu.enqueue_indirect_dma source(%dma_start3A_238 : memref<20480x128xf32, #tpu.memory_space<hbm>>) target(%dma_start3A_232 : memref<128x128xf32, #tpu.memory_space<vmem>>) offsets(%dma_start3A_235 : memref<128xi32, #tpu.memory_space<vmem>>) semaphore(%arg14 : memref<!tpu.dma_semaphore, #tpu.memory_space<semaphore_mem>>)
      %dma_wait3A_239 = arith.constant 4 : i32
      %dma_wait3A_240 = arith.constant 0 : i32
      %dma_wait3A_241 = arith.constant 0 : i32
      %dma_wait3A_242 = arith.constant 0 : i32
      %dma_wait3A_243 = tpu.memref_slice %arg11[%dma_wait3A_240, %dma_wait3A_241, %dma_wait3A_242] : memref<2x128x128xf32, #tpu.memory_space<vmem>> -> memref<1x128x128xf32, #tpu.memory_space<vmem>>
      %dma_wait3A_244 = tpu.memref_squeeze %dma_wait3A_243 : memref<1x128x128xf32, #tpu.memory_space<vmem>> -> memref<128x128xf32, #tpu.memory_space<vmem>>
      %dma_wait3A_245 = arith.constant 0 : i32
      %dma_wait3A_246 = tpu.memref_slice %arg7[%dma_wait3A_239, %dma_wait3A_245] : memref<8x128xi32, #tpu.memory_space<vmem>> -> memref<1x128xi32, #tpu.memory_space<vmem>>
      %dma_wait3A_247 = tpu.memref_squeeze %dma_wait3A_246 : memref<1x128xi32, #tpu.memory_space<vmem>> -> memref<128xi32, #tpu.memory_space<vmem>>
      %dma_wait3A_248 = arith.constant 0 : i32
      %dma_wait3A_249 = arith.constant 0 : i32
      %dma_wait3A_250 = tpu.memref_slice %arg2[%dma_wait3A_248, %dma_wait3A_249] : memref<20480x128xf32, #tpu.memory_space<hbm>> -> memref<20480x128xf32, #tpu.memory_space<hbm>>
      tpu.wait_indirect_dma semaphore(%arg13 : memref<!tpu.dma_semaphore, #tpu.memory_space<semaphore_mem>>) src(%dma_wait3A_250 : memref<20480x128xf32, #tpu.memory_space<hbm>>) dst(%dma_wait3A_244 : memref<128x128xf32, #tpu.memory_space<vmem>>)
      %dma_start3A_251 = arith.constant 0 : i32
      %dma_start3A_252 = arith.constant 4 : i32
      %dma_start3A_253 = arith.constant 0 : i32
      %dma_start3A_254 = arith.constant 0 : i32
      %dma_start3A_255 = tpu.memref_slice %arg11[%dma_start3A_251, %dma_start3A_253, %dma_start3A_254] : memref<2x128x128xf32, #tpu.memory_space<vmem>> -> memref<1x128x128xf32, #tpu.memory_space<vmem>>
      %dma_start3A_256 = tpu.memref_squeeze %dma_start3A_255 : memref<1x128x128xf32, #tpu.memory_space<vmem>> -> memref<128x128xf32, #tpu.memory_space<vmem>>
      %dma_start3A_257 = arith.constant 0 : i32
      %dma_start3A_258 = tpu.memref_slice %arg8[%dma_start3A_252, %dma_start3A_257] : memref<8x128xi32, #tpu.memory_space<vmem>> -> memref<1x128xi32, #tpu.memory_space<vmem>>
      %dma_start3A_259 = tpu.memref_squeeze %dma_start3A_258 : memref<1x128xi32, #tpu.memory_space<vmem>> -> memref<128xi32, #tpu.memory_space<vmem>>
      %dma_start3A_260 = arith.constant 0 : i32
      %dma_start3A_261 = arith.constant 0 : i32
      %dma_start3A_262 = tpu.memref_slice %arg12[%dma_start3A_260, %dma_start3A_261] : memref<10240x128xf32, #tpu.memory_space<vmem_shared>> -> memref<10240x128xf32, #tpu.memory_space<vmem_shared>>
      tpu.enqueue_indirect_dma source(%dma_start3A_256 : memref<128x128xf32, #tpu.memory_space<vmem>>) target(%dma_start3A_262 : memref<10240x128xf32, #tpu.memory_space<vmem_shared>>) offsets(%dma_start3A_259 : memref<128xi32, #tpu.memory_space<vmem>>) semaphore(%arg15 : memref<!tpu.dma_semaphore, #tpu.memory_space<semaphore_mem>>) {add = true}
      %dma_wait3A_263 = arith.constant 0 : i32
      %dma_wait3A_264 = arith.constant 4 : i32
      %dma_wait3A_265 = arith.constant 0 : i32
      %dma_wait3A_266 = arith.constant 0 : i32
      %dma_wait3A_267 = tpu.memref_slice %arg11[%dma_wait3A_263, %dma_wait3A_265, %dma_wait3A_266] : memref<2x128x128xf32, #tpu.memory_space<vmem>> -> memref<1x128x128xf32, #tpu.memory_space<vmem>>
      %dma_wait3A_268 = tpu.memref_squeeze %dma_wait3A_267 : memref<1x128x128xf32, #tpu.memory_space<vmem>> -> memref<128x128xf32, #tpu.memory_space<vmem>>
      %dma_wait3A_269 = arith.constant 0 : i32
      %dma_wait3A_270 = tpu.memref_slice %arg8[%dma_wait3A_264, %dma_wait3A_269] : memref<8x128xi32, #tpu.memory_space<vmem>> -> memref<1x128xi32, #tpu.memory_space<vmem>>
      %dma_wait3A_271 = tpu.memref_squeeze %dma_wait3A_270 : memref<1x128xi32, #tpu.memory_space<vmem>> -> memref<128xi32, #tpu.memory_space<vmem>>
      %dma_wait3A_272 = arith.constant 0 : i32
      %dma_wait3A_273 = arith.constant 0 : i32
      %dma_wait3A_274 = tpu.memref_slice %arg12[%dma_wait3A_272, %dma_wait3A_273] : memref<10240x128xf32, #tpu.memory_space<vmem_shared>> -> memref<10240x128xf32, #tpu.memory_space<vmem_shared>>
      tpu.wait_indirect_dma semaphore(%arg15 : memref<!tpu.dma_semaphore, #tpu.memory_space<semaphore_mem>>) src(%dma_wait3A_268 : memref<128x128xf32, #tpu.memory_space<vmem>>) dst(%dma_wait3A_274 : memref<10240x128xf32, #tpu.memory_space<vmem_shared>>)
      %dma_start3A_275 = arith.constant 6 : i32
      %dma_start3A_276 = arith.constant 0 : i32
      %dma_start3A_277 = arith.constant 0 : i32
      %dma_start3A_278 = arith.constant 0 : i32
      %dma_start3A_279 = tpu.memref_slice %arg11[%dma_start3A_276, %dma_start3A_277, %dma_start3A_278] : memref<2x128x128xf32, #tpu.memory_space<vmem>> -> memref<1x128x128xf32, #tpu.memory_space<vmem>>
      %dma_start3A_280 = tpu.memref_squeeze %dma_start3A_279 : memref<1x128x128xf32, #tpu.memory_space<vmem>> -> memref<128x128xf32, #tpu.memory_space<vmem>>
      %dma_start3A_281 = arith.constant 0 : i32
      %dma_start3A_282 = tpu.memref_slice %arg7[%dma_start3A_275, %dma_start3A_281] : memref<8x128xi32, #tpu.memory_space<vmem>> -> memref<1x128xi32, #tpu.memory_space<vmem>>
      %dma_start3A_283 = tpu.memref_squeeze %dma_start3A_282 : memref<1x128xi32, #tpu.memory_space<vmem>> -> memref<128xi32, #tpu.memory_space<vmem>>
      %dma_start3A_284 = arith.constant 0 : i32
      %dma_start3A_285 = arith.constant 0 : i32
      %dma_start3A_286 = tpu.memref_slice %arg2[%dma_start3A_284, %dma_start3A_285] : memref<20480x128xf32, #tpu.memory_space<hbm>> -> memref<20480x128xf32, #tpu.memory_space<hbm>>
      tpu.enqueue_indirect_dma source(%dma_start3A_286 : memref<20480x128xf32, #tpu.memory_space<hbm>>) target(%dma_start3A_280 : memref<128x128xf32, #tpu.memory_space<vmem>>) offsets(%dma_start3A_283 : memref<128xi32, #tpu.memory_space<vmem>>) semaphore(%arg13 : memref<!tpu.dma_semaphore, #tpu.memory_space<semaphore_mem>>)
      %dma_wait3A_287 = arith.constant 5 : i32
      %dma_wait3A_288 = arith.constant 1 : i32
      %dma_wait3A_289 = arith.constant 0 : i32
      %dma_wait3A_290 = arith.constant 0 : i32
      %dma_wait3A_291 = tpu.memref_slice %arg11[%dma_wait3A_288, %dma_wait3A_289, %dma_wait3A_290] : memref<2x128x128xf32, #tpu.memory_space<vmem>> -> memref<1x128x128xf32, #tpu.memory_space<vmem>>
      %dma_wait3A_292 = tpu.memref_squeeze %dma_wait3A_291 : memref<1x128x128xf32, #tpu.memory_space<vmem>> -> memref<128x128xf32, #tpu.memory_space<vmem>>
      %dma_wait3A_293 = arith.constant 0 : i32
      %dma_wait3A_294 = tpu.memref_slice %arg7[%dma_wait3A_287, %dma_wait3A_293] : memref<8x128xi32, #tpu.memory_space<vmem>> -> memref<1x128xi32, #tpu.memory_space<vmem>>
      %dma_wait3A_295 = tpu.memref_squeeze %dma_wait3A_294 : memref<1x128xi32, #tpu.memory_space<vmem>> -> memref<128xi32, #tpu.memory_space<vmem>>
      %dma_wait3A_296 = arith.constant 0 : i32
      %dma_wait3A_297 = arith.constant 0 : i32
      %dma_wait3A_298 = tpu.memref_slice %arg2[%dma_wait3A_296, %dma_wait3A_297] : memref<20480x128xf32, #tpu.memory_space<hbm>> -> memref<20480x128xf32, #tpu.memory_space<hbm>>
      tpu.wait_indirect_dma semaphore(%arg14 : memref<!tpu.dma_semaphore, #tpu.memory_space<semaphore_mem>>) src(%dma_wait3A_298 : memref<20480x128xf32, #tpu.memory_space<hbm>>) dst(%dma_wait3A_292 : memref<128x128xf32, #tpu.memory_space<vmem>>)
      %dma_start3A_299 = arith.constant 1 : i32
      %dma_start3A_300 = arith.constant 5 : i32
      %dma_start3A_301 = arith.constant 0 : i32
      %dma_start3A_302 = arith.constant 0 : i32
      %dma_start3A_303 = tpu.memref_slice %arg11[%dma_start3A_299, %dma_start3A_301, %dma_start3A_302] : memref<2x128x128xf32, #tpu.memory_space<vmem>> -> memref<1x128x128xf32, #tpu.memory_space<vmem>>
      %dma_start3A_304 = tpu.memref_squeeze %dma_start3A_303 : memref<1x128x128xf32, #tpu.memory_space<vmem>> -> memref<128x128xf32, #tpu.memory_space<vmem>>
      %dma_start3A_305 = arith.constant 0 : i32
      %dma_start3A_306 = tpu.memref_slice %arg8[%dma_start3A_300, %dma_start3A_305] : memref<8x128xi32, #tpu.memory_space<vmem>> -> memref<1x128xi32, #tpu.memory_space<vmem>>
      %dma_start3A_307 = tpu.memref_squeeze %dma_start3A_306 : memref<1x128xi32, #tpu.memory_space<vmem>> -> memref<128xi32, #tpu.memory_space<vmem>>
      %dma_start3A_308 = arith.constant 0 : i32
      %dma_start3A_309 = arith.constant 0 : i32
      %dma_start3A_310 = tpu.memref_slice %arg12[%dma_start3A_308, %dma_start3A_309] : memref<10240x128xf32, #tpu.memory_space<vmem_shared>> -> memref<10240x128xf32, #tpu.memory_space<vmem_shared>>
      tpu.enqueue_indirect_dma source(%dma_start3A_304 : memref<128x128xf32, #tpu.memory_space<vmem>>) target(%dma_start3A_310 : memref<10240x128xf32, #tpu.memory_space<vmem_shared>>) offsets(%dma_start3A_307 : memref<128xi32, #tpu.memory_space<vmem>>) semaphore(%arg16 : memref<!tpu.dma_semaphore, #tpu.memory_space<semaphore_mem>>) {add = true}
      %dma_wait3A_311 = arith.constant 1 : i32
      %dma_wait3A_312 = arith.constant 5 : i32
      %dma_wait3A_313 = arith.constant 0 : i32
      %dma_wait3A_314 = arith.constant 0 : i32
      %dma_wait3A_315 = tpu.memref_slice %arg11[%dma_wait3A_311, %dma_wait3A_313, %dma_wait3A_314] : memref<2x128x128xf32, #tpu.memory_space<vmem>> -> memref<1x128x128xf32, #tpu.memory_space<vmem>>
      %dma_wait3A_316 = tpu.memref_squeeze %dma_wait3A_315 : memref<1x128x128xf32, #tpu.memory_space<vmem>> -> memref<128x128xf32, #tpu.memory_space<vmem>>
      %dma_wait3A_317 = arith.constant 0 : i32
      %dma_wait3A_318 = tpu.memref_slice %arg8[%dma_wait3A_312, %dma_wait3A_317] : memref<8x128xi32, #tpu.memory_space<vmem>> -> memref<1x128xi32, #tpu.memory_space<vmem>>
      %dma_wait3A_319 = tpu.memref_squeeze %dma_wait3A_318 : memref<1x128xi32, #tpu.memory_space<vmem>> -> memref<128xi32, #tpu.memory_space<vmem>>
      %dma_wait3A_320 = arith.constant 0 : i32
      %dma_wait3A_321 = arith.constant 0 : i32
      %dma_wait3A_322 = tpu.memref_slice %arg12[%dma_wait3A_320, %dma_wait3A_321] : memref<10240x128xf32, #tpu.memory_space<vmem_shared>> -> memref<10240x128xf32, #tpu.memory_space<vmem_shared>>
      tpu.wait_indirect_dma semaphore(%arg16 : memref<!tpu.dma_semaphore, #tpu.memory_space<semaphore_mem>>) src(%dma_wait3A_316 : memref<128x128xf32, #tpu.memory_space<vmem>>) dst(%dma_wait3A_322 : memref<10240x128xf32, #tpu.memory_space<vmem_shared>>)
      %dma_start3A_323 = arith.constant 7 : i32
      %dma_start3A_324 = arith.constant 1 : i32
      %dma_start3A_325 = arith.constant 0 : i32
      %dma_start3A_326 = arith.constant 0 : i32
      %dma_start3A_327 = tpu.memref_slice %arg11[%dma_start3A_324, %dma_start3A_325, %dma_start3A_326] : memref<2x128x128xf32, #tpu.memory_space<vmem>> -> memref<1x128x128xf32, #tpu.memory_space<vmem>>
      %dma_start3A_328 = tpu.memref_squeeze %dma_start3A_327 : memref<1x128x128xf32, #tpu.memory_space<vmem>> -> memref<128x128xf32, #tpu.memory_space<vmem>>
      %dma_start3A_329 = arith.constant 0 : i32
      %dma_start3A_330 = tpu.memref_slice %arg7[%dma_start3A_323, %dma_start3A_329] : memref<8x128xi32, #tpu.memory_space<vmem>> -> memref<1x128xi32, #tpu.memory_space<vmem>>
      %dma_start3A_331 = tpu.memref_squeeze %dma_start3A_330 : memref<1x128xi32, #tpu.memory_space<vmem>> -> memref<128xi32, #tpu.memory_space<vmem>>
      %dma_start3A_332 = arith.constant 0 : i32
      %dma_start3A_333 = arith.constant 0 : i32
      %dma_start3A_334 = tpu.memref_slice %arg2[%dma_start3A_332, %dma_start3A_333] : memref<20480x128xf32, #tpu.memory_space<hbm>> -> memref<20480x128xf32, #tpu.memory_space<hbm>>
      tpu.enqueue_indirect_dma source(%dma_start3A_334 : memref<20480x128xf32, #tpu.memory_space<hbm>>) target(%dma_start3A_328 : memref<128x128xf32, #tpu.memory_space<vmem>>) offsets(%dma_start3A_331 : memref<128xi32, #tpu.memory_space<vmem>>) semaphore(%arg14 : memref<!tpu.dma_semaphore, #tpu.memory_space<semaphore_mem>>)
      %dma_wait3A_335 = arith.constant 6 : i32
      %dma_wait3A_336 = arith.constant 0 : i32
      %dma_wait3A_337 = arith.constant 0 : i32
      %dma_wait3A_338 = arith.constant 0 : i32
      %dma_wait3A_339 = tpu.memref_slice %arg11[%dma_wait3A_336, %dma_wait3A_337, %dma_wait3A_338] : memref<2x128x128xf32, #tpu.memory_space<vmem>> -> memref<1x128x128xf32, #tpu.memory_space<vmem>>
      %dma_wait3A_340 = tpu.memref_squeeze %dma_wait3A_339 : memref<1x128x128xf32, #tpu.memory_space<vmem>> -> memref<128x128xf32, #tpu.memory_space<vmem>>
      %dma_wait3A_341 = arith.constant 0 : i32
      %dma_wait3A_342 = tpu.memref_slice %arg7[%dma_wait3A_335, %dma_wait3A_341] : memref<8x128xi32, #tpu.memory_space<vmem>> -> memref<1x128xi32, #tpu.memory_space<vmem>>
      %dma_wait3A_343 = tpu.memref_squeeze %dma_wait3A_342 : memref<1x128xi32, #tpu.memory_space<vmem>> -> memref<128xi32, #tpu.memory_space<vmem>>
      %dma_wait3A_344 = arith.constant 0 : i32
      %dma_wait3A_345 = arith.constant 0 : i32
      %dma_wait3A_346 = tpu.memref_slice %arg2[%dma_wait3A_344, %dma_wait3A_345] : memref<20480x128xf32, #tpu.memory_space<hbm>> -> memref<20480x128xf32, #tpu.memory_space<hbm>>
      tpu.wait_indirect_dma semaphore(%arg13 : memref<!tpu.dma_semaphore, #tpu.memory_space<semaphore_mem>>) src(%dma_wait3A_346 : memref<20480x128xf32, #tpu.memory_space<hbm>>) dst(%dma_wait3A_340 : memref<128x128xf32, #tpu.memory_space<vmem>>)
      %dma_start3A_347 = arith.constant 0 : i32
      %dma_start3A_348 = arith.constant 6 : i32
      %dma_start3A_349 = arith.constant 0 : i32
      %dma_start3A_350 = arith.constant 0 : i32
      %dma_start3A_351 = tpu.memref_slice %arg11[%dma_start3A_347, %dma_start3A_349, %dma_start3A_350] : memref<2x128x128xf32, #tpu.memory_space<vmem>> -> memref<1x128x128xf32, #tpu.memory_space<vmem>>
      %dma_start3A_352 = tpu.memref_squeeze %dma_start3A_351 : memref<1x128x128xf32, #tpu.memory_space<vmem>> -> memref<128x128xf32, #tpu.memory_space<vmem>>
      %dma_start3A_353 = arith.constant 0 : i32
      %dma_start3A_354 = tpu.memref_slice %arg8[%dma_start3A_348, %dma_start3A_353] : memref<8x128xi32, #tpu.memory_space<vmem>> -> memref<1x128xi32, #tpu.memory_space<vmem>>
      %dma_start3A_355 = tpu.memref_squeeze %dma_start3A_354 : memref<1x128xi32, #tpu.memory_space<vmem>> -> memref<128xi32, #tpu.memory_space<vmem>>
      %dma_start3A_356 = arith.constant 0 : i32
      %dma_start3A_357 = arith.constant 0 : i32
      %dma_start3A_358 = tpu.memref_slice %arg12[%dma_start3A_356, %dma_start3A_357] : memref<10240x128xf32, #tpu.memory_space<vmem_shared>> -> memref<10240x128xf32, #tpu.memory_space<vmem_shared>>
      tpu.enqueue_indirect_dma source(%dma_start3A_352 : memref<128x128xf32, #tpu.memory_space<vmem>>) target(%dma_start3A_358 : memref<10240x128xf32, #tpu.memory_space<vmem_shared>>) offsets(%dma_start3A_355 : memref<128xi32, #tpu.memory_space<vmem>>) semaphore(%arg15 : memref<!tpu.dma_semaphore, #tpu.memory_space<semaphore_mem>>) {add = true}
      %dma_wait3A_359 = arith.constant 7 : i32
      %dma_wait3A_360 = arith.constant 1 : i32
      %dma_wait3A_361 = arith.constant 0 : i32
      %dma_wait3A_362 = arith.constant 0 : i32
      %dma_wait3A_363 = tpu.memref_slice %arg11[%dma_wait3A_360, %dma_wait3A_361, %dma_wait3A_362] : memref<2x128x128xf32, #tpu.memory_space<vmem>> -> memref<1x128x128xf32, #tpu.memory_space<vmem>>
      %dma_wait3A_364 = tpu.memref_squeeze %dma_wait3A_363 : memref<1x128x128xf32, #tpu.memory_space<vmem>> -> memref<128x128xf32, #tpu.memory_space<vmem>>
      %dma_wait3A_365 = arith.constant 0 : i32
      %dma_wait3A_366 = tpu.memref_slice %arg7[%dma_wait3A_359, %dma_wait3A_365] : memref<8x128xi32, #tpu.memory_space<vmem>> -> memref<1x128xi32, #tpu.memory_space<vmem>>
      %dma_wait3A_367 = tpu.memref_squeeze %dma_wait3A_366 : memref<1x128xi32, #tpu.memory_space<vmem>> -> memref<128xi32, #tpu.memory_space<vmem>>
      %dma_wait3A_368 = arith.constant 0 : i32
      %dma_wait3A_369 = arith.constant 0 : i32
      %dma_wait3A_370 = tpu.memref_slice %arg2[%dma_wait3A_368, %dma_wait3A_369] : memref<20480x128xf32, #tpu.memory_space<hbm>> -> memref<20480x128xf32, #tpu.memory_space<hbm>>
      tpu.wait_indirect_dma semaphore(%arg14 : memref<!tpu.dma_semaphore, #tpu.memory_space<semaphore_mem>>) src(%dma_wait3A_370 : memref<20480x128xf32, #tpu.memory_space<hbm>>) dst(%dma_wait3A_364 : memref<128x128xf32, #tpu.memory_space<vmem>>)
      %dma_start3A_371 = arith.constant 1 : i32
      %dma_start3A_372 = arith.constant 7 : i32
      %dma_start3A_373 = arith.constant 0 : i32
      %dma_start3A_374 = arith.constant 0 : i32
      %dma_start3A_375 = tpu.memref_slice %arg11[%dma_start3A_371, %dma_start3A_373, %dma_start3A_374] : memref<2x128x128xf32, #tpu.memory_space<vmem>> -> memref<1x128x128xf32, #tpu.memory_space<vmem>>
      %dma_start3A_376 = tpu.memref_squeeze %dma_start3A_375 : memref<1x128x128xf32, #tpu.memory_space<vmem>> -> memref<128x128xf32, #tpu.memory_space<vmem>>
      %dma_start3A_377 = arith.constant 0 : i32
      %dma_start3A_378 = tpu.memref_slice %arg8[%dma_start3A_372, %dma_start3A_377] : memref<8x128xi32, #tpu.memory_space<vmem>> -> memref<1x128xi32, #tpu.memory_space<vmem>>
      %dma_start3A_379 = tpu.memref_squeeze %dma_start3A_378 : memref<1x128xi32, #tpu.memory_space<vmem>> -> memref<128xi32, #tpu.memory_space<vmem>>
      %dma_start3A_380 = arith.constant 0 : i32
      %dma_start3A_381 = arith.constant 0 : i32
      %dma_start3A_382 = tpu.memref_slice %arg12[%dma_start3A_380, %dma_start3A_381] : memref<10240x128xf32, #tpu.memory_space<vmem_shared>> -> memref<10240x128xf32, #tpu.memory_space<vmem_shared>>
      tpu.enqueue_indirect_dma source(%dma_start3A_376 : memref<128x128xf32, #tpu.memory_space<vmem>>) target(%dma_start3A_382 : memref<10240x128xf32, #tpu.memory_space<vmem_shared>>) offsets(%dma_start3A_379 : memref<128xi32, #tpu.memory_space<vmem>>) semaphore(%arg16 : memref<!tpu.dma_semaphore, #tpu.memory_space<semaphore_mem>>) {add = true}
      %dma_wait3A_383 = arith.constant 0 : i32
      %dma_wait3A_384 = arith.constant 6 : i32
      %dma_wait3A_385 = arith.constant 0 : i32
      %dma_wait3A_386 = arith.constant 0 : i32
      %dma_wait3A_387 = tpu.memref_slice %arg11[%dma_wait3A_383, %dma_wait3A_385, %dma_wait3A_386] : memref<2x128x128xf32, #tpu.memory_space<vmem>> -> memref<1x128x128xf32, #tpu.memory_space<vmem>>
      %dma_wait3A_388 = tpu.memref_squeeze %dma_wait3A_387 : memref<1x128x128xf32, #tpu.memory_space<vmem>> -> memref<128x128xf32, #tpu.memory_space<vmem>>
      %dma_wait3A_389 = arith.constant 0 : i32
      %dma_wait3A_390 = tpu.memref_slice %arg8[%dma_wait3A_384, %dma_wait3A_389] : memref<8x128xi32, #tpu.memory_space<vmem>> -> memref<1x128xi32, #tpu.memory_space<vmem>>
      %dma_wait3A_391 = tpu.memref_squeeze %dma_wait3A_390 : memref<1x128xi32, #tpu.memory_space<vmem>> -> memref<128xi32, #tpu.memory_space<vmem>>
      %dma_wait3A_392 = arith.constant 0 : i32
      %dma_wait3A_393 = arith.constant 0 : i32
      %dma_wait3A_394 = tpu.memref_slice %arg12[%dma_wait3A_392, %dma_wait3A_393] : memref<10240x128xf32, #tpu.memory_space<vmem_shared>> -> memref<10240x128xf32, #tpu.memory_space<vmem_shared>>
      tpu.wait_indirect_dma semaphore(%arg15 : memref<!tpu.dma_semaphore, #tpu.memory_space<semaphore_mem>>) src(%dma_wait3A_388 : memref<128x128xf32, #tpu.memory_space<vmem>>) dst(%dma_wait3A_394 : memref<10240x128xf32, #tpu.memory_space<vmem_shared>>)
      %dma_wait3A_395 = arith.constant 1 : i32
      %dma_wait3A_396 = arith.constant 7 : i32
      %dma_wait3A_397 = arith.constant 0 : i32
      %dma_wait3A_398 = arith.constant 0 : i32
      %dma_wait3A_399 = tpu.memref_slice %arg11[%dma_wait3A_395, %dma_wait3A_397, %dma_wait3A_398] : memref<2x128x128xf32, #tpu.memory_space<vmem>> -> memref<1x128x128xf32, #tpu.memory_space<vmem>>
      %dma_wait3A_400 = tpu.memref_squeeze %dma_wait3A_399 : memref<1x128x128xf32, #tpu.memory_space<vmem>> -> memref<128x128xf32, #tpu.memory_space<vmem>>
      %dma_wait3A_401 = arith.constant 0 : i32
      %dma_wait3A_402 = tpu.memref_slice %arg8[%dma_wait3A_396, %dma_wait3A_401] : memref<8x128xi32, #tpu.memory_space<vmem>> -> memref<1x128xi32, #tpu.memory_space<vmem>>
      %dma_wait3A_403 = tpu.memref_squeeze %dma_wait3A_402 : memref<1x128xi32, #tpu.memory_space<vmem>> -> memref<128xi32, #tpu.memory_space<vmem>>
      %dma_wait3A_404 = arith.constant 0 : i32
      %dma_wait3A_405 = arith.constant 0 : i32
      %dma_wait3A_406 = tpu.memref_slice %arg12[%dma_wait3A_404, %dma_wait3A_405] : memref<10240x128xf32, #tpu.memory_space<vmem_shared>> -> memref<10240x128xf32, #tpu.memory_space<vmem_shared>>
      tpu.wait_indirect_dma semaphore(%arg16 : memref<!tpu.dma_semaphore, #tpu.memory_space<semaphore_mem>>) src(%dma_wait3A_400 : memref<128x128xf32, #tpu.memory_space<vmem>>) dst(%dma_wait3A_406 : memref<10240x128xf32, #tpu.memory_space<vmem_shared>>)
      %add3A_407 = arith.constant 1 : i32
      %add3A_408 = arith.addi %mul3A_20, %add3A_407 : i32
      %lt3A_409 = arith.constant 20 : i32
      %lt3A_410 = arith.cmpi slt, %add3A_408, %lt3A_409 : i32
      %convert_element_type3A_411 = arith.extui %lt3A_410 : i1 to i32
      %cond3A_412 = arith.constant 0 : i32
      %cond3A_413 = arith.cmpi ne, %convert_element_type3A_411, %cond3A_412 : i32
      scf.if %cond3A_413 {
        %add3A_816 = arith.constant 1 : i32
        %add3A_817 = arith.addi %mul3A_20, %add3A_816 : i32
        %mul3A_818 = arith.constant 8 : i32
        %mul3A_819 = arith.muli %add3A_817, %mul3A_818 : i32
        %dma_wait3A_820 = arith.constant 0 : i32
        %dma_wait3A_821 = tpu.memref_slice %arg3[%add3A, %mul3A_819, %dma_wait3A_820] : memref<32x160x128xi32, #tpu.memory_space<hbm>> -> memref<1x8x128xi32, #tpu.memory_space<hbm>>
        %dma_wait3A_822 = tpu.memref_squeeze %dma_wait3A_821 : memref<1x8x128xi32, #tpu.memory_space<hbm>> -> memref<8x128xi32, #tpu.memory_space<hbm>>
        %dma_wait3A_823 = arith.constant 0 : i32
        %dma_wait3A_824 = tpu.memref_slice %arg3[%add3A, %mul3A_819, %dma_wait3A_823] : memref<32x160x128xi32, #tpu.memory_space<hbm>> -> memref<1x8x128xi32, #tpu.memory_space<hbm>>
        %dma_wait3A_825 = tpu.memref_squeeze %dma_wait3A_824 : memref<1x8x128xi32, #tpu.memory_space<hbm>> -> memref<8x128xi32, #tpu.memory_space<hbm>>
        tpu.wait_dma2 semaphore(%arg17 : memref<!tpu.dma_semaphore, #tpu.memory_space<semaphore_mem>>) src(%dma_wait3A_825 : memref<8x128xi32, #tpu.memory_space<hbm>>) dst(%arg9 : memref<8x128xi32, #tpu.memory_space<vmem>>)
        %add3A_826 = arith.constant 1 : i32
        %add3A_827 = arith.addi %mul3A_20, %add3A_826 : i32
        %mul3A_828 = arith.constant 8 : i32
        %mul3A_829 = arith.muli %add3A_827, %mul3A_828 : i32
        %dma_wait3A_830 = arith.constant 0 : i32
        %dma_wait3A_831 = tpu.memref_slice %arg4[%add3A, %mul3A_829, %dma_wait3A_830] : memref<32x160x128xi32, #tpu.memory_space<hbm>> -> memref<1x8x128xi32, #tpu.memory_space<hbm>>
        %dma_wait3A_832 = tpu.memref_squeeze %dma_wait3A_831 : memref<1x8x128xi32, #tpu.memory_space<hbm>> -> memref<8x128xi32, #tpu.memory_space<hbm>>
        %dma_wait3A_833 = arith.constant 0 : i32
        %dma_wait3A_834 = tpu.memref_slice %arg4[%add3A, %mul3A_829, %dma_wait3A_833] : memref<32x160x128xi32, #tpu.memory_space<hbm>> -> memref<1x8x128xi32, #tpu.memory_space<hbm>>
        %dma_wait3A_835 = tpu.memref_squeeze %dma_wait3A_834 : memref<1x8x128xi32, #tpu.memory_space<hbm>> -> memref<8x128xi32, #tpu.memory_space<hbm>>
        tpu.wait_dma2 semaphore(%arg17 : memref<!tpu.dma_semaphore, #tpu.memory_space<semaphore_mem>>) src(%dma_wait3A_835 : memref<8x128xi32, #tpu.memory_space<hbm>>) dst(%arg10 : memref<8x128xi32, #tpu.memory_space<vmem>>)
      } else {
      }
      %mul3A_414 = arith.constant 2 : i32
      %mul3A_415 = arith.muli %mul3A_414, %scan3A_18 : i32
      %add3A_416 = arith.constant 1 : i32
      %add3A_417 = arith.addi %mul3A_415, %add3A_416 : i32
      %add3A_418 = arith.constant 1 : i32
      %add3A_419 = arith.addi %add3A_417, %add3A_418 : i32
      %lt3A_420 = arith.constant 20 : i32
      %lt3A_421 = arith.cmpi slt, %add3A_419, %lt3A_420 : i32
      %convert_element_type3A_422 = arith.extui %lt3A_421 : i1 to i32
      %cond3A_423 = arith.constant 0 : i32
      %cond3A_424 = arith.cmpi ne, %convert_element_type3A_422, %cond3A_423 : i32
      scf.if %cond3A_424 {
        %add3A_816 = arith.constant 1 : i32
        %add3A_817 = arith.addi %add3A_417, %add3A_816 : i32
        %mul3A_818 = arith.constant 8 : i32
        %mul3A_819 = arith.muli %add3A_817, %mul3A_818 : i32
        %dma_start3A_820 = arith.constant 0 : i32
        %dma_start3A_821 = tpu.memref_slice %arg3[%add3A, %mul3A_819, %dma_start3A_820] : memref<32x160x128xi32, #tpu.memory_space<hbm>> -> memref<1x8x128xi32, #tpu.memory_space<hbm>>
        %dma_start3A_822 = tpu.memref_squeeze %dma_start3A_821 : memref<1x8x128xi32, #tpu.memory_space<hbm>> -> memref<8x128xi32, #tpu.memory_space<hbm>>
        %dma_start3A_823 = arith.constant 0 : i32
        %dma_start3A_824 = tpu.memref_slice %arg3[%add3A, %mul3A_819, %dma_start3A_823] : memref<32x160x128xi32, #tpu.memory_space<hbm>> -> memref<1x8x128xi32, #tpu.memory_space<hbm>>
        %dma_start3A_825 = tpu.memref_squeeze %dma_start3A_824 : memref<1x8x128xi32, #tpu.memory_space<hbm>> -> memref<8x128xi32, #tpu.memory_space<hbm>>
        tpu.enqueue_dma source(%dma_start3A_825 : memref<8x128xi32, #tpu.memory_space<hbm>>) target(%arg7 : memref<8x128xi32, #tpu.memory_space<vmem>>) target_semaphore(%arg17 : memref<!tpu.dma_semaphore, #tpu.memory_space<semaphore_mem>>)
        %add3A_826 = arith.constant 1 : i32
        %add3A_827 = arith.addi %add3A_417, %add3A_826 : i32
        %mul3A_828 = arith.constant 8 : i32
        %mul3A_829 = arith.muli %add3A_827, %mul3A_828 : i32
        %dma_start3A_830 = arith.constant 0 : i32
        %dma_start3A_831 = tpu.memref_slice %arg4[%add3A, %mul3A_829, %dma_start3A_830] : memref<32x160x128xi32, #tpu.memory_space<hbm>> -> memref<1x8x128xi32, #tpu.memory_space<hbm>>
        %dma_start3A_832 = tpu.memref_squeeze %dma_start3A_831 : memref<1x8x128xi32, #tpu.memory_space<hbm>> -> memref<8x128xi32, #tpu.memory_space<hbm>>
        %dma_start3A_833 = arith.constant 0 : i32
        %dma_start3A_834 = tpu.memref_slice %arg4[%add3A, %mul3A_829, %dma_start3A_833] : memref<32x160x128xi32, #tpu.memory_space<hbm>> -> memref<1x8x128xi32, #tpu.memory_space<hbm>>
        %dma_start3A_835 = tpu.memref_squeeze %dma_start3A_834 : memref<1x8x128xi32, #tpu.memory_space<hbm>> -> memref<8x128xi32, #tpu.memory_space<hbm>>
        tpu.enqueue_dma source(%dma_start3A_835 : memref<8x128xi32, #tpu.memory_space<hbm>>) target(%arg8 : memref<8x128xi32, #tpu.memory_space<vmem>>) target_semaphore(%arg17 : memref<!tpu.dma_semaphore, #tpu.memory_space<semaphore_mem>>)
      } else {
      }
      %dma_start3A_425 = arith.constant 0 : i32
      %dma_start3A_426 = arith.constant 0 : i32
      %dma_start3A_427 = arith.constant 0 : i32
      %dma_start3A_428 = arith.constant 0 : i32
      %dma_start3A_429 = tpu.memref_slice %arg11[%dma_start3A_426, %dma_start3A_427, %dma_start3A_428] : memref<2x128x128xf32, #tpu.memory_space<vmem>> -> memref<1x128x128xf32, #tpu.memory_space<vmem>>
      %dma_start3A_430 = tpu.memref_squeeze %dma_start3A_429 : memref<1x128x128xf32, #tpu.memory_space<vmem>> -> memref<128x128xf32, #tpu.memory_space<vmem>>
      %dma_start3A_431 = arith.constant 0 : i32
      %dma_start3A_432 = tpu.memref_slice %arg9[%dma_start3A_425, %dma_start3A_431] : memref<8x128xi32, #tpu.memory_space<vmem>> -> memref<1x128xi32, #tpu.memory_space<vmem>>
      %dma_start3A_433 = tpu.memref_squeeze %dma_start3A_432 : memref<1x128xi32, #tpu.memory_space<vmem>> -> memref<128xi32, #tpu.memory_space<vmem>>
      %dma_start3A_434 = arith.constant 0 : i32
      %dma_start3A_435 = arith.constant 0 : i32
      %dma_start3A_436 = tpu.memref_slice %arg2[%dma_start3A_434, %dma_start3A_435] : memref<20480x128xf32, #tpu.memory_space<hbm>> -> memref<20480x128xf32, #tpu.memory_space<hbm>>
      tpu.enqueue_indirect_dma source(%dma_start3A_436 : memref<20480x128xf32, #tpu.memory_space<hbm>>) target(%dma_start3A_430 : memref<128x128xf32, #tpu.memory_space<vmem>>) offsets(%dma_start3A_433 : memref<128xi32, #tpu.memory_space<vmem>>) semaphore(%arg13 : memref<!tpu.dma_semaphore, #tpu.memory_space<semaphore_mem>>)
      %dma_start3A_437 = arith.constant 1 : i32
      %dma_start3A_438 = arith.constant 1 : i32
      %dma_start3A_439 = arith.constant 0 : i32
      %dma_start3A_440 = arith.constant 0 : i32
      %dma_start3A_441 = tpu.memref_slice %arg11[%dma_start3A_438, %dma_start3A_439, %dma_start3A_440] : memref<2x128x128xf32, #tpu.memory_space<vmem>> -> memref<1x128x128xf32, #tpu.memory_space<vmem>>
      %dma_start3A_442 = tpu.memref_squeeze %dma_start3A_441 : memref<1x128x128xf32, #tpu.memory_space<vmem>> -> memref<128x128xf32, #tpu.memory_space<vmem>>
      %dma_start3A_443 = arith.constant 0 : i32
      %dma_start3A_444 = tpu.memref_slice %arg9[%dma_start3A_437, %dma_start3A_443] : memref<8x128xi32, #tpu.memory_space<vmem>> -> memref<1x128xi32, #tpu.memory_space<vmem>>
      %dma_start3A_445 = tpu.memref_squeeze %dma_start3A_444 : memref<1x128xi32, #tpu.memory_space<vmem>> -> memref<128xi32, #tpu.memory_space<vmem>>
      %dma_start3A_446 = arith.constant 0 : i32
      %dma_start3A_447 = arith.constant 0 : i32
      %dma_start3A_448 = tpu.memref_slice %arg2[%dma_start3A_446, %dma_start3A_447] : memref<20480x128xf32, #tpu.memory_space<hbm>> -> memref<20480x128xf32, #tpu.memory_space<hbm>>
      tpu.enqueue_indirect_dma source(%dma_start3A_448 : memref<20480x128xf32, #tpu.memory_space<hbm>>) target(%dma_start3A_442 : memref<128x128xf32, #tpu.memory_space<vmem>>) offsets(%dma_start3A_445 : memref<128xi32, #tpu.memory_space<vmem>>) semaphore(%arg14 : memref<!tpu.dma_semaphore, #tpu.memory_space<semaphore_mem>>)
      %dma_wait3A_449 = arith.constant 0 : i32
      %dma_wait3A_450 = arith.constant 0 : i32
      %dma_wait3A_451 = arith.constant 0 : i32
      %dma_wait3A_452 = arith.constant 0 : i32
      %dma_wait3A_453 = tpu.memref_slice %arg11[%dma_wait3A_450, %dma_wait3A_451, %dma_wait3A_452] : memref<2x128x128xf32, #tpu.memory_space<vmem>> -> memref<1x128x128xf32, #tpu.memory_space<vmem>>
      %dma_wait3A_454 = tpu.memref_squeeze %dma_wait3A_453 : memref<1x128x128xf32, #tpu.memory_space<vmem>> -> memref<128x128xf32, #tpu.memory_space<vmem>>
      %dma_wait3A_455 = arith.constant 0 : i32
      %dma_wait3A_456 = tpu.memref_slice %arg9[%dma_wait3A_449, %dma_wait3A_455] : memref<8x128xi32, #tpu.memory_space<vmem>> -> memref<1x128xi32, #tpu.memory_space<vmem>>
      %dma_wait3A_457 = tpu.memref_squeeze %dma_wait3A_456 : memref<1x128xi32, #tpu.memory_space<vmem>> -> memref<128xi32, #tpu.memory_space<vmem>>
      %dma_wait3A_458 = arith.constant 0 : i32
      %dma_wait3A_459 = arith.constant 0 : i32
      %dma_wait3A_460 = tpu.memref_slice %arg2[%dma_wait3A_458, %dma_wait3A_459] : memref<20480x128xf32, #tpu.memory_space<hbm>> -> memref<20480x128xf32, #tpu.memory_space<hbm>>
      tpu.wait_indirect_dma semaphore(%arg13 : memref<!tpu.dma_semaphore, #tpu.memory_space<semaphore_mem>>) src(%dma_wait3A_460 : memref<20480x128xf32, #tpu.memory_space<hbm>>) dst(%dma_wait3A_454 : memref<128x128xf32, #tpu.memory_space<vmem>>)
      %dma_start3A_461 = arith.constant 0 : i32
      %dma_start3A_462 = arith.constant 0 : i32
      %dma_start3A_463 = arith.constant 0 : i32
      %dma_start3A_464 = arith.constant 0 : i32
      %dma_start3A_465 = tpu.memref_slice %arg11[%dma_start3A_461, %dma_start3A_463, %dma_start3A_464] : memref<2x128x128xf32, #tpu.memory_space<vmem>> -> memref<1x128x128xf32, #tpu.memory_space<vmem>>
      %dma_start3A_466 = tpu.memref_squeeze %dma_start3A_465 : memref<1x128x128xf32, #tpu.memory_space<vmem>> -> memref<128x128xf32, #tpu.memory_space<vmem>>
      %dma_start3A_467 = arith.constant 0 : i32
      %dma_start3A_468 = tpu.memref_slice %arg10[%dma_start3A_462, %dma_start3A_467] : memref<8x128xi32, #tpu.memory_space<vmem>> -> memref<1x128xi32, #tpu.memory_space<vmem>>
      %dma_start3A_469 = tpu.memref_squeeze %dma_start3A_468 : memref<1x128xi32, #tpu.memory_space<vmem>> -> memref<128xi32, #tpu.memory_space<vmem>>
      %dma_start3A_470 = arith.constant 0 : i32
      %dma_start3A_471 = arith.constant 0 : i32
      %dma_start3A_472 = tpu.memref_slice %arg12[%dma_start3A_470, %dma_start3A_471] : memref<10240x128xf32, #tpu.memory_space<vmem_shared>> -> memref<10240x128xf32, #tpu.memory_space<vmem_shared>>
      tpu.enqueue_indirect_dma source(%dma_start3A_466 : memref<128x128xf32, #tpu.memory_space<vmem>>) target(%dma_start3A_472 : memref<10240x128xf32, #tpu.memory_space<vmem_shared>>) offsets(%dma_start3A_469 : memref<128xi32, #tpu.memory_space<vmem>>) semaphore(%arg15 : memref<!tpu.dma_semaphore, #tpu.memory_space<semaphore_mem>>) {add = true}
      %dma_wait3A_473 = arith.constant 0 : i32
      %dma_wait3A_474 = arith.constant 0 : i32
      %dma_wait3A_475 = arith.constant 0 : i32
      %dma_wait3A_476 = arith.constant 0 : i32
      %dma_wait3A_477 = tpu.memref_slice %arg11[%dma_wait3A_473, %dma_wait3A_475, %dma_wait3A_476] : memref<2x128x128xf32, #tpu.memory_space<vmem>> -> memref<1x128x128xf32, #tpu.memory_space<vmem>>
      %dma_wait3A_478 = tpu.memref_squeeze %dma_wait3A_477 : memref<1x128x128xf32, #tpu.memory_space<vmem>> -> memref<128x128xf32, #tpu.memory_space<vmem>>
      %dma_wait3A_479 = arith.constant 0 : i32
      %dma_wait3A_480 = tpu.memref_slice %arg10[%dma_wait3A_474, %dma_wait3A_479] : memref<8x128xi32, #tpu.memory_space<vmem>> -> memref<1x128xi32, #tpu.memory_space<vmem>>
      %dma_wait3A_481 = tpu.memref_squeeze %dma_wait3A_480 : memref<1x128xi32, #tpu.memory_space<vmem>> -> memref<128xi32, #tpu.memory_space<vmem>>
      %dma_wait3A_482 = arith.constant 0 : i32
      %dma_wait3A_483 = arith.constant 0 : i32
      %dma_wait3A_484 = tpu.memref_slice %arg12[%dma_wait3A_482, %dma_wait3A_483] : memref<10240x128xf32, #tpu.memory_space<vmem_shared>> -> memref<10240x128xf32, #tpu.memory_space<vmem_shared>>
      tpu.wait_indirect_dma semaphore(%arg15 : memref<!tpu.dma_semaphore, #tpu.memory_space<semaphore_mem>>) src(%dma_wait3A_478 : memref<128x128xf32, #tpu.memory_space<vmem>>) dst(%dma_wait3A_484 : memref<10240x128xf32, #tpu.memory_space<vmem_shared>>)
      %dma_start3A_485 = arith.constant 2 : i32
      %dma_start3A_486 = arith.constant 0 : i32
      %dma_start3A_487 = arith.constant 0 : i32
      %dma_start3A_488 = arith.constant 0 : i32
      %dma_start3A_489 = tpu.memref_slice %arg11[%dma_start3A_486, %dma_start3A_487, %dma_start3A_488] : memref<2x128x128xf32, #tpu.memory_space<vmem>> -> memref<1x128x128xf32, #tpu.memory_space<vmem>>
      %dma_start3A_490 = tpu.memref_squeeze %dma_start3A_489 : memref<1x128x128xf32, #tpu.memory_space<vmem>> -> memref<128x128xf32, #tpu.memory_space<vmem>>
      %dma_start3A_491 = arith.constant 0 : i32
      %dma_start3A_492 = tpu.memref_slice %arg9[%dma_start3A_485, %dma_start3A_491] : memref<8x128xi32, #tpu.memory_space<vmem>> -> memref<1x128xi32, #tpu.memory_space<vmem>>
      %dma_start3A_493 = tpu.memref_squeeze %dma_start3A_492 : memref<1x128xi32, #tpu.memory_space<vmem>> -> memref<128xi32, #tpu.memory_space<vmem>>
      %dma_start3A_494 = arith.constant 0 : i32
      %dma_start3A_495 = arith.constant 0 : i32
      %dma_start3A_496 = tpu.memref_slice %arg2[%dma_start3A_494, %dma_start3A_495] : memref<20480x128xf32, #tpu.memory_space<hbm>> -> memref<20480x128xf32, #tpu.memory_space<hbm>>
      tpu.enqueue_indirect_dma source(%dma_start3A_496 : memref<20480x128xf32, #tpu.memory_space<hbm>>) target(%dma_start3A_490 : memref<128x128xf32, #tpu.memory_space<vmem>>) offsets(%dma_start3A_493 : memref<128xi32, #tpu.memory_space<vmem>>) semaphore(%arg13 : memref<!tpu.dma_semaphore, #tpu.memory_space<semaphore_mem>>)
      %dma_wait3A_497 = arith.constant 1 : i32
      %dma_wait3A_498 = arith.constant 1 : i32
      %dma_wait3A_499 = arith.constant 0 : i32
      %dma_wait3A_500 = arith.constant 0 : i32
      %dma_wait3A_501 = tpu.memref_slice %arg11[%dma_wait3A_498, %dma_wait3A_499, %dma_wait3A_500] : memref<2x128x128xf32, #tpu.memory_space<vmem>> -> memref<1x128x128xf32, #tpu.memory_space<vmem>>
      %dma_wait3A_502 = tpu.memref_squeeze %dma_wait3A_501 : memref<1x128x128xf32, #tpu.memory_space<vmem>> -> memref<128x128xf32, #tpu.memory_space<vmem>>
      %dma_wait3A_503 = arith.constant 0 : i32
      %dma_wait3A_504 = tpu.memref_slice %arg9[%dma_wait3A_497, %dma_wait3A_503] : memref<8x128xi32, #tpu.memory_space<vmem>> -> memref<1x128xi32, #tpu.memory_space<vmem>>
      %dma_wait3A_505 = tpu.memref_squeeze %dma_wait3A_504 : memref<1x128xi32, #tpu.memory_space<vmem>> -> memref<128xi32, #tpu.memory_space<vmem>>
      %dma_wait3A_506 = arith.constant 0 : i32
      %dma_wait3A_507 = arith.constant 0 : i32
      %dma_wait3A_508 = tpu.memref_slice %arg2[%dma_wait3A_506, %dma_wait3A_507] : memref<20480x128xf32, #tpu.memory_space<hbm>> -> memref<20480x128xf32, #tpu.memory_space<hbm>>
      tpu.wait_indirect_dma semaphore(%arg14 : memref<!tpu.dma_semaphore, #tpu.memory_space<semaphore_mem>>) src(%dma_wait3A_508 : memref<20480x128xf32, #tpu.memory_space<hbm>>) dst(%dma_wait3A_502 : memref<128x128xf32, #tpu.memory_space<vmem>>)
      %dma_start3A_509 = arith.constant 1 : i32
      %dma_start3A_510 = arith.constant 1 : i32
      %dma_start3A_511 = arith.constant 0 : i32
      %dma_start3A_512 = arith.constant 0 : i32
      %dma_start3A_513 = tpu.memref_slice %arg11[%dma_start3A_509, %dma_start3A_511, %dma_start3A_512] : memref<2x128x128xf32, #tpu.memory_space<vmem>> -> memref<1x128x128xf32, #tpu.memory_space<vmem>>
      %dma_start3A_514 = tpu.memref_squeeze %dma_start3A_513 : memref<1x128x128xf32, #tpu.memory_space<vmem>> -> memref<128x128xf32, #tpu.memory_space<vmem>>
      %dma_start3A_515 = arith.constant 0 : i32
      %dma_start3A_516 = tpu.memref_slice %arg10[%dma_start3A_510, %dma_start3A_515] : memref<8x128xi32, #tpu.memory_space<vmem>> -> memref<1x128xi32, #tpu.memory_space<vmem>>
      %dma_start3A_517 = tpu.memref_squeeze %dma_start3A_516 : memref<1x128xi32, #tpu.memory_space<vmem>> -> memref<128xi32, #tpu.memory_space<vmem>>
      %dma_start3A_518 = arith.constant 0 : i32
      %dma_start3A_519 = arith.constant 0 : i32
      %dma_start3A_520 = tpu.memref_slice %arg12[%dma_start3A_518, %dma_start3A_519] : memref<10240x128xf32, #tpu.memory_space<vmem_shared>> -> memref<10240x128xf32, #tpu.memory_space<vmem_shared>>
      tpu.enqueue_indirect_dma source(%dma_start3A_514 : memref<128x128xf32, #tpu.memory_space<vmem>>) target(%dma_start3A_520 : memref<10240x128xf32, #tpu.memory_space<vmem_shared>>) offsets(%dma_start3A_517 : memref<128xi32, #tpu.memory_space<vmem>>) semaphore(%arg16 : memref<!tpu.dma_semaphore, #tpu.memory_space<semaphore_mem>>) {add = true}
      %dma_wait3A_521 = arith.constant 1 : i32
      %dma_wait3A_522 = arith.constant 1 : i32
      %dma_wait3A_523 = arith.constant 0 : i32
      %dma_wait3A_524 = arith.constant 0 : i32
      %dma_wait3A_525 = tpu.memref_slice %arg11[%dma_wait3A_521, %dma_wait3A_523, %dma_wait3A_524] : memref<2x128x128xf32, #tpu.memory_space<vmem>> -> memref<1x128x128xf32, #tpu.memory_space<vmem>>
      %dma_wait3A_526 = tpu.memref_squeeze %dma_wait3A_525 : memref<1x128x128xf32, #tpu.memory_space<vmem>> -> memref<128x128xf32, #tpu.memory_space<vmem>>
      %dma_wait3A_527 = arith.constant 0 : i32
      %dma_wait3A_528 = tpu.memref_slice %arg10[%dma_wait3A_522, %dma_wait3A_527] : memref<8x128xi32, #tpu.memory_space<vmem>> -> memref<1x128xi32, #tpu.memory_space<vmem>>
      %dma_wait3A_529 = tpu.memref_squeeze %dma_wait3A_528 : memref<1x128xi32, #tpu.memory_space<vmem>> -> memref<128xi32, #tpu.memory_space<vmem>>
      %dma_wait3A_530 = arith.constant 0 : i32
      %dma_wait3A_531 = arith.constant 0 : i32
      %dma_wait3A_532 = tpu.memref_slice %arg12[%dma_wait3A_530, %dma_wait3A_531] : memref<10240x128xf32, #tpu.memory_space<vmem_shared>> -> memref<10240x128xf32, #tpu.memory_space<vmem_shared>>
      tpu.wait_indirect_dma semaphore(%arg16 : memref<!tpu.dma_semaphore, #tpu.memory_space<semaphore_mem>>) src(%dma_wait3A_526 : memref<128x128xf32, #tpu.memory_space<vmem>>) dst(%dma_wait3A_532 : memref<10240x128xf32, #tpu.memory_space<vmem_shared>>)
      %dma_start3A_533 = arith.constant 3 : i32
      %dma_start3A_534 = arith.constant 1 : i32
      %dma_start3A_535 = arith.constant 0 : i32
      %dma_start3A_536 = arith.constant 0 : i32
      %dma_start3A_537 = tpu.memref_slice %arg11[%dma_start3A_534, %dma_start3A_535, %dma_start3A_536] : memref<2x128x128xf32, #tpu.memory_space<vmem>> -> memref<1x128x128xf32, #tpu.memory_space<vmem>>
      %dma_start3A_538 = tpu.memref_squeeze %dma_start3A_537 : memref<1x128x128xf32, #tpu.memory_space<vmem>> -> memref<128x128xf32, #tpu.memory_space<vmem>>
      %dma_start3A_539 = arith.constant 0 : i32
      %dma_start3A_540 = tpu.memref_slice %arg9[%dma_start3A_533, %dma_start3A_539] : memref<8x128xi32, #tpu.memory_space<vmem>> -> memref<1x128xi32, #tpu.memory_space<vmem>>
      %dma_start3A_541 = tpu.memref_squeeze %dma_start3A_540 : memref<1x128xi32, #tpu.memory_space<vmem>> -> memref<128xi32, #tpu.memory_space<vmem>>
      %dma_start3A_542 = arith.constant 0 : i32
      %dma_start3A_543 = arith.constant 0 : i32
      %dma_start3A_544 = tpu.memref_slice %arg2[%dma_start3A_542, %dma_start3A_543] : memref<20480x128xf32, #tpu.memory_space<hbm>> -> memref<20480x128xf32, #tpu.memory_space<hbm>>
      tpu.enqueue_indirect_dma source(%dma_start3A_544 : memref<20480x128xf32, #tpu.memory_space<hbm>>) target(%dma_start3A_538 : memref<128x128xf32, #tpu.memory_space<vmem>>) offsets(%dma_start3A_541 : memref<128xi32, #tpu.memory_space<vmem>>) semaphore(%arg14 : memref<!tpu.dma_semaphore, #tpu.memory_space<semaphore_mem>>)
      %dma_wait3A_545 = arith.constant 2 : i32
      %dma_wait3A_546 = arith.constant 0 : i32
      %dma_wait3A_547 = arith.constant 0 : i32
      %dma_wait3A_548 = arith.constant 0 : i32
      %dma_wait3A_549 = tpu.memref_slice %arg11[%dma_wait3A_546, %dma_wait3A_547, %dma_wait3A_548] : memref<2x128x128xf32, #tpu.memory_space<vmem>> -> memref<1x128x128xf32, #tpu.memory_space<vmem>>
      %dma_wait3A_550 = tpu.memref_squeeze %dma_wait3A_549 : memref<1x128x128xf32, #tpu.memory_space<vmem>> -> memref<128x128xf32, #tpu.memory_space<vmem>>
      %dma_wait3A_551 = arith.constant 0 : i32
      %dma_wait3A_552 = tpu.memref_slice %arg9[%dma_wait3A_545, %dma_wait3A_551] : memref<8x128xi32, #tpu.memory_space<vmem>> -> memref<1x128xi32, #tpu.memory_space<vmem>>
      %dma_wait3A_553 = tpu.memref_squeeze %dma_wait3A_552 : memref<1x128xi32, #tpu.memory_space<vmem>> -> memref<128xi32, #tpu.memory_space<vmem>>
      %dma_wait3A_554 = arith.constant 0 : i32
      %dma_wait3A_555 = arith.constant 0 : i32
      %dma_wait3A_556 = tpu.memref_slice %arg2[%dma_wait3A_554, %dma_wait3A_555] : memref<20480x128xf32, #tpu.memory_space<hbm>> -> memref<20480x128xf32, #tpu.memory_space<hbm>>
      tpu.wait_indirect_dma semaphore(%arg13 : memref<!tpu.dma_semaphore, #tpu.memory_space<semaphore_mem>>) src(%dma_wait3A_556 : memref<20480x128xf32, #tpu.memory_space<hbm>>) dst(%dma_wait3A_550 : memref<128x128xf32, #tpu.memory_space<vmem>>)
      %dma_start3A_557 = arith.constant 0 : i32
      %dma_start3A_558 = arith.constant 2 : i32
      %dma_start3A_559 = arith.constant 0 : i32
      %dma_start3A_560 = arith.constant 0 : i32
      %dma_start3A_561 = tpu.memref_slice %arg11[%dma_start3A_557, %dma_start3A_559, %dma_start3A_560] : memref<2x128x128xf32, #tpu.memory_space<vmem>> -> memref<1x128x128xf32, #tpu.memory_space<vmem>>
      %dma_start3A_562 = tpu.memref_squeeze %dma_start3A_561 : memref<1x128x128xf32, #tpu.memory_space<vmem>> -> memref<128x128xf32, #tpu.memory_space<vmem>>
      %dma_start3A_563 = arith.constant 0 : i32
      %dma_start3A_564 = tpu.memref_slice %arg10[%dma_start3A_558, %dma_start3A_563] : memref<8x128xi32, #tpu.memory_space<vmem>> -> memref<1x128xi32, #tpu.memory_space<vmem>>
      %dma_start3A_565 = tpu.memref_squeeze %dma_start3A_564 : memref<1x128xi32, #tpu.memory_space<vmem>> -> memref<128xi32, #tpu.memory_space<vmem>>
      %dma_start3A_566 = arith.constant 0 : i32
      %dma_start3A_567 = arith.constant 0 : i32
      %dma_start3A_568 = tpu.memref_slice %arg12[%dma_start3A_566, %dma_start3A_567] : memref<10240x128xf32, #tpu.memory_space<vmem_shared>> -> memref<10240x128xf32, #tpu.memory_space<vmem_shared>>
      tpu.enqueue_indirect_dma source(%dma_start3A_562 : memref<128x128xf32, #tpu.memory_space<vmem>>) target(%dma_start3A_568 : memref<10240x128xf32, #tpu.memory_space<vmem_shared>>) offsets(%dma_start3A_565 : memref<128xi32, #tpu.memory_space<vmem>>) semaphore(%arg15 : memref<!tpu.dma_semaphore, #tpu.memory_space<semaphore_mem>>) {add = true}
      %dma_wait3A_569 = arith.constant 0 : i32
      %dma_wait3A_570 = arith.constant 2 : i32
      %dma_wait3A_571 = arith.constant 0 : i32
      %dma_wait3A_572 = arith.constant 0 : i32
      %dma_wait3A_573 = tpu.memref_slice %arg11[%dma_wait3A_569, %dma_wait3A_571, %dma_wait3A_572] : memref<2x128x128xf32, #tpu.memory_space<vmem>> -> memref<1x128x128xf32, #tpu.memory_space<vmem>>
      %dma_wait3A_574 = tpu.memref_squeeze %dma_wait3A_573 : memref<1x128x128xf32, #tpu.memory_space<vmem>> -> memref<128x128xf32, #tpu.memory_space<vmem>>
      %dma_wait3A_575 = arith.constant 0 : i32
      %dma_wait3A_576 = tpu.memref_slice %arg10[%dma_wait3A_570, %dma_wait3A_575] : memref<8x128xi32, #tpu.memory_space<vmem>> -> memref<1x128xi32, #tpu.memory_space<vmem>>
      %dma_wait3A_577 = tpu.memref_squeeze %dma_wait3A_576 : memref<1x128xi32, #tpu.memory_space<vmem>> -> memref<128xi32, #tpu.memory_space<vmem>>
      %dma_wait3A_578 = arith.constant 0 : i32
      %dma_wait3A_579 = arith.constant 0 : i32
      %dma_wait3A_580 = tpu.memref_slice %arg12[%dma_wait3A_578, %dma_wait3A_579] : memref<10240x128xf32, #tpu.memory_space<vmem_shared>> -> memref<10240x128xf32, #tpu.memory_space<vmem_shared>>
      tpu.wait_indirect_dma semaphore(%arg15 : memref<!tpu.dma_semaphore, #tpu.memory_space<semaphore_mem>>) src(%dma_wait3A_574 : memref<128x128xf32, #tpu.memory_space<vmem>>) dst(%dma_wait3A_580 : memref<10240x128xf32, #tpu.memory_space<vmem_shared>>)
      %dma_start3A_581 = arith.constant 4 : i32
      %dma_start3A_582 = arith.constant 0 : i32
      %dma_start3A_583 = arith.constant 0 : i32
      %dma_start3A_584 = arith.constant 0 : i32
      %dma_start3A_585 = tpu.memref_slice %arg11[%dma_start3A_582, %dma_start3A_583, %dma_start3A_584] : memref<2x128x128xf32, #tpu.memory_space<vmem>> -> memref<1x128x128xf32, #tpu.memory_space<vmem>>
      %dma_start3A_586 = tpu.memref_squeeze %dma_start3A_585 : memref<1x128x128xf32, #tpu.memory_space<vmem>> -> memref<128x128xf32, #tpu.memory_space<vmem>>
      %dma_start3A_587 = arith.constant 0 : i32
      %dma_start3A_588 = tpu.memref_slice %arg9[%dma_start3A_581, %dma_start3A_587] : memref<8x128xi32, #tpu.memory_space<vmem>> -> memref<1x128xi32, #tpu.memory_space<vmem>>
      %dma_start3A_589 = tpu.memref_squeeze %dma_start3A_588 : memref<1x128xi32, #tpu.memory_space<vmem>> -> memref<128xi32, #tpu.memory_space<vmem>>
      %dma_start3A_590 = arith.constant 0 : i32
      %dma_start3A_591 = arith.constant 0 : i32
      %dma_start3A_592 = tpu.memref_slice %arg2[%dma_start3A_590, %dma_start3A_591] : memref<20480x128xf32, #tpu.memory_space<hbm>> -> memref<20480x128xf32, #tpu.memory_space<hbm>>
      tpu.enqueue_indirect_dma source(%dma_start3A_592 : memref<20480x128xf32, #tpu.memory_space<hbm>>) target(%dma_start3A_586 : memref<128x128xf32, #tpu.memory_space<vmem>>) offsets(%dma_start3A_589 : memref<128xi32, #tpu.memory_space<vmem>>) semaphore(%arg13 : memref<!tpu.dma_semaphore, #tpu.memory_space<semaphore_mem>>)
      %dma_wait3A_593 = arith.constant 3 : i32
      %dma_wait3A_594 = arith.constant 1 : i32
      %dma_wait3A_595 = arith.constant 0 : i32
      %dma_wait3A_596 = arith.constant 0 : i32
      %dma_wait3A_597 = tpu.memref_slice %arg11[%dma_wait3A_594, %dma_wait3A_595, %dma_wait3A_596] : memref<2x128x128xf32, #tpu.memory_space<vmem>> -> memref<1x128x128xf32, #tpu.memory_space<vmem>>
      %dma_wait3A_598 = tpu.memref_squeeze %dma_wait3A_597 : memref<1x128x128xf32, #tpu.memory_space<vmem>> -> memref<128x128xf32, #tpu.memory_space<vmem>>
      %dma_wait3A_599 = arith.constant 0 : i32
      %dma_wait3A_600 = tpu.memref_slice %arg9[%dma_wait3A_593, %dma_wait3A_599] : memref<8x128xi32, #tpu.memory_space<vmem>> -> memref<1x128xi32, #tpu.memory_space<vmem>>
      %dma_wait3A_601 = tpu.memref_squeeze %dma_wait3A_600 : memref<1x128xi32, #tpu.memory_space<vmem>> -> memref<128xi32, #tpu.memory_space<vmem>>
      %dma_wait3A_602 = arith.constant 0 : i32
      %dma_wait3A_603 = arith.constant 0 : i32
      %dma_wait3A_604 = tpu.memref_slice %arg2[%dma_wait3A_602, %dma_wait3A_603] : memref<20480x128xf32, #tpu.memory_space<hbm>> -> memref<20480x128xf32, #tpu.memory_space<hbm>>
      tpu.wait_indirect_dma semaphore(%arg14 : memref<!tpu.dma_semaphore, #tpu.memory_space<semaphore_mem>>) src(%dma_wait3A_604 : memref<20480x128xf32, #tpu.memory_space<hbm>>) dst(%dma_wait3A_598 : memref<128x128xf32, #tpu.memory_space<vmem>>)
      %dma_start3A_605 = arith.constant 1 : i32
      %dma_start3A_606 = arith.constant 3 : i32
      %dma_start3A_607 = arith.constant 0 : i32
      %dma_start3A_608 = arith.constant 0 : i32
      %dma_start3A_609 = tpu.memref_slice %arg11[%dma_start3A_605, %dma_start3A_607, %dma_start3A_608] : memref<2x128x128xf32, #tpu.memory_space<vmem>> -> memref<1x128x128xf32, #tpu.memory_space<vmem>>
      %dma_start3A_610 = tpu.memref_squeeze %dma_start3A_609 : memref<1x128x128xf32, #tpu.memory_space<vmem>> -> memref<128x128xf32, #tpu.memory_space<vmem>>
      %dma_start3A_611 = arith.constant 0 : i32
      %dma_start3A_612 = tpu.memref_slice %arg10[%dma_start3A_606, %dma_start3A_611] : memref<8x128xi32, #tpu.memory_space<vmem>> -> memref<1x128xi32, #tpu.memory_space<vmem>>
      %dma_start3A_613 = tpu.memref_squeeze %dma_start3A_612 : memref<1x128xi32, #tpu.memory_space<vmem>> -> memref<128xi32, #tpu.memory_space<vmem>>
      %dma_start3A_614 = arith.constant 0 : i32
      %dma_start3A_615 = arith.constant 0 : i32
      %dma_start3A_616 = tpu.memref_slice %arg12[%dma_start3A_614, %dma_start3A_615] : memref<10240x128xf32, #tpu.memory_space<vmem_shared>> -> memref<10240x128xf32, #tpu.memory_space<vmem_shared>>
      tpu.enqueue_indirect_dma source(%dma_start3A_610 : memref<128x128xf32, #tpu.memory_space<vmem>>) target(%dma_start3A_616 : memref<10240x128xf32, #tpu.memory_space<vmem_shared>>) offsets(%dma_start3A_613 : memref<128xi32, #tpu.memory_space<vmem>>) semaphore(%arg16 : memref<!tpu.dma_semaphore, #tpu.memory_space<semaphore_mem>>) {add = true}
      %dma_wait3A_617 = arith.constant 1 : i32
      %dma_wait3A_618 = arith.constant 3 : i32
      %dma_wait3A_619 = arith.constant 0 : i32
      %dma_wait3A_620 = arith.constant 0 : i32
      %dma_wait3A_621 = tpu.memref_slice %arg11[%dma_wait3A_617, %dma_wait3A_619, %dma_wait3A_620] : memref<2x128x128xf32, #tpu.memory_space<vmem>> -> memref<1x128x128xf32, #tpu.memory_space<vmem>>
      %dma_wait3A_622 = tpu.memref_squeeze %dma_wait3A_621 : memref<1x128x128xf32, #tpu.memory_space<vmem>> -> memref<128x128xf32, #tpu.memory_space<vmem>>
      %dma_wait3A_623 = arith.constant 0 : i32
      %dma_wait3A_624 = tpu.memref_slice %arg10[%dma_wait3A_618, %dma_wait3A_623] : memref<8x128xi32, #tpu.memory_space<vmem>> -> memref<1x128xi32, #tpu.memory_space<vmem>>
      %dma_wait3A_625 = tpu.memref_squeeze %dma_wait3A_624 : memref<1x128xi32, #tpu.memory_space<vmem>> -> memref<128xi32, #tpu.memory_space<vmem>>
      %dma_wait3A_626 = arith.constant 0 : i32
      %dma_wait3A_627 = arith.constant 0 : i32
      %dma_wait3A_628 = tpu.memref_slice %arg12[%dma_wait3A_626, %dma_wait3A_627] : memref<10240x128xf32, #tpu.memory_space<vmem_shared>> -> memref<10240x128xf32, #tpu.memory_space<vmem_shared>>
      tpu.wait_indirect_dma semaphore(%arg16 : memref<!tpu.dma_semaphore, #tpu.memory_space<semaphore_mem>>) src(%dma_wait3A_622 : memref<128x128xf32, #tpu.memory_space<vmem>>) dst(%dma_wait3A_628 : memref<10240x128xf32, #tpu.memory_space<vmem_shared>>)
      %dma_start3A_629 = arith.constant 5 : i32
      %dma_start3A_630 = arith.constant 1 : i32
      %dma_start3A_631 = arith.constant 0 : i32
      %dma_start3A_632 = arith.constant 0 : i32
      %dma_start3A_633 = tpu.memref_slice %arg11[%dma_start3A_630, %dma_start3A_631, %dma_start3A_632] : memref<2x128x128xf32, #tpu.memory_space<vmem>> -> memref<1x128x128xf32, #tpu.memory_space<vmem>>
      %dma_start3A_634 = tpu.memref_squeeze %dma_start3A_633 : memref<1x128x128xf32, #tpu.memory_space<vmem>> -> memref<128x128xf32, #tpu.memory_space<vmem>>
      %dma_start3A_635 = arith.constant 0 : i32
      %dma_start3A_636 = tpu.memref_slice %arg9[%dma_start3A_629, %dma_start3A_635] : memref<8x128xi32, #tpu.memory_space<vmem>> -> memref<1x128xi32, #tpu.memory_space<vmem>>
      %dma_start3A_637 = tpu.memref_squeeze %dma_start3A_636 : memref<1x128xi32, #tpu.memory_space<vmem>> -> memref<128xi32, #tpu.memory_space<vmem>>
      %dma_start3A_638 = arith.constant 0 : i32
      %dma_start3A_639 = arith.constant 0 : i32
      %dma_start3A_640 = tpu.memref_slice %arg2[%dma_start3A_638, %dma_start3A_639] : memref<20480x128xf32, #tpu.memory_space<hbm>> -> memref<20480x128xf32, #tpu.memory_space<hbm>>
      tpu.enqueue_indirect_dma source(%dma_start3A_640 : memref<20480x128xf32, #tpu.memory_space<hbm>>) target(%dma_start3A_634 : memref<128x128xf32, #tpu.memory_space<vmem>>) offsets(%dma_start3A_637 : memref<128xi32, #tpu.memory_space<vmem>>) semaphore(%arg14 : memref<!tpu.dma_semaphore, #tpu.memory_space<semaphore_mem>>)
      %dma_wait3A_641 = arith.constant 4 : i32
      %dma_wait3A_642 = arith.constant 0 : i32
      %dma_wait3A_643 = arith.constant 0 : i32
      %dma_wait3A_644 = arith.constant 0 : i32
      %dma_wait3A_645 = tpu.memref_slice %arg11[%dma_wait3A_642, %dma_wait3A_643, %dma_wait3A_644] : memref<2x128x128xf32, #tpu.memory_space<vmem>> -> memref<1x128x128xf32, #tpu.memory_space<vmem>>
      %dma_wait3A_646 = tpu.memref_squeeze %dma_wait3A_645 : memref<1x128x128xf32, #tpu.memory_space<vmem>> -> memref<128x128xf32, #tpu.memory_space<vmem>>
      %dma_wait3A_647 = arith.constant 0 : i32
      %dma_wait3A_648 = tpu.memref_slice %arg9[%dma_wait3A_641, %dma_wait3A_647] : memref<8x128xi32, #tpu.memory_space<vmem>> -> memref<1x128xi32, #tpu.memory_space<vmem>>
      %dma_wait3A_649 = tpu.memref_squeeze %dma_wait3A_648 : memref<1x128xi32, #tpu.memory_space<vmem>> -> memref<128xi32, #tpu.memory_space<vmem>>
      %dma_wait3A_650 = arith.constant 0 : i32
      %dma_wait3A_651 = arith.constant 0 : i32
      %dma_wait3A_652 = tpu.memref_slice %arg2[%dma_wait3A_650, %dma_wait3A_651] : memref<20480x128xf32, #tpu.memory_space<hbm>> -> memref<20480x128xf32, #tpu.memory_space<hbm>>
      tpu.wait_indirect_dma semaphore(%arg13 : memref<!tpu.dma_semaphore, #tpu.memory_space<semaphore_mem>>) src(%dma_wait3A_652 : memref<20480x128xf32, #tpu.memory_space<hbm>>) dst(%dma_wait3A_646 : memref<128x128xf32, #tpu.memory_space<vmem>>)
      %dma_start3A_653 = arith.constant 0 : i32
      %dma_start3A_654 = arith.constant 4 : i32
      %dma_start3A_655 = arith.constant 0 : i32
      %dma_start3A_656 = arith.constant 0 : i32
      %dma_start3A_657 = tpu.memref_slice %arg11[%dma_start3A_653, %dma_start3A_655, %dma_start3A_656] : memref<2x128x128xf32, #tpu.memory_space<vmem>> -> memref<1x128x128xf32, #tpu.memory_space<vmem>>
      %dma_start3A_658 = tpu.memref_squeeze %dma_start3A_657 : memref<1x128x128xf32, #tpu.memory_space<vmem>> -> memref<128x128xf32, #tpu.memory_space<vmem>>
      %dma_start3A_659 = arith.constant 0 : i32
      %dma_start3A_660 = tpu.memref_slice %arg10[%dma_start3A_654, %dma_start3A_659] : memref<8x128xi32, #tpu.memory_space<vmem>> -> memref<1x128xi32, #tpu.memory_space<vmem>>
      %dma_start3A_661 = tpu.memref_squeeze %dma_start3A_660 : memref<1x128xi32, #tpu.memory_space<vmem>> -> memref<128xi32, #tpu.memory_space<vmem>>
      %dma_start3A_662 = arith.constant 0 : i32
      %dma_start3A_663 = arith.constant 0 : i32
      %dma_start3A_664 = tpu.memref_slice %arg12[%dma_start3A_662, %dma_start3A_663] : memref<10240x128xf32, #tpu.memory_space<vmem_shared>> -> memref<10240x128xf32, #tpu.memory_space<vmem_shared>>
      tpu.enqueue_indirect_dma source(%dma_start3A_658 : memref<128x128xf32, #tpu.memory_space<vmem>>) target(%dma_start3A_664 : memref<10240x128xf32, #tpu.memory_space<vmem_shared>>) offsets(%dma_start3A_661 : memref<128xi32, #tpu.memory_space<vmem>>) semaphore(%arg15 : memref<!tpu.dma_semaphore, #tpu.memory_space<semaphore_mem>>) {add = true}
      %dma_wait3A_665 = arith.constant 0 : i32
      %dma_wait3A_666 = arith.constant 4 : i32
      %dma_wait3A_667 = arith.constant 0 : i32
      %dma_wait3A_668 = arith.constant 0 : i32
      %dma_wait3A_669 = tpu.memref_slice %arg11[%dma_wait3A_665, %dma_wait3A_667, %dma_wait3A_668] : memref<2x128x128xf32, #tpu.memory_space<vmem>> -> memref<1x128x128xf32, #tpu.memory_space<vmem>>
      %dma_wait3A_670 = tpu.memref_squeeze %dma_wait3A_669 : memref<1x128x128xf32, #tpu.memory_space<vmem>> -> memref<128x128xf32, #tpu.memory_space<vmem>>
      %dma_wait3A_671 = arith.constant 0 : i32
      %dma_wait3A_672 = tpu.memref_slice %arg10[%dma_wait3A_666, %dma_wait3A_671] : memref<8x128xi32, #tpu.memory_space<vmem>> -> memref<1x128xi32, #tpu.memory_space<vmem>>
      %dma_wait3A_673 = tpu.memref_squeeze %dma_wait3A_672 : memref<1x128xi32, #tpu.memory_space<vmem>> -> memref<128xi32, #tpu.memory_space<vmem>>
      %dma_wait3A_674 = arith.constant 0 : i32
      %dma_wait3A_675 = arith.constant 0 : i32
      %dma_wait3A_676 = tpu.memref_slice %arg12[%dma_wait3A_674, %dma_wait3A_675] : memref<10240x128xf32, #tpu.memory_space<vmem_shared>> -> memref<10240x128xf32, #tpu.memory_space<vmem_shared>>
      tpu.wait_indirect_dma semaphore(%arg15 : memref<!tpu.dma_semaphore, #tpu.memory_space<semaphore_mem>>) src(%dma_wait3A_670 : memref<128x128xf32, #tpu.memory_space<vmem>>) dst(%dma_wait3A_676 : memref<10240x128xf32, #tpu.memory_space<vmem_shared>>)
      %dma_start3A_677 = arith.constant 6 : i32
      %dma_start3A_678 = arith.constant 0 : i32
      %dma_start3A_679 = arith.constant 0 : i32
      %dma_start3A_680 = arith.constant 0 : i32
      %dma_start3A_681 = tpu.memref_slice %arg11[%dma_start3A_678, %dma_start3A_679, %dma_start3A_680] : memref<2x128x128xf32, #tpu.memory_space<vmem>> -> memref<1x128x128xf32, #tpu.memory_space<vmem>>
      %dma_start3A_682 = tpu.memref_squeeze %dma_start3A_681 : memref<1x128x128xf32, #tpu.memory_space<vmem>> -> memref<128x128xf32, #tpu.memory_space<vmem>>
      %dma_start3A_683 = arith.constant 0 : i32
      %dma_start3A_684 = tpu.memref_slice %arg9[%dma_start3A_677, %dma_start3A_683] : memref<8x128xi32, #tpu.memory_space<vmem>> -> memref<1x128xi32, #tpu.memory_space<vmem>>
      %dma_start3A_685 = tpu.memref_squeeze %dma_start3A_684 : memref<1x128xi32, #tpu.memory_space<vmem>> -> memref<128xi32, #tpu.memory_space<vmem>>
      %dma_start3A_686 = arith.constant 0 : i32
      %dma_start3A_687 = arith.constant 0 : i32
      %dma_start3A_688 = tpu.memref_slice %arg2[%dma_start3A_686, %dma_start3A_687] : memref<20480x128xf32, #tpu.memory_space<hbm>> -> memref<20480x128xf32, #tpu.memory_space<hbm>>
      tpu.enqueue_indirect_dma source(%dma_start3A_688 : memref<20480x128xf32, #tpu.memory_space<hbm>>) target(%dma_start3A_682 : memref<128x128xf32, #tpu.memory_space<vmem>>) offsets(%dma_start3A_685 : memref<128xi32, #tpu.memory_space<vmem>>) semaphore(%arg13 : memref<!tpu.dma_semaphore, #tpu.memory_space<semaphore_mem>>)
      %dma_wait3A_689 = arith.constant 5 : i32
      %dma_wait3A_690 = arith.constant 1 : i32
      %dma_wait3A_691 = arith.constant 0 : i32
      %dma_wait3A_692 = arith.constant 0 : i32
      %dma_wait3A_693 = tpu.memref_slice %arg11[%dma_wait3A_690, %dma_wait3A_691, %dma_wait3A_692] : memref<2x128x128xf32, #tpu.memory_space<vmem>> -> memref<1x128x128xf32, #tpu.memory_space<vmem>>
      %dma_wait3A_694 = tpu.memref_squeeze %dma_wait3A_693 : memref<1x128x128xf32, #tpu.memory_space<vmem>> -> memref<128x128xf32, #tpu.memory_space<vmem>>
      %dma_wait3A_695 = arith.constant 0 : i32
      %dma_wait3A_696 = tpu.memref_slice %arg9[%dma_wait3A_689, %dma_wait3A_695] : memref<8x128xi32, #tpu.memory_space<vmem>> -> memref<1x128xi32, #tpu.memory_space<vmem>>
      %dma_wait3A_697 = tpu.memref_squeeze %dma_wait3A_696 : memref<1x128xi32, #tpu.memory_space<vmem>> -> memref<128xi32, #tpu.memory_space<vmem>>
      %dma_wait3A_698 = arith.constant 0 : i32
      %dma_wait3A_699 = arith.constant 0 : i32
      %dma_wait3A_700 = tpu.memref_slice %arg2[%dma_wait3A_698, %dma_wait3A_699] : memref<20480x128xf32, #tpu.memory_space<hbm>> -> memref<20480x128xf32, #tpu.memory_space<hbm>>
      tpu.wait_indirect_dma semaphore(%arg14 : memref<!tpu.dma_semaphore, #tpu.memory_space<semaphore_mem>>) src(%dma_wait3A_700 : memref<20480x128xf32, #tpu.memory_space<hbm>>) dst(%dma_wait3A_694 : memref<128x128xf32, #tpu.memory_space<vmem>>)
      %dma_start3A_701 = arith.constant 1 : i32
      %dma_start3A_702 = arith.constant 5 : i32
      %dma_start3A_703 = arith.constant 0 : i32
      %dma_start3A_704 = arith.constant 0 : i32
      %dma_start3A_705 = tpu.memref_slice %arg11[%dma_start3A_701, %dma_start3A_703, %dma_start3A_704] : memref<2x128x128xf32, #tpu.memory_space<vmem>> -> memref<1x128x128xf32, #tpu.memory_space<vmem>>
      %dma_start3A_706 = tpu.memref_squeeze %dma_start3A_705 : memref<1x128x128xf32, #tpu.memory_space<vmem>> -> memref<128x128xf32, #tpu.memory_space<vmem>>
      %dma_start3A_707 = arith.constant 0 : i32
      %dma_start3A_708 = tpu.memref_slice %arg10[%dma_start3A_702, %dma_start3A_707] : memref<8x128xi32, #tpu.memory_space<vmem>> -> memref<1x128xi32, #tpu.memory_space<vmem>>
      %dma_start3A_709 = tpu.memref_squeeze %dma_start3A_708 : memref<1x128xi32, #tpu.memory_space<vmem>> -> memref<128xi32, #tpu.memory_space<vmem>>
      %dma_start3A_710 = arith.constant 0 : i32
      %dma_start3A_711 = arith.constant 0 : i32
      %dma_start3A_712 = tpu.memref_slice %arg12[%dma_start3A_710, %dma_start3A_711] : memref<10240x128xf32, #tpu.memory_space<vmem_shared>> -> memref<10240x128xf32, #tpu.memory_space<vmem_shared>>
      tpu.enqueue_indirect_dma source(%dma_start3A_706 : memref<128x128xf32, #tpu.memory_space<vmem>>) target(%dma_start3A_712 : memref<10240x128xf32, #tpu.memory_space<vmem_shared>>) offsets(%dma_start3A_709 : memref<128xi32, #tpu.memory_space<vmem>>) semaphore(%arg16 : memref<!tpu.dma_semaphore, #tpu.memory_space<semaphore_mem>>) {add = true}
      %dma_wait3A_713 = arith.constant 1 : i32
      %dma_wait3A_714 = arith.constant 5 : i32
      %dma_wait3A_715 = arith.constant 0 : i32
      %dma_wait3A_716 = arith.constant 0 : i32
      %dma_wait3A_717 = tpu.memref_slice %arg11[%dma_wait3A_713, %dma_wait3A_715, %dma_wait3A_716] : memref<2x128x128xf32, #tpu.memory_space<vmem>> -> memref<1x128x128xf32, #tpu.memory_space<vmem>>
      %dma_wait3A_718 = tpu.memref_squeeze %dma_wait3A_717 : memref<1x128x128xf32, #tpu.memory_space<vmem>> -> memref<128x128xf32, #tpu.memory_space<vmem>>
      %dma_wait3A_719 = arith.constant 0 : i32
      %dma_wait3A_720 = tpu.memref_slice %arg10[%dma_wait3A_714, %dma_wait3A_719] : memref<8x128xi32, #tpu.memory_space<vmem>> -> memref<1x128xi32, #tpu.memory_space<vmem>>
      %dma_wait3A_721 = tpu.memref_squeeze %dma_wait3A_720 : memref<1x128xi32, #tpu.memory_space<vmem>> -> memref<128xi32, #tpu.memory_space<vmem>>
      %dma_wait3A_722 = arith.constant 0 : i32
      %dma_wait3A_723 = arith.constant 0 : i32
      %dma_wait3A_724 = tpu.memref_slice %arg12[%dma_wait3A_722, %dma_wait3A_723] : memref<10240x128xf32, #tpu.memory_space<vmem_shared>> -> memref<10240x128xf32, #tpu.memory_space<vmem_shared>>
      tpu.wait_indirect_dma semaphore(%arg16 : memref<!tpu.dma_semaphore, #tpu.memory_space<semaphore_mem>>) src(%dma_wait3A_718 : memref<128x128xf32, #tpu.memory_space<vmem>>) dst(%dma_wait3A_724 : memref<10240x128xf32, #tpu.memory_space<vmem_shared>>)
      %dma_start3A_725 = arith.constant 7 : i32
      %dma_start3A_726 = arith.constant 1 : i32
      %dma_start3A_727 = arith.constant 0 : i32
      %dma_start3A_728 = arith.constant 0 : i32
      %dma_start3A_729 = tpu.memref_slice %arg11[%dma_start3A_726, %dma_start3A_727, %dma_start3A_728] : memref<2x128x128xf32, #tpu.memory_space<vmem>> -> memref<1x128x128xf32, #tpu.memory_space<vmem>>
      %dma_start3A_730 = tpu.memref_squeeze %dma_start3A_729 : memref<1x128x128xf32, #tpu.memory_space<vmem>> -> memref<128x128xf32, #tpu.memory_space<vmem>>
      %dma_start3A_731 = arith.constant 0 : i32
      %dma_start3A_732 = tpu.memref_slice %arg9[%dma_start3A_725, %dma_start3A_731] : memref<8x128xi32, #tpu.memory_space<vmem>> -> memref<1x128xi32, #tpu.memory_space<vmem>>
      %dma_start3A_733 = tpu.memref_squeeze %dma_start3A_732 : memref<1x128xi32, #tpu.memory_space<vmem>> -> memref<128xi32, #tpu.memory_space<vmem>>
      %dma_start3A_734 = arith.constant 0 : i32
      %dma_start3A_735 = arith.constant 0 : i32
      %dma_start3A_736 = tpu.memref_slice %arg2[%dma_start3A_734, %dma_start3A_735] : memref<20480x128xf32, #tpu.memory_space<hbm>> -> memref<20480x128xf32, #tpu.memory_space<hbm>>
      tpu.enqueue_indirect_dma source(%dma_start3A_736 : memref<20480x128xf32, #tpu.memory_space<hbm>>) target(%dma_start3A_730 : memref<128x128xf32, #tpu.memory_space<vmem>>) offsets(%dma_start3A_733 : memref<128xi32, #tpu.memory_space<vmem>>) semaphore(%arg14 : memref<!tpu.dma_semaphore, #tpu.memory_space<semaphore_mem>>)
      %dma_wait3A_737 = arith.constant 6 : i32
      %dma_wait3A_738 = arith.constant 0 : i32
      %dma_wait3A_739 = arith.constant 0 : i32
      %dma_wait3A_740 = arith.constant 0 : i32
      %dma_wait3A_741 = tpu.memref_slice %arg11[%dma_wait3A_738, %dma_wait3A_739, %dma_wait3A_740] : memref<2x128x128xf32, #tpu.memory_space<vmem>> -> memref<1x128x128xf32, #tpu.memory_space<vmem>>
      %dma_wait3A_742 = tpu.memref_squeeze %dma_wait3A_741 : memref<1x128x128xf32, #tpu.memory_space<vmem>> -> memref<128x128xf32, #tpu.memory_space<vmem>>
      %dma_wait3A_743 = arith.constant 0 : i32
      %dma_wait3A_744 = tpu.memref_slice %arg9[%dma_wait3A_737, %dma_wait3A_743] : memref<8x128xi32, #tpu.memory_space<vmem>> -> memref<1x128xi32, #tpu.memory_space<vmem>>
      %dma_wait3A_745 = tpu.memref_squeeze %dma_wait3A_744 : memref<1x128xi32, #tpu.memory_space<vmem>> -> memref<128xi32, #tpu.memory_space<vmem>>
      %dma_wait3A_746 = arith.constant 0 : i32
      %dma_wait3A_747 = arith.constant 0 : i32
      %dma_wait3A_748 = tpu.memref_slice %arg2[%dma_wait3A_746, %dma_wait3A_747] : memref<20480x128xf32, #tpu.memory_space<hbm>> -> memref<20480x128xf32, #tpu.memory_space<hbm>>
      tpu.wait_indirect_dma semaphore(%arg13 : memref<!tpu.dma_semaphore, #tpu.memory_space<semaphore_mem>>) src(%dma_wait3A_748 : memref<20480x128xf32, #tpu.memory_space<hbm>>) dst(%dma_wait3A_742 : memref<128x128xf32, #tpu.memory_space<vmem>>)
      %dma_start3A_749 = arith.constant 0 : i32
      %dma_start3A_750 = arith.constant 6 : i32
      %dma_start3A_751 = arith.constant 0 : i32
      %dma_start3A_752 = arith.constant 0 : i32
      %dma_start3A_753 = tpu.memref_slice %arg11[%dma_start3A_749, %dma_start3A_751, %dma_start3A_752] : memref<2x128x128xf32, #tpu.memory_space<vmem>> -> memref<1x128x128xf32, #tpu.memory_space<vmem>>
      %dma_start3A_754 = tpu.memref_squeeze %dma_start3A_753 : memref<1x128x128xf32, #tpu.memory_space<vmem>> -> memref<128x128xf32, #tpu.memory_space<vmem>>
      %dma_start3A_755 = arith.constant 0 : i32
      %dma_start3A_756 = tpu.memref_slice %arg10[%dma_start3A_750, %dma_start3A_755] : memref<8x128xi32, #tpu.memory_space<vmem>> -> memref<1x128xi32, #tpu.memory_space<vmem>>
      %dma_start3A_757 = tpu.memref_squeeze %dma_start3A_756 : memref<1x128xi32, #tpu.memory_space<vmem>> -> memref<128xi32, #tpu.memory_space<vmem>>
      %dma_start3A_758 = arith.constant 0 : i32
      %dma_start3A_759 = arith.constant 0 : i32
      %dma_start3A_760 = tpu.memref_slice %arg12[%dma_start3A_758, %dma_start3A_759] : memref<10240x128xf32, #tpu.memory_space<vmem_shared>> -> memref<10240x128xf32, #tpu.memory_space<vmem_shared>>
      tpu.enqueue_indirect_dma source(%dma_start3A_754 : memref<128x128xf32, #tpu.memory_space<vmem>>) target(%dma_start3A_760 : memref<10240x128xf32, #tpu.memory_space<vmem_shared>>) offsets(%dma_start3A_757 : memref<128xi32, #tpu.memory_space<vmem>>) semaphore(%arg15 : memref<!tpu.dma_semaphore, #tpu.memory_space<semaphore_mem>>) {add = true}
      %dma_wait3A_761 = arith.constant 7 : i32
      %dma_wait3A_762 = arith.constant 1 : i32
      %dma_wait3A_763 = arith.constant 0 : i32
      %dma_wait3A_764 = arith.constant 0 : i32
      %dma_wait3A_765 = tpu.memref_slice %arg11[%dma_wait3A_762, %dma_wait3A_763, %dma_wait3A_764] : memref<2x128x128xf32, #tpu.memory_space<vmem>> -> memref<1x128x128xf32, #tpu.memory_space<vmem>>
      %dma_wait3A_766 = tpu.memref_squeeze %dma_wait3A_765 : memref<1x128x128xf32, #tpu.memory_space<vmem>> -> memref<128x128xf32, #tpu.memory_space<vmem>>
      %dma_wait3A_767 = arith.constant 0 : i32
      %dma_wait3A_768 = tpu.memref_slice %arg9[%dma_wait3A_761, %dma_wait3A_767] : memref<8x128xi32, #tpu.memory_space<vmem>> -> memref<1x128xi32, #tpu.memory_space<vmem>>
      %dma_wait3A_769 = tpu.memref_squeeze %dma_wait3A_768 : memref<1x128xi32, #tpu.memory_space<vmem>> -> memref<128xi32, #tpu.memory_space<vmem>>
      %dma_wait3A_770 = arith.constant 0 : i32
      %dma_wait3A_771 = arith.constant 0 : i32
      %dma_wait3A_772 = tpu.memref_slice %arg2[%dma_wait3A_770, %dma_wait3A_771] : memref<20480x128xf32, #tpu.memory_space<hbm>> -> memref<20480x128xf32, #tpu.memory_space<hbm>>
      tpu.wait_indirect_dma semaphore(%arg14 : memref<!tpu.dma_semaphore, #tpu.memory_space<semaphore_mem>>) src(%dma_wait3A_772 : memref<20480x128xf32, #tpu.memory_space<hbm>>) dst(%dma_wait3A_766 : memref<128x128xf32, #tpu.memory_space<vmem>>)
      %dma_start3A_773 = arith.constant 1 : i32
      %dma_start3A_774 = arith.constant 7 : i32
      %dma_start3A_775 = arith.constant 0 : i32
      %dma_start3A_776 = arith.constant 0 : i32
      %dma_start3A_777 = tpu.memref_slice %arg11[%dma_start3A_773, %dma_start3A_775, %dma_start3A_776] : memref<2x128x128xf32, #tpu.memory_space<vmem>> -> memref<1x128x128xf32, #tpu.memory_space<vmem>>
      %dma_start3A_778 = tpu.memref_squeeze %dma_start3A_777 : memref<1x128x128xf32, #tpu.memory_space<vmem>> -> memref<128x128xf32, #tpu.memory_space<vmem>>
      %dma_start3A_779 = arith.constant 0 : i32
      %dma_start3A_780 = tpu.memref_slice %arg10[%dma_start3A_774, %dma_start3A_779] : memref<8x128xi32, #tpu.memory_space<vmem>> -> memref<1x128xi32, #tpu.memory_space<vmem>>
      %dma_start3A_781 = tpu.memref_squeeze %dma_start3A_780 : memref<1x128xi32, #tpu.memory_space<vmem>> -> memref<128xi32, #tpu.memory_space<vmem>>
      %dma_start3A_782 = arith.constant 0 : i32
      %dma_start3A_783 = arith.constant 0 : i32
      %dma_start3A_784 = tpu.memref_slice %arg12[%dma_start3A_782, %dma_start3A_783] : memref<10240x128xf32, #tpu.memory_space<vmem_shared>> -> memref<10240x128xf32, #tpu.memory_space<vmem_shared>>
      tpu.enqueue_indirect_dma source(%dma_start3A_778 : memref<128x128xf32, #tpu.memory_space<vmem>>) target(%dma_start3A_784 : memref<10240x128xf32, #tpu.memory_space<vmem_shared>>) offsets(%dma_start3A_781 : memref<128xi32, #tpu.memory_space<vmem>>) semaphore(%arg16 : memref<!tpu.dma_semaphore, #tpu.memory_space<semaphore_mem>>) {add = true}
      %dma_wait3A_785 = arith.constant 0 : i32
      %dma_wait3A_786 = arith.constant 6 : i32
      %dma_wait3A_787 = arith.constant 0 : i32
      %dma_wait3A_788 = arith.constant 0 : i32
      %dma_wait3A_789 = tpu.memref_slice %arg11[%dma_wait3A_785, %dma_wait3A_787, %dma_wait3A_788] : memref<2x128x128xf32, #tpu.memory_space<vmem>> -> memref<1x128x128xf32, #tpu.memory_space<vmem>>
      %dma_wait3A_790 = tpu.memref_squeeze %dma_wait3A_789 : memref<1x128x128xf32, #tpu.memory_space<vmem>> -> memref<128x128xf32, #tpu.memory_space<vmem>>
      %dma_wait3A_791 = arith.constant 0 : i32
      %dma_wait3A_792 = tpu.memref_slice %arg10[%dma_wait3A_786, %dma_wait3A_791] : memref<8x128xi32, #tpu.memory_space<vmem>> -> memref<1x128xi32, #tpu.memory_space<vmem>>
      %dma_wait3A_793 = tpu.memref_squeeze %dma_wait3A_792 : memref<1x128xi32, #tpu.memory_space<vmem>> -> memref<128xi32, #tpu.memory_space<vmem>>
      %dma_wait3A_794 = arith.constant 0 : i32
      %dma_wait3A_795 = arith.constant 0 : i32
      %dma_wait3A_796 = tpu.memref_slice %arg12[%dma_wait3A_794, %dma_wait3A_795] : memref<10240x128xf32, #tpu.memory_space<vmem_shared>> -> memref<10240x128xf32, #tpu.memory_space<vmem_shared>>
      tpu.wait_indirect_dma semaphore(%arg15 : memref<!tpu.dma_semaphore, #tpu.memory_space<semaphore_mem>>) src(%dma_wait3A_790 : memref<128x128xf32, #tpu.memory_space<vmem>>) dst(%dma_wait3A_796 : memref<10240x128xf32, #tpu.memory_space<vmem_shared>>)
      %dma_wait3A_797 = arith.constant 1 : i32
      %dma_wait3A_798 = arith.constant 7 : i32
      %dma_wait3A_799 = arith.constant 0 : i32
      %dma_wait3A_800 = arith.constant 0 : i32
      %dma_wait3A_801 = tpu.memref_slice %arg11[%dma_wait3A_797, %dma_wait3A_799, %dma_wait3A_800] : memref<2x128x128xf32, #tpu.memory_space<vmem>> -> memref<1x128x128xf32, #tpu.memory_space<vmem>>
      %dma_wait3A_802 = tpu.memref_squeeze %dma_wait3A_801 : memref<1x128x128xf32, #tpu.memory_space<vmem>> -> memref<128x128xf32, #tpu.memory_space<vmem>>
      %dma_wait3A_803 = arith.constant 0 : i32
      %dma_wait3A_804 = tpu.memref_slice %arg10[%dma_wait3A_798, %dma_wait3A_803] : memref<8x128xi32, #tpu.memory_space<vmem>> -> memref<1x128xi32, #tpu.memory_space<vmem>>
      %dma_wait3A_805 = tpu.memref_squeeze %dma_wait3A_804 : memref<1x128xi32, #tpu.memory_space<vmem>> -> memref<128xi32, #tpu.memory_space<vmem>>
      %dma_wait3A_806 = arith.constant 0 : i32
      %dma_wait3A_807 = arith.constant 0 : i32
      %dma_wait3A_808 = tpu.memref_slice %arg12[%dma_wait3A_806, %dma_wait3A_807] : memref<10240x128xf32, #tpu.memory_space<vmem_shared>> -> memref<10240x128xf32, #tpu.memory_space<vmem_shared>>
      tpu.wait_indirect_dma semaphore(%arg16 : memref<!tpu.dma_semaphore, #tpu.memory_space<semaphore_mem>>) src(%dma_wait3A_802 : memref<128x128xf32, #tpu.memory_space<vmem>>) dst(%dma_wait3A_808 : memref<10240x128xf32, #tpu.memory_space<vmem_shared>>)
      %add3A_809 = arith.constant 1 : i32
      %add3A_810 = arith.addi %add3A_417, %add3A_809 : i32
      %lt3A_811 = arith.constant 20 : i32
      %lt3A_812 = arith.cmpi slt, %add3A_810, %lt3A_811 : i32
      %convert_element_type3A_813 = arith.extui %lt3A_812 : i1 to i32
      %cond3A_814 = arith.constant 0 : i32
      %cond3A_815 = arith.cmpi ne, %convert_element_type3A_813, %cond3A_814 : i32
      scf.if %cond3A_815 {
        %add3A_816 = arith.constant 1 : i32
        %add3A_817 = arith.addi %add3A_417, %add3A_816 : i32
        %mul3A_818 = arith.constant 8 : i32
        %mul3A_819 = arith.muli %add3A_817, %mul3A_818 : i32
        %dma_wait3A_820 = arith.constant 0 : i32
        %dma_wait3A_821 = tpu.memref_slice %arg3[%add3A, %mul3A_819, %dma_wait3A_820] : memref<32x160x128xi32, #tpu.memory_space<hbm>> -> memref<1x8x128xi32, #tpu.memory_space<hbm>>
        %dma_wait3A_822 = tpu.memref_squeeze %dma_wait3A_821 : memref<1x8x128xi32, #tpu.memory_space<hbm>> -> memref<8x128xi32, #tpu.memory_space<hbm>>
        %dma_wait3A_823 = arith.constant 0 : i32
        %dma_wait3A_824 = tpu.memref_slice %arg3[%add3A, %mul3A_819, %dma_wait3A_823] : memref<32x160x128xi32, #tpu.memory_space<hbm>> -> memref<1x8x128xi32, #tpu.memory_space<hbm>>
        %dma_wait3A_825 = tpu.memref_squeeze %dma_wait3A_824 : memref<1x8x128xi32, #tpu.memory_space<hbm>> -> memref<8x128xi32, #tpu.memory_space<hbm>>
        tpu.wait_dma2 semaphore(%arg17 : memref<!tpu.dma_semaphore, #tpu.memory_space<semaphore_mem>>) src(%dma_wait3A_825 : memref<8x128xi32, #tpu.memory_space<hbm>>) dst(%arg7 : memref<8x128xi32, #tpu.memory_space<vmem>>)
        %add3A_826 = arith.constant 1 : i32
        %add3A_827 = arith.addi %add3A_417, %add3A_826 : i32
        %mul3A_828 = arith.constant 8 : i32
        %mul3A_829 = arith.muli %add3A_827, %mul3A_828 : i32
        %dma_wait3A_830 = arith.constant 0 : i32
        %dma_wait3A_831 = tpu.memref_slice %arg4[%add3A, %mul3A_829, %dma_wait3A_830] : memref<32x160x128xi32, #tpu.memory_space<hbm>> -> memref<1x8x128xi32, #tpu.memory_space<hbm>>
        %dma_wait3A_832 = tpu.memref_squeeze %dma_wait3A_831 : memref<1x8x128xi32, #tpu.memory_space<hbm>> -> memref<8x128xi32, #tpu.memory_space<hbm>>
        %dma_wait3A_833 = arith.constant 0 : i32
        %dma_wait3A_834 = tpu.memref_slice %arg4[%add3A, %mul3A_829, %dma_wait3A_833] : memref<32x160x128xi32, #tpu.memory_space<hbm>> -> memref<1x8x128xi32, #tpu.memory_space<hbm>>
        %dma_wait3A_835 = tpu.memref_squeeze %dma_wait3A_834 : memref<1x8x128xi32, #tpu.memory_space<hbm>> -> memref<8x128xi32, #tpu.memory_space<hbm>>
        tpu.wait_dma2 semaphore(%arg17 : memref<!tpu.dma_semaphore, #tpu.memory_space<semaphore_mem>>) src(%dma_wait3A_835 : memref<8x128xi32, #tpu.memory_space<hbm>>) dst(%arg8 : memref<8x128xi32, #tpu.memory_space<vmem>>)
      } else {
      }
    }
    %scan3A_9 = arith.constant 10 : i32
    %barrier3A_10 = arith.constant 0 : index
    tpu.barrier barrier_id(%barrier3A_10)
    %mul3A_11 = arith.constant 640 : i32
    %mul3A_12 = arith.muli %arg1, %mul3A_11 : i32
    %mul3A_13 = arith.constant 10240 : i32
    %mul3A_14 = arith.muli %arg0, %mul3A_13 : i32
    %mul3A_15 = arith.constant 640 : i32
    %mul3A_16 = arith.muli %arg1, %mul3A_15 : i32
    %add3A_17 = arith.addi %mul3A_14, %mul3A_16 : i32
    "tpu.region"() ({
      %run_scoped3A = tpu.sem_alloc : memref<!tpu.dma_semaphore, #tpu.memory_space<semaphore_mem>>
      %dma_start3A = arith.constant 0 : i32
      %dma_start3A_18 = tpu.memref_slice %arg6[%add3A_17, %dma_start3A] : memref<20480x128xf32, #tpu.memory_space<hbm>> -> memref<640x128xf32, #tpu.memory_space<hbm>>
      %dma_start3A_19 = arith.constant 0 : i32
      %dma_start3A_20 = tpu.memref_slice %arg12[%mul3A_12, %dma_start3A_19] : memref<10240x128xf32, #tpu.memory_space<vmem_shared>> -> memref<640x128xf32, #tpu.memory_space<vmem_shared>>
      tpu.enqueue_dma source(%dma_start3A_20 : memref<640x128xf32, #tpu.memory_space<vmem_shared>>) target(%dma_start3A_18 : memref<640x128xf32, #tpu.memory_space<hbm>>) target_semaphore(%run_scoped3A : memref<!tpu.dma_semaphore, #tpu.memory_space<semaphore_mem>>)
      %dma_wait3A = arith.constant 0 : i32
      %dma_wait3A_21 = tpu.memref_slice %arg6[%add3A_17, %dma_wait3A] : memref<20480x128xf32, #tpu.memory_space<hbm>> -> memref<640x128xf32, #tpu.memory_space<hbm>>
      %dma_wait3A_22 = arith.constant 0 : i32
      %dma_wait3A_23 = tpu.memref_slice %arg12[%mul3A_12, %dma_wait3A_22] : memref<10240x128xf32, #tpu.memory_space<vmem_shared>> -> memref<640x128xf32, #tpu.memory_space<vmem_shared>>
      tpu.wait_dma2 semaphore(%run_scoped3A : memref<!tpu.dma_semaphore, #tpu.memory_space<semaphore_mem>>) src(%dma_wait3A_23 : memref<640x128xf32, #tpu.memory_space<vmem_shared>>) dst(%dma_wait3A_21 : memref<640x128xf32, #tpu.memory_space<hbm>>)
      tpu.yield
    }) : () -> ()
    return
  }
}

module attributes {stable_mosaic.version = 14 : i64} {
  func.func @_prescale_body(%arg0: i32, %arg1: memref<2560x1xf32, #tpu.memory_space<vmem>>, %arg2: memref<2560x128xf32, #tpu.memory_space<vmem>>, %arg3: memref<2560x128xf32, #tpu.memory_space<vmem>>, %arg4: memref<2560x1xf32, #tpu.memory_space<vmem>>) attributes {dimension_semantics = [#tpu.dimension_semantics<arbitrary>], iteration_bounds = array<i64: 8>, scalar_prefetch = 0 : i64, scratch_operands = 0 : i64, tpu.core_type = #tpu.core_type<tc>, window_params = [{transform_indices = @transform_0, window_bounds = array<i64: 2560, 1>}, {transform_indices = @transform_1, window_bounds = array<i64: 2560, 128>}, {transform_indices = @transform_2, window_bounds = array<i64: 2560, 128>}, {transform_indices = @transform_3, window_bounds = array<i64: 2560, 1>}]} {
    %get3A = arith.constant 0 : index
    %get3A_0 = arith.constant 0 : index
    %get3A_1 = vector.load %arg1[%get3A, %get3A_0] : memref<2560x1xf32, #tpu.memory_space<vmem>>, vector<2560x1xf32>
    %add3A = arith.constant 1.000000e+00 : f32
    %add3A_2 = vector.broadcast %add3A : f32 to vector<2560x1xf32>
    %add3A_3 = arith.addf %get3A_1, %add3A_2 : vector<2560x1xf32>
    %rsqrt3A = math.rsqrt %add3A_3 : vector<2560x1xf32>
    %get3A_4 = arith.constant 0 : index
    %get3A_5 = arith.constant 0 : index
    %get3A_6 = vector.load %arg2[%get3A_4, %get3A_5] : memref<2560x128xf32, #tpu.memory_space<vmem>>, vector<2560x128xf32>
    %mul3A = vector.broadcast %rsqrt3A : vector<2560x1xf32> to vector<2560x128xf32>
    %mul3A_7 = arith.mulf %get3A_6, %mul3A : vector<2560x128xf32>
    %swap3A = arith.constant 0 : index
    %swap3A_8 = arith.constant 0 : index
    %swap3A_9 = vector.load %arg3[%swap3A, %swap3A_8] : memref<2560x128xf32, #tpu.memory_space<vmem>>, vector<2560x128xf32>
    tpu.vector_store %arg3[%swap3A, %swap3A_8], %mul3A_7 {strides = array<i32>} : memref<2560x128xf32, #tpu.memory_space<vmem>>, vector<2560x128xf32>,
    %swap3A_10 = arith.constant 0 : index
    %swap3A_11 = arith.constant 0 : index
    %swap3A_12 = vector.load %arg4[%swap3A_10, %swap3A_11] : memref<2560x1xf32, #tpu.memory_space<vmem>>, vector<2560x1xf32>
    tpu.vector_store %arg4[%swap3A_10, %swap3A_11], %rsqrt3A {strides = array<i32>} : memref<2560x1xf32, #tpu.memory_space<vmem>>, vector<2560x1xf32>,
    return
  }
  func.func @transform_0(%arg0: i32) -> (i32, i32) {
    %c0_i32 = arith.constant 0 : i32
    %c0_i32_0 = arith.constant 0 : i32
    return %arg0, %c0_i32 : i32, i32
  }
  func.func @transform_1(%arg0: i32) -> (i32, i32) {
    %jit3A = arith.constant 4 : i32
    %eq3A = arith.constant 0 : i32
    %eq3A_0 = arith.cmpi eq, %jit3A, %eq3A : i32
    %jit3A_1 = arith.constant 1 : i32
    %select_n3A = arith.select %eq3A_0, %jit3A_1, %jit3A : i32
    %rem3A = arith.remsi %arg0, %select_n3A : i32
    %ne3A = arith.constant 0 : i32
    %ne3A_2 = arith.cmpi ne, %rem3A, %ne3A : i32
    %lt3A = arith.constant 0 : i32
    %lt3A_3 = arith.cmpi slt, %rem3A, %lt3A : i32
    %lt3A_4 = arith.constant 0 : i32
    %lt3A_5 = arith.cmpi slt, %select_n3A, %lt3A_4 : i32
    %ne3A_6 = arith.xori %lt3A_3, %lt3A_5 : i1
    %and3A = arith.andi %ne3A_6, %ne3A_2 : i1
    %add3A = arith.addi %rem3A, %select_n3A : i32
    %select_n3A_7 = arith.select %and3A, %add3A, %rem3A : i32
    %c0_i32 = arith.constant 0 : i32
    %c0_i32_8 = arith.constant 0 : i32
    return %select_n3A_7, %c0_i32 : i32, i32
  }
  func.func @transform_2(%arg0: i32) -> (i32, i32) {
    %c0_i32 = arith.constant 0 : i32
    %c0_i32_0 = arith.constant 0 : i32
    return %arg0, %c0_i32 : i32, i32
  }
  func.func @transform_3(%arg0: i32) -> (i32, i32) {
    %c0_i32 = arith.constant 0 : i32
    %c0_i32_0 = arith.constant 0 : i32
    return %arg0, %c0_i32 : i32, i32
  }
}

module attributes {stable_mosaic.version = 14 : i64} {
  func.func @_encode_body(%arg0: i32, %arg1: memref<2560x128xf32, #tpu.memory_space<vmem>>, %arg2: memref<2560x128xf32, #tpu.memory_space<vmem>>, %arg3: memref<2560x128xf32, #tpu.memory_space<vmem>>, %arg4: memref<2560x1xf32, #tpu.memory_space<vmem>>, %arg5: memref<2560x1xf32, #tpu.memory_space<vmem>>, %arg6: memref<128x512xf32, #tpu.memory_space<vmem>>, %arg7: memref<1x512xf32, #tpu.memory_space<vmem>>, %arg8: memref<2560x512xf32, #tpu.memory_space<vmem>>) attributes {dimension_semantics = [#tpu.dimension_semantics<arbitrary>], iteration_bounds = array<i64: 4>, scalar_prefetch = 0 : i64, scratch_operands = 0 : i64, tpu.core_type = #tpu.core_type<tc>, window_params = [{transform_indices = @transform_0, window_bounds = array<i64: 2560, 128>}, {transform_indices = @transform_1, window_bounds = array<i64: 2560, 128>}, {transform_indices = @transform_2, window_bounds = array<i64: 2560, 128>}, {transform_indices = @transform_3, window_bounds = array<i64: 2560, 1>}, {transform_indices = @transform_4, window_bounds = array<i64: 2560, 1>}, {pipeline_mode = #tpu.pipeline_mode<synchronous>, transform_indices = @transform_5, window_bounds = array<i64: 128, 512>}, {pipeline_mode = #tpu.pipeline_mode<synchronous>, transform_indices = @transform_6, window_bounds = array<i64: 1, 512>}, {transform_indices = @transform_7, window_bounds = array<i64: 2560, 512>}]} {
    %get3A = arith.constant 0 : index
    %get3A_0 = arith.constant 0 : index
    %get3A_1 = vector.load %arg3[%get3A, %get3A_0] : memref<2560x128xf32, #tpu.memory_space<vmem>>, vector<2560x128xf32>
    %get3A_2 = arith.constant 0 : index
    %get3A_3 = arith.constant 0 : index
    %get3A_4 = vector.load %arg6[%get3A_2, %get3A_3] : memref<128x512xf32, #tpu.memory_space<vmem>>, vector<128x512xf32>
    %get3A_5 = arith.constant 0 : index
    %get3A_6 = arith.constant 0 : index
    %get3A_7 = vector.load %arg7[%get3A_5, %get3A_6] : memref<1x512xf32, #tpu.memory_space<vmem>>, vector<1x512xf32>
    %get3A_8 = arith.constant 0 : index
    %get3A_9 = arith.constant 0 : index
    %get3A_10 = vector.load %arg1[%get3A_8, %get3A_9] : memref<2560x128xf32, #tpu.memory_space<vmem>>, vector<2560x128xf32>
    %get3A_11 = arith.constant 0 : index
    %get3A_12 = arith.constant 0 : index
    %get3A_13 = vector.load %arg4[%get3A_11, %get3A_12] : memref<2560x1xf32, #tpu.memory_space<vmem>>, vector<2560x1xf32>
    %mul3A = vector.broadcast %get3A_13 : vector<2560x1xf32> to vector<2560x128xf32>
    %mul3A_14 = arith.mulf %mul3A, %get3A_10 : vector<2560x128xf32>
    %mul3A_15 = arith.mulf %get3A_13, %get3A_13 : vector<2560x1xf32>
    %mul3A_16 = vector.broadcast %mul3A_15 : vector<2560x1xf32> to vector<2560x128xf32>
    %mul3A_17 = arith.mulf %mul3A_16, %get3A_1 : vector<2560x128xf32>
    %add3A = arith.addf %mul3A_14, %mul3A_17 : vector<2560x128xf32>
    %dot_general3A = arith.constant dense<0.000000e+00> : vector<2560x512xf32>
    %dot_general3A_18 = tpu.matmul %add3A, %get3A_4, %dot_general3A {dimension_numbers = #tpu.dot_dimension_numbers<[1], [0], [0], [1], [0, 0, 1, 1], [], []>, transpose_lhs_hint = false} : vector<2560x128xf32>, vector<128x512xf32>, vector<2560x512xf32> -> vector<2560x512xf32>
    %add3A_19 = vector.broadcast %get3A_7 : vector<1x512xf32> to vector<2560x512xf32>
    %add3A_20 = arith.addf %dot_general3A_18, %add3A_19 : vector<2560x512xf32>
    %ge3A = arith.constant 0.000000e+00 : f32
    %ge3A_21 = vector.broadcast %ge3A : f32 to vector<2560x512xf32>
    %ge3A_22 = arith.cmpf oge, %add3A_20, %ge3A_21 : vector<2560x512xf32>
    %mul3A_23 = arith.constant 1.000000e-01 : f32
    %mul3A_24 = vector.broadcast %mul3A_23 : f32 to vector<2560x512xf32>
    %mul3A_25 = arith.mulf %mul3A_24, %add3A_20 : vector<2560x512xf32>
    %select_n3A = arith.select %ge3A_22, %add3A_20, %mul3A_25 : vector<2560x512xi1>, vector<2560x512xf32>
    %get3A_26 = arith.constant 0 : index
    %get3A_27 = arith.constant 0 : index
    %get3A_28 = vector.load %arg2[%get3A_26, %get3A_27] : memref<2560x128xf32, #tpu.memory_space<vmem>>, vector<2560x128xf32>
    %get3A_29 = arith.constant 0 : index
    %get3A_30 = arith.constant 0 : index
    %get3A_31 = vector.load %arg5[%get3A_29, %get3A_30] : memref<2560x1xf32, #tpu.memory_space<vmem>>, vector<2560x1xf32>
    %mul3A_32 = vector.broadcast %get3A_31 : vector<2560x1xf32> to vector<2560x128xf32>
    %mul3A_33 = arith.mulf %mul3A_32, %get3A_28 : vector<2560x128xf32>
    %mul3A_34 = arith.mulf %get3A_31, %get3A_31 : vector<2560x1xf32>
    %mul3A_35 = vector.broadcast %mul3A_34 : vector<2560x1xf32> to vector<2560x128xf32>
    %mul3A_36 = arith.mulf %mul3A_35, %get3A_1 : vector<2560x128xf32>
    %add3A_37 = arith.addf %mul3A_33, %mul3A_36 : vector<2560x128xf32>
    %dot_general3A_38 = arith.constant dense<0.000000e+00> : vector<2560x512xf32>
    %dot_general3A_39 = tpu.matmul %add3A_37, %get3A_4, %dot_general3A_38 {dimension_numbers = #tpu.dot_dimension_numbers<[1], [0], [0], [1], [0, 0, 1, 1], [], []>, transpose_lhs_hint = false} : vector<2560x128xf32>, vector<128x512xf32>, vector<2560x512xf32> -> vector<2560x512xf32>
    %add3A_40 = vector.broadcast %get3A_7 : vector<1x512xf32> to vector<2560x512xf32>
    %add3A_41 = arith.addf %dot_general3A_39, %add3A_40 : vector<2560x512xf32>
    %ge3A_42 = arith.constant 0.000000e+00 : f32
    %ge3A_43 = vector.broadcast %ge3A_42 : f32 to vector<2560x512xf32>
    %ge3A_44 = arith.cmpf oge, %add3A_41, %ge3A_43 : vector<2560x512xf32>
    %mul3A_45 = arith.constant 1.000000e-01 : f32
    %mul3A_46 = vector.broadcast %mul3A_45 : f32 to vector<2560x512xf32>
    %mul3A_47 = arith.mulf %mul3A_46, %add3A_41 : vector<2560x512xf32>
    %select_n3A_48 = arith.select %ge3A_44, %add3A_41, %mul3A_47 : vector<2560x512xi1>, vector<2560x512xf32>
    %sub3A = arith.subf %select_n3A_48, %select_n3A : vector<2560x512xf32>
    %swap3A = arith.constant 0 : index
    %swap3A_49 = arith.constant 0 : index
    %swap3A_50 = vector.load %arg8[%swap3A, %swap3A_49] : memref<2560x512xf32, #tpu.memory_space<vmem>>, vector<2560x512xf32>
    tpu.vector_store %arg8[%swap3A, %swap3A_49], %sub3A {strides = array<i32>} : memref<2560x512xf32, #tpu.memory_space<vmem>>, vector<2560x512xf32>,
    return
  }
  func.func @transform_0(%arg0: i32) -> (i32, i32) {
    %c0_i32 = arith.constant 0 : i32
    %c0_i32_0 = arith.constant 0 : i32
    return %arg0, %c0_i32 : i32, i32
  }
  func.func @transform_1(%arg0: i32) -> (i32, i32) {
    %add3A = arith.constant 4 : i32
    %add3A_0 = arith.addi %arg0, %add3A : i32
    %c0_i32 = arith.constant 0 : i32
    %c0_i32_1 = arith.constant 0 : i32
    return %add3A_0, %c0_i32 : i32, i32
  }
  func.func @transform_2(%arg0: i32) -> (i32, i32) {
    %c0_i32 = arith.constant 0 : i32
    %c0_i32_0 = arith.constant 0 : i32
    return %arg0, %c0_i32 : i32, i32
  }
  func.func @transform_3(%arg0: i32) -> (i32, i32) {
    %c0_i32 = arith.constant 0 : i32
    %c0_i32_0 = arith.constant 0 : i32
    return %arg0, %c0_i32 : i32, i32
  }
  func.func @transform_4(%arg0: i32) -> (i32, i32) {
    %add3A = arith.constant 4 : i32
    %add3A_0 = arith.addi %arg0, %add3A : i32
    %c0_i32 = arith.constant 0 : i32
    %c0_i32_1 = arith.constant 0 : i32
    return %add3A_0, %c0_i32 : i32, i32
  }
  func.func @transform_5(%arg0: i32) -> (i32, i32) {
    %c0_i32 = arith.constant 0 : i32
    %c0_i32_0 = arith.constant 0 : i32
    %c0_i32_1 = arith.constant 0 : i32
    return %c0_i32, %c0_i32_0 : i32, i32
  }
  func.func @transform_6(%arg0: i32) -> (i32, i32) {
    %c0_i32 = arith.constant 0 : i32
    %c0_i32_0 = arith.constant 0 : i32
    %c0_i32_1 = arith.constant 0 : i32
    return %c0_i32, %c0_i32_0 : i32, i32
  }
  func.func @transform_7(%arg0: i32) -> (i32, i32) {
    %c0_i32 = arith.constant 0 : i32
    %c0_i32_0 = arith.constant 0 : i32
    return %arg0, %c0_i32 : i32, i32
  }
}

module attributes {stable_mosaic.version = 14 : i64} {
  func.func @_decode_body(%arg0: i32, %arg1: memref<2048x512xf32, #tpu.memory_space<vmem>>, %arg2: memref<2048x512xf32, #tpu.memory_space<vmem>>, %arg3: memref<512x4xf32, #tpu.memory_space<vmem>>, %arg4: memref<1x4xf32, #tpu.memory_space<vmem>>, %arg5: memref<2048x4xf32, #tpu.memory_space<vmem>>) attributes {dimension_semantics = [#tpu.dimension_semantics<arbitrary>], iteration_bounds = array<i64: 4>, scalar_prefetch = 0 : i64, scratch_operands = 0 : i64, tpu.core_type = #tpu.core_type<tc>, window_params = [{transform_indices = @transform_0, window_bounds = array<i64: 2048, 512>}, {transform_indices = @transform_1, window_bounds = array<i64: 2048, 512>}, {pipeline_mode = #tpu.pipeline_mode<synchronous>, transform_indices = @transform_2, window_bounds = array<i64: 512, 4>}, {pipeline_mode = #tpu.pipeline_mode<synchronous>, transform_indices = @transform_3, window_bounds = array<i64: 1, 4>}, {transform_indices = @transform_4, window_bounds = array<i64: 2048, 4>}]} {
    %get3A = arith.constant 0 : index
    %get3A_0 = arith.constant 0 : index
    %get3A_1 = vector.load %arg1[%get3A, %get3A_0] : memref<2048x512xf32, #tpu.memory_space<vmem>>, vector<2048x512xf32>
    %get3A_2 = arith.constant 0 : index
    %get3A_3 = arith.constant 0 : index
    %get3A_4 = vector.load %arg2[%get3A_2, %get3A_3] : memref<2048x512xf32, #tpu.memory_space<vmem>>, vector<2048x512xf32>
    %sub3A = arith.subf %get3A_1, %get3A_4 : vector<2048x512xf32>
    %mul3A = arith.mulf %sub3A, %sub3A : vector<2048x512xf32>
    %neg3A = arith.constant 0.000000e+00 : f32
    %neg3A_5 = vector.broadcast %neg3A : f32 to vector<2048x512xf32>
    %neg3A_6 = arith.subf %neg3A_5, %mul3A : vector<2048x512xf32>
    %reduce_max3A = arith.constant dense<0xFF800000> : vector<2048xf32>
    %reduce_max3A_7 = vector.multi_reduction <maximumf>, %neg3A_6, %reduce_max3A [1] : vector<2048x512xf32> to vector<2048xf32>
    %broadcast_in_dim3A = vector.shape_cast %reduce_max3A_7 : vector<2048xf32> to vector<2048x1xf32>
    %sub3A_8 = vector.broadcast %broadcast_in_dim3A : vector<2048x1xf32> to vector<2048x512xf32>
    %sub3A_9 = arith.subf %neg3A_6, %sub3A_8 : vector<2048x512xf32>
    %exp3A = math.exp %sub3A_9 : vector<2048x512xf32>
    %reduce_sum3A = arith.constant dense<0.000000e+00> : vector<2048xf32>
    %reduce_sum3A_10 = vector.multi_reduction <add>, %exp3A, %reduce_sum3A [1] : vector<2048x512xf32> to vector<2048xf32>
    %broadcast_in_dim3A_11 = vector.shape_cast %reduce_sum3A_10 : vector<2048xf32> to vector<2048x1xf32>
    %div3A = vector.broadcast %broadcast_in_dim3A_11 : vector<2048x1xf32> to vector<2048x512xf32>
    %div3A_12 = arith.divf %exp3A, %div3A : vector<2048x512xf32>
    %get3A_13 = arith.constant 0 : index
    %get3A_14 = arith.constant 0 : index
    %get3A_15 = vector.load %arg3[%get3A_13, %get3A_14] : memref<512x4xf32, #tpu.memory_space<vmem>>, vector<512x4xf32>
    %dot_general3A = arith.constant dense<0.000000e+00> : vector<2048x4xf32>
    %dot_general3A_16 = tpu.matmul %div3A_12, %get3A_15, %dot_general3A {dimension_numbers = #tpu.dot_dimension_numbers<[1], [0], [0], [1], [0, 0, 1, 1], [], []>, transpose_lhs_hint = false} : vector<2048x512xf32>, vector<512x4xf32>, vector<2048x4xf32> -> vector<2048x4xf32>
    %get3A_17 = arith.constant 0 : index
    %get3A_18 = arith.constant 0 : index
    %get3A_19 = vector.load %arg4[%get3A_17, %get3A_18] : memref<1x4xf32, #tpu.memory_space<vmem>>, vector<1x4xf32>
    %add3A = vector.broadcast %get3A_19 : vector<1x4xf32> to vector<2048x4xf32>
    %add3A_20 = arith.addf %dot_general3A_16, %add3A : vector<2048x4xf32>
    %swap3A = arith.constant 0 : index
    %swap3A_21 = arith.constant 0 : index
    %swap3A_22 = vector.load %arg5[%swap3A, %swap3A_21] : memref<2048x4xf32, #tpu.memory_space<vmem>>, vector<2048x4xf32>
    tpu.vector_store %arg5[%swap3A, %swap3A_21], %add3A_20 {strides = array<i32>} : memref<2048x4xf32, #tpu.memory_space<vmem>>, vector<2048x4xf32>,
    return
  }
  func.func @transform_0(%arg0: i32) -> (i32, i32) {
    %c0_i32 = arith.constant 0 : i32
    %c0_i32_0 = arith.constant 0 : i32
    return %arg0, %c0_i32 : i32, i32
  }
  func.func @transform_1(%arg0: i32) -> (i32, i32) {
    %add3A = arith.constant 4 : i32
    %add3A_0 = arith.addi %arg0, %add3A : i32
    %c0_i32 = arith.constant 0 : i32
    %c0_i32_1 = arith.constant 0 : i32
    return %add3A_0, %c0_i32 : i32, i32
  }
  func.func @transform_2(%arg0: i32) -> (i32, i32) {
    %c0_i32 = arith.constant 0 : i32
    %c0_i32_0 = arith.constant 0 : i32
    %c0_i32_1 = arith.constant 0 : i32
    return %c0_i32, %c0_i32_0 : i32, i32
  }
  func.func @transform_3(%arg0: i32) -> (i32, i32) {
    %c0_i32 = arith.constant 0 : i32
    %c0_i32_0 = arith.constant 0 : i32
    %c0_i32_1 = arith.constant 0 : i32
    return %c0_i32, %c0_i32_0 : i32, i32
  }
  func.func @transform_4(%arg0: i32) -> (i32, i32) {
    %c0_i32 = arith.constant 0 : i32
    %c0_i32_0 = arith.constant 0 : i32
    return %arg0, %c0_i32 : i32, i32
  }
}

</mosaic_0001>

<sc_bundles>
// kernel: kernel.11.cloned.1.call-start
scs
__scs_entry_jumppad:
0x0: {  	(pc) =	sbr.rel $0x88, $3  }
0x1: {  	(tag) =	ssettag $0x0;
	lr =	simm.s32 $0x1  }
0x2: {  	[smem:$0x3F99] =	sst lr;
	_ =	strace $0xD0000000  }
0x3: {  	_ = 	snop  }
0x4: {  	_ = 	snop  }
0x5: {  	_ = 	snop  }
0x6: {  	_ = 	snop  }
0x7: {  	_ = 	snop  }
__scs_overlays_trampoline_lowered:
0x8: {  	[smem:$0x3FA8] =	sst s0  }
0x9: {  	[smem:$0x3FA9] =	sst s1  }
0xa: {  	[smem:$0x3FAA] =	sst s2  }
0xb: {  	[smem:$0x3FAB] =	sst s3  }
0xc: {  	[smem:$0x3FAC] =	sst s4  }
0xd: {  	[smem:$0x3FAD] =	sst s5  }
0xe: {  	[smem:$0x3FAE] =	sst s6  }
0xf: {  	[smem:$0x3FAF] =	sst s7  }
0x10: {  	[smem:$0x3FB0] =	sst s8  }
0x11: {  	[smem:$0x3FB1] =	sst s9;
	s0 =	simm.s32 @!p0 $0x0  }
0x12: {  	s1 =	sld [smem:$0x3F97];
	s0 =	simm.s32 @p0 $0x1  }
0x13: {  	[smem:$0x3FB2] =	sst s0;
	s0 =	simm.s32 @!p1 $0x0  }
0x14: {  	s2 =	sld [smem:$0x3F96];
	s0 =	simm.s32 @p1 $0x1  }
0x15: {  	[smem:$0x3FB3] =	sst s0;
	s0 =	simm.s32 @!p2 $0x0  }
0x16: {  	s3 =	sld [smem:$0x3FDB];
	s0 =	simm.s32 @p2 $0x1  }
0x17: {  	s4 =	simm.s32 $0x1BF5;
	[smem:$0x3FB5] =	sst s0  }
0x18: {  	s0 =	sld [smem:$0x3F98];
	_ =	swait.ge [sflag:s4], $0x0  }
0x19: {  	s7 =	sld [smem:$0x3F99]  }
0x1a: {  	s8 =	sadd.s32 $0xFFFFE003, lr  }
0x1b: {  	s9 =	sadd.s32 $0xFFFFFEF7, lr;
	s5 =	simm.s32 $0xFFFFFFFF;
	p2 =	slt.u32 s8, $0xFFFFF086  }
0x1c: {  	p1 =	slt.u32 s9, $0xF7A;
	s5 =	simm.s32 @!p2 $0x0  }
0x1d: {  	s5 =	simm.s32 @p1 $0x1;
	p0 =	seq.s32 s7, s2  }
0x1e: {  	s7 =	smul.u32 @!p0 $0xF7A, s2;
	p2 =	seq.s32 @!p0 s5, $0x0  }
0x1f: {  	s9 =	smul.u32 $0xF7A, s1;
	s8 =	simm.s32 @!p0 $0x1BF5;
	p2 =	por !p2, p0  }
0x20: {  	[sflag:s8] =	ssyncset.s32 @!p0 $0xFFFFF086;
	s6 =	sadd.s32 @!p0 s3, s7;
	s7 =	simm.s32 @!p0 $0x108  }
0x21: {  	s3 =	sadd.s32 s3, s9;
	s6 =	sadd.s32 @!p0 $0x88, s6;
	s7 =	simm.s32 @p2 $0x1082  }
0x22: {  	[simem:s7], [sflag:s8] =	dma.local @!p0 [hbm:s6], $0xF7A  }
0x23: {  	s9 =	sor.u32 $0xD0000000, s2;
	s6 =	simm.s32 $0x108;
	_ =	swait.ge @!p0 [sflag:s8], $0x0  }
0x24: {  	s3 =	sadd.s32 $0x88, s3;
	s6 =	simm.s32 @!p1 $0x1082;
	[sflag:s4] =	ssyncset.s32 $0xFFFFF086  }
0x25: {  	[simem:s6], [sflag:s4] =	dma.local [hbm:s3], $0xF7A  }
0x26: {  	[smem:$0x3F99] =	sst s1;
	(tag) =	ssettag s2;
	_ =	strace s9  }
0x27: {  	s1 =	sld [smem:$0x3FA9]  }
0x28: {  	s2 =	sld [smem:$0x3FAA]  }
0x29: {  	s4 =	sld [smem:$0x3FAC]  }
0x2a: {  	p0 =	seq.s32 s5, $0x0;
	s5 =	sld [smem:$0x3FAD]  }
0x2b: {  	s6 =	sld [smem:$0x3FAE]  }
0x2c: {  	s7 =	sld [smem:$0x3FAF]  }
0x2d: {  	s3 =	simm.s32 $0x108;
	s8 =	sld [smem:$0x3FB0]  }
0x2e: {  	s3 =	simm.s32 @!p0 $0x1082;
	s9 =	sld [smem:$0x3FB1]  }
0x2f: {  	lr =	sadd.s32 s0, s3;
	s0 =	sld [smem:$0x3FA8]  }
0x30: {  	s3 =	sld [smem:$0x3FAB]  }
0x31: {  	[smem:$0x3FB4] =	sst s10  }
0x32: {  	s10 =	sld [smem:$0x3FB2];
	_ =	sdelay $0x3  }
0x33: {  	p0 =	seq.s32 s10, $0x1;
	s10 =	sld [smem:$0x3FB4];
	_ =	sdelay $0x3  }
0x34: {  	[smem:$0x3FB4] =	sst s10  }
0x35: {  	s10 =	sld [smem:$0x3FB3];
	_ =	sdelay $0x3  }
0x36: {  	p1 =	seq.s32 s10, $0x1;
	s10 =	sld [smem:$0x3FB4];
	_ =	sdelay $0x3  }
0x37: {  	[smem:$0x3FB4] =	sst s10  }
0x38: {  	s10 =	sld [smem:$0x3FB5]  }
0x39: {  	_ = 	snop;
	(pc) =	sbr.ind lr, $3  }
0x3a: {  	_ = 	snop  }
0x3b: {  	_ = 	snop  }
0x3c: {  	p2 =	seq.s32 s10, $0x1;
	s10 =	sld [smem:$0x3FB4]  }
0x3d: {  	_ =	shalt  }
0x3e: {  	_ =	shalt  }
0x3f: {  	_ =	shalt  }
0x40: {  	_ =	shalt  }
0x41: {  	_ =	shalt  }
0x42: {  	_ =	shalt  }
0x43: {  	_ =	shalt  }
0x44: {  	_ =	shalt  }
0x45: {  	_ =	shalt  }
0x46: {  	_ =	shalt  }
0x47: {  	_ =	shalt  }
0x48: {  	_ =	shalt  }
0x49: {  	_ =	shalt  }
0x4a: {  	_ =	shalt  }
0x4b: {  	_ =	shalt  }
0x4c: {  	_ =	shalt  }
0x4d: {  	_ =	shalt  }
0x4e: {  	_ =	shalt  }
0x4f: {  	_ =	shalt  }
0x50: {  	_ =	shalt  }
0x51: {  	_ =	shalt  }
0x52: {  	_ =	shalt  }
0x53: {  	_ =	shalt  }
0x54: {  	_ =	shalt  }
0x55: {  	_ =	shalt  }
0x56: {  	_ =	shalt  }
0x57: {  	_ =	shalt  }
0x58: {  	_ =	shalt  }
0x59: {  	_ =	shalt  }
0x5a: {  	_ =	shalt  }
0x5b: {  	_ =	shalt  }
0x5c: {  	_ =	shalt  }
0x5d: {  	_ =	shalt  }
0x5e: {  	_ =	shalt  }
0x5f: {  	_ =	shalt  }
0x60: {  	_ =	shalt  }
0x61: {  	_ =	shalt  }
0x62: {  	_ =	shalt  }
0x63: {  	_ =	shalt  }
0x64: {  	_ =	shalt  }
0x65: {  	_ =	shalt  }
0x66: {  	_ =	shalt  }
0x67: {  	_ =	shalt  }
0x68: {  	_ =	shalt  }
0x69: {  	_ =	shalt  }
0x6a: {  	_ =	shalt  }
0x6b: {  	_ =	shalt  }
0x6c: {  	_ =	shalt  }
0x6d: {  	_ =	shalt  }
0x6e: {  	_ =	shalt  }
0x6f: {  	_ =	shalt  }
0x70: {  	_ =	shalt  }
0x71: {  	_ =	shalt  }
0x72: {  	_ =	shalt  }
0x73: {  	_ =	shalt  }
0x74: {  	_ =	shalt  }
0x75: {  	_ =	shalt  }
0x76: {  	_ =	shalt  }
0x77: {  	_ =	shalt  }
0x78: {  	_ =	shalt  }
0x79: {  	_ =	shalt  }
0x7a: {  	_ =	shalt  }
0x7b: {  	_ =	shalt  }
0x7c: {  	_ =	shalt  }
0x7d: {  	_ =	shalt  }
0x7e: {  	_ =	shalt  }
0x7f: {  	_ =	shalt  }
0x80: {  	_ =	shalt  }
0x81: {  	_ =	shalt  }
0x82: {  	_ =	shalt  }
0x83: {  	_ =	shalt  }
0x84: {  	_ =	shalt  }
0x85: {  	_ =	shalt  }
0x86: {  	_ =	shalt  }
0x87: {  	_ =	shalt  }
.Lfunc_end0:
.L_simem_size_0:
called_computation.1_lowered:
.L_overlay_start_0:
0x88: {  	s2 =	sld [smem:$0x3FD9]  }
0x89: {  	s3 =	sld [smem:$0x3FFE];
	_ =	sdelay $0x1  }
0x8a: {  	s1 =	srdreg.scid  }
0x8b: {  	s0 =	sand.u32 $0x1, s1  }
0x8c: {  	s16 =	sshll.u32 s0, $0xA;
	s2 =	sadd.s32 s3, s2  }
0x8d: {  	s2 =	sadd.s32 s2, s16  }
0x8e: {  	[smem:$0x3FC0] =	sst s2  }
0x8f: {  	_ = 	snop  }
0x90: {  	(tm) =	ssettm $0x1  }
0x91: {  	s17 =	sld [smem:$0x3FFB];
	_ =	sdelay $0x3  }
0x92: {  	_ =	strace s17  }
0x93: {  	s2 =	sld [smem:$0x3FFC];
	_ =	sdelay $0x3  }
0x94: {  	_ =	strace s2  }
0x95: {  	s2 =	sld [smem:$0x3FFD];
	_ =	sdelay $0x3  }
0x96: {  	_ =	strace s2  }
0x97: {  	_ =	strace $0x8FFFFFFF  }
0x98: {  	s18 =	sld [smem:$0x3FDB];
	_ =	sdelay $0x1  }
0x99: {  	s19 =	simm.s32 $_scs_section_size  }
0x9a: {  	s4 =	simm.s32 $_size__tile_overlayer_lowered;
	s5 =	simm.s32 $_tile_overlayer_lowered  }
0x9b: {  	s22 =	simm.s32 $0x1BFF;
	s21 =	sshll.u32 s5, $0x1;
	s2 =	sadd.s32 s19, s18  }
0x9c: {  	s6 =	simm.s32 $0x0;
	s20 =	sshll.u32 s4, $0x1;
	s4 =	sadd.s32 s21, s2  }
0x9d: {  	[timem:s6], [sflag:s22] =	dma.local [hbm:s4], s20  }
0x9e: {  	_ =	swait.ge [sflag:s22], s20  }
0x9f: {  	s3 =	ssub.s32 $0x0, s20;
	[sflag:s22] =	ssyncset.done $0x0  }
0xa0: {  	[sflag:s22] =	ssyncadd.s32 s3;
	_ =	sdelay $0x1  }
0xa1: {  	s23 =	simm.s32 $0x1B8B  }
0xa2: {  	_ =	swait.ge [sflag:s23], $0x1  }
0xa3: {  	[sflag:s23] =	ssyncset.done $0x0  }
0xa4: {  	s25 =	simm.s32 $0x1B8E;
	s24 =	sld [smem:$0x3FFE];
	[sflag:s23] =	ssyncadd.s32 $0xFFFFFFFF  }
0xa5: {  	s26 =	simm.s32 $execute0_lowered;
	[smem:$0x3FD2] =	sst s25  }
0xa6: {  	s4 =	sshll.u32 s26, $0x1;
	_ =	strace $0x80000049;
	[dreg:$0x1] =	wrdreg $0xFFFFFFFF  }
0xa7: {  	s28 =	simm.s32 $_size_execute0_lowered;
	s2 =	sadd.s32 s2, s4;
	[dreg:$0x0] =	wrdreg $0x0  }
0xa8: {  	s4 =	sshll.u32 s28, $0x1;
	[dreg:$0x2] =	wrdreg s2  }
0xa9: {  	[dreg:$0x3] =	wrdreg s4  }
0xaa: {  	[dreg:$0x4] =	wrdreg $0xC0  }
0xab: {  	_ =	task [dreg:s6], $0x5FFFF  }
0xac: {  	[dreg:$0x1] =	wrdreg $0xFFFFFFFF  }
0xad: {  	[dreg:$0x0] =	wrdreg $0x60  }
0xae: {  	[dreg:$0x2] =	wrdreg s24  }
0xaf: {  	[dreg:$0x3] =	wrdreg $0x90000  }
0xb0: {  	[dreg:$0x4] =	wrdreg $0x9  }
0xb1: {  	_ =	task.clear_ibuf [dreg:s6], $0x5FFFF;
	_ =	strace $0x90000049  }
0xb2: {  	s29 =	simm.s32 $0x9;
	_ =	strace $0x8000004B  }
0xb3: {  	_ =	swait.ge [sflag:s29], $0x1  }
0xb4: {  	[sflag:s29] =	ssyncadd.s32 $0xFFFFFFFF  }
0xb5: {  	_ =	strace $0x9000004B  }
0xb6: {  	_ =	sfence  }
0xb7: {  	s30 =	sld [smem:$0x0];
	_ =	sdelay $0x2  }
0xb8: {  	s31 =	sshll.u32 s1, $0xD;
	s1 =	sshrl.u32 s1, $0x2  }
0xb9: {  	s3 =	sand.u32 $0x4000, s31;
	s1 =	sadd.s32 s1, s30  }
0xba: {  	s0 =	sor.u32 s3, s0;
	s1 =	sshll.u32 s1, $0x11  }
0xbb: {  	s0 =	sor.u32 s1, s0  }
0xbc: {  	s0 =	sadd.s32 $0x8F2B, s0  }
0xbd: {  	[sflag:s0] =	ssyncadd.remote.s32 $0x1  }
0xbe: {  	_ =	sfence.sel $0xFFFF  }
0xbf: {  	[dreg:$0x0] =	wrdreg $0xFFFFFFFF;
	(pc) =	sbr.abs _section_cstart, $3  }
0xc0: {  	[dreg:$0x1] =	wrdreg $0xFFFFFFFF  }
0xc1: {  	_ =	task.clear_ibuf [dreg:s6], $0x2FFFF;
	_ =	strace $0x9FFFFFFF  }
0xc2: {  	(tm) =	ssettm $0x7FFFFFFF  }
0xc3: {  	_ =	shalt  }
tec
execute0_lowered:
.L_overlay_start_1:
0x0: {  	(tag) =	ssettag $0x1  }
0x1: {  	s0 =	rddreg [dreg:$0x0]  }
0x2: {  	s2 =	rddreg [dreg:$0x1];
	s3 =	simm.s32 $0x0;
	s12 =	stileid.u32  }
0x3: {  	s1 =	srdreg.scid;
	s30 =	simm.s32 $0x6;
	s18 =	simm.s32 $0x800  }
0x4: {  	s19 =	simm.s32 $0xC00;
	s29 =	simm.s32 $0x4;
	s16 =	simm.s32 $0x5  }
0x5: {  	s31 =	simm.s32 $0xD00;
	s15 =	simm.s32 $0xF80;
	s17 =	simm.s32 $0x0  }
0x6: {  	[smem:$0x7FF] =	sst s3;
	s5 =	smul.u32 $0x2800, s12;
	s1 =	sand.u32 $0x1, s1  }
0x7: {  	s4 =	sadd.s32 $0x29800, s0;
	s7 =	sadd.s32 $0x15800, s0;
	s8 =	sadd.s32 $0x1800, s0  }
0x8: {  	s11 =	smul.u32 $0x50000, s12;
	s23 =	sshll.u32 s12, $0x6;
	_ =	strace $0x8000004A  }
0x9: {  	s6 =	smul.u32 $0x28000, s1;
	s20 =	sshll.u32 s1, $0x4;
	s10 =	ssub.s32 $0x2, s1  }
0xa: {  	s1 =	smul.u32 $0x50000, s1;
	s25 =	sor.u32 $0x1C06, s23;
	s23 =	simm.s32 $0x1  }
0xb: {  	[dreg:$0xa] =	wrdreg s17;
	s9 =	sadd.s32 s5, s0;
	s21 =	sshrl.u32 s10, $0x1  }
0xc: {  	s22 =	sshrl.u32 s11, $0x2;
	[dreg:$0x4] =	wrdreg s25;
	s5 =	sadd.s32 s5, s6  }
0xd: {  	s6 =	sor.u32 s12, s20;
	s12 =	smul.u32 $0x5000, s12;
	s9 =	sadd.s32 $0xC9800, s9  }
0xe: {  	s20 =	simm.s32 $0x80;
	s0 =	sadd.s32 s5, s0;
	s6 =	smul.u32 $0x5000, s6  }
0xf: {  	s5 =	ssub.s32 s10, s21;
	s10 =	sadd.s32 s22, s2;
	[dreg:$0x3] =	wrdreg s9  }
0x10: {  	s21 =	simm.s32 $0x1000;
	s22 =	simm.s32 $0x5000;
	s9 =	simm.s32 $0xE80  }
0x11: {  	s1 =	sadd.s32 s12, s1;
	s0 =	sadd.s32 $0xF1800, s0;
	s5 =	smax.u32 s5, $0x1  }
0x12: {  	s28 =	sshrl.u32 s10, $0x3;
	s10 =	simm.s32 $0xB80;
	[dreg:$0x7] =	wrdreg s0  }
0x13: {  	s6 =	sshrl.u32 s6, $0x3;
	s26 =	sor.u32 $0x800, s1;
	[dreg:$0x8] =	wrdreg s5  }
0x14: {  	s1 =	sor.u32 $0x400, s1;
	s5 =	simm.s32 $0xA80;
	[dreg:$0x9] =	wrdreg s28  }
0x15: {  	s24 =	sadd.s32 s7, s6;
	s6 =	sadd.s32 s8, s6;
	s0 =	sshrl.u32 s26, $0x3  }
.Ltmp0:
0x16: {  	s1 =	sshrl.u32 s1, $0x3;
	[dreg:$0x5] =	wrdreg s24;
	(pc) =	sbr.rel .LBB2_1-.Ltmp0, $4  }
0x17: {  	s26 =	simm.s32 $0x2;
	[dreg:$0x6] =	wrdreg s6;
	s11 =	sadd.s32 s0, s8  }
0x18: {  	s12 =	sadd.s32 s0, s7;
	s13 =	sadd.s32 s1, s8;
	s14 =	sadd.s32 s1, s7  }
0x19: {  	s24 =	simm.s32 $0x3;
	s0 =	simm.s32 $0xA00;
	s1 =	simm.s32 $0xD80  }
0x1a: {  	s7 =	simm.s32 $0xE00;
	s8 =	simm.s32 $0xB00;
	s6 =	simm.s32 $0xF00  }
.LBB2_4:
0x1b: {  	[bflag:$0x0] =	sbarrier.arrive $0xFFFF  }
0x1c: {  	s31 =	rddreg [dreg:$0x4]  }
0x1d: {  	s17 =	rddreg [dreg:$0x7]  }
0x1e: {  	s30 =	simm.s32 $0x6;
	s28 =	rddreg [dreg:$0x9]  }
0x1f: {  	[hbm:s17], [sflag:s31] =	dma.local [spmem:s28], $0x2800  }
0x20: {  	_ =	swait.ge [sflag:s30], $0x2800  }
0x21: {  	s25 =	rddreg [dreg:$0xa]  }
0x22: {  	s17 =	rddreg [dreg:$0x8];
	s25 =	sadd.s32 $0x1, s25  }
0x23: {  	p0 =	sne.s32 s25, s17  }
.Ltmp1:
0x24: {  	_ = 	snop;
	(pc) =	sbr.rel @!p0 .LBB2_5-.Ltmp1, $4  }
0x25: {  	_ = 	snop  }
0x26: {  	[sflag:s30] =	ssyncset.done $0x0  }
0x27: {  	[sflag:s30] =	ssyncadd.s32 $0xFFFFD800  }
0x28: {  	[dreg:$0xa] =	wrdreg s25;
	s25 =	smov.u32 s31;
	s31 =	simm.s32 $0xD00  }
.LBB2_1:
0x29: {  	s17 =	rddreg [dreg:$0x3]  }
0x2a: {  	[spmem:s28], [sflag:s25] =	dma.local [hbm:s17], $0x2800  }
0x2b: {  	_ =	swait.ge [sflag:s30], $0x2800  }
0x2c: {  	[sflag:s30] =	ssyncset.done $0x0  }
0x2d: {  	[sflag:s30] =	ssyncadd.s32 $0xFFFFD800  }
0x2e: {  	[bflag:$0x0] =	sbarrier.arrive $0xFFFF  }
0x2f: {  	s28 =	rddreg [dreg:$0x5]  }
0x30: {  	[tilespmem:s3], [sflag:$0x6] =	stream.linear.gather [hbm4b:s28+s3], $0x400, $0x38;
	[tilespmem:$0x1D000] =	vst v63  }
0x31: {  	_ =	swait.ge [sflag:s30], $0x400  }
0x32: {  	[sflag:s30] =	ssyncset.done $0x0  }
0x33: {  	s28 =	simm.s32 $0x400;
	s25 =	rddreg [dreg:$0x6];
	[sflag:s30] =	ssyncadd.s32 $0xFFFFFC00  }
0x34: {  	[tilespmem:s28], [sflag:$0x6] =	stream.linear.gather [hbm4b:s25+s3], $0x400, $0x38;
	[tilespmem:$0x1D000] =	vst v63  }
0x35: {  	_ =	swait.ge [sflag:s30], $0x400  }
0x36: {  	[sflag:s30] =	ssyncset.done $0x0  }
0x37: {  	s17 =	simm.s32 $0x0;
	[sflag:s30] =	ssyncadd.s32 $0xFFFFFC00  }
.LBB2_2:
0x38: {  	s25 =	sadd.s32 s17, s14  }
0x39: {  	[tilespmem:s18], [sflag:$0x5] =	stream.linear.gather [hbm4b:s25+s3], $0x400, $0x38;
	[tilespmem:$0x1D000] =	vst v63  }
0x3a: {  	s30 =	sadd.s32 s17, s13  }
0x3b: {  	[tilespmem:s19], [sflag:$0x5] =	stream.linear.gather [hbm4b:s30+s3], $0x400, $0x38;
	[tilespmem:$0x1D000] =	vst v63  }
0x3c: {  	_ = 	snop  }
0x3d: {  	[tilespmem:s21], [sflag:$0x1] =	stream.indirect.gather [hbm4b:s4+s20], $0x80, s3, s20, $0xb8;
	[tilespmem:$0x1D000] =	vst v63  }
0x3e: {  	_ = 	snop  }
0x3f: {  	[tilespmem:s22], [sflag:$0x2] =	stream.indirect.gather [hbm4b:s4+s20], $0x80, s20, s20, $0xb8;
	[tilespmem:$0x1D000] =	vst v63  }
0x40: {  	_ =	swait.ge [sflag:s23], $0x4000  }
0x41: {  	[sflag:s23] =	ssyncset.done $0x0  }
0x42: {  	s28 =	simm.s32 $0x400;
	[sflag:s23] =	ssyncadd.s32 $0xFFFFC000  }
0x43: {  	[spmem:s2] =	stream.indirect.scatter.add.f32 [tilespmem:s21], [sflag:$0x3], $0x80, s28, s20, $0xb8;
	[tilespmem:$0x1D000] =	vst v63  }
0x44: {  	_ =	swait.ge [sflag:s24], $0x4000  }
0x45: {  	[sflag:s24] =	ssyncset.done $0x0  }
0x46: {  	s30 =	simm.s32 $0x100;
	[sflag:s24] =	ssyncadd.s32 $0xFFFFC000  }
0x47: {  	[tilespmem:s21], [sflag:$0x1] =	stream.indirect.gather [hbm4b:s4+s20], $0x80, s30, s20, $0xb8;
	[tilespmem:$0x1D000] =	vst v63  }
0x48: {  	_ =	swait.ge [sflag:s26], $0x4000  }
0x49: {  	[sflag:s26] =	ssyncset.done $0x0  }
0x4a: {  	s28 =	simm.s32 $0x480;
	[sflag:s26] =	ssyncadd.s32 $0xFFFFC000  }
0x4b: {  	[spmem:s2] =	stream.indirect.scatter.add.f32 [tilespmem:s22], [sflag:$0x4], $0x80, s28, s20, $0xb8;
	[tilespmem:$0x1D000] =	vst v63  }
0x4c: {  	_ =	swait.ge [sflag:s29], $0x4000  }
0x4d: {  	[sflag:s29] =	ssyncset.done $0x0  }
0x4e: {  	s30 =	simm.s32 $0x180;
	[sflag:s29] =	ssyncadd.s32 $0xFFFFC000  }
0x4f: {  	[tilespmem:s22], [sflag:$0x2] =	stream.indirect.gather [hbm4b:s4+s20], $0x80, s30, s20, $0xb8;
	[tilespmem:$0x1D000] =	vst v63  }
0x50: {  	_ =	swait.ge [sflag:s23], $0x4000  }
0x51: {  	[sflag:s23] =	ssyncset.done $0x0  }
0x52: {  	s28 =	simm.s32 $0x500;
	[sflag:s23] =	ssyncadd.s32 $0xFFFFC000  }
0x53: {  	[spmem:s2] =	stream.indirect.scatter.add.f32 [tilespmem:s21], [sflag:$0x3], $0x80, s28, s20, $0xb8;
	[tilespmem:$0x1D000] =	vst v63  }
0x54: {  	_ =	swait.ge [sflag:s24], $0x4000  }
0x55: {  	[sflag:s24] =	ssyncset.done $0x0  }
0x56: {  	s30 =	simm.s32 $0x200;
	[sflag:s24] =	ssyncadd.s32 $0xFFFFC000  }
0x57: {  	[tilespmem:s21], [sflag:$0x1] =	stream.indirect.gather [hbm4b:s4+s20], $0x80, s30, s20, $0xb8;
	[tilespmem:$0x1D000] =	vst v63  }
0x58: {  	_ =	swait.ge [sflag:s26], $0x4000  }
0x59: {  	[sflag:s26] =	ssyncset.done $0x0  }
0x5a: {  	s28 =	simm.s32 $0x580;
	[sflag:s26] =	ssyncadd.s32 $0xFFFFC000  }
0x5b: {  	[spmem:s2] =	stream.indirect.scatter.add.f32 [tilespmem:s22], [sflag:$0x4], $0x80, s28, s20, $0xb8;
	[tilespmem:$0x1D000] =	vst v63  }
0x5c: {  	_ =	swait.ge [sflag:s29], $0x4000  }
0x5d: {  	[sflag:s29] =	ssyncset.done $0x0  }
0x5e: {  	s30 =	simm.s32 $0x280;
	[sflag:s29] =	ssyncadd.s32 $0xFFFFC000  }
0x5f: {  	[tilespmem:s22], [sflag:$0x2] =	stream.indirect.gather [hbm4b:s4+s20], $0x80, s30, s20, $0xb8;
	[tilespmem:$0x1D000] =	vst v63  }
0x60: {  	_ =	swait.ge [sflag:s23], $0x4000  }
0x61: {  	[sflag:s23] =	ssyncset.done $0x0  }
0x62: {  	s28 =	simm.s32 $0x600;
	[sflag:s23] =	ssyncadd.s32 $0xFFFFC000  }
0x63: {  	[spmem:s2] =	stream.indirect.scatter.add.f32 [tilespmem:s21], [sflag:$0x3], $0x80, s28, s20, $0xb8;
	[tilespmem:$0x1D000] =	vst v63  }
0x64: {  	_ =	swait.ge [sflag:s24], $0x4000  }
0x65: {  	[sflag:s24] =	ssyncset.done $0x0  }
0x66: {  	s30 =	simm.s32 $0x300;
	[sflag:s24] =	ssyncadd.s32 $0xFFFFC000  }
0x67: {  	[tilespmem:s21], [sflag:$0x1] =	stream.indirect.gather [hbm4b:s4+s20], $0x80, s30, s20, $0xb8;
	[tilespmem:$0x1D000] =	vst v63  }
0x68: {  	_ =	swait.ge [sflag:s26], $0x4000  }
0x69: {  	[sflag:s26] =	ssyncset.done $0x0  }
0x6a: {  	s28 =	simm.s32 $0x680;
	[sflag:s26] =	ssyncadd.s32 $0xFFFFC000  }
0x6b: {  	[spmem:s2] =	stream.indirect.scatter.add.f32 [tilespmem:s22], [sflag:$0x4], $0x80, s28, s20, $0xb8;
	[tilespmem:$0x1D000] =	vst v63  }
0x6c: {  	_ =	swait.ge [sflag:s29], $0x4000  }
0x6d: {  	[sflag:s29] =	ssyncset.done $0x0  }
0x6e: {  	s30 =	simm.s32 $0x380;
	[sflag:s29] =	ssyncadd.s32 $0xFFFFC000  }
0x6f: {  	[tilespmem:s22], [sflag:$0x2] =	stream.indirect.gather [hbm4b:s4+s20], $0x80, s30, s20, $0xb8;
	[tilespmem:$0x1D000] =	vst v63  }
0x70: {  	_ =	swait.ge [sflag:s23], $0x4000  }
0x71: {  	[sflag:s23] =	ssyncset.done $0x0  }
0x72: {  	s28 =	simm.s32 $0x700;
	[sflag:s23] =	ssyncadd.s32 $0xFFFFC000  }
0x73: {  	[spmem:s2] =	stream.indirect.scatter.add.f32 [tilespmem:s21], [sflag:$0x3], $0x80, s28, s20, $0xb8;
	[tilespmem:$0x1D000] =	vst v63  }
0x74: {  	_ =	swait.ge [sflag:s26], $0x4000  }
0x75: {  	[sflag:s26] =	ssyncset.done $0x0  }
0x76: {  	s30 =	simm.s32 $0x780;
	[sflag:s26] =	ssyncadd.s32 $0xFFFFC000  }
0x77: {  	[spmem:s2] =	stream.indirect.scatter.add.f32 [tilespmem:s22], [sflag:$0x4], $0x80, s30, s20, $0xb8;
	[tilespmem:$0x1D000] =	vst v63  }
0x78: {  	_ =	swait.ge [sflag:s24], $0x4000  }
0x79: {  	[sflag:s24] =	ssyncset.done $0x0  }
0x7a: {  	[sflag:s24] =	ssyncadd.s32 $0xFFFFC000  }
0x7b: {  	_ =	swait.ge [sflag:s29], $0x4000  }
0x7c: {  	[sflag:s29] =	ssyncset.done $0x0  }
0x7d: {  	[sflag:s29] =	ssyncadd.s32 $0xFFFFC000  }
0x7e: {  	_ =	swait.ge [sflag:s16], $0x400  }
0x7f: {  	[sflag:s16] =	ssyncset.done $0x0  }
0x80: {  	[sflag:s16] =	ssyncadd.s32 $0xFFFFFC00  }
0x81: {  	_ =	swait.ge [sflag:s16], $0x400  }
0x82: {  	p0 =	seq.s32 s17, $0x900;
	[sflag:s16] =	ssyncset.done $0x0  }
0x83: {  	s25 =	sadd.s32 @!p0 s17, s12;
	s28 =	simm.s32 @!p0 $0x0;
	[sflag:s16] =	ssyncadd.s32 $0xFFFFFC00  }
0x84: {  	[tilespmem:s28], [sflag:$0x5] =	stream.linear.gather @!p0 [hbm4b:s25+s28], $0x400, $0x38;
	[tilespmem:$0x1D000] =	vst v63  }
0x85: {  	s30 =	simm.s32 @!p0 $0x400;
	s25 =	sadd.s32 @!p0 s17, s11  }
0x86: {  	[tilespmem:s30], [sflag:$0x5] =	stream.linear.gather @!p0 [hbm4b:s25+s28], $0x400, $0x38;
	[tilespmem:$0x1D000] =	vst v63  }
0x87: {  	_ = 	snop  }
0x88: {  	[tilespmem:s21], [sflag:$0x1] =	stream.indirect.gather [hbm4b:s4+s20], $0x80, s18, s20, $0xb8;
	[tilespmem:$0x1D000] =	vst v63  }
0x89: {  	s28 =	simm.s32 $0x880  }
0x8a: {  	[tilespmem:s22], [sflag:$0x2] =	stream.indirect.gather [hbm4b:s4+s20], $0x80, s28, s20, $0xb8;
	[tilespmem:$0x1D000] =	vst v63  }
0x8b: {  	_ =	swait.ge [sflag:s23], $0x4000  }
0x8c: {  	[sflag:s23] =	ssyncset.done $0x0  }
0x8d: {  	[sflag:s23] =	ssyncadd.s32 $0xFFFFC000  }
0x8e: {  	[spmem:s2] =	stream.indirect.scatter.add.f32 [tilespmem:s21], [sflag:$0x3], $0x80, s19, s20, $0xb8;
	[tilespmem:$0x1D000] =	vst v63  }
0x8f: {  	_ =	swait.ge [sflag:s24], $0x4000  }
0x90: {  	[sflag:s24] =	ssyncset.done $0x0  }
0x91: {  	s30 =	simm.s32 $0x900;
	[sflag:s24] =	ssyncadd.s32 $0xFFFFC000  }
0x92: {  	[tilespmem:s21], [sflag:$0x1] =	stream.indirect.gather [hbm4b:s4+s20], $0x80, s30, s20, $0xb8;
	[tilespmem:$0x1D000] =	vst v63  }
0x93: {  	_ =	swait.ge [sflag:s26], $0x4000  }
0x94: {  	[sflag:s26] =	ssyncset.done $0x0  }
0x95: {  	s28 =	simm.s32 $0xC80;
	[sflag:s26] =	ssyncadd.s32 $0xFFFFC000  }
0x96: {  	[spmem:s2] =	stream.indirect.scatter.add.f32 [tilespmem:s22], [sflag:$0x4], $0x80, s28, s20, $0xb8;
	[tilespmem:$0x1D000] =	vst v63  }
0x97: {  	_ =	swait.ge [sflag:s29], $0x4000  }
0x98: {  	[sflag:s29] =	ssyncset.done $0x0  }
0x99: {  	s30 =	simm.s32 $0x980;
	[sflag:s29] =	ssyncadd.s32 $0xFFFFC000  }
0x9a: {  	[tilespmem:s22], [sflag:$0x2] =	stream.indirect.gather [hbm4b:s4+s20], $0x80, s30, s20, $0xb8;
	[tilespmem:$0x1D000] =	vst v63  }
0x9b: {  	_ =	swait.ge [sflag:s23], $0x4000  }
0x9c: {  	[sflag:s23] =	ssyncset.done $0x0  }
0x9d: {  	[sflag:s23] =	ssyncadd.s32 $0xFFFFC000  }
0x9e: {  	[spmem:s2] =	stream.indirect.scatter.add.f32 [tilespmem:s21], [sflag:$0x3], $0x80, s31, s20, $0xb8;
	[tilespmem:$0x1D000] =	vst v63  }
0x9f: {  	_ =	swait.ge [sflag:s24], $0x4000  }
0xa0: {  	[sflag:s24] =	ssyncset.done $0x0  }
0xa1: {  	[sflag:s24] =	ssyncadd.s32 $0xFFFFC000  }
0xa2: {  	[tilespmem:s21], [sflag:$0x1] =	stream.indirect.gather [hbm4b:s4+s20], $0x80, s0, s20, $0xb8;
	[tilespmem:$0x1D000] =	vst v63  }
0xa3: {  	_ =	swait.ge [sflag:s26], $0x4000  }
0xa4: {  	[sflag:s26] =	ssyncset.done $0x0  }
0xa5: {  	[sflag:s26] =	ssyncadd.s32 $0xFFFFC000  }
0xa6: {  	[spmem:s2] =	stream.indirect.scatter.add.f32 [tilespmem:s22], [sflag:$0x4], $0x80, s1, s20, $0xb8;
	[tilespmem:$0x1D000] =	vst v63  }
0xa7: {  	_ =	swait.ge [sflag:s29], $0x4000  }
0xa8: {  	[sflag:s29] =	ssyncset.done $0x0  }
0xa9: {  	[sflag:s29] =	ssyncadd.s32 $0xFFFFC000  }
0xaa: {  	[tilespmem:s22], [sflag:$0x2] =	stream.indirect.gather [hbm4b:s4+s20], $0x80, s5, s20, $0xb8;
	[tilespmem:$0x1D000] =	vst v63  }
0xab: {  	_ =	swait.ge [sflag:s23], $0x4000  }
0xac: {  	[sflag:s23] =	ssyncset.done $0x0  }
0xad: {  	[sflag:s23] =	ssyncadd.s32 $0xFFFFC000  }
0xae: {  	[spmem:s2] =	stream.indirect.scatter.add.f32 [tilespmem:s21], [sflag:$0x3], $0x80, s7, s20, $0xb8;
	[tilespmem:$0x1D000] =	vst v63  }
0xaf: {  	_ =	swait.ge [sflag:s24], $0x4000  }
0xb0: {  	[sflag:s24] =	ssyncset.done $0x0  }
0xb1: {  	[sflag:s24] =	ssyncadd.s32 $0xFFFFC000  }
0xb2: {  	[tilespmem:s21], [sflag:$0x1] =	stream.indirect.gather [hbm4b:s4+s20], $0x80, s8, s20, $0xb8;
	[tilespmem:$0x1D000] =	vst v63  }
0xb3: {  	_ =	swait.ge [sflag:s26], $0x4000  }
0xb4: {  	[sflag:s26] =	ssyncset.done $0x0  }
0xb5: {  	[sflag:s26] =	ssyncadd.s32 $0xFFFFC000  }
0xb6: {  	[spmem:s2] =	stream.indirect.scatter.add.f32 [tilespmem:s22], [sflag:$0x4], $0x80, s9, s20, $0xb8;
	[tilespmem:$0x1D000] =	vst v63  }
0xb7: {  	_ =	swait.ge [sflag:s29], $0x4000  }
0xb8: {  	[sflag:s29] =	ssyncset.done $0x0  }
0xb9: {  	[sflag:s29] =	ssyncadd.s32 $0xFFFFC000  }
0xba: {  	[tilespmem:s22], [sflag:$0x2] =	stream.indirect.gather [hbm4b:s4+s20], $0x80, s10, s20, $0xb8;
	[tilespmem:$0x1D000] =	vst v63  }
0xbb: {  	_ =	swait.ge [sflag:s23], $0x4000  }
0xbc: {  	[sflag:s23] =	ssyncset.done $0x0  }
0xbd: {  	[sflag:s23] =	ssyncadd.s32 $0xFFFFC000  }
0xbe: {  	[spmem:s2] =	stream.indirect.scatter.add.f32 [tilespmem:s21], [sflag:$0x3], $0x80, s6, s20, $0xb8;
	[tilespmem:$0x1D000] =	vst v63  }
0xbf: {  	_ =	swait.ge [sflag:s26], $0x4000  }
0xc0: {  	[sflag:s26] =	ssyncset.done $0x0  }
0xc1: {  	[sflag:s26] =	ssyncadd.s32 $0xFFFFC000  }
0xc2: {  	[spmem:s2] =	stream.indirect.scatter.add.f32 [tilespmem:s22], [sflag:$0x4], $0x80, s15, s20, $0xb8;
	[tilespmem:$0x1D000] =	vst v63  }
0xc3: {  	_ =	swait.ge [sflag:s24], $0x4000  }
.Ltmp2:
0xc4: {  	[sflag:s24] =	ssyncset.done $0x0;
	(pc) =	sbr.rel @p0 .LBB2_4-.Ltmp2, $4  }
0xc5: {  	[sflag:s24] =	ssyncadd.s32 $0xFFFFC000  }
0xc6: {  	_ =	swait.ge [sflag:s29], $0x4000  }
0xc7: {  	[sflag:s29] =	ssyncset.done $0x0  }
0xc8: {  	[sflag:s29] =	ssyncadd.s32 $0xFFFFC000  }
0xc9: {  	_ =	swait.ge [sflag:s16], $0x400  }
.Ltmp3:
0xca: {  	[sflag:s16] =	ssyncset.done $0x0;
	(pc) =	sbr.rel .LBB2_2-.Ltmp3, $4  }
0xcb: {  	[sflag:s16] =	ssyncadd.s32 $0xFFFFFC00  }
0xcc: {  	_ =	swait.ge [sflag:s16], $0x400  }
0xcd: {  	[sflag:s16] =	ssyncset.done $0x0  }
0xce: {  	s17 =	sadd.s32 $0x100, s17;
	[sflag:s16] =	ssyncadd.s32 $0xFFFFFC00  }
.LBB2_5:
0xcf: {  	_ =	sfence.sel $0x180000  }
0xd0: {  	[bflag:$0x0] =	sbarrier.arrive $0xFFFF  }
0xd1: {  	_ =	strace $0x9000004A  }
0xd2: {  	s0 =	stileid.u32;
	[bflag:$0x2] =	sbarrier.arrive $0xFFFF  }
0xd3: {  	p0 =	sne.s32 s0, $0x0;
	s0 =	rddreg [dreg:$0x2]  }
0xd4: {  	s0 =	sadd.s32 @!p0 $0x100000, s0  }
0xd5: {  	[sflag:s0] =	ssyncadd.tile.s32 @!p0 $0x1;
	_ =	shalt  }
.Lfunc_end2:
_tile_overlayer_lowered:
.L_overlay_start_2:
0xd6: {  	(tag) =	ssettag $0x2  }
0xd7: {  	s0 =	rddreg [dreg:$0x0];
	s2 =	stileid.u32  }
0xd8: {  	s1 =	rddreg [dreg:$0x1];
	p0 =	sne.s32 s2, $0x0  }
0xd9: {  	s3 =	rddreg [dreg:$0x2];
	[bflag:$0x3] =	sbarrier.arrive $0xFFFF;
	s2 =	simm.s32 @!p0 $0x1C06  }
0xda: {  	[timem:s3], [sflag:s2] =	dma.local @!p0 [hbm:s0], s1  }
0xdb: {  	s0 =	simm.s32 @!p0 $0x6  }
0xdc: {  	_ =	swait.ge @!p0 [sflag:s0], s1  }
0xdd: {  	s1 =	ssub.s32 @!p0 $0x0, s1;
	[sflag:s0] =	ssyncset.done @!p0 $0x0  }
0xde: {  	[sflag:s0] =	ssyncadd.s32 @!p0 s1  }
0xdf: {  	[bflag:$0x3] =	sbarrier.arrive $0xFFFF  }
0xe0: {  	_ =	shalt  }

// kernel: kernel.14.cloned.1.call-start
scs
__scs_entry_jumppad:
0x0: {  	(pc) =	sbr.rel $0x88, $3  }
0x1: {  	(tag) =	ssettag $0x0;
	lr =	simm.s32 $0x1  }
0x2: {  	[smem:$0x3F99] =	sst lr;
	_ =	strace $0xD0000000  }
0x3: {  	_ = 	snop  }
0x4: {  	_ = 	snop  }
0x5: {  	_ = 	snop  }
0x6: {  	_ = 	snop  }
0x7: {  	_ = 	snop  }
__scs_overlays_trampoline_lowered:
0x8: {  	[smem:$0x3FA8] =	sst s0  }
0x9: {  	[smem:$0x3FA9] =	sst s1  }
0xa: {  	[smem:$0x3FAA] =	sst s2  }
0xb: {  	[smem:$0x3FAB] =	sst s3  }
0xc: {  	[smem:$0x3FAC] =	sst s4  }
0xd: {  	[smem:$0x3FAD] =	sst s5  }
0xe: {  	[smem:$0x3FAE] =	sst s6  }
0xf: {  	[smem:$0x3FAF] =	sst s7  }
0x10: {  	[smem:$0x3FB0] =	sst s8  }
0x11: {  	[smem:$0x3FB1] =	sst s9;
	s0 =	simm.s32 @!p0 $0x0  }
0x12: {  	s1 =	sld [smem:$0x3F97];
	s0 =	simm.s32 @p0 $0x1  }
0x13: {  	[smem:$0x3FB2] =	sst s0;
	s0 =	simm.s32 @!p1 $0x0  }
0x14: {  	s2 =	sld [smem:$0x3F96];
	s0 =	simm.s32 @p1 $0x1  }
0x15: {  	[smem:$0x3FB3] =	sst s0;
	s0 =	simm.s32 @!p2 $0x0  }
0x16: {  	s3 =	sld [smem:$0x3FDB];
	s0 =	simm.s32 @p2 $0x1  }
0x17: {  	s4 =	simm.s32 $0x1BF5;
	[smem:$0x3FB5] =	sst s0  }
0x18: {  	s0 =	sld [smem:$0x3F98];
	_ =	swait.ge [sflag:s4], $0x0  }
0x19: {  	s7 =	sld [smem:$0x3F99]  }
0x1a: {  	s8 =	sadd.s32 $0xFFFFE003, lr  }
0x1b: {  	s9 =	sadd.s32 $0xFFFFFEF7, lr;
	s5 =	simm.s32 $0xFFFFFFFF;
	p2 =	slt.u32 s8, $0xFFFFF086  }
0x1c: {  	p1 =	slt.u32 s9, $0xF7A;
	s5 =	simm.s32 @!p2 $0x0  }
0x1d: {  	s5 =	simm.s32 @p1 $0x1;
	p0 =	seq.s32 s7, s2  }
0x1e: {  	s7 =	smul.u32 @!p0 $0xF7A, s2;
	p2 =	seq.s32 @!p0 s5, $0x0  }
0x1f: {  	s9 =	smul.u32 $0xF7A, s1;
	s8 =	simm.s32 @!p0 $0x1BF5;
	p2 =	por !p2, p0  }
0x20: {  	[sflag:s8] =	ssyncset.s32 @!p0 $0xFFFFF086;
	s6 =	sadd.s32 @!p0 s3, s7;
	s7 =	simm.s32 @!p0 $0x108  }
0x21: {  	s3 =	sadd.s32 s3, s9;
	s6 =	sadd.s32 @!p0 $0x88, s6;
	s7 =	simm.s32 @p2 $0x1082  }
0x22: {  	[simem:s7], [sflag:s8] =	dma.local @!p0 [hbm:s6], $0xF7A  }
0x23: {  	s9 =	sor.u32 $0xD0000000, s2;
	s6 =	simm.s32 $0x108;
	_ =	swait.ge @!p0 [sflag:s8], $0x0  }
0x24: {  	s3 =	sadd.s32 $0x88, s3;
	s6 =	simm.s32 @!p1 $0x1082;
	[sflag:s4] =	ssyncset.s32 $0xFFFFF086  }
0x25: {  	[simem:s6], [sflag:s4] =	dma.local [hbm:s3], $0xF7A  }
0x26: {  	[smem:$0x3F99] =	sst s1;
	(tag) =	ssettag s2;
	_ =	strace s9  }
0x27: {  	s1 =	sld [smem:$0x3FA9]  }
0x28: {  	s2 =	sld [smem:$0x3FAA]  }
0x29: {  	s4 =	sld [smem:$0x3FAC]  }
0x2a: {  	p0 =	seq.s32 s5, $0x0;
	s5 =	sld [smem:$0x3FAD]  }
0x2b: {  	s6 =	sld [smem:$0x3FAE]  }
0x2c: {  	s7 =	sld [smem:$0x3FAF]  }
0x2d: {  	s3 =	simm.s32 $0x108;
	s8 =	sld [smem:$0x3FB0]  }
0x2e: {  	s3 =	simm.s32 @!p0 $0x1082;
	s9 =	sld [smem:$0x3FB1]  }
0x2f: {  	lr =	sadd.s32 s0, s3;
	s0 =	sld [smem:$0x3FA8]  }
0x30: {  	s3 =	sld [smem:$0x3FAB]  }
0x31: {  	[smem:$0x3FB4] =	sst s10  }
0x32: {  	s10 =	sld [smem:$0x3FB2];
	_ =	sdelay $0x3  }
0x33: {  	p0 =	seq.s32 s10, $0x1;
	s10 =	sld [smem:$0x3FB4];
	_ =	sdelay $0x3  }
0x34: {  	[smem:$0x3FB4] =	sst s10  }
0x35: {  	s10 =	sld [smem:$0x3FB3];
	_ =	sdelay $0x3  }
0x36: {  	p1 =	seq.s32 s10, $0x1;
	s10 =	sld [smem:$0x3FB4];
	_ =	sdelay $0x3  }
0x37: {  	[smem:$0x3FB4] =	sst s10  }
0x38: {  	s10 =	sld [smem:$0x3FB5]  }
0x39: {  	_ = 	snop;
	(pc) =	sbr.ind lr, $3  }
0x3a: {  	_ = 	snop  }
0x3b: {  	_ = 	snop  }
0x3c: {  	p2 =	seq.s32 s10, $0x1;
	s10 =	sld [smem:$0x3FB4]  }
0x3d: {  	_ =	shalt  }
0x3e: {  	_ =	shalt  }
0x3f: {  	_ =	shalt  }
0x40: {  	_ =	shalt  }
0x41: {  	_ =	shalt  }
0x42: {  	_ =	shalt  }
0x43: {  	_ =	shalt  }
0x44: {  	_ =	shalt  }
0x45: {  	_ =	shalt  }
0x46: {  	_ =	shalt  }
0x47: {  	_ =	shalt  }
0x48: {  	_ =	shalt  }
0x49: {  	_ =	shalt  }
0x4a: {  	_ =	shalt  }
0x4b: {  	_ =	shalt  }
0x4c: {  	_ =	shalt  }
0x4d: {  	_ =	shalt  }
0x4e: {  	_ =	shalt  }
0x4f: {  	_ =	shalt  }
0x50: {  	_ =	shalt  }
0x51: {  	_ =	shalt  }
0x52: {  	_ =	shalt  }
0x53: {  	_ =	shalt  }
0x54: {  	_ =	shalt  }
0x55: {  	_ =	shalt  }
0x56: {  	_ =	shalt  }
0x57: {  	_ =	shalt  }
0x58: {  	_ =	shalt  }
0x59: {  	_ =	shalt  }
0x5a: {  	_ =	shalt  }
0x5b: {  	_ =	shalt  }
0x5c: {  	_ =	shalt  }
0x5d: {  	_ =	shalt  }
0x5e: {  	_ =	shalt  }
0x5f: {  	_ =	shalt  }
0x60: {  	_ =	shalt  }
0x61: {  	_ =	shalt  }
0x62: {  	_ =	shalt  }
0x63: {  	_ =	shalt  }
0x64: {  	_ =	shalt  }
0x65: {  	_ =	shalt  }
0x66: {  	_ =	shalt  }
0x67: {  	_ =	shalt  }
0x68: {  	_ =	shalt  }
0x69: {  	_ =	shalt  }
0x6a: {  	_ =	shalt  }
0x6b: {  	_ =	shalt  }
0x6c: {  	_ =	shalt  }
0x6d: {  	_ =	shalt  }
0x6e: {  	_ =	shalt  }
0x6f: {  	_ =	shalt  }
0x70: {  	_ =	shalt  }
0x71: {  	_ =	shalt  }
0x72: {  	_ =	shalt  }
0x73: {  	_ =	shalt  }
0x74: {  	_ =	shalt  }
0x75: {  	_ =	shalt  }
0x76: {  	_ =	shalt  }
0x77: {  	_ =	shalt  }
0x78: {  	_ =	shalt  }
0x79: {  	_ =	shalt  }
0x7a: {  	_ =	shalt  }
0x7b: {  	_ =	shalt  }
0x7c: {  	_ =	shalt  }
0x7d: {  	_ =	shalt  }
0x7e: {  	_ =	shalt  }
0x7f: {  	_ =	shalt  }
0x80: {  	_ =	shalt  }
0x81: {  	_ =	shalt  }
0x82: {  	_ =	shalt  }
0x83: {  	_ =	shalt  }
0x84: {  	_ =	shalt  }
0x85: {  	_ =	shalt  }
0x86: {  	_ =	shalt  }
0x87: {  	_ =	shalt  }
.Lfunc_end0:
.L_simem_size_0:
called_computation.2_lowered:
.L_overlay_start_0:
0x88: {  	s2 =	sld [smem:$0x3FD9]  }
0x89: {  	s3 =	sld [smem:$0x3FFE];
	_ =	sdelay $0x1  }
0x8a: {  	s1 =	srdreg.scid  }
0x8b: {  	s0 =	sand.u32 $0x1, s1  }
0x8c: {  	s17 =	sshll.u32 s0, $0xA;
	s2 =	sadd.s32 s3, s2  }
0x8d: {  	s2 =	sadd.s32 s2, s17  }
0x8e: {  	[smem:$0x3FC0] =	sst s2  }
0x8f: {  	_ = 	snop  }
0x90: {  	s2 =	sld [smem:$0x3FD0];
	(tm) =	ssettm $0x1  }
0x91: {  	s18 =	sld [smem:$0x3FFB];
	_ =	sdelay $0x3  }
0x92: {  	_ =	strace s18  }
0x93: {  	s3 =	sld [smem:$0x3FFC];
	_ =	sdelay $0x3  }
0x94: {  	_ =	strace s3  }
0x95: {  	s3 =	sld [smem:$0x3FFD];
	_ =	sdelay $0x3  }
0x96: {  	_ =	strace s3  }
0x97: {  	_ =	strace $0x8FFFFFFF  }
0x98: {  	s19 =	sld [smem:$0x3FDB];
	_ =	sdelay $0x1  }
0x99: {  	s4 =	simm.s32 $_scs_section_size  }
0x9a: {  	s5 =	simm.s32 $_size__tile_overlayer_lowered;
	s6 =	simm.s32 $_tile_overlayer_lowered  }
0x9b: {  	s22 =	simm.s32 $0x1BFF;
	s21 =	sshll.u32 s6, $0x1;
	s3 =	sadd.s32 s4, s19  }
0x9c: {  	s7 =	simm.s32 $0x0;
	s20 =	sshll.u32 s5, $0x1;
	s5 =	sadd.s32 s21, s3  }
0x9d: {  	[timem:s7], [sflag:s22] =	dma.local [hbm:s5], s20  }
0x9e: {  	_ =	swait.ge [sflag:s22], s20  }
0x9f: {  	s4 =	ssub.s32 $0x0, s20;
	[sflag:s22] =	ssyncset.done $0x0  }
0xa0: {  	[sflag:s22] =	ssyncadd.s32 s4;
	_ =	sdelay $0x1  }
0xa1: {  	s23 =	simm.s32 $0x1B8B  }
0xa2: {  	_ =	swait.ge [sflag:s23], $0x1  }
0xa3: {  	[sflag:s23] =	ssyncset.done $0x0  }
0xa4: {  	s25 =	simm.s32 $0x1B8E;
	s24 =	sld [smem:$0x3FFE];
	[sflag:s23] =	ssyncadd.s32 $0xFFFFFFFF  }
0xa5: {  	s26 =	simm.s32 $execute0_lowered;
	[smem:$0x3FD2] =	sst s25  }
0xa6: {  	s5 =	sshll.u32 s26, $0x1;
	_ =	strace $0x8000004C;
	[dreg:$0x1] =	wrdreg $0xFFFFFFFF  }
0xa7: {  	s28 =	simm.s32 $_size_execute0_lowered;
	s3 =	sadd.s32 s3, s5;
	[dreg:$0x0] =	wrdreg $0x0  }
0xa8: {  	s5 =	sshll.u32 s28, $0x1;
	[dreg:$0x2] =	wrdreg s3  }
0xa9: {  	[dreg:$0x3] =	wrdreg s5  }
0xaa: {  	[dreg:$0x4] =	wrdreg $0xC0  }
0xab: {  	_ =	task [dreg:s7], $0x5FFFF  }
0xac: {  	[dreg:$0x1] =	wrdreg $0xFFFFFFFF  }
0xad: {  	[dreg:$0x0] =	wrdreg $0x60  }
0xae: {  	[dreg:$0x2] =	wrdreg s24  }
0xaf: {  	[dreg:$0x3] =	wrdreg s2  }
0xb0: {  	[dreg:$0x4] =	wrdreg $0x9  }
0xb1: {  	_ =	task.clear_ibuf [dreg:s7], $0x5FFFF;
	_ =	strace $0x9000004C  }
0xb2: {  	s29 =	simm.s32 $0x9;
	_ =	strace $0x8000004E  }
0xb3: {  	_ =	swait.ge [sflag:s29], $0x1  }
0xb4: {  	[sflag:s29] =	ssyncadd.s32 $0xFFFFFFFF  }
0xb5: {  	_ =	strace $0x9000004E  }
0xb6: {  	_ =	sfence  }
0xb7: {  	s30 =	sld [smem:$0x0];
	_ =	sdelay $0x2  }
0xb8: {  	s31 =	sshll.u32 s1, $0xD;
	s1 =	sshrl.u32 s1, $0x2  }
0xb9: {  	s3 =	sand.u32 $0x4000, s31;
	s1 =	sadd.s32 s1, s30  }
0xba: {  	s0 =	sor.u32 s3, s0;
	s1 =	sshll.u32 s1, $0x11  }
0xbb: {  	s0 =	sor.u32 s1, s0  }
0xbc: {  	s0 =	sadd.s32 $0x8F2B, s0  }
0xbd: {  	[sflag:s0] =	ssyncadd.remote.s32 $0x1  }
0xbe: {  	_ =	sfence.sel $0xFFFF  }
0xbf: {  	[dreg:$0x0] =	wrdreg $0xFFFFFFFF;
	(pc) =	sbr.abs _section_cstart, $3  }
0xc0: {  	[dreg:$0x1] =	wrdreg $0xFFFFFFFF  }
0xc1: {  	_ =	task.clear_ibuf [dreg:s7], $0x2FFFF;
	_ =	strace $0x9FFFFFFF  }
0xc2: {  	(tm) =	ssettm $0x7FFFFFFF  }
0xc3: {  	_ =	shalt  }
tec
execute0_lowered:
.L_overlay_start_1:
0x0: {  	(tag) =	ssettag $0x1  }
0x1: {  	s0 =	rddreg [dreg:$0x0];
	s2 =	srdreg.scid  }
0x2: {  	s1 =	rddreg [dreg:$0x1];
	s5 =	stileid.u32;
	s4 =	sand.u32 $0x1, s2  }
0x3: {  	s25 =	simm.s32 $0x200;
	s2 =	simm.s32 $0x0;
	s3 =	sshll.u32 s4, $0x4  }
0x4: {  	s14 =	simm.s32 $0x1;
	[smem:$0x7FF] =	sst s2;
	s3 =	sor.u32 s5, s3  }
0x5: {  	s4 =	ssub.s32 $0x2, s4;
	s5 =	sshll.u32 s3, $0xF;
	s6 =	sshll.u32 s3, $0x6  }
0x6: {  	_ =	strace $0x8000004D;
	s5 =	sadd.s32 s5, s0;
	s1 =	sadd.s32 s1, s6  }
0x7: {  	s28 =	sshrl.u32 s4, $0x1;
	[dreg:$0x3] =	wrdreg s1;
	s26 =	sadd.s32 $0x169800, s5  }
0x8: {  	s3 =	sadd.s32 $0xC9800, s0;
	s29 =	sadd.s32 $0x16B800, s5;
	[dreg:$0x4] =	wrdreg s26  }
0x9: {  	v2 =	vlaneseq.u32;
	s6 =	ssub.s32 s4, s28;
	s30 =	sadd.s32 $0x16D800, s5;
	[dreg:$0x5] =	wrdreg s29  }
0xa: {  	vm0 =	vmmov $0xffff;
	v1 =	vshrl.u32 v2, $0x3;
	s4 =	sadd.s32 $0xC9900, s0;
	s31 =	sadd.s32 $0x16F800, s5;
	[dreg:$0x6] =	wrdreg s30  }
0xb: {  	v0 =	vand.u32 $0x7, v2;
	v2 =	vor.u32 $0x8, v2;
	v1 =	vmul.u32 $0x8, v1;
	s5 =	smax.u32 s6, $0x1;
	s6 =	simm.s32 $0x2;
	[dreg:$0x7] =	wrdreg s31  }
.LBB2_1:
0xc: {  	s15 =	rddreg [dreg:$0x3]  }
0xd: {  	[tilespmem:s2], [sflag:$0x2] =	stream.linear.gather [hbm4b:s15+s2], $0x200, $0x38;
	[tilespmem:$0x10200] =	vst v63  }
0xe: {  	_ =	swait.ge [sflag:s6], $0x200  }
0xf: {  	[sflag:s6] =	ssyncset.done $0x0  }
0x10: {  	[sflag:s6] =	ssyncadd.s32 $0xFFFFFE00  }
0x11: {  	v3 =	vld [tilespmem:$0x0];
	_ =	sdelay $0x4  }
0x12: {  	v4 =	vshll.u32 v3, $0x2  }
0x13: {  	v3 =	vand.u32 $0x7, v3;
	v4 =	vand.u32 $0xFFFFFFE0, v4  }
0x14: {  	v3 =	vor.u32 v3, v4  }
0x15: {  	v4 =	vperm.xlane v3, v0;
	_ =	sdelay $0x1  }
0x16: {  	v4 =	vadd.s32 v1, v4;
	_ =	sdelay $0x1  }
0x17: {  	v3 =	vperm.xlane v3, v2;
	_ =	sdelay $0x1  }
0x18: {  	v3 =	vadd.s32 v1, v3  }
0x19: {  	[tilespmem:s25], [sflag:$0x1] =	stream.indirect_vreg.gather [hbm4b:s3+s2], $0x80, v4, vm0, $0xb8;
	[tilespmem:$0x10200] =	vst v63  }
0x1a: {  	s0 =	simm.s32 $0xA00  }
0x1b: {  	[tilespmem:s0], [sflag:$0x1] =	stream.indirect_vreg.gather [hbm4b:s4+s2], $0x80, v4, vm0, $0xb8;
	[tilespmem:$0x10200] =	vst v63  }
0x1c: {  	s7 =	simm.s32 $0x1200  }
0x1d: {  	[tilespmem:s7], [sflag:$0x1] =	stream.indirect_vreg.gather [hbm4b:s3+s2], $0x80, v3, vm0, $0xb8;
	[tilespmem:$0x10200] =	vst v63  }
0x1e: {  	s8 =	simm.s32 $0x1A00  }
0x1f: {  	[tilespmem:s8], [sflag:$0x1] =	stream.indirect_vreg.gather [hbm4b:s4+s2], $0x80, v3, vm0, $0xb8;
	[tilespmem:$0x10200] =	vst v63  }
0x20: {  	v3 =	vld [tilespmem:$0x10];
	_ =	sdelay $0x4  }
0x21: {  	v33 =	vshll.u32 v3, $0x2  }
0x22: {  	v3 =	vand.u32 $0x7, v3;
	v4 =	vand.u32 $0xFFFFFFE0, v33  }
0x23: {  	v3 =	vor.u32 v3, v4  }
0x24: {  	v4 =	vperm.xlane v3, v0;
	_ =	sdelay $0x1  }
0x25: {  	v4 =	vadd.s32 v1, v4;
	_ =	sdelay $0x1  }
0x26: {  	v3 =	vperm.xlane v3, v2;
	_ =	sdelay $0x1  }
0x27: {  	s9 =	simm.s32 $0x2200;
	v3 =	vadd.s32 v1, v3  }
0x28: {  	[tilespmem:s9], [sflag:$0x1] =	stream.indirect_vreg.gather [hbm4b:s3+s2], $0x80, v4, vm0, $0xb8;
	[tilespmem:$0x10200] =	vst v63  }
0x29: {  	s10 =	simm.s32 $0x2A00  }
0x2a: {  	[tilespmem:s10], [sflag:$0x1] =	stream.indirect_vreg.gather [hbm4b:s4+s2], $0x80, v4, vm0, $0xb8;
	[tilespmem:$0x10200] =	vst v63  }
0x2b: {  	s11 =	simm.s32 $0x3200  }
0x2c: {  	[tilespmem:s11], [sflag:$0x1] =	stream.indirect_vreg.gather [hbm4b:s3+s2], $0x80, v3, vm0, $0xb8;
	[tilespmem:$0x10200] =	vst v63  }
0x2d: {  	s12 =	simm.s32 $0x3A00  }
0x2e: {  	[tilespmem:s12], [sflag:$0x1] =	stream.indirect_vreg.gather [hbm4b:s4+s2], $0x80, v3, vm0, $0xb8;
	[tilespmem:$0x10200] =	vst v63  }
0x2f: {  	v3 =	vld [tilespmem:$0x20];
	_ =	sdelay $0x4  }
0x30: {  	v34 =	vshll.u32 v3, $0x2  }
0x31: {  	v3 =	vand.u32 $0x7, v3;
	v4 =	vand.u32 $0xFFFFFFE0, v34  }
0x32: {  	v3 =	vor.u32 v3, v4  }
0x33: {  	v4 =	vperm.xlane v3, v0;
	_ =	sdelay $0x1  }
0x34: {  	v4 =	vadd.s32 v1, v4;
	_ =	sdelay $0x1  }
0x35: {  	v3 =	vperm.xlane v3, v2;
	_ =	sdelay $0x1  }
0x36: {  	s13 =	simm.s32 $0x4200;
	v3 =	vadd.s32 v1, v3  }
0x37: {  	[tilespmem:s13], [sflag:$0x1] =	stream.indirect_vreg.gather [hbm4b:s3+s2], $0x80, v4, vm0, $0xb8;
	[tilespmem:$0x10200] =	vst v63  }
0x38: {  	s15 =	simm.s32 $0x4A00  }
0x39: {  	[tilespmem:s15], [sflag:$0x1] =	stream.indirect_vreg.gather [hbm4b:s4+s2], $0x80, v4, vm0, $0xb8;
	[tilespmem:$0x10200] =	vst v63  }
0x3a: {  	s16 =	simm.s32 $0x5200  }
0x3b: {  	[tilespmem:s16], [sflag:$0x1] =	stream.indirect_vreg.gather [hbm4b:s3+s2], $0x80, v3, vm0, $0xb8;
	[tilespmem:$0x10200] =	vst v63  }
0x3c: {  	s17 =	simm.s32 $0x5A00  }
0x3d: {  	[tilespmem:s17], [sflag:$0x1] =	stream.indirect_vreg.gather [hbm4b:s4+s2], $0x80, v3, vm0, $0xb8;
	[tilespmem:$0x10200] =	vst v63  }
0x3e: {  	v3 =	vld [tilespmem:$0x30];
	_ =	sdelay $0x4  }
0x3f: {  	v35 =	vshll.u32 v3, $0x2  }
0x40: {  	v3 =	vand.u32 $0x7, v3;
	v4 =	vand.u32 $0xFFFFFFE0, v35  }
0x41: {  	v3 =	vor.u32 v3, v4  }
0x42: {  	v4 =	vperm.xlane v3, v0;
	_ =	sdelay $0x1  }
0x43: {  	v4 =	vadd.s32 v1, v4;
	_ =	sdelay $0x1  }
0x44: {  	v3 =	vperm.xlane v3, v2;
	_ =	sdelay $0x1  }
0x45: {  	s18 =	simm.s32 $0x6200;
	v3 =	vadd.s32 v1, v3  }
0x46: {  	[tilespmem:s18], [sflag:$0x1] =	stream.indirect_vreg.gather [hbm4b:s3+s2], $0x80, v4, vm0, $0xb8;
	[tilespmem:$0x10200] =	vst v63  }
0x47: {  	s19 =	simm.s32 $0x6A00  }
0x48: {  	[tilespmem:s19], [sflag:$0x1] =	stream.indirect_vreg.gather [hbm4b:s4+s2], $0x80, v4, vm0, $0xb8;
	[tilespmem:$0x10200] =	vst v63  }
0x49: {  	s20 =	simm.s32 $0x7200  }
0x4a: {  	[tilespmem:s20], [sflag:$0x1] =	stream.indirect_vreg.gather [hbm4b:s3+s2], $0x80, v3, vm0, $0xb8;
	[tilespmem:$0x10200] =	vst v63  }
0x4b: {  	s21 =	simm.s32 $0x7A00  }
0x4c: {  	[tilespmem:s21], [sflag:$0x1] =	stream.indirect_vreg.gather [hbm4b:s4+s2], $0x80, v3, vm0, $0xb8;
	[tilespmem:$0x10200] =	vst v63  }
0x4d: {  	v3 =	vld [tilespmem:$0x40];
	_ =	sdelay $0x4  }
0x4e: {  	v36 =	vshll.u32 v3, $0x2  }
0x4f: {  	v3 =	vand.u32 $0x7, v3;
	v4 =	vand.u32 $0xFFFFFFE0, v36  }
0x50: {  	v3 =	vor.u32 v3, v4  }
0x51: {  	v4 =	vperm.xlane v3, v0;
	_ =	sdelay $0x1  }
0x52: {  	v4 =	vadd.s32 v1, v4;
	_ =	sdelay $0x1  }
0x53: {  	v3 =	vperm.xlane v3, v2;
	_ =	sdelay $0x1  }
0x54: {  	s22 =	simm.s32 $0x8200;
	v3 =	vadd.s32 v1, v3  }
0x55: {  	[tilespmem:s22], [sflag:$0x1] =	stream.indirect_vreg.gather [hbm4b:s3+s2], $0x80, v4, vm0, $0xb8;
	[tilespmem:$0x10200] =	vst v63  }
0x56: {  	s23 =	simm.s32 $0x8A00  }
0x57: {  	[tilespmem:s23], [sflag:$0x1] =	stream.indirect_vreg.gather [hbm4b:s4+s2], $0x80, v4, vm0, $0xb8;
	[tilespmem:$0x10200] =	vst v63  }
0x58: {  	s24 =	simm.s32 $0x9200  }
0x59: {  	[tilespmem:s24], [sflag:$0x1] =	stream.indirect_vreg.gather [hbm4b:s3+s2], $0x80, v3, vm0, $0xb8;
	[tilespmem:$0x10200] =	vst v63  }
0x5a: {  	s26 =	simm.s32 $0x9A00  }
0x5b: {  	[tilespmem:s26], [sflag:$0x1] =	stream.indirect_vreg.gather [hbm4b:s4+s2], $0x80, v3, vm0, $0xb8;
	[tilespmem:$0x10200] =	vst v63  }
0x5c: {  	v3 =	vld [tilespmem:$0x50];
	_ =	sdelay $0x4  }
0x5d: {  	v37 =	vshll.u32 v3, $0x2  }
0x5e: {  	v3 =	vand.u32 $0x7, v3;
	v4 =	vand.u32 $0xFFFFFFE0, v37  }
0x5f: {  	v3 =	vor.u32 v3, v4  }
0x60: {  	v4 =	vperm.xlane v3, v0;
	_ =	sdelay $0x1  }
0x61: {  	v4 =	vadd.s32 v1, v4;
	_ =	sdelay $0x1  }
0x62: {  	v3 =	vperm.xlane v3, v2;
	_ =	sdelay $0x1  }
0x63: {  	s28 =	simm.s32 $0xA200;
	v3 =	vadd.s32 v1, v3  }
0x64: {  	[tilespmem:s28], [sflag:$0x1] =	stream.indirect_vreg.gather [hbm4b:s3+s2], $0x80, v4, vm0, $0xb8;
	[tilespmem:$0x10200] =	vst v63  }
0x65: {  	s29 =	simm.s32 $0xAA00  }
0x66: {  	[tilespmem:s29], [sflag:$0x1] =	stream.indirect_vreg.gather [hbm4b:s4+s2], $0x80, v4, vm0, $0xb8;
	[tilespmem:$0x10200] =	vst v63  }
0x67: {  	s30 =	simm.s32 $0xB200  }
0x68: {  	[tilespmem:s30], [sflag:$0x1] =	stream.indirect_vreg.gather [hbm4b:s3+s2], $0x80, v3, vm0, $0xb8;
	[tilespmem:$0x10200] =	vst v63  }
0x69: {  	s31 =	simm.s32 $0xBA00  }
0x6a: {  	[tilespmem:s31], [sflag:$0x1] =	stream.indirect_vreg.gather [hbm4b:s4+s2], $0x80, v3, vm0, $0xb8;
	[tilespmem:$0x10200] =	vst v63  }
0x6b: {  	v3 =	vld [tilespmem:$0x60];
	_ =	sdelay $0x4  }
0x6c: {  	v38 =	vshll.u32 v3, $0x2  }
0x6d: {  	v3 =	vand.u32 $0x7, v3;
	v4 =	vand.u32 $0xFFFFFFE0, v38  }
0x6e: {  	v3 =	vor.u32 v3, v4  }
0x6f: {  	v4 =	vperm.xlane v3, v0;
	_ =	sdelay $0x1  }
0x70: {  	v4 =	vadd.s32 v1, v4;
	_ =	sdelay $0x1  }
0x71: {  	v3 =	vperm.xlane v3, v2;
	_ =	sdelay $0x1  }
0x72: {  	s13 =	simm.s32 $0xC200;
	v3 =	vadd.s32 v1, v3  }
0x73: {  	[tilespmem:s13], [sflag:$0x1] =	stream.indirect_vreg.gather [hbm4b:s3+s2], $0x80, v4, vm0, $0xb8;
	[tilespmem:$0x10200] =	vst v63  }
0x74: {  	s16 =	simm.s32 $0xCA00  }
0x75: {  	[tilespmem:s16], [sflag:$0x1] =	stream.indirect_vreg.gather [hbm4b:s4+s2], $0x80, v4, vm0, $0xb8;
	[tilespmem:$0x10200] =	vst v63  }
0x76: {  	s17 =	simm.s32 $0xD200  }
0x77: {  	[tilespmem:s17], [sflag:$0x1] =	stream.indirect_vreg.gather [hbm4b:s3+s2], $0x80, v3, vm0, $0xb8;
	[tilespmem:$0x10200] =	vst v63  }
0x78: {  	s18 =	simm.s32 $0xDA00  }
0x79: {  	[tilespmem:s18], [sflag:$0x1] =	stream.indirect_vreg.gather [hbm4b:s4+s2], $0x80, v3, vm0, $0xb8;
	[tilespmem:$0x10200] =	vst v63  }
0x7a: {  	v3 =	vld [tilespmem:$0x70];
	_ =	sdelay $0x4  }
0x7b: {  	v39 =	vshll.u32 v3, $0x2  }
0x7c: {  	v3 =	vand.u32 $0x7, v3;
	v4 =	vand.u32 $0xFFFFFFE0, v39  }
0x7d: {  	v3 =	vor.u32 v3, v4  }
0x7e: {  	v4 =	vperm.xlane v3, v0;
	_ =	sdelay $0x1  }
0x7f: {  	v4 =	vadd.s32 v1, v4;
	_ =	sdelay $0x1  }
0x80: {  	v3 =	vperm.xlane v3, v2;
	_ =	sdelay $0x1  }
0x81: {  	s19 =	simm.s32 $0xE200;
	v3 =	vadd.s32 v1, v3  }
0x82: {  	[tilespmem:s19], [sflag:$0x1] =	stream.indirect_vreg.gather [hbm4b:s3+s2], $0x80, v4, vm0, $0xb8;
	[tilespmem:$0x10200] =	vst v63  }
0x83: {  	s20 =	simm.s32 $0xEA00  }
0x84: {  	[tilespmem:s20], [sflag:$0x1] =	stream.indirect_vreg.gather [hbm4b:s4+s2], $0x80, v4, vm0, $0xb8;
	[tilespmem:$0x10200] =	vst v63  }
0x85: {  	s21 =	simm.s32 $0xF200  }
0x86: {  	[tilespmem:s21], [sflag:$0x1] =	stream.indirect_vreg.gather [hbm4b:s3+s2], $0x80, v3, vm0, $0xb8;
	[tilespmem:$0x10200] =	vst v63  }
0x87: {  	s24 =	simm.s32 $0xFA00  }
0x88: {  	[tilespmem:s24], [sflag:$0x1] =	stream.indirect_vreg.gather [hbm4b:s4+s2], $0x80, v3, vm0, $0xb8;
	[tilespmem:$0x10200] =	vst v63  }
0x89: {  	_ =	swait.ge [sflag:s14], $0x10000  }
0x8a: {  	[sflag:s14] =	ssyncset.done $0x0  }
0x8b: {  	s26 =	rddreg [dreg:$0x4];
	[sflag:s14] =	ssyncadd.s32 $0xFFFF0000  }
0x8c: {  	[hbm4b:s26+s2] =	stream.linear.scatter [tilespmem:s25], [sflag:$0x2], $0x10000, $0x38;
	[tilespmem:$0x10200] =	vst v63  }
0x8d: {  	_ =	swait.ge [sflag:s6], $0x10000  }
0x8e: {  	[sflag:s6] =	ssyncset.done $0x0  }
0x8f: {  	[sflag:s6] =	ssyncadd.s32 $0xFFFF0000  }
0x90: {  	v3 =	vld [tilespmem:$0x80];
	_ =	sdelay $0x4  }
0x91: {  	v40 =	vshll.u32 v3, $0x2  }
0x92: {  	v3 =	vand.u32 $0x7, v3;
	v4 =	vand.u32 $0xFFFFFFE0, v40  }
0x93: {  	v3 =	vor.u32 v3, v4  }
0x94: {  	v4 =	vperm.xlane v3, v0;
	_ =	sdelay $0x1  }
0x95: {  	v4 =	vadd.s32 v1, v4;
	_ =	sdelay $0x1  }
0x96: {  	v3 =	vperm.xlane v3, v2;
	_ =	sdelay $0x1  }
0x97: {  	v3 =	vadd.s32 v1, v3  }
0x98: {  	[tilespmem:s25], [sflag:$0x1] =	stream.indirect_vreg.gather [hbm4b:s3+s2], $0x80, v4, vm0, $0xb8;
	[tilespmem:$0x10200] =	vst v63  }
0x99: {  	s1 =	simm.s32 $0xA00  }
0x9a: {  	[tilespmem:s1], [sflag:$0x1] =	stream.indirect_vreg.gather [hbm4b:s4+s2], $0x80, v4, vm0, $0xb8;
	[tilespmem:$0x10200] =	vst v63  }
0x9b: {  	s7 =	simm.s32 $0x1200  }
0x9c: {  	[tilespmem:s7], [sflag:$0x1] =	stream.indirect_vreg.gather [hbm4b:s3+s2], $0x80, v3, vm0, $0xb8;
	[tilespmem:$0x10200] =	vst v63  }
0x9d: {  	s16 =	simm.s32 $0x1A00  }
0x9e: {  	[tilespmem:s16], [sflag:$0x1] =	stream.indirect_vreg.gather [hbm4b:s4+s2], $0x80, v3, vm0, $0xb8;
	[tilespmem:$0x10200] =	vst v63  }
0x9f: {  	v3 =	vld [tilespmem:$0x90];
	_ =	sdelay $0x4  }
0xa0: {  	v41 =	vshll.u32 v3, $0x2  }
0xa1: {  	v3 =	vand.u32 $0x7, v3;
	v4 =	vand.u32 $0xFFFFFFE0, v41  }
0xa2: {  	v3 =	vor.u32 v3, v4  }
0xa3: {  	v4 =	vperm.xlane v3, v0;
	_ =	sdelay $0x1  }
0xa4: {  	v4 =	vadd.s32 v1, v4;
	_ =	sdelay $0x1  }
0xa5: {  	v3 =	vperm.xlane v3, v2;
	_ =	sdelay $0x1  }
0xa6: {  	s8 =	simm.s32 $0x2200;
	v3 =	vadd.s32 v1, v3  }
0xa7: {  	[tilespmem:s8], [sflag:$0x1] =	stream.indirect_vreg.gather [hbm4b:s3+s2], $0x80, v4, vm0, $0xb8;
	[tilespmem:$0x10200] =	vst v63  }
0xa8: {  	s9 =	simm.s32 $0x2A00  }
0xa9: {  	[tilespmem:s9], [sflag:$0x1] =	stream.indirect_vreg.gather [hbm4b:s4+s2], $0x80, v4, vm0, $0xb8;
	[tilespmem:$0x10200] =	vst v63  }
0xaa: {  	s10 =	simm.s32 $0x3200  }
0xab: {  	[tilespmem:s10], [sflag:$0x1] =	stream.indirect_vreg.gather [hbm4b:s3+s2], $0x80, v3, vm0, $0xb8;
	[tilespmem:$0x10200] =	vst v63  }
0xac: {  	s12 =	simm.s32 $0x3A00  }
0xad: {  	[tilespmem:s12], [sflag:$0x1] =	stream.indirect_vreg.gather [hbm4b:s4+s2], $0x80, v3, vm0, $0xb8;
	[tilespmem:$0x10200] =	vst v63  }
0xae: {  	v3 =	vld [tilespmem:$0xA0];
	_ =	sdelay $0x4  }
0xaf: {  	v42 =	vshll.u32 v3, $0x2  }
0xb0: {  	v3 =	vand.u32 $0x7, v3;
	v4 =	vand.u32 $0xFFFFFFE0, v42  }
0xb1: {  	v3 =	vor.u32 v3, v4  }
0xb2: {  	v4 =	vperm.xlane v3, v0;
	_ =	sdelay $0x1  }
0xb3: {  	v4 =	vadd.s32 v1, v4;
	_ =	sdelay $0x1  }
0xb4: {  	v3 =	vperm.xlane v3, v2;
	_ =	sdelay $0x1  }
0xb5: {  	s11 =	simm.s32 $0x4200;
	v3 =	vadd.s32 v1, v3  }
0xb6: {  	[tilespmem:s11], [sflag:$0x1] =	stream.indirect_vreg.gather [hbm4b:s3+s2], $0x80, v4, vm0, $0xb8;
	[tilespmem:$0x10200] =	vst v63  }
0xb7: {  	s24 =	simm.s32 $0x4A00  }
0xb8: {  	[tilespmem:s24], [sflag:$0x1] =	stream.indirect_vreg.gather [hbm4b:s4+s2], $0x80, v4, vm0, $0xb8;
	[tilespmem:$0x10200] =	vst v63  }
0xb9: {  	s12 =	simm.s32 $0x5200  }
0xba: {  	[tilespmem:s12], [sflag:$0x1] =	stream.indirect_vreg.gather [hbm4b:s3+s2], $0x80, v3, vm0, $0xb8;
	[tilespmem:$0x10200] =	vst v63  }
0xbb: {  	s13 =	simm.s32 $0x5A00  }
0xbc: {  	[tilespmem:s13], [sflag:$0x1] =	stream.indirect_vreg.gather [hbm4b:s4+s2], $0x80, v3, vm0, $0xb8;
	[tilespmem:$0x10200] =	vst v63  }
0xbd: {  	v3 =	vld [tilespmem:$0xB0];
	_ =	sdelay $0x4  }
0xbe: {  	v43 =	vshll.u32 v3, $0x2  }
0xbf: {  	v3 =	vand.u32 $0x7, v3;
	v4 =	vand.u32 $0xFFFFFFE0, v43  }
0xc0: {  	v3 =	vor.u32 v3, v4  }
0xc1: {  	v4 =	vperm.xlane v3, v0;
	_ =	sdelay $0x1  }
0xc2: {  	v4 =	vadd.s32 v1, v4;
	_ =	sdelay $0x1  }
0xc3: {  	v3 =	vperm.xlane v3, v2;
	_ =	sdelay $0x1  }
0xc4: {  	s17 =	simm.s32 $0x6200;
	v3 =	vadd.s32 v1, v3  }
0xc5: {  	[tilespmem:s17], [sflag:$0x1] =	stream.indirect_vreg.gather [hbm4b:s3+s2], $0x80, v4, vm0, $0xb8;
	[tilespmem:$0x10200] =	vst v63  }
0xc6: {  	s18 =	simm.s32 $0x6A00  }
0xc7: {  	[tilespmem:s18], [sflag:$0x1] =	stream.indirect_vreg.gather [hbm4b:s4+s2], $0x80, v4, vm0, $0xb8;
	[tilespmem:$0x10200] =	vst v63  }
0xc8: {  	s19 =	simm.s32 $0x7200  }
0xc9: {  	[tilespmem:s19], [sflag:$0x1] =	stream.indirect_vreg.gather [hbm4b:s3+s2], $0x80, v3, vm0, $0xb8;
	[tilespmem:$0x10200] =	vst v63  }
0xca: {  	s20 =	simm.s32 $0x7A00  }
0xcb: {  	[tilespmem:s20], [sflag:$0x1] =	stream.indirect_vreg.gather [hbm4b:s4+s2], $0x80, v3, vm0, $0xb8;
	[tilespmem:$0x10200] =	vst v63  }
0xcc: {  	v3 =	vld [tilespmem:$0xC0];
	_ =	sdelay $0x4  }
0xcd: {  	v44 =	vshll.u32 v3, $0x2  }
0xce: {  	v3 =	vand.u32 $0x7, v3;
	v4 =	vand.u32 $0xFFFFFFE0, v44  }
0xcf: {  	v3 =	vor.u32 v3, v4  }
0xd0: {  	v4 =	vperm.xlane v3, v0;
	_ =	sdelay $0x1  }
0xd1: {  	v4 =	vadd.s32 v1, v4;
	_ =	sdelay $0x1  }
0xd2: {  	v3 =	vperm.xlane v3, v2;
	_ =	sdelay $0x1  }
0xd3: {  	s0 =	simm.s32 $0x8200;
	v3 =	vadd.s32 v1, v3  }
0xd4: {  	[tilespmem:s0], [sflag:$0x1] =	stream.indirect_vreg.gather [hbm4b:s3+s2], $0x80, v4, vm0, $0xb8;
	[tilespmem:$0x10200] =	vst v63  }
0xd5: {  	s1 =	simm.s32 $0x8A00  }
0xd6: {  	[tilespmem:s1], [sflag:$0x1] =	stream.indirect_vreg.gather [hbm4b:s4+s2], $0x80, v4, vm0, $0xb8;
	[tilespmem:$0x10200] =	vst v63  }
0xd7: {  	s7 =	simm.s32 $0x9200  }
0xd8: {  	[tilespmem:s7], [sflag:$0x1] =	stream.indirect_vreg.gather [hbm4b:s3+s2], $0x80, v3, vm0, $0xb8;
	[tilespmem:$0x10200] =	vst v63  }
0xd9: {  	s11 =	simm.s32 $0x9A00  }
0xda: {  	[tilespmem:s11], [sflag:$0x1] =	stream.indirect_vreg.gather [hbm4b:s4+s2], $0x80, v3, vm0, $0xb8;
	[tilespmem:$0x10200] =	vst v63  }
0xdb: {  	v3 =	vld [tilespmem:$0xD0];
	_ =	sdelay $0x4  }
0xdc: {  	v45 =	vshll.u32 v3, $0x2  }
0xdd: {  	v3 =	vand.u32 $0x7, v3;
	v4 =	vand.u32 $0xFFFFFFE0, v45  }
0xde: {  	v3 =	vor.u32 v3, v4  }
0xdf: {  	v4 =	vperm.xlane v3, v0;
	_ =	sdelay $0x1  }
0xe0: {  	v4 =	vadd.s32 v1, v4;
	_ =	sdelay $0x1  }
0xe1: {  	v3 =	vperm.xlane v3, v2;
	_ =	sdelay $0x1  }
0xe2: {  	s8 =	simm.s32 $0xA200;
	v3 =	vadd.s32 v1, v3  }
0xe3: {  	[tilespmem:s8], [sflag:$0x1] =	stream.indirect_vreg.gather [hbm4b:s3+s2], $0x80, v4, vm0, $0xb8;
	[tilespmem:$0x10200] =	vst v63  }
0xe4: {  	s9 =	simm.s32 $0xAA00  }
0xe5: {  	[tilespmem:s9], [sflag:$0x1] =	stream.indirect_vreg.gather [hbm4b:s4+s2], $0x80, v4, vm0, $0xb8;
	[tilespmem:$0x10200] =	vst v63  }
0xe6: {  	s10 =	simm.s32 $0xB200  }
0xe7: {  	[tilespmem:s10], [sflag:$0x1] =	stream.indirect_vreg.gather [hbm4b:s3+s2], $0x80, v3, vm0, $0xb8;
	[tilespmem:$0x10200] =	vst v63  }
0xe8: {  	s23 =	simm.s32 $0xBA00  }
0xe9: {  	[tilespmem:s23], [sflag:$0x1] =	stream.indirect_vreg.gather [hbm4b:s4+s2], $0x80, v3, vm0, $0xb8;
	[tilespmem:$0x10200] =	vst v63  }
0xea: {  	v3 =	vld [tilespmem:$0xE0];
	_ =	sdelay $0x4  }
0xeb: {  	v46 =	vshll.u32 v3, $0x2  }
0xec: {  	v3 =	vand.u32 $0x7, v3;
	v4 =	vand.u32 $0xFFFFFFE0, v46  }
0xed: {  	v3 =	vor.u32 v3, v4  }
0xee: {  	v4 =	vperm.xlane v3, v0;
	_ =	sdelay $0x1  }
0xef: {  	v4 =	vadd.s32 v1, v4;
	_ =	sdelay $0x1  }
0xf0: {  	v3 =	vperm.xlane v3, v2;
	_ =	sdelay $0x1  }
0xf1: {  	s30 =	simm.s32 $0xC200;
	v3 =	vadd.s32 v1, v3  }
0xf2: {  	[tilespmem:s30], [sflag:$0x1] =	stream.indirect_vreg.gather [hbm4b:s3+s2], $0x80, v4, vm0, $0xb8;
	[tilespmem:$0x10200] =	vst v63  }
0xf3: {  	s28 =	simm.s32 $0xCA00  }
0xf4: {  	[tilespmem:s28], [sflag:$0x1] =	stream.indirect_vreg.gather [hbm4b:s4+s2], $0x80, v4, vm0, $0xb8;
	[tilespmem:$0x10200] =	vst v63  }
0xf5: {  	s29 =	simm.s32 $0xD200  }
0xf6: {  	[tilespmem:s29], [sflag:$0x1] =	stream.indirect_vreg.gather [hbm4b:s3+s2], $0x80, v3, vm0, $0xb8;
	[tilespmem:$0x10200] =	vst v63  }
0xf7: {  	s22 =	simm.s32 $0xDA00  }
0xf8: {  	[tilespmem:s22], [sflag:$0x1] =	stream.indirect_vreg.gather [hbm4b:s4+s2], $0x80, v3, vm0, $0xb8;
	[tilespmem:$0x10200] =	vst v63  }
0xf9: {  	v3 =	vld [tilespmem:$0xF0];
	_ =	sdelay $0x4  }
0xfa: {  	v47 =	vshll.u32 v3, $0x2  }
0xfb: {  	v3 =	vand.u32 $0x7, v3;
	v4 =	vand.u32 $0xFFFFFFE0, v47  }
0xfc: {  	v3 =	vor.u32 v3, v4  }
0xfd: {  	v4 =	vperm.xlane v3, v0;
	_ =	sdelay $0x1  }
0xfe: {  	v4 =	vadd.s32 v1, v4;
	_ =	sdelay $0x1  }
0xff: {  	v3 =	vperm.xlane v3, v2;
	_ =	sdelay $0x1  }
0x100: {  	s28 =	simm.s32 $0xE200;
	v3 =	vadd.s32 v1, v3  }
0x101: {  	[tilespmem:s28], [sflag:$0x1] =	stream.indirect_vreg.gather [hbm4b:s3+s2], $0x80, v4, vm0, $0xb8;
	[tilespmem:$0x10200] =	vst v63  }
0x102: {  	s29 =	simm.s32 $0xEA00  }
0x103: {  	[tilespmem:s29], [sflag:$0x1] =	stream.indirect_vreg.gather [hbm4b:s4+s2], $0x80, v4, vm0, $0xb8;
	[tilespmem:$0x10200] =	vst v63  }
0x104: {  	s30 =	simm.s32 $0xF200  }
0x105: {  	[tilespmem:s30], [sflag:$0x1] =	stream.indirect_vreg.gather [hbm4b:s3+s2], $0x80, v3, vm0, $0xb8;
	[tilespmem:$0x10200] =	vst v63  }
0x106: {  	s21 =	simm.s32 $0xFA00  }
0x107: {  	[tilespmem:s21], [sflag:$0x1] =	stream.indirect_vreg.gather [hbm4b:s4+s2], $0x80, v3, vm0, $0xb8;
	[tilespmem:$0x10200] =	vst v63  }
0x108: {  	_ =	swait.ge [sflag:s14], $0x10000  }
0x109: {  	[sflag:s14] =	ssyncset.done $0x0  }
0x10a: {  	s22 =	rddreg [dreg:$0x5];
	[sflag:s14] =	ssyncadd.s32 $0xFFFF0000  }
0x10b: {  	[hbm4b:s22+s2] =	stream.linear.scatter [tilespmem:s25], [sflag:$0x2], $0x10000, $0x38;
	[tilespmem:$0x10200] =	vst v63  }
0x10c: {  	_ =	swait.ge [sflag:s6], $0x10000  }
0x10d: {  	[sflag:s6] =	ssyncset.done $0x0  }
0x10e: {  	[sflag:s6] =	ssyncadd.s32 $0xFFFF0000  }
0x10f: {  	v3 =	vld [tilespmem:$0x100];
	_ =	sdelay $0x4  }
0x110: {  	v48 =	vshll.u32 v3, $0x2  }
0x111: {  	v3 =	vand.u32 $0x7, v3;
	v4 =	vand.u32 $0xFFFFFFE0, v48  }
0x112: {  	v3 =	vor.u32 v3, v4  }
0x113: {  	v4 =	vperm.xlane v3, v0;
	_ =	sdelay $0x1  }
0x114: {  	v4 =	vadd.s32 v1, v4;
	_ =	sdelay $0x1  }
0x115: {  	v3 =	vperm.xlane v3, v2;
	_ =	sdelay $0x1  }
0x116: {  	v3 =	vadd.s32 v1, v3  }
0x117: {  	[tilespmem:s25], [sflag:$0x1] =	stream.indirect_vreg.gather [hbm4b:s3+s2], $0x80, v4, vm0, $0xb8;
	[tilespmem:$0x10200] =	vst v63  }
0x118: {  	s26 =	simm.s32 $0xA00  }
0x119: {  	[tilespmem:s26], [sflag:$0x1] =	stream.indirect_vreg.gather [hbm4b:s4+s2], $0x80, v4, vm0, $0xb8;
	[tilespmem:$0x10200] =	vst v63  }
0x11a: {  	s26 =	simm.s32 $0x1200  }
0x11b: {  	[tilespmem:s26], [sflag:$0x1] =	stream.indirect_vreg.gather [hbm4b:s3+s2], $0x80, v3, vm0, $0xb8;
	[tilespmem:$0x10200] =	vst v63  }
0x11c: {  	_ = 	snop  }
0x11d: {  	[tilespmem:s16], [sflag:$0x1] =	stream.indirect_vreg.gather [hbm4b:s4+s2], $0x80, v3, vm0, $0xb8;
	[tilespmem:$0x10200] =	vst v63  }
0x11e: {  	v3 =	vld [tilespmem:$0x110];
	_ =	sdelay $0x4  }
0x11f: {  	v49 =	vshll.u32 v3, $0x2  }
0x120: {  	v3 =	vand.u32 $0x7, v3;
	v4 =	vand.u32 $0xFFFFFFE0, v49  }
0x121: {  	v3 =	vor.u32 v3, v4  }
0x122: {  	v4 =	vperm.xlane v3, v0;
	_ =	sdelay $0x1  }
0x123: {  	v4 =	vadd.s32 v1, v4;
	_ =	sdelay $0x1  }
0x124: {  	v3 =	vperm.xlane v3, v2;
	_ =	sdelay $0x1  }
0x125: {  	s16 =	simm.s32 $0x2200;
	v3 =	vadd.s32 v1, v3  }
0x126: {  	[tilespmem:s16], [sflag:$0x1] =	stream.indirect_vreg.gather [hbm4b:s3+s2], $0x80, v4, vm0, $0xb8;
	[tilespmem:$0x10200] =	vst v63  }
0x127: {  	s26 =	simm.s32 $0x2A00  }
0x128: {  	[tilespmem:s26], [sflag:$0x1] =	stream.indirect_vreg.gather [hbm4b:s4+s2], $0x80, v4, vm0, $0xb8;
	[tilespmem:$0x10200] =	vst v63  }
0x129: {  	s16 =	simm.s32 $0x3200  }
0x12a: {  	[tilespmem:s16], [sflag:$0x1] =	stream.indirect_vreg.gather [hbm4b:s3+s2], $0x80, v3, vm0, $0xb8;
	[tilespmem:$0x10200] =	vst v63  }
0x12b: {  	s26 =	simm.s32 $0x3A00  }
0x12c: {  	[tilespmem:s26], [sflag:$0x1] =	stream.indirect_vreg.gather [hbm4b:s4+s2], $0x80, v3, vm0, $0xb8;
	[tilespmem:$0x10200] =	vst v63  }
0x12d: {  	v3 =	vld [tilespmem:$0x120];
	_ =	sdelay $0x4  }
0x12e: {  	v50 =	vshll.u32 v3, $0x2  }
0x12f: {  	v3 =	vand.u32 $0x7, v3;
	v4 =	vand.u32 $0xFFFFFFE0, v50  }
0x130: {  	v3 =	vor.u32 v3, v4  }
0x131: {  	v4 =	vperm.xlane v3, v0;
	_ =	sdelay $0x1  }
0x132: {  	v4 =	vadd.s32 v1, v4;
	_ =	sdelay $0x1  }
0x133: {  	v3 =	vperm.xlane v3, v2;
	_ =	sdelay $0x1  }
0x134: {  	s16 =	simm.s32 $0x4200;
	v3 =	vadd.s32 v1, v3  }
0x135: {  	[tilespmem:s16], [sflag:$0x1] =	stream.indirect_vreg.gather [hbm4b:s3+s2], $0x80, v4, vm0, $0xb8;
	[tilespmem:$0x10200] =	vst v63  }
0x136: {  	_ = 	snop  }
0x137: {  	[tilespmem:s24], [sflag:$0x1] =	stream.indirect_vreg.gather [hbm4b:s4+s2], $0x80, v4, vm0, $0xb8;
	[tilespmem:$0x10200] =	vst v63  }
0x138: {  	_ = 	snop  }
0x139: {  	[tilespmem:s12], [sflag:$0x1] =	stream.indirect_vreg.gather [hbm4b:s3+s2], $0x80, v3, vm0, $0xb8;
	[tilespmem:$0x10200] =	vst v63  }
0x13a: {  	_ = 	snop  }
0x13b: {  	[tilespmem:s13], [sflag:$0x1] =	stream.indirect_vreg.gather [hbm4b:s4+s2], $0x80, v3, vm0, $0xb8;
	[tilespmem:$0x10200] =	vst v63  }
0x13c: {  	v3 =	vld [tilespmem:$0x130];
	_ =	sdelay $0x4  }
0x13d: {  	v51 =	vshll.u32 v3, $0x2  }
0x13e: {  	v3 =	vand.u32 $0x7, v3;
	v4 =	vand.u32 $0xFFFFFFE0, v51  }
0x13f: {  	v3 =	vor.u32 v3, v4  }
0x140: {  	v4 =	vperm.xlane v3, v0;
	_ =	sdelay $0x1  }
0x141: {  	v4 =	vadd.s32 v1, v4;
	_ =	sdelay $0x1  }
0x142: {  	v3 =	vperm.xlane v3, v2;
	_ =	sdelay $0x1  }
0x143: {  	v3 =	vadd.s32 v1, v3  }
0x144: {  	[tilespmem:s17], [sflag:$0x1] =	stream.indirect_vreg.gather [hbm4b:s3+s2], $0x80, v4, vm0, $0xb8;
	[tilespmem:$0x10200] =	vst v63  }
0x145: {  	_ = 	snop  }
0x146: {  	[tilespmem:s18], [sflag:$0x1] =	stream.indirect_vreg.gather [hbm4b:s4+s2], $0x80, v4, vm0, $0xb8;
	[tilespmem:$0x10200] =	vst v63  }
0x147: {  	_ = 	snop  }
0x148: {  	[tilespmem:s19], [sflag:$0x1] =	stream.indirect_vreg.gather [hbm4b:s3+s2], $0x80, v3, vm0, $0xb8;
	[tilespmem:$0x10200] =	vst v63  }
0x149: {  	_ = 	snop  }
0x14a: {  	[tilespmem:s20], [sflag:$0x1] =	stream.indirect_vreg.gather [hbm4b:s4+s2], $0x80, v3, vm0, $0xb8;
	[tilespmem:$0x10200] =	vst v63  }
0x14b: {  	v3 =	vld [tilespmem:$0x140];
	_ =	sdelay $0x4  }
0x14c: {  	v52 =	vshll.u32 v3, $0x2  }
0x14d: {  	v3 =	vand.u32 $0x7, v3;
	v4 =	vand.u32 $0xFFFFFFE0, v52  }
0x14e: {  	v3 =	vor.u32 v3, v4  }
0x14f: {  	v4 =	vperm.xlane v3, v0;
	_ =	sdelay $0x1  }
0x150: {  	v4 =	vadd.s32 v1, v4;
	_ =	sdelay $0x1  }
0x151: {  	v3 =	vperm.xlane v3, v2;
	_ =	sdelay $0x1  }
0x152: {  	v3 =	vadd.s32 v1, v3  }
0x153: {  	[tilespmem:s0], [sflag:$0x1] =	stream.indirect_vreg.gather [hbm4b:s3+s2], $0x80, v4, vm0, $0xb8;
	[tilespmem:$0x10200] =	vst v63  }
0x154: {  	_ = 	snop  }
0x155: {  	[tilespmem:s1], [sflag:$0x1] =	stream.indirect_vreg.gather [hbm4b:s4+s2], $0x80, v4, vm0, $0xb8;
	[tilespmem:$0x10200] =	vst v63  }
0x156: {  	_ = 	snop  }
0x157: {  	[tilespmem:s7], [sflag:$0x1] =	stream.indirect_vreg.gather [hbm4b:s3+s2], $0x80, v3, vm0, $0xb8;
	[tilespmem:$0x10200] =	vst v63  }
0x158: {  	_ = 	snop  }
0x159: {  	[tilespmem:s11], [sflag:$0x1] =	stream.indirect_vreg.gather [hbm4b:s4+s2], $0x80, v3, vm0, $0xb8;
	[tilespmem:$0x10200] =	vst v63  }
0x15a: {  	v3 =	vld [tilespmem:$0x150];
	_ =	sdelay $0x4  }
0x15b: {  	v53 =	vshll.u32 v3, $0x2  }
0x15c: {  	v3 =	vand.u32 $0x7, v3;
	v4 =	vand.u32 $0xFFFFFFE0, v53  }
0x15d: {  	v3 =	vor.u32 v3, v4  }
0x15e: {  	v4 =	vperm.xlane v3, v0;
	_ =	sdelay $0x1  }
0x15f: {  	v4 =	vadd.s32 v1, v4;
	_ =	sdelay $0x1  }
0x160: {  	v3 =	vperm.xlane v3, v2;
	_ =	sdelay $0x1  }
0x161: {  	v3 =	vadd.s32 v1, v3  }
0x162: {  	[tilespmem:s8], [sflag:$0x1] =	stream.indirect_vreg.gather [hbm4b:s3+s2], $0x80, v4, vm0, $0xb8;
	[tilespmem:$0x10200] =	vst v63  }
0x163: {  	_ = 	snop  }
0x164: {  	[tilespmem:s9], [sflag:$0x1] =	stream.indirect_vreg.gather [hbm4b:s4+s2], $0x80, v4, vm0, $0xb8;
	[tilespmem:$0x10200] =	vst v63  }
0x165: {  	_ = 	snop  }
0x166: {  	[tilespmem:s10], [sflag:$0x1] =	stream.indirect_vreg.gather [hbm4b:s3+s2], $0x80, v3, vm0, $0xb8;
	[tilespmem:$0x10200] =	vst v63  }
0x167: {  	s26 =	simm.s32 $0xBA00  }
0x168: {  	[tilespmem:s26], [sflag:$0x1] =	stream.indirect_vreg.gather [hbm4b:s4+s2], $0x80, v3, vm0, $0xb8;
	[tilespmem:$0x10200] =	vst v63  }
0x169: {  	v3 =	vld [tilespmem:$0x160];
	_ =	sdelay $0x4  }
0x16a: {  	v54 =	vshll.u32 v3, $0x2  }
0x16b: {  	v3 =	vand.u32 $0x7, v3;
	v4 =	vand.u32 $0xFFFFFFE0, v54  }
0x16c: {  	v3 =	vor.u32 v3, v4  }
0x16d: {  	v4 =	vperm.xlane v3, v0;
	_ =	sdelay $0x1  }
0x16e: {  	v4 =	vadd.s32 v1, v4;
	_ =	sdelay $0x1  }
0x16f: {  	v3 =	vperm.xlane v3, v2;
	_ =	sdelay $0x1  }
0x170: {  	s31 =	simm.s32 $0xC200;
	v3 =	vadd.s32 v1, v3  }
0x171: {  	[tilespmem:s31], [sflag:$0x1] =	stream.indirect_vreg.gather [hbm4b:s3+s2], $0x80, v4, vm0, $0xb8;
	[tilespmem:$0x10200] =	vst v63  }
0x172: {  	s24 =	simm.s32 $0xCA00  }
0x173: {  	[tilespmem:s24], [sflag:$0x1] =	stream.indirect_vreg.gather [hbm4b:s4+s2], $0x80, v4, vm0, $0xb8;
	[tilespmem:$0x10200] =	vst v63  }
0x174: {  	s23 =	simm.s32 $0xD200  }
0x175: {  	[tilespmem:s23], [sflag:$0x1] =	stream.indirect_vreg.gather [hbm4b:s3+s2], $0x80, v3, vm0, $0xb8;
	[tilespmem:$0x10200] =	vst v63  }
0x176: {  	s26 =	simm.s32 $0xDA00  }
0x177: {  	[tilespmem:s26], [sflag:$0x1] =	stream.indirect_vreg.gather [hbm4b:s4+s2], $0x80, v3, vm0, $0xb8;
	[tilespmem:$0x10200] =	vst v63  }
0x178: {  	v3 =	vld [tilespmem:$0x170];
	_ =	sdelay $0x4  }
0x179: {  	v55 =	vshll.u32 v3, $0x2  }
0x17a: {  	v3 =	vand.u32 $0x7, v3;
	v4 =	vand.u32 $0xFFFFFFE0, v55  }
0x17b: {  	v3 =	vor.u32 v3, v4  }
0x17c: {  	v4 =	vperm.xlane v3, v0;
	_ =	sdelay $0x1  }
0x17d: {  	v4 =	vadd.s32 v1, v4;
	_ =	sdelay $0x1  }
0x17e: {  	v3 =	vperm.xlane v3, v2;
	_ =	sdelay $0x1  }
0x17f: {  	s28 =	simm.s32 $0xE200;
	v3 =	vadd.s32 v1, v3  }
0x180: {  	[tilespmem:s28], [sflag:$0x1] =	stream.indirect_vreg.gather [hbm4b:s3+s2], $0x80, v4, vm0, $0xb8;
	[tilespmem:$0x10200] =	vst v63  }
0x181: {  	s29 =	simm.s32 $0xEA00  }
0x182: {  	[tilespmem:s29], [sflag:$0x1] =	stream.indirect_vreg.gather [hbm4b:s4+s2], $0x80, v4, vm0, $0xb8;
	[tilespmem:$0x10200] =	vst v63  }
0x183: {  	s30 =	simm.s32 $0xF200  }
0x184: {  	[tilespmem:s30], [sflag:$0x1] =	stream.indirect_vreg.gather [hbm4b:s3+s2], $0x80, v3, vm0, $0xb8;
	[tilespmem:$0x10200] =	vst v63  }
0x185: {  	s29 =	simm.s32 $0xFA00  }
0x186: {  	[tilespmem:s29], [sflag:$0x1] =	stream.indirect_vreg.gather [hbm4b:s4+s2], $0x80, v3, vm0, $0xb8;
	[tilespmem:$0x10200] =	vst v63  }
0x187: {  	_ =	swait.ge [sflag:s14], $0x10000  }
0x188: {  	[sflag:s14] =	ssyncset.done $0x0  }
0x189: {  	s30 =	rddreg [dreg:$0x6];
	[sflag:s14] =	ssyncadd.s32 $0xFFFF0000  }
0x18a: {  	[hbm4b:s30+s2] =	stream.linear.scatter [tilespmem:s25], [sflag:$0x2], $0x10000, $0x38;
	[tilespmem:$0x10200] =	vst v63  }
0x18b: {  	_ =	swait.ge [sflag:s6], $0x10000  }
0x18c: {  	[sflag:s6] =	ssyncset.done $0x0  }
0x18d: {  	[sflag:s6] =	ssyncadd.s32 $0xFFFF0000  }
0x18e: {  	v3 =	vld [tilespmem:$0x180];
	_ =	sdelay $0x4  }
0x18f: {  	v56 =	vshll.u32 v3, $0x2  }
0x190: {  	v3 =	vand.u32 $0x7, v3;
	v4 =	vand.u32 $0xFFFFFFE0, v56  }
0x191: {  	v3 =	vor.u32 v3, v4  }
0x192: {  	v4 =	vperm.xlane v3, v0;
	_ =	sdelay $0x1  }
0x193: {  	v4 =	vadd.s32 v1, v4;
	_ =	sdelay $0x1  }
0x194: {  	v3 =	vperm.xlane v3, v2;
	_ =	sdelay $0x1  }
0x195: {  	v3 =	vadd.s32 v1, v3  }
0x196: {  	[tilespmem:s25], [sflag:$0x1] =	stream.indirect_vreg.gather [hbm4b:s3+s2], $0x80, v4, vm0, $0xb8;
	[tilespmem:$0x10200] =	vst v63  }
0x197: {  	s22 =	simm.s32 $0xA00  }
0x198: {  	[tilespmem:s22], [sflag:$0x1] =	stream.indirect_vreg.gather [hbm4b:s4+s2], $0x80, v4, vm0, $0xb8;
	[tilespmem:$0x10200] =	vst v63  }
0x199: {  	s30 =	simm.s32 $0x1200  }
0x19a: {  	[tilespmem:s30], [sflag:$0x1] =	stream.indirect_vreg.gather [hbm4b:s3+s2], $0x80, v3, vm0, $0xb8;
	[tilespmem:$0x10200] =	vst v63  }
0x19b: {  	s21 =	simm.s32 $0x1A00  }
0x19c: {  	[tilespmem:s21], [sflag:$0x1] =	stream.indirect_vreg.gather [hbm4b:s4+s2], $0x80, v3, vm0, $0xb8;
	[tilespmem:$0x10200] =	vst v63  }
0x19d: {  	v3 =	vld [tilespmem:$0x190];
	_ =	sdelay $0x4  }
0x19e: {  	v57 =	vshll.u32 v3, $0x2  }
0x19f: {  	v3 =	vand.u32 $0x7, v3;
	v4 =	vand.u32 $0xFFFFFFE0, v57  }
0x1a0: {  	v3 =	vor.u32 v3, v4  }
0x1a1: {  	v4 =	vperm.xlane v3, v0;
	_ =	sdelay $0x1  }
0x1a2: {  	v4 =	vadd.s32 v1, v4;
	_ =	sdelay $0x1  }
0x1a3: {  	v3 =	vperm.xlane v3, v2;
	_ =	sdelay $0x1  }
0x1a4: {  	s22 =	simm.s32 $0x2200;
	v3 =	vadd.s32 v1, v3  }
0x1a5: {  	[tilespmem:s22], [sflag:$0x1] =	stream.indirect_vreg.gather [hbm4b:s3+s2], $0x80, v4, vm0, $0xb8;
	[tilespmem:$0x10200] =	vst v63  }
0x1a6: {  	s30 =	simm.s32 $0x2A00  }
0x1a7: {  	[tilespmem:s30], [sflag:$0x1] =	stream.indirect_vreg.gather [hbm4b:s4+s2], $0x80, v4, vm0, $0xb8;
	[tilespmem:$0x10200] =	vst v63  }
0x1a8: {  	s21 =	simm.s32 $0x3200  }
0x1a9: {  	[tilespmem:s21], [sflag:$0x1] =	stream.indirect_vreg.gather [hbm4b:s3+s2], $0x80, v3, vm0, $0xb8;
	[tilespmem:$0x10200] =	vst v63  }
0x1aa: {  	s22 =	simm.s32 $0x3A00  }
0x1ab: {  	[tilespmem:s22], [sflag:$0x1] =	stream.indirect_vreg.gather [hbm4b:s4+s2], $0x80, v3, vm0, $0xb8;
	[tilespmem:$0x10200] =	vst v63  }
0x1ac: {  	v3 =	vld [tilespmem:$0x1A0];
	_ =	sdelay $0x4  }
0x1ad: {  	v58 =	vshll.u32 v3, $0x2  }
0x1ae: {  	v3 =	vand.u32 $0x7, v3;
	v4 =	vand.u32 $0xFFFFFFE0, v58  }
0x1af: {  	v3 =	vor.u32 v3, v4  }
0x1b0: {  	v4 =	vperm.xlane v3, v0;
	_ =	sdelay $0x1  }
0x1b1: {  	v4 =	vadd.s32 v1, v4;
	_ =	sdelay $0x1  }
0x1b2: {  	v3 =	vperm.xlane v3, v2;
	_ =	sdelay $0x1  }
0x1b3: {  	s30 =	simm.s32 $0x4200;
	v3 =	vadd.s32 v1, v3  }
0x1b4: {  	[tilespmem:s30], [sflag:$0x1] =	stream.indirect_vreg.gather [hbm4b:s3+s2], $0x80, v4, vm0, $0xb8;
	[tilespmem:$0x10200] =	vst v63  }
0x1b5: {  	s16 =	simm.s32 $0x4A00  }
0x1b6: {  	[tilespmem:s16], [sflag:$0x1] =	stream.indirect_vreg.gather [hbm4b:s4+s2], $0x80, v4, vm0, $0xb8;
	[tilespmem:$0x10200] =	vst v63  }
0x1b7: {  	s12 =	simm.s32 $0x5200  }
0x1b8: {  	[tilespmem:s12], [sflag:$0x1] =	stream.indirect_vreg.gather [hbm4b:s3+s2], $0x80, v3, vm0, $0xb8;
	[tilespmem:$0x10200] =	vst v63  }
0x1b9: {  	s13 =	simm.s32 $0x5A00  }
0x1ba: {  	[tilespmem:s13], [sflag:$0x1] =	stream.indirect_vreg.gather [hbm4b:s4+s2], $0x80, v3, vm0, $0xb8;
	[tilespmem:$0x10200] =	vst v63  }
0x1bb: {  	v3 =	vld [tilespmem:$0x1B0];
	_ =	sdelay $0x4  }
0x1bc: {  	v59 =	vshll.u32 v3, $0x2  }
0x1bd: {  	v3 =	vand.u32 $0x7, v3;
	v4 =	vand.u32 $0xFFFFFFE0, v59  }
0x1be: {  	v3 =	vor.u32 v3, v4  }
0x1bf: {  	v4 =	vperm.xlane v3, v0;
	_ =	sdelay $0x1  }
0x1c0: {  	v4 =	vadd.s32 v1, v4;
	_ =	sdelay $0x1  }
0x1c1: {  	v3 =	vperm.xlane v3, v2;
	_ =	sdelay $0x1  }
0x1c2: {  	s17 =	simm.s32 $0x6200;
	v3 =	vadd.s32 v1, v3  }
0x1c3: {  	[tilespmem:s17], [sflag:$0x1] =	stream.indirect_vreg.gather [hbm4b:s3+s2], $0x80, v4, vm0, $0xb8;
	[tilespmem:$0x10200] =	vst v63  }
0x1c4: {  	s18 =	simm.s32 $0x6A00  }
0x1c5: {  	[tilespmem:s18], [sflag:$0x1] =	stream.indirect_vreg.gather [hbm4b:s4+s2], $0x80, v4, vm0, $0xb8;
	[tilespmem:$0x10200] =	vst v63  }
0x1c6: {  	s19 =	simm.s32 $0x7200  }
0x1c7: {  	[tilespmem:s19], [sflag:$0x1] =	stream.indirect_vreg.gather [hbm4b:s3+s2], $0x80, v3, vm0, $0xb8;
	[tilespmem:$0x10200] =	vst v63  }
0x1c8: {  	s20 =	simm.s32 $0x7A00  }
0x1c9: {  	[tilespmem:s20], [sflag:$0x1] =	stream.indirect_vreg.gather [hbm4b:s4+s2], $0x80, v3, vm0, $0xb8;
	[tilespmem:$0x10200] =	vst v63  }
0x1ca: {  	v3 =	vld [tilespmem:$0x1C0];
	_ =	sdelay $0x4  }
0x1cb: {  	v60 =	vshll.u32 v3, $0x2  }
0x1cc: {  	v3 =	vand.u32 $0x7, v3;
	v4 =	vand.u32 $0xFFFFFFE0, v60  }
0x1cd: {  	v3 =	vor.u32 v3, v4  }
0x1ce: {  	v4 =	vperm.xlane v3, v0;
	_ =	sdelay $0x1  }
0x1cf: {  	v4 =	vadd.s32 v1, v4;
	_ =	sdelay $0x1  }
0x1d0: {  	v3 =	vperm.xlane v3, v2;
	_ =	sdelay $0x1  }
0x1d1: {  	s0 =	simm.s32 $0x8200;
	v3 =	vadd.s32 v1, v3  }
0x1d2: {  	[tilespmem:s0], [sflag:$0x1] =	stream.indirect_vreg.gather [hbm4b:s3+s2], $0x80, v4, vm0, $0xb8;
	[tilespmem:$0x10200] =	vst v63  }
0x1d3: {  	s1 =	simm.s32 $0x8A00  }
0x1d4: {  	[tilespmem:s1], [sflag:$0x1] =	stream.indirect_vreg.gather [hbm4b:s4+s2], $0x80, v4, vm0, $0xb8;
	[tilespmem:$0x10200] =	vst v63  }
0x1d5: {  	s7 =	simm.s32 $0x9200  }
0x1d6: {  	[tilespmem:s7], [sflag:$0x1] =	stream.indirect_vreg.gather [hbm4b:s3+s2], $0x80, v3, vm0, $0xb8;
	[tilespmem:$0x10200] =	vst v63  }
0x1d7: {  	s11 =	simm.s32 $0x9A00  }
0x1d8: {  	[tilespmem:s11], [sflag:$0x1] =	stream.indirect_vreg.gather [hbm4b:s4+s2], $0x80, v3, vm0, $0xb8;
	[tilespmem:$0x10200] =	vst v63  }
0x1d9: {  	v3 =	vld [tilespmem:$0x1D0];
	_ =	sdelay $0x4  }
0x1da: {  	v61 =	vshll.u32 v3, $0x2  }
0x1db: {  	v3 =	vand.u32 $0x7, v3;
	v4 =	vand.u32 $0xFFFFFFE0, v61  }
0x1dc: {  	v3 =	vor.u32 v3, v4  }
0x1dd: {  	v4 =	vperm.xlane v3, v0;
	_ =	sdelay $0x1  }
0x1de: {  	v4 =	vadd.s32 v1, v4;
	_ =	sdelay $0x1  }
0x1df: {  	v3 =	vperm.xlane v3, v2;
	_ =	sdelay $0x1  }
0x1e0: {  	s8 =	simm.s32 $0xA200;
	v3 =	vadd.s32 v1, v3  }
0x1e1: {  	[tilespmem:s8], [sflag:$0x1] =	stream.indirect_vreg.gather [hbm4b:s3+s2], $0x80, v4, vm0, $0xb8;
	[tilespmem:$0x10200] =	vst v63  }
0x1e2: {  	s9 =	simm.s32 $0xAA00  }
0x1e3: {  	[tilespmem:s9], [sflag:$0x1] =	stream.indirect_vreg.gather [hbm4b:s4+s2], $0x80, v4, vm0, $0xb8;
	[tilespmem:$0x10200] =	vst v63  }
0x1e4: {  	s10 =	simm.s32 $0xB200  }
0x1e5: {  	[tilespmem:s10], [sflag:$0x1] =	stream.indirect_vreg.gather [hbm4b:s3+s2], $0x80, v3, vm0, $0xb8;
	[tilespmem:$0x10200] =	vst v63  }
0x1e6: {  	s21 =	simm.s32 $0xBA00  }
0x1e7: {  	[tilespmem:s21], [sflag:$0x1] =	stream.indirect_vreg.gather [hbm4b:s4+s2], $0x80, v3, vm0, $0xb8;
	[tilespmem:$0x10200] =	vst v63  }
0x1e8: {  	v3 =	vld [tilespmem:$0x1E0];
	_ =	sdelay $0x4  }
0x1e9: {  	v62 =	vshll.u32 v3, $0x2  }
0x1ea: {  	v3 =	vand.u32 $0x7, v3;
	v4 =	vand.u32 $0xFFFFFFE0, v62  }
0x1eb: {  	v3 =	vor.u32 v3, v4  }
0x1ec: {  	v4 =	vperm.xlane v3, v0;
	_ =	sdelay $0x1  }
0x1ed: {  	v4 =	vadd.s32 v1, v4;
	_ =	sdelay $0x1  }
0x1ee: {  	v3 =	vperm.xlane v3, v2;
	_ =	sdelay $0x1  }
0x1ef: {  	s31 =	simm.s32 $0xC200;
	v3 =	vadd.s32 v1, v3  }
0x1f0: {  	[tilespmem:s31], [sflag:$0x1] =	stream.indirect_vreg.gather [hbm4b:s3+s2], $0x80, v4, vm0, $0xb8;
	[tilespmem:$0x10200] =	vst v63  }
0x1f1: {  	s22 =	simm.s32 $0xCA00  }
0x1f2: {  	[tilespmem:s22], [sflag:$0x1] =	stream.indirect_vreg.gather [hbm4b:s4+s2], $0x80, v4, vm0, $0xb8;
	[tilespmem:$0x10200] =	vst v63  }
0x1f3: {  	s24 =	simm.s32 $0xD200  }
0x1f4: {  	[tilespmem:s24], [sflag:$0x1] =	stream.indirect_vreg.gather [hbm4b:s3+s2], $0x80, v3, vm0, $0xb8;
	[tilespmem:$0x10200] =	vst v63  }
0x1f5: {  	s30 =	simm.s32 $0xDA00  }
0x1f6: {  	[tilespmem:s30], [sflag:$0x1] =	stream.indirect_vreg.gather [hbm4b:s4+s2], $0x80, v3, vm0, $0xb8;
	[tilespmem:$0x10200] =	vst v63  }
0x1f7: {  	v3 =	vld [tilespmem:$0x1F0];
	_ =	sdelay $0x4  }
0x1f8: {  	v63 =	vshll.u32 v3, $0x2  }
0x1f9: {  	v3 =	vand.u32 $0x7, v3;
	v4 =	vand.u32 $0xFFFFFFE0, v63  }
0x1fa: {  	v3 =	vor.u32 v3, v4  }
0x1fb: {  	v4 =	vperm.xlane v3, v0;
	_ =	sdelay $0x1  }
0x1fc: {  	v4 =	vadd.s32 v1, v4;
	_ =	sdelay $0x1  }
0x1fd: {  	v3 =	vperm.xlane v3, v2;
	_ =	sdelay $0x1  }
0x1fe: {  	s23 =	simm.s32 $0xE200;
	v3 =	vadd.s32 v1, v3  }
0x1ff: {  	[tilespmem:s23], [sflag:$0x1] =	stream.indirect_vreg.gather [hbm4b:s3+s2], $0x80, v4, vm0, $0xb8;
	[tilespmem:$0x10200] =	vst v63  }
0x200: {  	s26 =	simm.s32 $0xEA00  }
0x201: {  	[tilespmem:s26], [sflag:$0x1] =	stream.indirect_vreg.gather [hbm4b:s4+s2], $0x80, v4, vm0, $0xb8;
	[tilespmem:$0x10200] =	vst v63  }
0x202: {  	s28 =	simm.s32 $0xF200  }
0x203: {  	[tilespmem:s28], [sflag:$0x1] =	stream.indirect_vreg.gather [hbm4b:s3+s2], $0x80, v3, vm0, $0xb8;
	[tilespmem:$0x10200] =	vst v63  }
0x204: {  	s29 =	simm.s32 $0xFA00  }
0x205: {  	[tilespmem:s29], [sflag:$0x1] =	stream.indirect_vreg.gather [hbm4b:s4+s2], $0x80, v3, vm0, $0xb8;
	[tilespmem:$0x10200] =	vst v63  }
0x206: {  	_ =	swait.ge [sflag:s14], $0x10000  }
0x207: {  	p0 =	sne.s32 s5, $0x1;
	[sflag:s14] =	ssyncset.done $0x0  }
.Ltmp0:
0x208: {  	s31 =	rddreg [dreg:$0x7];
	[sflag:s14] =	ssyncadd.s32 $0xFFFF0000;
	(pc) =	sbr.rel @p0 .LBB2_1-.Ltmp0, $4  }
0x209: {  	[hbm4b:s31+s2] =	stream.linear.scatter [tilespmem:s25], [sflag:$0x2], $0x10000, $0x38;
	[tilespmem:$0x10200] =	vst v63  }
0x20a: {  	_ =	swait.ge [sflag:s6], $0x10000  }
0x20b: {  	[sflag:s6] =	ssyncset.done $0x0  }
0x20c: {  	s5 =	sadd.s32 $0xFFFFFFFF, s5;
	[sflag:s6] =	ssyncadd.s32 $0xFFFF0000  }
0x20d: {  	_ =	sfence.sel $0x180000  }
0x20e: {  	[bflag:$0x0] =	sbarrier.arrive $0xFFFF  }
0x20f: {  	_ =	strace $0x9000004D  }
0x210: {  	s0 =	stileid.u32;
	[bflag:$0x2] =	sbarrier.arrive $0xFFFF  }
0x211: {  	p0 =	sne.s32 s0, $0x0;
	s0 =	rddreg [dreg:$0x2]  }
0x212: {  	s0 =	sadd.s32 @!p0 $0x100000, s0  }
0x213: {  	[sflag:s0] =	ssyncadd.tile.s32 @!p0 $0x1;
	_ =	shalt  }
.Lfunc_end2:
_tile_overlayer_lowered:
.L_overlay_start_2:
0x214: {  	(tag) =	ssettag $0x2  }
0x215: {  	s0 =	rddreg [dreg:$0x0];
	s2 =	stileid.u32  }
0x216: {  	s1 =	rddreg [dreg:$0x1];
	p0 =	sne.s32 s2, $0x0  }
0x217: {  	s3 =	rddreg [dreg:$0x2];
	[bflag:$0x3] =	sbarrier.arrive $0xFFFF;
	s2 =	simm.s32 @!p0 $0x1C02  }
0x218: {  	[timem:s3], [sflag:s2] =	dma.local @!p0 [hbm:s0], s1  }
0x219: {  	s0 =	simm.s32 @!p0 $0x2  }
0x21a: {  	_ =	swait.ge @!p0 [sflag:s0], s1  }
0x21b: {  	s1 =	ssub.s32 @!p0 $0x0, s1;
	[sflag:s0] =	ssyncset.done @!p0 $0x0  }
0x21c: {  	[sflag:s0] =	ssyncadd.s32 @!p0 s1  }
0x21d: {  	[bflag:$0x3] =	sbarrier.arrive $0xFFFF  }
0x21e: {  	_ =	shalt  }

// kernel: kernel.8.cloned.1.call-start
scs
__scs_entry_jumppad:
0x0: {  	(pc) =	sbr.rel $0x88, $3  }
0x1: {  	(tag) =	ssettag $0x0;
	lr =	simm.s32 $0x1  }
0x2: {  	[smem:$0x3F99] =	sst lr;
	_ =	strace $0xD0000000  }
0x3: {  	_ = 	snop  }
0x4: {  	_ = 	snop  }
0x5: {  	_ = 	snop  }
0x6: {  	_ = 	snop  }
0x7: {  	_ = 	snop  }
__scs_overlays_trampoline_lowered:
0x8: {  	[smem:$0x3FA8] =	sst s0  }
0x9: {  	[smem:$0x3FA9] =	sst s1  }
0xa: {  	[smem:$0x3FAA] =	sst s2  }
0xb: {  	[smem:$0x3FAB] =	sst s3  }
0xc: {  	[smem:$0x3FAC] =	sst s4  }
0xd: {  	[smem:$0x3FAD] =	sst s5  }
0xe: {  	[smem:$0x3FAE] =	sst s6  }
0xf: {  	[smem:$0x3FAF] =	sst s7  }
0x10: {  	[smem:$0x3FB0] =	sst s8  }
0x11: {  	[smem:$0x3FB1] =	sst s9;
	s0 =	simm.s32 @!p0 $0x0  }
0x12: {  	s1 =	sld [smem:$0x3F97];
	s0 =	simm.s32 @p0 $0x1  }
0x13: {  	[smem:$0x3FB2] =	sst s0;
	s0 =	simm.s32 @!p1 $0x0  }
0x14: {  	s2 =	sld [smem:$0x3F96];
	s0 =	simm.s32 @p1 $0x1  }
0x15: {  	[smem:$0x3FB3] =	sst s0;
	s0 =	simm.s32 @!p2 $0x0  }
0x16: {  	s3 =	sld [smem:$0x3FDB];
	s0 =	simm.s32 @p2 $0x1  }
0x17: {  	s4 =	simm.s32 $0x1BF5;
	[smem:$0x3FB5] =	sst s0  }
0x18: {  	s0 =	sld [smem:$0x3F98];
	_ =	swait.ge [sflag:s4], $0x0  }
0x19: {  	s7 =	sld [smem:$0x3F99]  }
0x1a: {  	s8 =	sadd.s32 $0xFFFFE003, lr  }
0x1b: {  	s9 =	sadd.s32 $0xFFFFFEF7, lr;
	s5 =	simm.s32 $0xFFFFFFFF;
	p2 =	slt.u32 s8, $0xFFFFF086  }
0x1c: {  	p1 =	slt.u32 s9, $0xF7A;
	s5 =	simm.s32 @!p2 $0x0  }
0x1d: {  	s5 =	simm.s32 @p1 $0x1;
	p0 =	seq.s32 s7, s2  }
0x1e: {  	s7 =	smul.u32 @!p0 $0xF7A, s2;
	p2 =	seq.s32 @!p0 s5, $0x0  }
0x1f: {  	s9 =	smul.u32 $0xF7A, s1;
	s8 =	simm.s32 @!p0 $0x1BF5;
	p2 =	por !p2, p0  }
0x20: {  	[sflag:s8] =	ssyncset.s32 @!p0 $0xFFFFF086;
	s6 =	sadd.s32 @!p0 s3, s7;
	s7 =	simm.s32 @!p0 $0x108  }
0x21: {  	s3 =	sadd.s32 s3, s9;
	s6 =	sadd.s32 @!p0 $0x88, s6;
	s7 =	simm.s32 @p2 $0x1082  }
0x22: {  	[simem:s7], [sflag:s8] =	dma.local @!p0 [hbm:s6], $0xF7A  }
0x23: {  	s9 =	sor.u32 $0xD0000000, s2;
	s6 =	simm.s32 $0x108;
	_ =	swait.ge @!p0 [sflag:s8], $0x0  }
0x24: {  	s3 =	sadd.s32 $0x88, s3;
	s6 =	simm.s32 @!p1 $0x1082;
	[sflag:s4] =	ssyncset.s32 $0xFFFFF086  }
0x25: {  	[simem:s6], [sflag:s4] =	dma.local [hbm:s3], $0xF7A  }
0x26: {  	[smem:$0x3F99] =	sst s1;
	(tag) =	ssettag s2;
	_ =	strace s9  }
0x27: {  	s1 =	sld [smem:$0x3FA9]  }
0x28: {  	s2 =	sld [smem:$0x3FAA]  }
0x29: {  	s4 =	sld [smem:$0x3FAC]  }
0x2a: {  	p0 =	seq.s32 s5, $0x0;
	s5 =	sld [smem:$0x3FAD]  }
0x2b: {  	s6 =	sld [smem:$0x3FAE]  }
0x2c: {  	s7 =	sld [smem:$0x3FAF]  }
0x2d: {  	s3 =	simm.s32 $0x108;
	s8 =	sld [smem:$0x3FB0]  }
0x2e: {  	s3 =	simm.s32 @!p0 $0x1082;
	s9 =	sld [smem:$0x3FB1]  }
0x2f: {  	lr =	sadd.s32 s0, s3;
	s0 =	sld [smem:$0x3FA8]  }
0x30: {  	s3 =	sld [smem:$0x3FAB]  }
0x31: {  	[smem:$0x3FB4] =	sst s10  }
0x32: {  	s10 =	sld [smem:$0x3FB2];
	_ =	sdelay $0x3  }
0x33: {  	p0 =	seq.s32 s10, $0x1;
	s10 =	sld [smem:$0x3FB4];
	_ =	sdelay $0x3  }
0x34: {  	[smem:$0x3FB4] =	sst s10  }
0x35: {  	s10 =	sld [smem:$0x3FB3];
	_ =	sdelay $0x3  }
0x36: {  	p1 =	seq.s32 s10, $0x1;
	s10 =	sld [smem:$0x3FB4];
	_ =	sdelay $0x3  }
0x37: {  	[smem:$0x3FB4] =	sst s10  }
0x38: {  	s10 =	sld [smem:$0x3FB5]  }
0x39: {  	_ = 	snop;
	(pc) =	sbr.ind lr, $3  }
0x3a: {  	_ = 	snop  }
0x3b: {  	_ = 	snop  }
0x3c: {  	p2 =	seq.s32 s10, $0x1;
	s10 =	sld [smem:$0x3FB4]  }
0x3d: {  	_ =	shalt  }
0x3e: {  	_ =	shalt  }
0x3f: {  	_ =	shalt  }
0x40: {  	_ =	shalt  }
0x41: {  	_ =	shalt  }
0x42: {  	_ =	shalt  }
0x43: {  	_ =	shalt  }
0x44: {  	_ =	shalt  }
0x45: {  	_ =	shalt  }
0x46: {  	_ =	shalt  }
0x47: {  	_ =	shalt  }
0x48: {  	_ =	shalt  }
0x49: {  	_ =	shalt  }
0x4a: {  	_ =	shalt  }
0x4b: {  	_ =	shalt  }
0x4c: {  	_ =	shalt  }
0x4d: {  	_ =	shalt  }
0x4e: {  	_ =	shalt  }
0x4f: {  	_ =	shalt  }
0x50: {  	_ =	shalt  }
0x51: {  	_ =	shalt  }
0x52: {  	_ =	shalt  }
0x53: {  	_ =	shalt  }
0x54: {  	_ =	shalt  }
0x55: {  	_ =	shalt  }
0x56: {  	_ =	shalt  }
0x57: {  	_ =	shalt  }
0x58: {  	_ =	shalt  }
0x59: {  	_ =	shalt  }
0x5a: {  	_ =	shalt  }
0x5b: {  	_ =	shalt  }
0x5c: {  	_ =	shalt  }
0x5d: {  	_ =	shalt  }
0x5e: {  	_ =	shalt  }
0x5f: {  	_ =	shalt  }
0x60: {  	_ =	shalt  }
0x61: {  	_ =	shalt  }
0x62: {  	_ =	shalt  }
0x63: {  	_ =	shalt  }
0x64: {  	_ =	shalt  }
0x65: {  	_ =	shalt  }
0x66: {  	_ =	shalt  }
0x67: {  	_ =	shalt  }
0x68: {  	_ =	shalt  }
0x69: {  	_ =	shalt  }
0x6a: {  	_ =	shalt  }
0x6b: {  	_ =	shalt  }
0x6c: {  	_ =	shalt  }
0x6d: {  	_ =	shalt  }
0x6e: {  	_ =	shalt  }
0x6f: {  	_ =	shalt  }
0x70: {  	_ =	shalt  }
0x71: {  	_ =	shalt  }
0x72: {  	_ =	shalt  }
0x73: {  	_ =	shalt  }
0x74: {  	_ =	shalt  }
0x75: {  	_ =	shalt  }
0x76: {  	_ =	shalt  }
0x77: {  	_ =	shalt  }
0x78: {  	_ =	shalt  }
0x79: {  	_ =	shalt  }
0x7a: {  	_ =	shalt  }
0x7b: {  	_ =	shalt  }
0x7c: {  	_ =	shalt  }
0x7d: {  	_ =	shalt  }
0x7e: {  	_ =	shalt  }
0x7f: {  	_ =	shalt  }
0x80: {  	_ =	shalt  }
0x81: {  	_ =	shalt  }
0x82: {  	_ =	shalt  }
0x83: {  	_ =	shalt  }
0x84: {  	_ =	shalt  }
0x85: {  	_ =	shalt  }
0x86: {  	_ =	shalt  }
0x87: {  	_ =	shalt  }
.Lfunc_end0:
.L_simem_size_0:
called_computation_lowered:
.L_overlay_start_0:
0x88: {  	s2 =	sld [smem:$0x3FD9]  }
0x89: {  	s3 =	sld [smem:$0x3FFE];
	_ =	sdelay $0x1  }
0x8a: {  	s1 =	srdreg.scid  }
0x8b: {  	s0 =	sand.u32 $0x1, s1  }
0x8c: {  	s17 =	sshll.u32 s0, $0xA;
	s2 =	sadd.s32 s3, s2  }
0x8d: {  	s2 =	sadd.s32 s2, s17  }
0x8e: {  	[smem:$0x3FC0] =	sst s2  }
0x8f: {  	_ = 	snop  }
0x90: {  	s2 =	sld [smem:$0x3FD0];
	(tm) =	ssettm $0x1  }
0x91: {  	s18 =	sld [smem:$0x3FFB];
	_ =	sdelay $0x3  }
0x92: {  	_ =	strace s18  }
0x93: {  	s3 =	sld [smem:$0x3FFC];
	_ =	sdelay $0x3  }
0x94: {  	_ =	strace s3  }
0x95: {  	s3 =	sld [smem:$0x3FFD];
	_ =	sdelay $0x3  }
0x96: {  	_ =	strace s3  }
0x97: {  	_ =	strace $0x8FFFFFFF  }
0x98: {  	s19 =	sld [smem:$0x3FDB];
	_ =	sdelay $0x1  }
0x99: {  	s4 =	simm.s32 $_scs_section_size  }
0x9a: {  	s5 =	simm.s32 $_size__tile_overlayer_lowered;
	s6 =	simm.s32 $_tile_overlayer_lowered  }
0x9b: {  	s22 =	simm.s32 $0x1BFF;
	s21 =	sshll.u32 s6, $0x1;
	s3 =	sadd.s32 s4, s19  }
0x9c: {  	s7 =	simm.s32 $0x0;
	s20 =	sshll.u32 s5, $0x1;
	s5 =	sadd.s32 s21, s3  }
0x9d: {  	[timem:s7], [sflag:s22] =	dma.local [hbm:s5], s20  }
0x9e: {  	_ =	swait.ge [sflag:s22], s20  }
0x9f: {  	s4 =	ssub.s32 $0x0, s20;
	[sflag:s22] =	ssyncset.done $0x0  }
0xa0: {  	[sflag:s22] =	ssyncadd.s32 s4;
	_ =	sdelay $0x1  }
0xa1: {  	s23 =	simm.s32 $0x1B8B  }
0xa2: {  	_ =	swait.ge [sflag:s23], $0x1  }
0xa3: {  	[sflag:s23] =	ssyncset.done $0x0  }
0xa4: {  	s25 =	simm.s32 $0x1B8E;
	s24 =	sld [smem:$0x3FFE];
	[sflag:s23] =	ssyncadd.s32 $0xFFFFFFFF  }
0xa5: {  	s26 =	simm.s32 $execute0_lowered;
	[smem:$0x3FD2] =	sst s25  }
0xa6: {  	s5 =	sshll.u32 s26, $0x1;
	_ =	strace $0x80000046;
	[dreg:$0x1] =	wrdreg $0xFFFFFFFF  }
0xa7: {  	s28 =	simm.s32 $_size_execute0_lowered;
	s3 =	sadd.s32 s3, s5;
	[dreg:$0x0] =	wrdreg $0x0  }
0xa8: {  	s5 =	sshll.u32 s28, $0x1;
	[dreg:$0x2] =	wrdreg s3  }
0xa9: {  	[dreg:$0x3] =	wrdreg s5  }
0xaa: {  	[dreg:$0x4] =	wrdreg $0xC0  }
0xab: {  	_ =	task [dreg:s7], $0x5FFFF  }
0xac: {  	[dreg:$0x1] =	wrdreg $0xFFFFFFFF  }
0xad: {  	[dreg:$0x0] =	wrdreg $0x60  }
0xae: {  	[dreg:$0x2] =	wrdreg s24  }
0xaf: {  	[dreg:$0x3] =	wrdreg s2  }
0xb0: {  	[dreg:$0x4] =	wrdreg $0x56800  }
0xb1: {  	[dreg:$0x5] =	wrdreg $0x9  }
0xb2: {  	_ =	task.clear_ibuf [dreg:s7], $0x6FFFF;
	_ =	strace $0x90000046  }
0xb3: {  	s29 =	simm.s32 $0x9;
	_ =	strace $0x80000048  }
0xb4: {  	_ =	swait.ge [sflag:s29], $0x1  }
0xb5: {  	[sflag:s29] =	ssyncadd.s32 $0xFFFFFFFF  }
0xb6: {  	_ =	strace $0x90000048  }
0xb7: {  	_ =	sfence  }
0xb8: {  	s30 =	sld [smem:$0x0];
	_ =	sdelay $0x2  }
0xb9: {  	s31 =	sshll.u32 s1, $0xD;
	s1 =	sshrl.u32 s1, $0x2  }
0xba: {  	s3 =	sand.u32 $0x4000, s31;
	s1 =	sadd.s32 s1, s30  }
0xbb: {  	s0 =	sor.u32 s3, s0;
	s1 =	sshll.u32 s1, $0x11  }
0xbc: {  	s0 =	sor.u32 s1, s0  }
0xbd: {  	s0 =	sadd.s32 $0x8F2B, s0  }
0xbe: {  	[sflag:s0] =	ssyncadd.remote.s32 $0x1  }
0xbf: {  	_ =	sfence.sel $0xFFFF  }
0xc0: {  	[dreg:$0x0] =	wrdreg $0xFFFFFFFF;
	(pc) =	sbr.abs _section_cstart, $3  }
0xc1: {  	[dreg:$0x1] =	wrdreg $0xFFFFFFFF  }
0xc2: {  	_ =	task.clear_ibuf [dreg:s7], $0x2FFFF;
	_ =	strace $0x9FFFFFFF  }
0xc3: {  	(tm) =	ssettm $0x7FFFFFFF  }
tec
execute0_lowered:
.L_overlay_start_1:
0x0: {  	(tag) =	ssettag $0x1  }
0x1: {  	s0 =	rddreg [dreg:$0x0]  }
0x2: {  	s1 =	rddreg [dreg:$0x1]  }
0x3: {  	s19 =	rddreg [dreg:$0x2];
	s14 =	stileid.u32  }
0x4: {  	s2 =	srdreg.scid;
	s4 =	smul.u32 $0x5000, s14  }
0x5: {  	s24 =	simm.s32 $0x400;
	s25 =	simm.s32 $0x80;
	s18 =	smul.u32 $0xA000, s14  }
0x6: {  	s29 =	simm.s32 $0x5400;
	s12 =	sand.u32 $0x1, s2;
	s22 =	smul.u32 $0x280, s14  }
0x7: {  	s30 =	simm.s32 $0x0;
	s5 =	sshrl.u32 s14, $0x3;
	s3 =	smul.u32 $0x50000, s12  }
0x8: {  	s2 =	simm.s32 $0x0;
	s31 =	sshll.u32 s14, $0x7;
	s5 =	smul.u32 $0x5000, s5  }
0x9: {  	[smem:$0x7FF] =	sst s2;
	s6 =	ssub.s32 $0x2, s12;
	s20 =	smul.u32 $0x2800, s12  }
0xa: {  	_ =	strace $0x80000047;
	s8 =	sshrl.u32 s6, $0x1;
	s23 =	sshrl.u32 s18, $0x2  }
0xb: {  	s3 =	sadd.s32 s4, s3;
	s5 =	sshrl.u32 s5, $0x2;
	s4 =	sand.u32 $0x380, s31  }
0xc: {  	s21 =	ssub.s32 s6, s8;
	s20 =	sadd.s32 s22, s20;
	s5 =	sadd.s32 s5, s19  }
0xd: {  	s7 =	sshrl.u32 s3, $0x3;
	s19 =	sadd.s32 s23, s19;
	s20 =	sshrl.u32 s20, $0x3  }
0xe: {  	s21 =	smax.u32 s21, $0x1;
	s23 =	simm.s32 $0x1;
	s3 =	sadd.s32 s4, s5  }
0xf: {  	s0 =	sadd.s32 s7, s0;
	s20 =	sadd.s32 s1, s20;
	s4 =	sadd.s32 $0x2800, s3  }
0x10: {  	s5 =	sadd.s32 $0x5000, s3;
	s6 =	sadd.s32 $0x7800, s3;
	s7 =	sadd.s32 $0xA000, s3  }
0x11: {  	s8 =	sadd.s32 $0xC800, s3;
	s9 =	sadd.s32 $0xF000, s3;
	s10 =	sadd.s32 $0x11800, s3  }
0x12: {  	s11 =	sadd.s32 $0x14000, s3;
	s12 =	sadd.s32 $0x16800, s3;
	s13 =	sadd.s32 $0x19000, s3  }
0x13: {  	s14 =	sadd.s32 $0x1B800, s3;
	s15 =	sadd.s32 $0x1E000, s3;
	s16 =	sadd.s32 $0x20800, s3  }
0x14: {  	v0 =	vimm.f32 $0.0e+00;
	v1 =	vimm.f32 $1.000000000e+00;
	s17 =	sadd.s32 $0x23000, s3;
	s18 =	sadd.s32 $0x25800, s3;
	s22 =	sadd.s32 $0x1800, s0  }
.LBB2_1:
0x15: {  	s0 =	simm.s32 $0x0  }
.LBB2_2:
0x16: {  	p0 =	sne.s32 s0, $0x9FC0  }
.Ltmp0:
0x17: {  	_ = 	snop;
	(pc) =	sbr.rel @p0 .LBB2_2-.Ltmp0, $3  }
0x18: {  	_ =	sdelay $0x1  }
0x19: {  	s1 =	sshra.s32 s0, $0x2  }
0x1a: {  	s0 =	sadd.s32 $0x40, s0;
	[tilespmem:s1+$0x400] =	vst v0  }
0x1b: {  	s31 =	simm.s32 $0x0  }
.LBB2_4:
0x1c: {  	s0 =	sadd.s32 s31, s22  }
0x1d: {  	[tilespmem:s2], [sflag:$0x1] =	stream.linear.gather [hbm4b:s0+s2], $0x400, $0x38;
	[tilespmem:$0x7E80] =	vst v63  }
0x1e: {  	_ =	swait.ge [sflag:s23], $0x400  }
0x1f: {  	[sflag:s23] =	ssyncset.done $0x0  }
0x20: {  	[sflag:s23] =	ssyncadd.s32 $0xFFFFFC00  }
0x21: {  	v2 =	vld [tilespmem:$0x0];
	_ =	sdelay $0x7  }
0x22: {  	[tilespmem:v2+s24+$0x0] =	vst.idx.add.f32.msk $0xffff, v1  }
0x23: {  	v2 =	vld [tilespmem:$0x10];
	_ =	sdelay $0x7  }
0x24: {  	[tilespmem:v2+s24+$0x0] =	vst.idx.add.f32.msk $0xffff, v1  }
0x25: {  	v2 =	vld [tilespmem:$0x20];
	_ =	sdelay $0x7  }
0x26: {  	[tilespmem:v2+s24+$0x0] =	vst.idx.add.f32.msk $0xffff, v1  }
0x27: {  	v2 =	vld [tilespmem:$0x30];
	_ =	sdelay $0x7  }
0x28: {  	[tilespmem:v2+s24+$0x0] =	vst.idx.add.f32.msk $0xffff, v1  }
0x29: {  	v2 =	vld [tilespmem:$0x40];
	_ =	sdelay $0x7  }
0x2a: {  	[tilespmem:v2+s24+$0x0] =	vst.idx.add.f32.msk $0xffff, v1  }
0x2b: {  	v2 =	vld [tilespmem:$0x50];
	_ =	sdelay $0x7  }
0x2c: {  	[tilespmem:v2+s24+$0x0] =	vst.idx.add.f32.msk $0xffff, v1  }
0x2d: {  	v2 =	vld [tilespmem:$0x60];
	_ =	sdelay $0x7  }
0x2e: {  	[tilespmem:v2+s24+$0x0] =	vst.idx.add.f32.msk $0xffff, v1  }
0x2f: {  	v2 =	vld [tilespmem:$0x70];
	_ =	sdelay $0x7  }
0x30: {  	[tilespmem:v2+s24+$0x0] =	vst.idx.add.f32.msk $0xffff, v1  }
0x31: {  	v2 =	vld [tilespmem:$0x80];
	_ =	sdelay $0x7  }
0x32: {  	[tilespmem:v2+s24+$0x0] =	vst.idx.add.f32.msk $0xffff, v1  }
0x33: {  	v2 =	vld [tilespmem:$0x90];
	_ =	sdelay $0x7  }
0x34: {  	[tilespmem:v2+s24+$0x0] =	vst.idx.add.f32.msk $0xffff, v1  }
0x35: {  	v2 =	vld [tilespmem:$0xA0];
	_ =	sdelay $0x7  }
0x36: {  	[tilespmem:v2+s24+$0x0] =	vst.idx.add.f32.msk $0xffff, v1  }
0x37: {  	v2 =	vld [tilespmem:$0xB0];
	_ =	sdelay $0x7  }
0x38: {  	[tilespmem:v2+s24+$0x0] =	vst.idx.add.f32.msk $0xffff, v1  }
0x39: {  	v2 =	vld [tilespmem:$0xC0];
	_ =	sdelay $0x7  }
0x3a: {  	[tilespmem:v2+s24+$0x0] =	vst.idx.add.f32.msk $0xffff, v1  }
0x3b: {  	v2 =	vld [tilespmem:$0xD0];
	_ =	sdelay $0x7  }
0x3c: {  	[tilespmem:v2+s24+$0x0] =	vst.idx.add.f32.msk $0xffff, v1  }
0x3d: {  	v2 =	vld [tilespmem:$0xE0];
	_ =	sdelay $0x7  }
0x3e: {  	[tilespmem:v2+s24+$0x0] =	vst.idx.add.f32.msk $0xffff, v1  }
0x3f: {  	v2 =	vld [tilespmem:$0xF0];
	_ =	sdelay $0x7  }
0x40: {  	[tilespmem:v2+s24+$0x0] =	vst.idx.add.f32.msk $0xffff, v1  }
0x41: {  	v2 =	vld [tilespmem:$0x100];
	_ =	sdelay $0x7  }
0x42: {  	[tilespmem:v2+s24+$0x0] =	vst.idx.add.f32.msk $0xffff, v1  }
0x43: {  	v2 =	vld [tilespmem:$0x110];
	_ =	sdelay $0x7  }
0x44: {  	[tilespmem:v2+s24+$0x0] =	vst.idx.add.f32.msk $0xffff, v1  }
0x45: {  	v2 =	vld [tilespmem:$0x120];
	_ =	sdelay $0x7  }
0x46: {  	[tilespmem:v2+s24+$0x0] =	vst.idx.add.f32.msk $0xffff, v1  }
0x47: {  	v2 =	vld [tilespmem:$0x130];
	_ =	sdelay $0x7  }
0x48: {  	[tilespmem:v2+s24+$0x0] =	vst.idx.add.f32.msk $0xffff, v1  }
0x49: {  	v2 =	vld [tilespmem:$0x140];
	_ =	sdelay $0x7  }
0x4a: {  	[tilespmem:v2+s24+$0x0] =	vst.idx.add.f32.msk $0xffff, v1  }
0x4b: {  	v2 =	vld [tilespmem:$0x150];
	_ =	sdelay $0x7  }
0x4c: {  	[tilespmem:v2+s24+$0x0] =	vst.idx.add.f32.msk $0xffff, v1  }
0x4d: {  	v2 =	vld [tilespmem:$0x160];
	_ =	sdelay $0x7  }
0x4e: {  	[tilespmem:v2+s24+$0x0] =	vst.idx.add.f32.msk $0xffff, v1  }
0x4f: {  	v2 =	vld [tilespmem:$0x170];
	_ =	sdelay $0x7  }
0x50: {  	[tilespmem:v2+s24+$0x0] =	vst.idx.add.f32.msk $0xffff, v1  }
0x51: {  	v2 =	vld [tilespmem:$0x180];
	_ =	sdelay $0x7  }
0x52: {  	[tilespmem:v2+s24+$0x0] =	vst.idx.add.f32.msk $0xffff, v1  }
0x53: {  	v2 =	vld [tilespmem:$0x190];
	_ =	sdelay $0x7  }
0x54: {  	[tilespmem:v2+s24+$0x0] =	vst.idx.add.f32.msk $0xffff, v1  }
0x55: {  	v2 =	vld [tilespmem:$0x1A0];
	_ =	sdelay $0x7  }
0x56: {  	[tilespmem:v2+s24+$0x0] =	vst.idx.add.f32.msk $0xffff, v1  }
0x57: {  	v2 =	vld [tilespmem:$0x1B0];
	_ =	sdelay $0x7  }
0x58: {  	[tilespmem:v2+s24+$0x0] =	vst.idx.add.f32.msk $0xffff, v1  }
0x59: {  	v2 =	vld [tilespmem:$0x1C0];
	_ =	sdelay $0x7  }
0x5a: {  	[tilespmem:v2+s24+$0x0] =	vst.idx.add.f32.msk $0xffff, v1  }
0x5b: {  	v2 =	vld [tilespmem:$0x1D0];
	_ =	sdelay $0x7  }
0x5c: {  	[tilespmem:v2+s24+$0x0] =	vst.idx.add.f32.msk $0xffff, v1  }
0x5d: {  	v2 =	vld [tilespmem:$0x1E0];
	_ =	sdelay $0x7  }
0x5e: {  	[tilespmem:v2+s24+$0x0] =	vst.idx.add.f32.msk $0xffff, v1  }
0x5f: {  	v2 =	vld [tilespmem:$0x1F0];
	_ =	sdelay $0x7  }
0x60: {  	[tilespmem:v2+s24+$0x0] =	vst.idx.add.f32.msk $0xffff, v1  }
0x61: {  	v2 =	vld [tilespmem:$0x200];
	_ =	sdelay $0x7  }
0x62: {  	[tilespmem:v2+s24+$0x0] =	vst.idx.add.f32.msk $0xffff, v1  }
0x63: {  	v2 =	vld [tilespmem:$0x210];
	_ =	sdelay $0x7  }
0x64: {  	[tilespmem:v2+s24+$0x0] =	vst.idx.add.f32.msk $0xffff, v1  }
0x65: {  	v2 =	vld [tilespmem:$0x220];
	_ =	sdelay $0x7  }
0x66: {  	[tilespmem:v2+s24+$0x0] =	vst.idx.add.f32.msk $0xffff, v1  }
0x67: {  	v2 =	vld [tilespmem:$0x230];
	_ =	sdelay $0x7  }
0x68: {  	[tilespmem:v2+s24+$0x0] =	vst.idx.add.f32.msk $0xffff, v1  }
0x69: {  	v2 =	vld [tilespmem:$0x240];
	_ =	sdelay $0x7  }
0x6a: {  	[tilespmem:v2+s24+$0x0] =	vst.idx.add.f32.msk $0xffff, v1  }
0x6b: {  	v2 =	vld [tilespmem:$0x250];
	_ =	sdelay $0x7  }
0x6c: {  	[tilespmem:v2+s24+$0x0] =	vst.idx.add.f32.msk $0xffff, v1  }
0x6d: {  	v2 =	vld [tilespmem:$0x260];
	_ =	sdelay $0x7  }
0x6e: {  	[tilespmem:v2+s24+$0x0] =	vst.idx.add.f32.msk $0xffff, v1  }
0x6f: {  	v2 =	vld [tilespmem:$0x270];
	_ =	sdelay $0x7  }
0x70: {  	[tilespmem:v2+s24+$0x0] =	vst.idx.add.f32.msk $0xffff, v1  }
0x71: {  	v2 =	vld [tilespmem:$0x280];
	_ =	sdelay $0x7  }
0x72: {  	[tilespmem:v2+s24+$0x0] =	vst.idx.add.f32.msk $0xffff, v1  }
0x73: {  	v2 =	vld [tilespmem:$0x290];
	_ =	sdelay $0x7  }
0x74: {  	[tilespmem:v2+s24+$0x0] =	vst.idx.add.f32.msk $0xffff, v1  }
0x75: {  	v2 =	vld [tilespmem:$0x2A0];
	_ =	sdelay $0x7  }
0x76: {  	[tilespmem:v2+s24+$0x0] =	vst.idx.add.f32.msk $0xffff, v1  }
0x77: {  	v2 =	vld [tilespmem:$0x2B0];
	_ =	sdelay $0x7  }
0x78: {  	[tilespmem:v2+s24+$0x0] =	vst.idx.add.f32.msk $0xffff, v1  }
0x79: {  	v2 =	vld [tilespmem:$0x2C0];
	_ =	sdelay $0x7  }
0x7a: {  	[tilespmem:v2+s24+$0x0] =	vst.idx.add.f32.msk $0xffff, v1  }
0x7b: {  	v2 =	vld [tilespmem:$0x2D0];
	_ =	sdelay $0x7  }
0x7c: {  	[tilespmem:v2+s24+$0x0] =	vst.idx.add.f32.msk $0xffff, v1  }
0x7d: {  	v2 =	vld [tilespmem:$0x2E0];
	_ =	sdelay $0x7  }
0x7e: {  	[tilespmem:v2+s24+$0x0] =	vst.idx.add.f32.msk $0xffff, v1  }
0x7f: {  	v2 =	vld [tilespmem:$0x2F0];
	_ =	sdelay $0x7  }
0x80: {  	[tilespmem:v2+s24+$0x0] =	vst.idx.add.f32.msk $0xffff, v1  }
0x81: {  	v2 =	vld [tilespmem:$0x300];
	_ =	sdelay $0x7  }
0x82: {  	[tilespmem:v2+s24+$0x0] =	vst.idx.add.f32.msk $0xffff, v1  }
0x83: {  	v2 =	vld [tilespmem:$0x310];
	_ =	sdelay $0x7  }
0x84: {  	[tilespmem:v2+s24+$0x0] =	vst.idx.add.f32.msk $0xffff, v1  }
0x85: {  	v2 =	vld [tilespmem:$0x320];
	_ =	sdelay $0x7  }
0x86: {  	[tilespmem:v2+s24+$0x0] =	vst.idx.add.f32.msk $0xffff, v1  }
0x87: {  	v2 =	vld [tilespmem:$0x330];
	_ =	sdelay $0x7  }
0x88: {  	[tilespmem:v2+s24+$0x0] =	vst.idx.add.f32.msk $0xffff, v1  }
0x89: {  	v2 =	vld [tilespmem:$0x340];
	_ =	sdelay $0x7  }
0x8a: {  	[tilespmem:v2+s24+$0x0] =	vst.idx.add.f32.msk $0xffff, v1  }
0x8b: {  	v2 =	vld [tilespmem:$0x350];
	_ =	sdelay $0x7  }
0x8c: {  	[tilespmem:v2+s24+$0x0] =	vst.idx.add.f32.msk $0xffff, v1  }
0x8d: {  	v2 =	vld [tilespmem:$0x360];
	_ =	sdelay $0x7  }
0x8e: {  	[tilespmem:v2+s24+$0x0] =	vst.idx.add.f32.msk $0xffff, v1  }
0x8f: {  	v2 =	vld [tilespmem:$0x370];
	_ =	sdelay $0x7  }
0x90: {  	[tilespmem:v2+s24+$0x0] =	vst.idx.add.f32.msk $0xffff, v1  }
0x91: {  	v2 =	vld [tilespmem:$0x380];
	_ =	sdelay $0x7  }
0x92: {  	[tilespmem:v2+s24+$0x0] =	vst.idx.add.f32.msk $0xffff, v1  }
0x93: {  	v2 =	vld [tilespmem:$0x390];
	_ =	sdelay $0x7  }
0x94: {  	[tilespmem:v2+s24+$0x0] =	vst.idx.add.f32.msk $0xffff, v1  }
0x95: {  	v2 =	vld [tilespmem:$0x3A0];
	_ =	sdelay $0x7  }
0x96: {  	[tilespmem:v2+s24+$0x0] =	vst.idx.add.f32.msk $0xffff, v1  }
0x97: {  	v2 =	vld [tilespmem:$0x3B0];
	_ =	sdelay $0x7  }
0x98: {  	[tilespmem:v2+s24+$0x0] =	vst.idx.add.f32.msk $0xffff, v1  }
0x99: {  	v2 =	vld [tilespmem:$0x3C0];
	_ =	sdelay $0x7  }
0x9a: {  	[tilespmem:v2+s24+$0x0] =	vst.idx.add.f32.msk $0xffff, v1  }
0x9b: {  	v2 =	vld [tilespmem:$0x3D0];
	_ =	sdelay $0x7  }
0x9c: {  	[tilespmem:v2+s24+$0x0] =	vst.idx.add.f32.msk $0xffff, v1  }
0x9d: {  	v2 =	vld [tilespmem:$0x3E0];
	_ =	sdelay $0x7  }
0x9e: {  	[tilespmem:v2+s24+$0x0] =	vst.idx.add.f32.msk $0xffff, v1  }
0x9f: {  	v2 =	vld [tilespmem:$0x3F0];
	_ =	sdelay $0x2  }
0xa0: {  	p0 =	sne.s32 s31, $0x980  }
.Ltmp1:
0xa1: {  	_ = 	snop;
	(pc) =	sbr.rel @p0 .LBB2_4-.Ltmp1, $2  }
0xa2: {  	_ =	sdelay $0x2  }
0xa3: {  	s31 =	sadd.s32 $0x80, s31;
	[tilespmem:v2+s24+$0x0] =	vst.idx.add.f32.msk $0xffff, v1  }
0xa4: {  	[spmem:s3] =	stream.strided.scatter [tilespmem:s24], [sflag:$0x1], $0x280, s24, s25, $0x38;
	[tilespmem:$0x7E80] =	vst v63  }
0xa5: {  	_ =	swait.ge [sflag:s23], $0x280  }
0xa6: {  	[sflag:s23] =	ssyncset.done $0x0  }
0xa7: {  	s0 =	simm.s32 $0x680;
	[sflag:s23] =	ssyncadd.s32 $0xFFFFFD80  }
0xa8: {  	[spmem:s4] =	stream.strided.scatter [tilespmem:s0], [sflag:$0x1], $0x280, s24, s25, $0x38;
	[tilespmem:$0x7E80] =	vst v63  }
0xa9: {  	_ =	swait.ge [sflag:s23], $0x280  }
0xaa: {  	[sflag:s23] =	ssyncset.done $0x0  }
0xab: {  	s26 =	simm.s32 $0x900;
	[sflag:s23] =	ssyncadd.s32 $0xFFFFFD80  }
0xac: {  	[spmem:s5] =	stream.strided.scatter [tilespmem:s26], [sflag:$0x1], $0x280, s24, s25, $0x38;
	[tilespmem:$0x7E80] =	vst v63  }
0xad: {  	_ =	swait.ge [sflag:s23], $0x280  }
0xae: {  	[sflag:s23] =	ssyncset.done $0x0  }
0xaf: {  	s28 =	simm.s32 $0xB80;
	[sflag:s23] =	ssyncadd.s32 $0xFFFFFD80  }
0xb0: {  	[spmem:s6] =	stream.strided.scatter [tilespmem:s28], [sflag:$0x1], $0x280, s24, s25, $0x38;
	[tilespmem:$0x7E80] =	vst v63  }
0xb1: {  	_ =	swait.ge [sflag:s23], $0x280  }
0xb2: {  	[sflag:s23] =	ssyncset.done $0x0  }
0xb3: {  	s1 =	simm.s32 $0xE00;
	[sflag:s23] =	ssyncadd.s32 $0xFFFFFD80  }
0xb4: {  	[spmem:s7] =	stream.strided.scatter [tilespmem:s1], [sflag:$0x1], $0x280, s24, s25, $0x38;
	[tilespmem:$0x7E80] =	vst v63  }
0xb5: {  	_ =	swait.ge [sflag:s23], $0x280  }
0xb6: {  	[sflag:s23] =	ssyncset.done $0x0  }
0xb7: {  	s26 =	simm.s32 $0x1080;
	[sflag:s23] =	ssyncadd.s32 $0xFFFFFD80  }
0xb8: {  	[spmem:s8] =	stream.strided.scatter [tilespmem:s26], [sflag:$0x1], $0x280, s24, s25, $0x38;
	[tilespmem:$0x7E80] =	vst v63  }
0xb9: {  	_ =	swait.ge [sflag:s23], $0x280  }
0xba: {  	[sflag:s23] =	ssyncset.done $0x0  }
0xbb: {  	s28 =	simm.s32 $0x1300;
	[sflag:s23] =	ssyncadd.s32 $0xFFFFFD80  }
0xbc: {  	[spmem:s9] =	stream.strided.scatter [tilespmem:s28], [sflag:$0x1], $0x280, s24, s25, $0x38;
	[tilespmem:$0x7E80] =	vst v63  }
0xbd: {  	_ =	swait.ge [sflag:s23], $0x280  }
0xbe: {  	[sflag:s23] =	ssyncset.done $0x0  }
0xbf: {  	s1 =	simm.s32 $0x1580;
	[sflag:s23] =	ssyncadd.s32 $0xFFFFFD80  }
0xc0: {  	[spmem:s10] =	stream.strided.scatter [tilespmem:s1], [sflag:$0x1], $0x280, s24, s25, $0x38;
	[tilespmem:$0x7E80] =	vst v63  }
0xc1: {  	_ =	swait.ge [sflag:s23], $0x280  }
0xc2: {  	[sflag:s23] =	ssyncset.done $0x0  }
0xc3: {  	s26 =	simm.s32 $0x1800;
	[sflag:s23] =	ssyncadd.s32 $0xFFFFFD80  }
0xc4: {  	[spmem:s11] =	stream.strided.scatter [tilespmem:s26], [sflag:$0x1], $0x280, s24, s25, $0x38;
	[tilespmem:$0x7E80] =	vst v63  }
0xc5: {  	_ =	swait.ge [sflag:s23], $0x280  }
0xc6: {  	[sflag:s23] =	ssyncset.done $0x0  }
0xc7: {  	s28 =	simm.s32 $0x1A80;
	[sflag:s23] =	ssyncadd.s32 $0xFFFFFD80  }
0xc8: {  	[spmem:s12] =	stream.strided.scatter [tilespmem:s28], [sflag:$0x1], $0x280, s24, s25, $0x38;
	[tilespmem:$0x7E80] =	vst v63  }
0xc9: {  	_ =	swait.ge [sflag:s23], $0x280  }
0xca: {  	[sflag:s23] =	ssyncset.done $0x0  }
0xcb: {  	s1 =	simm.s32 $0x1D00;
	[sflag:s23] =	ssyncadd.s32 $0xFFFFFD80  }
0xcc: {  	[spmem:s13] =	stream.strided.scatter [tilespmem:s1], [sflag:$0x1], $0x280, s24, s25, $0x38;
	[tilespmem:$0x7E80] =	vst v63  }
0xcd: {  	_ =	swait.ge [sflag:s23], $0x280  }
0xce: {  	[sflag:s23] =	ssyncset.done $0x0  }
0xcf: {  	s26 =	simm.s32 $0x1F80;
	[sflag:s23] =	ssyncadd.s32 $0xFFFFFD80  }
0xd0: {  	[spmem:s14] =	stream.strided.scatter [tilespmem:s26], [sflag:$0x1], $0x280, s24, s25, $0x38;
	[tilespmem:$0x7E80] =	vst v63  }
0xd1: {  	_ =	swait.ge [sflag:s23], $0x280  }
0xd2: {  	[sflag:s23] =	ssyncset.done $0x0  }
0xd3: {  	s28 =	simm.s32 $0x2200;
	[sflag:s23] =	ssyncadd.s32 $0xFFFFFD80  }
0xd4: {  	[spmem:s15] =	stream.strided.scatter [tilespmem:s28], [sflag:$0x1], $0x280, s24, s25, $0x38;
	[tilespmem:$0x7E80] =	vst v63  }
0xd5: {  	_ =	swait.ge [sflag:s23], $0x280  }
0xd6: {  	[sflag:s23] =	ssyncset.done $0x0  }
0xd7: {  	s1 =	simm.s32 $0x2480;
	[sflag:s23] =	ssyncadd.s32 $0xFFFFFD80  }
0xd8: {  	[spmem:s16] =	stream.strided.scatter [tilespmem:s1], [sflag:$0x1], $0x280, s24, s25, $0x38;
	[tilespmem:$0x7E80] =	vst v63  }
0xd9: {  	_ =	swait.ge [sflag:s23], $0x280  }
0xda: {  	[sflag:s23] =	ssyncset.done $0x0  }
0xdb: {  	s26 =	simm.s32 $0x2700;
	[sflag:s23] =	ssyncadd.s32 $0xFFFFFD80  }
0xdc: {  	[spmem:s17] =	stream.strided.scatter [tilespmem:s26], [sflag:$0x1], $0x280, s24, s25, $0x38;
	[tilespmem:$0x7E80] =	vst v63  }
0xdd: {  	_ =	swait.ge [sflag:s23], $0x280  }
0xde: {  	[sflag:s23] =	ssyncset.done $0x0  }
0xdf: {  	s28 =	simm.s32 $0x2980;
	[sflag:s23] =	ssyncadd.s32 $0xFFFFFD80  }
0xe0: {  	[spmem:s18] =	stream.strided.scatter [tilespmem:s28], [sflag:$0x1], $0x280, s24, s25, $0x38;
	[tilespmem:$0x7E80] =	vst v63  }
0xe1: {  	_ =	swait.ge [sflag:s23], $0x280  }
0xe2: {  	[sflag:s23] =	ssyncset.done $0x0  }
0xe3: {  	[sflag:s23] =	ssyncadd.s32 $0xFFFFFD80  }
0xe4: {  	s1 =	simm.s32 $0x2C00;
	[bflag:$0x0] =	sbarrier.arrive $0xFFFF  }
0xe5: {  	[tilespmem:s1], [sflag:$0x1] =	stream.linear.gather [spmem:s19], $0x2800, $0x38;
	[tilespmem:$0x7E80] =	vst v63  }
0xe6: {  	s26 =	simm.s32 $0x0;
	_ =	swait.ge [sflag:s23], $0x2800  }
0xe7: {  	s0 =	sand.u32 $0x1C00, s26;
	s1 =	sand.u32 $0x70, s26;
	[sflag:s23] =	ssyncset.done $0x0  }
0xe8: {  	s0 =	sor.u32 s1, s0;
	[sflag:s23] =	ssyncadd.s32 $0xFFFFD800  }
0xe9: {  	v2 =	vld [tilespmem:s0+$0x2C80]  }
0xea: {  	v3 =	vld [tilespmem:s0+$0x2C00];
	_ =	sdelay $0x1  }
0xeb: {  	v4 =	vld [tilespmem:s0+$0x2D00];
	_ =	sdelay $0x1  }
0xec: {  	v5 =	vld [tilespmem:s0+$0x2D80]  }
0xed: {  	v2 =	vadd.f32 v2, v3  }
0xee: {  	v3 =	vld [tilespmem:s0+$0x2E00]  }
0xef: {  	v2 =	vadd.f32 v4, v2  }
0xf0: {  	v56 =	vld [tilespmem:s0+$0x2E80]  }
0xf1: {  	v2 =	vadd.f32 v5, v2  }
0xf2: {  	v57 =	vld [tilespmem:s0+$0x2F00]  }
0xf3: {  	v2 =	vadd.f32 v3, v2  }
0xf4: {  	v3 =	vld [tilespmem:s0+$0x2F80]  }
0xf5: {  	v2 =	vadd.f32 v56, v2  }
0xf6: {  	v58 =	vld [tilespmem:s0+$0x4000]  }
0xf7: {  	v2 =	vadd.f32 v57, v2  }
0xf8: {  	v59 =	vld [tilespmem:s0+$0x4080]  }
0xf9: {  	v2 =	vadd.f32 v3, v2  }
0xfa: {  	v3 =	vld [tilespmem:s0+$0x4100]  }
0xfb: {  	v2 =	vadd.f32 v58, v2  }
0xfc: {  	v60 =	vld [tilespmem:s0+$0x4180]  }
0xfd: {  	v2 =	vadd.f32 v59, v2  }
0xfe: {  	v61 =	vld [tilespmem:s0+$0x4200]  }
0xff: {  	v2 =	vadd.f32 v3, v2  }
0x100: {  	v3 =	vld [tilespmem:s0+$0x4280]  }
0x101: {  	v2 =	vadd.f32 v60, v2  }
0x102: {  	v62 =	vld [tilespmem:s0+$0x4300]  }
0x103: {  	v2 =	vadd.f32 v61, v2  }
0x104: {  	v63 =	vld [tilespmem:s0+$0x4380]  }
0x105: {  	v2 =	vadd.f32 v3, v2;
	_ =	sdelay $0x1  }
0x106: {  	v2 =	vadd.f32 v62, v2;
	_ =	sdelay $0x1  }
0x107: {  	s28 =	simm.s32 $0x10;
	s1 =	simm.s32 $0x80;
	v2 =	vadd.f32 v63, v2  }
0x108: {  	s31 =	simm.s32 $0x5400;
	s26 =	sand.u32 $0x1C00, s1;
	s0 =	sand.u32 $0x70, s28  }
0x109: {  	s0 =	sor.u32 s0, s26;
	s26 =	simm.s32 $0x20;
	[tilespmem:s31+$0x0] =	vst v2  }
.LBB2_6:
0x10a: {  	p0 =	sne.s32 s26, $0x270;
	v2 =	vld [tilespmem:s0+$0x2C80]  }
0x10b: {  	v3 =	vld [tilespmem:s0+$0x2C00];
	_ =	sdelay $0x1  }
0x10c: {  	v4 =	vld [tilespmem:s0+$0x2D00];
	_ =	sdelay $0x1  }
0x10d: {  	v5 =	vld [tilespmem:s0+$0x2D80]  }
0x10e: {  	v2 =	vadd.f32 v2, v3  }
0x10f: {  	v3 =	vld [tilespmem:s0+$0x2E00]  }
0x110: {  	v2 =	vadd.f32 v4, v2  }
0x111: {  	v4 =	vld [tilespmem:s0+$0x2E80]  }
0x112: {  	v2 =	vadd.f32 v5, v2  }
0x113: {  	v5 =	vld [tilespmem:s0+$0x2F00]  }
0x114: {  	v2 =	vadd.f32 v3, v2  }
0x115: {  	v3 =	vld [tilespmem:s0+$0x2F80]  }
0x116: {  	v2 =	vadd.f32 v4, v2  }
0x117: {  	v4 =	vld [tilespmem:s0+$0x4000]  }
0x118: {  	v2 =	vadd.f32 v5, v2  }
0x119: {  	v5 =	vld [tilespmem:s0+$0x4080]  }
0x11a: {  	v2 =	vadd.f32 v3, v2  }
0x11b: {  	v3 =	vld [tilespmem:s0+$0x4100]  }
0x11c: {  	v2 =	vadd.f32 v4, v2  }
0x11d: {  	v4 =	vld [tilespmem:s0+$0x4180]  }
0x11e: {  	v2 =	vadd.f32 v5, v2  }
0x11f: {  	v5 =	vld [tilespmem:s0+$0x4200]  }
0x120: {  	v2 =	vadd.f32 v3, v2  }
0x121: {  	v3 =	vld [tilespmem:s0+$0x4280]  }
0x122: {  	v2 =	vadd.f32 v4, v2  }
0x123: {  	v4 =	vld [tilespmem:s0+$0x4300]  }
0x124: {  	v2 =	vadd.f32 v5, v2  }
0x125: {  	v5 =	vld [tilespmem:s0+$0x4380]  }
0x126: {  	v2 =	vadd.f32 v3, v2;
	_ =	sdelay $0x1  }
.Ltmp2:
0x127: {  	v2 =	vadd.f32 v4, v2;
	(pc) =	sbr.rel @p0 .LBB2_6-.Ltmp2, $4  }
0x128: {  	_ = 	snop  }
0x129: {  	s1 =	sadd.s32 $0x80, s1;
	v2 =	vadd.f32 v5, v2  }
0x12a: {  	s31 =	sadd.s32 $0x10, s31;
	s28 =	sand.u32 $0x1C00, s1;
	s0 =	sand.u32 $0x70, s26  }
0x12b: {  	s26 =	sadd.s32 $0x10, s26;
	s0 =	sor.u32 s0, s28;
	[tilespmem:s31+$0x0] =	vst v2  }
0x12c: {  	v2 =	vld [tilespmem:s0+$0x2C80]  }
0x12d: {  	v3 =	vld [tilespmem:s0+$0x2C00];
	_ =	sdelay $0x1  }
0x12e: {  	v4 =	vld [tilespmem:s0+$0x2D00];
	_ =	sdelay $0x1  }
0x12f: {  	v5 =	vld [tilespmem:s0+$0x2D80]  }
0x130: {  	v2 =	vadd.f32 v2, v3  }
0x131: {  	v3 =	vld [tilespmem:s0+$0x2E00]  }
0x132: {  	v2 =	vadd.f32 v4, v2  }
0x133: {  	v56 =	vld [tilespmem:s0+$0x2E80]  }
0x134: {  	v2 =	vadd.f32 v5, v2  }
0x135: {  	v57 =	vld [tilespmem:s0+$0x2F00]  }
0x136: {  	v2 =	vadd.f32 v3, v2  }
0x137: {  	v3 =	vld [tilespmem:s0+$0x2F80]  }
0x138: {  	v2 =	vadd.f32 v56, v2  }
0x139: {  	v58 =	vld [tilespmem:s0+$0x4000]  }
0x13a: {  	v2 =	vadd.f32 v57, v2  }
0x13b: {  	v59 =	vld [tilespmem:s0+$0x4080]  }
0x13c: {  	v2 =	vadd.f32 v3, v2  }
0x13d: {  	v3 =	vld [tilespmem:s0+$0x4100]  }
0x13e: {  	v2 =	vadd.f32 v58, v2  }
0x13f: {  	v60 =	vld [tilespmem:s0+$0x4180]  }
0x140: {  	v2 =	vadd.f32 v59, v2  }
0x141: {  	v61 =	vld [tilespmem:s0+$0x4200]  }
0x142: {  	v2 =	vadd.f32 v3, v2  }
0x143: {  	v3 =	vld [tilespmem:s0+$0x4280]  }
0x144: {  	v2 =	vadd.f32 v60, v2  }
0x145: {  	v62 =	vld [tilespmem:s0+$0x4300]  }
0x146: {  	v2 =	vadd.f32 v61, v2  }
0x147: {  	v63 =	vld [tilespmem:s0+$0x4380]  }
0x148: {  	v2 =	vadd.f32 v3, v2;
	_ =	sdelay $0x1  }
0x149: {  	v2 =	vadd.f32 v62, v2;
	_ =	sdelay $0x1  }
0x14a: {  	s30 =	sadd.s32 $0x1, s30;
	v2 =	vadd.f32 v63, v2  }
0x14b: {  	s31 =	sadd.s32 $0x10, s31;
	p0 =	sne.s32 s30, s21  }
.Ltmp3:
0x14c: {  	[tilespmem:s31+$0x0] =	vst v2;
	(pc) =	sbr.rel @p0 .LBB2_1-.Ltmp3, $4  }
0x14d: {  	[hbm4b:s20+s2] =	stream.linear.scatter [tilespmem:s29], [sflag:$0x1], $0x280, $0x38;
	[tilespmem:$0x7E80] =	vst v63  }
0x14e: {  	_ =	swait.ge [sflag:s23], $0x280  }
0x14f: {  	[sflag:s23] =	ssyncset.done $0x0  }
0x150: {  	[sflag:s23] =	ssyncadd.s32 $0xFFFFFD80  }
0x151: {  	_ =	sfence.sel $0x180000  }
0x152: {  	[bflag:$0x0] =	sbarrier.arrive $0xFFFF  }
0x153: {  	_ =	strace $0x90000047  }
0x154: {  	s0 =	stileid.u32;
	[bflag:$0x2] =	sbarrier.arrive $0xFFFF  }
0x155: {  	p0 =	sne.s32 s0, $0x0;
	s0 =	rddreg [dreg:$0x3]  }
0x156: {  	s0 =	sadd.s32 @!p0 $0x100000, s0  }
0x157: {  	[sflag:s0] =	ssyncadd.tile.s32 @!p0 $0x1;
	_ =	shalt  }
.Lfunc_end2:
_tile_overlayer_lowered:
.L_overlay_start_2:
0x158: {  	(tag) =	ssettag $0x2  }
0x159: {  	s0 =	rddreg [dreg:$0x0];
	s2 =	stileid.u32  }
0x15a: {  	s1 =	rddreg [dreg:$0x1];
	p0 =	sne.s32 s2, $0x0  }
0x15b: {  	s3 =	rddreg [dreg:$0x2];
	[bflag:$0x3] =	sbarrier.arrive $0xFFFF;
	s2 =	simm.s32 @!p0 $0x1C01  }
0x15c: {  	[timem:s3], [sflag:s2] =	dma.local @!p0 [hbm:s0], s1  }
0x15d: {  	s0 =	simm.s32 @!p0 $0x1  }
0x15e: {  	_ =	swait.ge @!p0 [sflag:s0], s1  }
0x15f: {  	s1 =	ssub.s32 @!p0 $0x0, s1;
	[sflag:s0] =	ssyncset.done @!p0 $0x0  }
0x160: {  	[sflag:s0] =	ssyncadd.s32 @!p0 s1  }
0x161: {  	[bflag:$0x3] =	sbarrier.arrive $0xFFFF  }
0x162: {  	_ =	shalt  }

</sc_bundles>
